<compile_context>
chip_gen: v7x
topology: tpu7x:2x2x1
jax: 0.10.2.dev20260603
libtpu: 0.0.44.dev20260713+nightly
codegen_flags: <defaults>
</compile_context>

<pallas_src>
import functools

import jax
import jax.numpy as jnp
from jax import lax
from jax.experimental import pallas as pl
from jax.experimental.pallas import tpu as pltpu
from jax.experimental.pallas import tpu_sc as plsc

_EMB = 64
_SCALE = 8.0
_L = 16
_NC = 2
_NS = 16
_NW = _NC * _NS

_IDXW = 128
_CHUNK = 256
_NSTREAM = _CHUNK // _IDXW
_NBUF = 4
_NOBUF = 2
_LOOKAHEAD = 2

_NJ = 200
_NA = _EMB // 8
_NCT = 4096 // _IDXW
_CPC = _CHUNK // _IDXW


@functools.lru_cache(maxsize=None)
def _make_kernel(n_idx):
    b_per_w = n_idx // _NW
    n_chunks = b_per_w // _CHUNK
    idx_rows_per_w = b_per_w // _IDXW
    chunks_per_j = 4096 // _CHUNK

    mesh = plsc.VectorSubcoreMesh(core_axis_name="c", subcore_axis_name="s")

    @functools.partial(
        pl.kernel,
        mesh=mesh,
        compiler_params=pltpu.CompilerParams(use_tc_tiling_on_sc=False,
                                             skip_device_barrier=True,
                                             needs_layout_passes=False),
        out_type=jax.ShapeDtypeStruct((_NJ, _NA, _NCT * 8, _IDXW),
                                      jnp.float32),
        scratch_types=[
            pltpu.VMEM((idx_rows_per_w, _IDXW), jnp.int32),
            pltpu.VMEM((_NBUF, _CHUNK, _EMB), jnp.float32),
            pltpu.VMEM((_NOBUF * _NA * _CPC * 8, _IDXW + 1), jnp.float32),
        ] + [pltpu.SemaphoreType.DMA] * (_NBUF + _NOBUF),
    )
    def emb(x_hbm, table_hbm, out_hbm, idx_all, rows, obuf, *sems):
        gsem = sems[:_NBUF]
        osem = sems[_NBUF:]
        wid = lax.axis_index("s") * _NC + lax.axis_index("c")
        t0 = wid * n_chunks

        pltpu.sync_copy(x_hbm.at[pl.ds(wid * idx_rows_per_w, idx_rows_per_w)],
                        idx_all)

        iot = lax.iota(jnp.int32, 16)

        def start_gather(t, b):
            for j in range(_NSTREAM):
                pltpu.async_copy(
                    table_hbm.at[idx_all.at[t * _NSTREAM + j]],
                    rows.at[b, pl.ds(j * _IDXW, _IDXW)],
                    gsem[b])

        def wait_gather(t, b):
            for j in range(_NSTREAM):
                pltpu.make_async_copy(
                    table_hbm.at[idx_all.at[t * _NSTREAM + j]],
                    rows.at[b, pl.ds(j * _IDXW, _IDXW)],
                    gsem[b]).wait()

        def out_copies(t, ob):
            gt = t0 + t
            j = gt // chunks_per_j
            ib = gt % chunks_per_j
            nseg = _CPC * 8
            for a in range(_NA):
                src = obuf.at[pl.ds((ob * _NA + a) * nseg, nseg),
                              pl.ds(0, _IDXW)]
                dst = out_hbm.at[j, a, pl.ds(nseg * ib, nseg)]
                yield src, dst

        def start_out(t, ob):
            for src, dst in out_copies(t, ob):
                pltpu.async_copy(src, dst, osem[ob])

        def wait_out(t, ob):
            for src, dst in out_copies(t, ob):
                pltpu.make_async_copy(src, dst, osem[ob]).wait()

        rowpat = [(lax.shift_right_logical(iot + e0, 3) * (_CPC * 8)
                   + ((iot + e0) & 7)) for e0 in range(0, _EMB, _L)]

        def assemble(b, ob):
            base0 = ob * (_NA * _CPC * 8)

            def i_body(i):
                cc8 = base0 + lax.shift_right_logical(i, 7) * 8
                rsplat = jnp.full((16,), cc8, jnp.int32)
                csplat = jnp.full((16,), i & (_IDXW - 1), jnp.int32)
                for g in range(_EMB // _L):
                    v = rows[b, i, pl.ds(g * _L, _L)] * _SCALE
                    plsc.store_scatter(obuf, [rowpat[g] + rsplat, csplat], v)

            plsc.parallel_loop(0, _CHUNK, 1, unroll=8)(i_body)

        def step(t, b, ob):
            rc = t + _LOOKAHEAD

            @pl.when(rc < n_chunks)
            def _():
                start_gather(rc, (b + _LOOKAHEAD) % _NBUF)

            @pl.when(t >= _NOBUF)
            def _():
                wait_out(t - _NOBUF, ob)

            wait_gather(t, b)
            assemble(b, ob)
            start_out(t, ob)

        for t in range(_LOOKAHEAD):
            start_gather(t, t % _NBUF)

        def group_body(g, carry):
            for bi in range(_NBUF):
                step(g * _NBUF + bi, bi, bi % _NOBUF)
            return carry

        lax.fori_loop(0, n_chunks // _NBUF, group_body, 0, unroll=False)

        for t in range(n_chunks - _NOBUF, n_chunks):
            wait_out(t, t % _NOBUF)

    return emb


def kernel(x, table):
    n_idx = x.size
    xt = x.T.reshape(n_idx // _IDXW, _IDXW).astype(jnp.int32)
    out4 = _make_kernel(n_idx)(xt, table)
    out5 = out4.reshape(_NJ, _NA, _NCT, 8, _IDXW)
    return out5.transpose(2, 4, 0, 1, 3).reshape(4096, _NJ, _EMB)

# --- scband reference (transcript-rebuilt; emitter-appended) ---
"""Pipeline reference for scband-embedding-32323923870043 (READ-ONLY COPY).

The authoritative reference and input builder live on the scoring server;
editing this copy changes nothing except your own understanding.
"""

import jax, jax.numpy as jnp
import numpy as np
import math

VOCAB = 1000000
EMB = 64

def setup_inputs(seed: int = 0) -> dict:
    key = jax.random.key(seed)
    k1, k2 = jax.random.split(key)
    x = jax.random.randint(k1, (4096, 200), 0, VOCAB, dtype=jnp.int64) if jax.config.jax_enable_x64 else jax.random.randint(k1, (4096, 200), 0, VOCAB, dtype=jnp.int32)
    table = jax.random.normal(k2, (VOCAB, EMB), dtype=jnp.float32)
    return {"x": x, "table": table}

def reference(x, table):
    # Faithful translation: nn.Embedding lookup scaled by sqrt(emb_dim)
    emb = jnp.take(table, x, axis=0)
    return emb * math.sqrt(EMB)

if __name__ == "__main__":
    import jax
    _d = setup_inputs()
    print(jax.jit(kernel)(*tuple(_d.values())))

</pallas_src>

<mosaic_0001>
#map = affine_map<(d0, d1) -> (0, 0)>
#map1 = affine_map<(d0, d1) -> (0, 0, 0, 0)>
module attributes {stable_mosaic.version = 14 : i64} {
  func.func @emb(%arg0: i32, %arg1: i32, %arg2: memref<6400x128xi32, #tpu.memory_space<hbm>>, %arg3: memref<1000000x64xf32, #tpu.memory_space<hbm>>, %arg4: memref<200x8x256x128xf32, #tpu.memory_space<hbm>>, %arg5: memref<200x128xi32, #tpu.memory_space<vmem>>, %arg6: memref<4x256x64xf32, #tpu.memory_space<vmem>>, %arg7: memref<256x129xf32, #tpu.memory_space<vmem>>, %arg8: memref<!tpu.dma_semaphore, #tpu.memory_space<semaphore_mem>>, %arg9: memref<!tpu.dma_semaphore, #tpu.memory_space<semaphore_mem>>, %arg10: memref<!tpu.dma_semaphore, #tpu.memory_space<semaphore_mem>>, %arg11: memref<!tpu.dma_semaphore, #tpu.memory_space<semaphore_mem>>, %arg12: memref<!tpu.dma_semaphore, #tpu.memory_space<semaphore_mem>>, %arg13: memref<!tpu.dma_semaphore, #tpu.memory_space<semaphore_mem>>) attributes {dimension_semantics = [#tpu.dimension_semantics<core_parallel>, #tpu.dimension_semantics<subcore_parallel>], iteration_bounds = array<i64: 2, 16>, scalar_prefetch = 0 : i64, scratch_operands = 9 : i64, tpu.core_type = #tpu.core_type<sc_vector_subcore>, window_params = [{transform_indices = #map}, {transform_indices = #map}, {transform_indices = #map1}]} {
    %mul3A = arith.constant 2 : i32
    %mul3A_0 = arith.muli %arg1, %mul3A : i32
    %add3A = arith.addi %mul3A_0, %arg0 : i32
    %mul3A_1 = arith.constant 100 : i32
    %mul3A_2 = arith.muli %add3A, %mul3A_1 : i32
    %mul3A_3 = arith.constant 200 : i32
    %mul3A_4 = arith.muli %add3A, %mul3A_3 : i32
    "tpu.region"() ({
      %run_scoped3A = tpu.sem_alloc : memref<!tpu.dma_semaphore, #tpu.memory_space<semaphore_mem>>
      %dma_start3A_433 = arith.constant 0 : i32
      %dma_start3A_434 = tpu.memref_slice %arg2[%mul3A_4, %dma_start3A_433] : memref<6400x128xi32, #tpu.memory_space<hbm>> -> memref<200x128xi32, #tpu.memory_space<hbm>>
      %dma_start3A_435 = arith.constant 0 : i32
      %dma_start3A_436 = tpu.memref_slice %arg2[%mul3A_4, %dma_start3A_435] : memref<6400x128xi32, #tpu.memory_space<hbm>> -> memref<200x128xi32, #tpu.memory_space<hbm>>
      tpu.enqueue_dma source(%dma_start3A_436 : memref<200x128xi32, #tpu.memory_space<hbm>>) target(%arg5 : memref<200x128xi32, #tpu.memory_space<vmem>>) target_semaphore(%run_scoped3A : memref<!tpu.dma_semaphore, #tpu.memory_space<semaphore_mem>>)
      %dma_wait3A_437 = arith.constant 0 : i32
      %dma_wait3A_438 = tpu.memref_slice %arg2[%mul3A_4, %dma_wait3A_437] : memref<6400x128xi32, #tpu.memory_space<hbm>> -> memref<200x128xi32, #tpu.memory_space<hbm>>
      %dma_wait3A_439 = arith.constant 0 : i32
      %dma_wait3A_440 = tpu.memref_slice %arg2[%mul3A_4, %dma_wait3A_439] : memref<6400x128xi32, #tpu.memory_space<hbm>> -> memref<200x128xi32, #tpu.memory_space<hbm>>
      tpu.wait_dma2 semaphore(%run_scoped3A : memref<!tpu.dma_semaphore, #tpu.memory_space<semaphore_mem>>) src(%dma_wait3A_440 : memref<200x128xi32, #tpu.memory_space<hbm>>) dst(%arg5 : memref<200x128xi32, #tpu.memory_space<vmem>>)
      tpu.yield
    }) : () -> ()
    %iota3A = tpu.iota {dimensions = array<i32: 0>} : vector<16xi32>
    %add3A_5 = arith.constant 0 : i32
    %add3A_6 = vector.broadcast %add3A_5 : i32 to vector<16xi32>
    %add3A_7 = arith.addi %iota3A, %add3A_6 : vector<16xi32>
    %shift_right_logical3A = arith.constant 3 : i32
    %shift_right_logical3A_8 = vector.broadcast %shift_right_logical3A : i32 to vector<16xi32>
    %shift_right_logical3A_9 = arith.shrui %add3A_7, %shift_right_logical3A_8 : vector<16xi32>
    %mul3A_10 = arith.constant 16 : i32
    %mul3A_11 = vector.broadcast %mul3A_10 : i32 to vector<16xi32>
    %mul3A_12 = arith.muli %shift_right_logical3A_9, %mul3A_11 : vector<16xi32>
    %add3A_13 = arith.constant 0 : i32
    %add3A_14 = vector.broadcast %add3A_13 : i32 to vector<16xi32>
    %add3A_15 = arith.addi %iota3A, %add3A_14 : vector<16xi32>
    %and3A = arith.constant 7 : i32
    %and3A_16 = vector.broadcast %and3A : i32 to vector<16xi32>
    %and3A_17 = arith.andi %add3A_15, %and3A_16 : vector<16xi32>
    %add3A_18 = arith.addi %mul3A_12, %and3A_17 : vector<16xi32>
    %add3A_19 = arith.constant 16 : i32
    %add3A_20 = vector.broadcast %add3A_19 : i32 to vector<16xi32>
    %add3A_21 = arith.addi %iota3A, %add3A_20 : vector<16xi32>
    %shift_right_logical3A_22 = arith.constant 3 : i32
    %shift_right_logical3A_23 = vector.broadcast %shift_right_logical3A_22 : i32 to vector<16xi32>
    %shift_right_logical3A_24 = arith.shrui %add3A_21, %shift_right_logical3A_23 : vector<16xi32>
    %mul3A_25 = arith.constant 16 : i32
    %mul3A_26 = vector.broadcast %mul3A_25 : i32 to vector<16xi32>
    %mul3A_27 = arith.muli %shift_right_logical3A_24, %mul3A_26 : vector<16xi32>
    %add3A_28 = arith.constant 16 : i32
    %add3A_29 = vector.broadcast %add3A_28 : i32 to vector<16xi32>
    %add3A_30 = arith.addi %iota3A, %add3A_29 : vector<16xi32>
    %and3A_31 = arith.constant 7 : i32
    %and3A_32 = vector.broadcast %and3A_31 : i32 to vector<16xi32>
    %and3A_33 = arith.andi %add3A_30, %and3A_32 : vector<16xi32>
    %add3A_34 = arith.addi %mul3A_27, %and3A_33 : vector<16xi32>
    %add3A_35 = arith.constant 32 : i32
    %add3A_36 = vector.broadcast %add3A_35 : i32 to vector<16xi32>
    %add3A_37 = arith.addi %iota3A, %add3A_36 : vector<16xi32>
    %shift_right_logical3A_38 = arith.constant 3 : i32
    %shift_right_logical3A_39 = vector.broadcast %shift_right_logical3A_38 : i32 to vector<16xi32>
    %shift_right_logical3A_40 = arith.shrui %add3A_37, %shift_right_logical3A_39 : vector<16xi32>
    %mul3A_41 = arith.constant 16 : i32
    %mul3A_42 = vector.broadcast %mul3A_41 : i32 to vector<16xi32>
    %mul3A_43 = arith.muli %shift_right_logical3A_40, %mul3A_42 : vector<16xi32>
    %add3A_44 = arith.constant 32 : i32
    %add3A_45 = vector.broadcast %add3A_44 : i32 to vector<16xi32>
    %add3A_46 = arith.addi %iota3A, %add3A_45 : vector<16xi32>
    %and3A_47 = arith.constant 7 : i32
    %and3A_48 = vector.broadcast %and3A_47 : i32 to vector<16xi32>
    %and3A_49 = arith.andi %add3A_46, %and3A_48 : vector<16xi32>
    %add3A_50 = arith.addi %mul3A_43, %and3A_49 : vector<16xi32>
    %add3A_51 = arith.constant 48 : i32
    %add3A_52 = vector.broadcast %add3A_51 : i32 to vector<16xi32>
    %add3A_53 = arith.addi %iota3A, %add3A_52 : vector<16xi32>
    %shift_right_logical3A_54 = arith.constant 3 : i32
    %shift_right_logical3A_55 = vector.broadcast %shift_right_logical3A_54 : i32 to vector<16xi32>
    %shift_right_logical3A_56 = arith.shrui %add3A_53, %shift_right_logical3A_55 : vector<16xi32>
    %mul3A_57 = arith.constant 16 : i32
    %mul3A_58 = vector.broadcast %mul3A_57 : i32 to vector<16xi32>
    %mul3A_59 = arith.muli %shift_right_logical3A_56, %mul3A_58 : vector<16xi32>
    %add3A_60 = arith.constant 48 : i32
    %add3A_61 = vector.broadcast %add3A_60 : i32 to vector<16xi32>
    %add3A_62 = arith.addi %iota3A, %add3A_61 : vector<16xi32>
    %and3A_63 = arith.constant 7 : i32
    %and3A_64 = vector.broadcast %and3A_63 : i32 to vector<16xi32>
    %and3A_65 = arith.andi %add3A_62, %and3A_64 : vector<16xi32>
    %add3A_66 = arith.addi %mul3A_59, %and3A_65 : vector<16xi32>
    %dma_start3A = arith.constant 0 : i32
    %dma_start3A_67 = arith.constant 0 : i32
    %dma_start3A_68 = arith.constant 0 : i32
    %dma_start3A_69 = arith.constant 0 : i32
    %dma_start3A_70 = tpu.memref_slice %arg6[%dma_start3A_67, %dma_start3A_68, %dma_start3A_69] : memref<4x256x64xf32, #tpu.memory_space<vmem>> -> memref<1x128x64xf32, #tpu.memory_space<vmem>>
    %dma_start3A_71 = tpu.memref_squeeze %dma_start3A_70 : memref<1x128x64xf32, #tpu.memory_space<vmem>> -> memref<128x64xf32, #tpu.memory_space<vmem>>
    %dma_start3A_72 = arith.constant 0 : i32
    %dma_start3A_73 = tpu.memref_slice %arg5[%dma_start3A, %dma_start3A_72] : memref<200x128xi32, #tpu.memory_space<vmem>> -> memref<1x128xi32, #tpu.memory_space<vmem>>
    %dma_start3A_74 = tpu.memref_squeeze %dma_start3A_73 : memref<1x128xi32, #tpu.memory_space<vmem>> -> memref<128xi32, #tpu.memory_space<vmem>>
    %dma_start3A_75 = arith.constant 0 : i32
    %dma_start3A_76 = arith.constant 0 : i32
    %dma_start3A_77 = tpu.memref_slice %arg3[%dma_start3A_75, %dma_start3A_76] : memref<1000000x64xf32, #tpu.memory_space<hbm>> -> memref<1000000x64xf32, #tpu.memory_space<hbm>>
    tpu.enqueue_indirect_dma source(%dma_start3A_77 : memref<1000000x64xf32, #tpu.memory_space<hbm>>) target(%dma_start3A_71 : memref<128x64xf32, #tpu.memory_space<vmem>>) offsets(%dma_start3A_74 : memref<128xi32, #tpu.memory_space<vmem>>) semaphore(%arg8 : memref<!tpu.dma_semaphore, #tpu.memory_space<semaphore_mem>>)
    %dma_start3A_78 = arith.constant 1 : i32
    %dma_start3A_79 = arith.constant 0 : i32
    %dma_start3A_80 = arith.constant 128 : i32
    %dma_start3A_81 = arith.constant 0 : i32
    %dma_start3A_82 = tpu.memref_slice %arg6[%dma_start3A_79, %dma_start3A_80, %dma_start3A_81] : memref<4x256x64xf32, #tpu.memory_space<vmem>> -> memref<1x128x64xf32, #tpu.memory_space<vmem>>
    %dma_start3A_83 = tpu.memref_squeeze %dma_start3A_82 : memref<1x128x64xf32, #tpu.memory_space<vmem>> -> memref<128x64xf32, #tpu.memory_space<vmem>>
    %dma_start3A_84 = arith.constant 0 : i32
    %dma_start3A_85 = tpu.memref_slice %arg5[%dma_start3A_78, %dma_start3A_84] : memref<200x128xi32, #tpu.memory_space<vmem>> -> memref<1x128xi32, #tpu.memory_space<vmem>>
    %dma_start3A_86 = tpu.memref_squeeze %dma_start3A_85 : memref<1x128xi32, #tpu.memory_space<vmem>> -> memref<128xi32, #tpu.memory_space<vmem>>
    %dma_start3A_87 = arith.constant 0 : i32
    %dma_start3A_88 = arith.constant 0 : i32
    %dma_start3A_89 = tpu.memref_slice %arg3[%dma_start3A_87, %dma_start3A_88] : memref<1000000x64xf32, #tpu.memory_space<hbm>> -> memref<1000000x64xf32, #tpu.memory_space<hbm>>
    tpu.enqueue_indirect_dma source(%dma_start3A_89 : memref<1000000x64xf32, #tpu.memory_space<hbm>>) target(%dma_start3A_83 : memref<128x64xf32, #tpu.memory_space<vmem>>) offsets(%dma_start3A_86 : memref<128xi32, #tpu.memory_space<vmem>>) semaphore(%arg8 : memref<!tpu.dma_semaphore, #tpu.memory_space<semaphore_mem>>)
    %dma_start3A_90 = arith.constant 2 : i32
    %dma_start3A_91 = arith.constant 1 : i32
    %dma_start3A_92 = arith.constant 0 : i32
    %dma_start3A_93 = arith.constant 0 : i32
    %dma_start3A_94 = tpu.memref_slice %arg6[%dma_start3A_91, %dma_start3A_92, %dma_start3A_93] : memref<4x256x64xf32, #tpu.memory_space<vmem>> -> memref<1x128x64xf32, #tpu.memory_space<vmem>>
    %dma_start3A_95 = tpu.memref_squeeze %dma_start3A_94 : memref<1x128x64xf32, #tpu.memory_space<vmem>> -> memref<128x64xf32, #tpu.memory_space<vmem>>
    %dma_start3A_96 = arith.constant 0 : i32
    %dma_start3A_97 = tpu.memref_slice %arg5[%dma_start3A_90, %dma_start3A_96] : memref<200x128xi32, #tpu.memory_space<vmem>> -> memref<1x128xi32, #tpu.memory_space<vmem>>
    %dma_start3A_98 = tpu.memref_squeeze %dma_start3A_97 : memref<1x128xi32, #tpu.memory_space<vmem>> -> memref<128xi32, #tpu.memory_space<vmem>>
    %dma_start3A_99 = arith.constant 0 : i32
    %dma_start3A_100 = arith.constant 0 : i32
    %dma_start3A_101 = tpu.memref_slice %arg3[%dma_start3A_99, %dma_start3A_100] : memref<1000000x64xf32, #tpu.memory_space<hbm>> -> memref<1000000x64xf32, #tpu.memory_space<hbm>>
    tpu.enqueue_indirect_dma source(%dma_start3A_101 : memref<1000000x64xf32, #tpu.memory_space<hbm>>) target(%dma_start3A_95 : memref<128x64xf32, #tpu.memory_space<vmem>>) offsets(%dma_start3A_98 : memref<128xi32, #tpu.memory_space<vmem>>) semaphore(%arg9 : memref<!tpu.dma_semaphore, #tpu.memory_space<semaphore_mem>>)
    %dma_start3A_102 = arith.constant 3 : i32
    %dma_start3A_103 = arith.constant 1 : i32
    %dma_start3A_104 = arith.constant 128 : i32
    %dma_start3A_105 = arith.constant 0 : i32
    %dma_start3A_106 = tpu.memref_slice %arg6[%dma_start3A_103, %dma_start3A_104, %dma_start3A_105] : memref<4x256x64xf32, #tpu.memory_space<vmem>> -> memref<1x128x64xf32, #tpu.memory_space<vmem>>
    %dma_start3A_107 = tpu.memref_squeeze %dma_start3A_106 : memref<1x128x64xf32, #tpu.memory_space<vmem>> -> memref<128x64xf32, #tpu.memory_space<vmem>>
    %dma_start3A_108 = arith.constant 0 : i32
    %dma_start3A_109 = tpu.memref_slice %arg5[%dma_start3A_102, %dma_start3A_108] : memref<200x128xi32, #tpu.memory_space<vmem>> -> memref<1x128xi32, #tpu.memory_space<vmem>>
    %dma_start3A_110 = tpu.memref_squeeze %dma_start3A_109 : memref<1x128xi32, #tpu.memory_space<vmem>> -> memref<128xi32, #tpu.memory_space<vmem>>
    %dma_start3A_111 = arith.constant 0 : i32
    %dma_start3A_112 = arith.constant 0 : i32
    %dma_start3A_113 = tpu.memref_slice %arg3[%dma_start3A_111, %dma_start3A_112] : memref<1000000x64xf32, #tpu.memory_space<hbm>> -> memref<1000000x64xf32, #tpu.memory_space<hbm>>
    tpu.enqueue_indirect_dma source(%dma_start3A_113 : memref<1000000x64xf32, #tpu.memory_space<hbm>>) target(%dma_start3A_107 : memref<128x64xf32, #tpu.memory_space<vmem>>) offsets(%dma_start3A_110 : memref<128xi32, #tpu.memory_space<vmem>>) semaphore(%arg9 : memref<!tpu.dma_semaphore, #tpu.memory_space<semaphore_mem>>)
    %scan3A = arith.constant 0 : i32
    %scan3A_114 = arith.constant 0 : i32
    %scan3A_115 = arith.constant 25 : i32
    %scan3A_116 = arith.addi %scan3A_114, %scan3A_115 : i32
    %scan3A_117 = arith.constant 1 : i32
    scf.for %scan3A_433 = %scan3A_114 to %scan3A_116 step %scan3A_117  : i32 {
      %mul3A_434 = arith.constant 4 : i32
      %mul3A_435 = arith.muli %scan3A_433, %mul3A_434 : i32
      %add3A_436 = arith.constant 0 : i32
      %add3A_437 = arith.addi %mul3A_435, %add3A_436 : i32
      %add3A_438 = arith.constant 2 : i32
      %add3A_439 = arith.addi %add3A_437, %add3A_438 : i32
      %lt3A_440 = arith.constant 100 : i32
      %lt3A_441 = arith.cmpi slt, %add3A_439, %lt3A_440 : i32
      %convert_element_type3A = arith.extui %lt3A_441 : i1 to i32
      %cond3A = arith.constant 0 : i32
      %cond3A_442 = arith.cmpi ne, %convert_element_type3A, %cond3A : i32
      scf.if %cond3A_442 {
        %mul3A_1270 = arith.constant 2 : i32
        %mul3A_1271 = arith.muli %add3A_439, %mul3A_1270 : i32
        %add3A_1272 = arith.constant 0 : i32
        %add3A_1273 = arith.addi %mul3A_1271, %add3A_1272 : i32
        %dma_start3A_1274 = arith.constant 2 : i32
        %dma_start3A_1275 = arith.constant 0 : i32
        %dma_start3A_1276 = arith.constant 0 : i32
        %dma_start3A_1277 = tpu.memref_slice %arg6[%dma_start3A_1274, %dma_start3A_1275, %dma_start3A_1276] : memref<4x256x64xf32, #tpu.memory_space<vmem>> -> memref<1x128x64xf32, #tpu.memory_space<vmem>>
        %dma_start3A_1278 = tpu.memref_squeeze %dma_start3A_1277 : memref<1x128x64xf32, #tpu.memory_space<vmem>> -> memref<128x64xf32, #tpu.memory_space<vmem>>
        %dma_start3A_1279 = arith.constant 0 : i32
        %dma_start3A_1280 = tpu.memref_slice %arg5[%add3A_1273, %dma_start3A_1279] : memref<200x128xi32, #tpu.memory_space<vmem>> -> memref<1x128xi32, #tpu.memory_space<vmem>>
        %dma_start3A_1281 = tpu.memref_squeeze %dma_start3A_1280 : memref<1x128xi32, #tpu.memory_space<vmem>> -> memref<128xi32, #tpu.memory_space<vmem>>
        %dma_start3A_1282 = arith.constant 0 : i32
        %dma_start3A_1283 = arith.constant 0 : i32
        %dma_start3A_1284 = tpu.memref_slice %arg3[%dma_start3A_1282, %dma_start3A_1283] : memref<1000000x64xf32, #tpu.memory_space<hbm>> -> memref<1000000x64xf32, #tpu.memory_space<hbm>>
        tpu.enqueue_indirect_dma source(%dma_start3A_1284 : memref<1000000x64xf32, #tpu.memory_space<hbm>>) target(%dma_start3A_1278 : memref<128x64xf32, #tpu.memory_space<vmem>>) offsets(%dma_start3A_1281 : memref<128xi32, #tpu.memory_space<vmem>>) semaphore(%arg10 : memref<!tpu.dma_semaphore, #tpu.memory_space<semaphore_mem>>)
        %mul3A_1285 = arith.constant 2 : i32
        %mul3A_1286 = arith.muli %add3A_439, %mul3A_1285 : i32
        %add3A_1287 = arith.constant 1 : i32
        %add3A_1288 = arith.addi %mul3A_1286, %add3A_1287 : i32
        %dma_start3A_1289 = arith.constant 2 : i32
        %dma_start3A_1290 = arith.constant 128 : i32
        %dma_start3A_1291 = arith.constant 0 : i32
        %dma_start3A_1292 = tpu.memref_slice %arg6[%dma_start3A_1289, %dma_start3A_1290, %dma_start3A_1291] : memref<4x256x64xf32, #tpu.memory_space<vmem>> -> memref<1x128x64xf32, #tpu.memory_space<vmem>>
        %dma_start3A_1293 = tpu.memref_squeeze %dma_start3A_1292 : memref<1x128x64xf32, #tpu.memory_space<vmem>> -> memref<128x64xf32, #tpu.memory_space<vmem>>
        %dma_start3A_1294 = arith.constant 0 : i32
        %dma_start3A_1295 = tpu.memref_slice %arg5[%add3A_1288, %dma_start3A_1294] : memref<200x128xi32, #tpu.memory_space<vmem>> -> memref<1x128xi32, #tpu.memory_space<vmem>>
        %dma_start3A_1296 = tpu.memref_squeeze %dma_start3A_1295 : memref<1x128xi32, #tpu.memory_space<vmem>> -> memref<128xi32, #tpu.memory_space<vmem>>
        %dma_start3A_1297 = arith.constant 0 : i32
        %dma_start3A_1298 = arith.constant 0 : i32
        %dma_start3A_1299 = tpu.memref_slice %arg3[%dma_start3A_1297, %dma_start3A_1298] : memref<1000000x64xf32, #tpu.memory_space<hbm>> -> memref<1000000x64xf32, #tpu.memory_space<hbm>>
        tpu.enqueue_indirect_dma source(%dma_start3A_1299 : memref<1000000x64xf32, #tpu.memory_space<hbm>>) target(%dma_start3A_1293 : memref<128x64xf32, #tpu.memory_space<vmem>>) offsets(%dma_start3A_1296 : memref<128xi32, #tpu.memory_space<vmem>>) semaphore(%arg10 : memref<!tpu.dma_semaphore, #tpu.memory_space<semaphore_mem>>)
      } else {
      }
      %ge3A = arith.constant 2 : i32
      %ge3A_443 = arith.cmpi sge, %add3A_437, %ge3A : i32
      %convert_element_type3A_444 = arith.extui %ge3A_443 : i1 to i32
      %cond3A_445 = arith.constant 0 : i32
      %cond3A_446 = arith.cmpi ne, %convert_element_type3A_444, %cond3A_445 : i32
      scf.if %cond3A_446 {
        %sub3A_1270 = arith.constant 2 : i32
        %sub3A_1271 = arith.subi %add3A_437, %sub3A_1270 : i32
        %add3A_1272 = arith.addi %mul3A_2, %sub3A_1271 : i32
        %jit3A_1273 = arith.constant 16 : i32
        %div3A_1274 = arith.divsi %add3A_1272, %jit3A_1273 : i32
        %sign3A_1275 = arith.constant 0 : i32
        %sign3A_1276 = arith.cmpi sgt, %add3A_1272, %sign3A_1275 : i32
        %sign3A_1277 = arith.extui %sign3A_1276 : i1 to i32
        %sign3A_1278 = arith.constant 0 : i32
        %sign3A_1279 = arith.cmpi slt, %add3A_1272, %sign3A_1278 : i32
        %sign3A_1280 = arith.extui %sign3A_1279 : i1 to i32
        %sign3A_1281 = arith.subi %sign3A_1277, %sign3A_1280 : i32
        %sign3A_1282 = arith.constant 0 : i32
        %sign3A_1283 = arith.cmpi sgt, %jit3A_1273, %sign3A_1282 : i32
        %sign3A_1284 = arith.extui %sign3A_1283 : i1 to i32
        %sign3A_1285 = arith.constant 0 : i32
        %sign3A_1286 = arith.cmpi slt, %jit3A_1273, %sign3A_1285 : i32
        %sign3A_1287 = arith.extui %sign3A_1286 : i1 to i32
        %sign3A_1288 = arith.subi %sign3A_1284, %sign3A_1287 : i32
        %ne3A_1289 = arith.cmpi ne, %sign3A_1281, %sign3A_1288 : i32
        %rem3A_1290 = arith.remsi %add3A_1272, %jit3A_1273 : i32
        %ne3A_1291 = arith.constant 0 : i32
        %ne3A_1292 = arith.cmpi ne, %rem3A_1290, %ne3A_1291 : i32
        %and3A_1293 = arith.andi %ne3A_1289, %ne3A_1292 : i1
        %sub3A_1294 = arith.constant 1 : i32
        %sub3A_1295 = arith.subi %div3A_1274, %sub3A_1294 : i32
        %select_n3A_1296 = arith.select %and3A_1293, %sub3A_1295, %div3A_1274 : i32
        %jit3A_1297 = arith.constant 16 : i32
        %eq3A_1298 = arith.constant 0 : i32
        %eq3A_1299 = arith.cmpi eq, %jit3A_1297, %eq3A_1298 : i32
        %jit3A_1300 = arith.constant 1 : i32
        %select_n3A_1301 = arith.select %eq3A_1299, %jit3A_1300, %jit3A_1297 : i32
        %rem3A_1302 = arith.remsi %add3A_1272, %select_n3A_1301 : i32
        %ne3A_1303 = arith.constant 0 : i32
        %ne3A_1304 = arith.cmpi ne, %rem3A_1302, %ne3A_1303 : i32
        %lt3A_1305 = arith.constant 0 : i32
        %lt3A_1306 = arith.cmpi slt, %rem3A_1302, %lt3A_1305 : i32
        %lt3A_1307 = arith.constant 0 : i32
        %lt3A_1308 = arith.cmpi slt, %select_n3A_1301, %lt3A_1307 : i32
        %ne3A_1309 = arith.xori %lt3A_1306, %lt3A_1308 : i1
        %and3A_1310 = arith.andi %ne3A_1309, %ne3A_1304 : i1
        %add3A_1311 = arith.addi %rem3A_1302, %select_n3A_1301 : i32
        %select_n3A_1312 = arith.select %and3A_1310, %add3A_1311, %rem3A_1302 : i32
        %mul3A_1313 = arith.constant 16 : i32
        %mul3A_1314 = arith.muli %mul3A_1313, %select_n3A_1312 : i32
        %dma_wait3A_1315 = arith.constant 0 : i32
        %dma_wait3A_1316 = arith.constant 0 : i32
        %dma_wait3A_1317 = arith.constant 0 : i32
        %dma_wait3A_1318 = tpu.memref_slice %arg7[%dma_wait3A_1316, %dma_wait3A_1317] : memref<256x129xf32, #tpu.memory_space<vmem>> -> memref<16x128xf32, #tpu.memory_space<vmem>>
        %dma_wait3A_1319 = arith.constant 0 : i32
        %dma_wait3A_1320 = tpu.memref_slice %arg4[%select_n3A_1296, %dma_wait3A_1315, %mul3A_1314, %dma_wait3A_1319] : memref<200x8x256x128xf32, #tpu.memory_space<hbm>> -> memref<1x1x16x128xf32, #tpu.memory_space<hbm>>
        %dma_wait3A_1321 = tpu.memref_squeeze %dma_wait3A_1320 : memref<1x1x16x128xf32, #tpu.memory_space<hbm>> -> memref<16x128xf32, #tpu.memory_space<hbm>>
        %dma_wait3A_1322 = arith.constant 0 : i32
        %dma_wait3A_1323 = tpu.memref_slice %arg4[%select_n3A_1296, %dma_wait3A_1315, %mul3A_1314, %dma_wait3A_1322] : memref<200x8x256x128xf32, #tpu.memory_space<hbm>> -> memref<1x1x16x128xf32, #tpu.memory_space<hbm>>
        %dma_wait3A_1324 = tpu.memref_squeeze %dma_wait3A_1323 : memref<1x1x16x128xf32, #tpu.memory_space<hbm>> -> memref<16x128xf32, #tpu.memory_space<hbm>>
        %dma_wait3A_1325 = arith.constant 0 : i32
        %dma_wait3A_1326 = arith.constant 0 : i32
        %dma_wait3A_1327 = tpu.memref_slice %arg7[%dma_wait3A_1325, %dma_wait3A_1326] : memref<256x129xf32, #tpu.memory_space<vmem>> -> memref<16x128xf32, #tpu.memory_space<vmem>>
        tpu.wait_dma2 semaphore(%arg12 : memref<!tpu.dma_semaphore, #tpu.memory_space<semaphore_mem>>) src(%dma_wait3A_1327 : memref<16x128xf32, #tpu.memory_space<vmem>>) dst(%dma_wait3A_1324 : memref<16x128xf32, #tpu.memory_space<hbm>>)
        %mul3A_1328 = arith.constant 16 : i32
        %mul3A_1329 = arith.muli %mul3A_1328, %select_n3A_1312 : i32
        %dma_wait3A_1330 = arith.constant 1 : i32
        %dma_wait3A_1331 = arith.constant 16 : i32
        %dma_wait3A_1332 = arith.constant 0 : i32
        %dma_wait3A_1333 = tpu.memref_slice %arg7[%dma_wait3A_1331, %dma_wait3A_1332] : memref<256x129xf32, #tpu.memory_space<vmem>> -> memref<16x128xf32, #tpu.memory_space<vmem>>
        %dma_wait3A_1334 = arith.constant 0 : i32
        %dma_wait3A_1335 = tpu.memref_slice %arg4[%select_n3A_1296, %dma_wait3A_1330, %mul3A_1329, %dma_wait3A_1334] : memref<200x8x256x128xf32, #tpu.memory_space<hbm>> -> memref<1x1x16x128xf32, #tpu.memory_space<hbm>>
        %dma_wait3A_1336 = tpu.memref_squeeze %dma_wait3A_1335 : memref<1x1x16x128xf32, #tpu.memory_space<hbm>> -> memref<16x128xf32, #tpu.memory_space<hbm>>
        %dma_wait3A_1337 = arith.constant 0 : i32
        %dma_wait3A_1338 = tpu.memref_slice %arg4[%select_n3A_1296, %dma_wait3A_1330, %mul3A_1329, %dma_wait3A_1337] : memref<200x8x256x128xf32, #tpu.memory_space<hbm>> -> memref<1x1x16x128xf32, #tpu.memory_space<hbm>>
        %dma_wait3A_1339 = tpu.memref_squeeze %dma_wait3A_1338 : memref<1x1x16x128xf32, #tpu.memory_space<hbm>> -> memref<16x128xf32, #tpu.memory_space<hbm>>
        %dma_wait3A_1340 = arith.constant 16 : i32
        %dma_wait3A_1341 = arith.constant 0 : i32
        %dma_wait3A_1342 = tpu.memref_slice %arg7[%dma_wait3A_1340, %dma_wait3A_1341] : memref<256x129xf32, #tpu.memory_space<vmem>> -> memref<16x128xf32, #tpu.memory_space<vmem>>
        tpu.wait_dma2 semaphore(%arg12 : memref<!tpu.dma_semaphore, #tpu.memory_space<semaphore_mem>>) src(%dma_wait3A_1342 : memref<16x128xf32, #tpu.memory_space<vmem>>) dst(%dma_wait3A_1339 : memref<16x128xf32, #tpu.memory_space<hbm>>)
        %mul3A_1343 = arith.constant 16 : i32
        %mul3A_1344 = arith.muli %mul3A_1343, %select_n3A_1312 : i32
        %dma_wait3A_1345 = arith.constant 2 : i32
        %dma_wait3A_1346 = arith.constant 32 : i32
        %dma_wait3A_1347 = arith.constant 0 : i32
        %dma_wait3A_1348 = tpu.memref_slice %arg7[%dma_wait3A_1346, %dma_wait3A_1347] : memref<256x129xf32, #tpu.memory_space<vmem>> -> memref<16x128xf32, #tpu.memory_space<vmem>>
        %dma_wait3A_1349 = arith.constant 0 : i32
        %dma_wait3A_1350 = tpu.memref_slice %arg4[%select_n3A_1296, %dma_wait3A_1345, %mul3A_1344, %dma_wait3A_1349] : memref<200x8x256x128xf32, #tpu.memory_space<hbm>> -> memref<1x1x16x128xf32, #tpu.memory_space<hbm>>
        %dma_wait3A_1351 = tpu.memref_squeeze %dma_wait3A_1350 : memref<1x1x16x128xf32, #tpu.memory_space<hbm>> -> memref<16x128xf32, #tpu.memory_space<hbm>>
        %dma_wait3A_1352 = arith.constant 0 : i32
        %dma_wait3A_1353 = tpu.memref_slice %arg4[%select_n3A_1296, %dma_wait3A_1345, %mul3A_1344, %dma_wait3A_1352] : memref<200x8x256x128xf32, #tpu.memory_space<hbm>> -> memref<1x1x16x128xf32, #tpu.memory_space<hbm>>
        %dma_wait3A_1354 = tpu.memref_squeeze %dma_wait3A_1353 : memref<1x1x16x128xf32, #tpu.memory_space<hbm>> -> memref<16x128xf32, #tpu.memory_space<hbm>>
        %dma_wait3A_1355 = arith.constant 32 : i32
        %dma_wait3A_1356 = arith.constant 0 : i32
        %dma_wait3A_1357 = tpu.memref_slice %arg7[%dma_wait3A_1355, %dma_wait3A_1356] : memref<256x129xf32, #tpu.memory_space<vmem>> -> memref<16x128xf32, #tpu.memory_space<vmem>>
        tpu.wait_dma2 semaphore(%arg12 : memref<!tpu.dma_semaphore, #tpu.memory_space<semaphore_mem>>) src(%dma_wait3A_1357 : memref<16x128xf32, #tpu.memory_space<vmem>>) dst(%dma_wait3A_1354 : memref<16x128xf32, #tpu.memory_space<hbm>>)
        %mul3A_1358 = arith.constant 16 : i32
        %mul3A_1359 = arith.muli %mul3A_1358, %select_n3A_1312 : i32
        %dma_wait3A_1360 = arith.constant 3 : i32
        %dma_wait3A_1361 = arith.constant 48 : i32
        %dma_wait3A_1362 = arith.constant 0 : i32
        %dma_wait3A_1363 = tpu.memref_slice %arg7[%dma_wait3A_1361, %dma_wait3A_1362] : memref<256x129xf32, #tpu.memory_space<vmem>> -> memref<16x128xf32, #tpu.memory_space<vmem>>
        %dma_wait3A_1364 = arith.constant 0 : i32
        %dma_wait3A_1365 = tpu.memref_slice %arg4[%select_n3A_1296, %dma_wait3A_1360, %mul3A_1359, %dma_wait3A_1364] : memref<200x8x256x128xf32, #tpu.memory_space<hbm>> -> memref<1x1x16x128xf32, #tpu.memory_space<hbm>>
        %dma_wait3A_1366 = tpu.memref_squeeze %dma_wait3A_1365 : memref<1x1x16x128xf32, #tpu.memory_space<hbm>> -> memref<16x128xf32, #tpu.memory_space<hbm>>
        %dma_wait3A_1367 = arith.constant 0 : i32
        %dma_wait3A_1368 = tpu.memref_slice %arg4[%select_n3A_1296, %dma_wait3A_1360, %mul3A_1359, %dma_wait3A_1367] : memref<200x8x256x128xf32, #tpu.memory_space<hbm>> -> memref<1x1x16x128xf32, #tpu.memory_space<hbm>>
        %dma_wait3A_1369 = tpu.memref_squeeze %dma_wait3A_1368 : memref<1x1x16x128xf32, #tpu.memory_space<hbm>> -> memref<16x128xf32, #tpu.memory_space<hbm>>
        %dma_wait3A_1370 = arith.constant 48 : i32
        %dma_wait3A_1371 = arith.constant 0 : i32
        %dma_wait3A_1372 = tpu.memref_slice %arg7[%dma_wait3A_1370, %dma_wait3A_1371] : memref<256x129xf32, #tpu.memory_space<vmem>> -> memref<16x128xf32, #tpu.memory_space<vmem>>
        tpu.wait_dma2 semaphore(%arg12 : memref<!tpu.dma_semaphore, #tpu.memory_space<semaphore_mem>>) src(%dma_wait3A_1372 : memref<16x128xf32, #tpu.memory_space<vmem>>) dst(%dma_wait3A_1369 : memref<16x128xf32, #tpu.memory_space<hbm>>)
        %mul3A_1373 = arith.constant 16 : i32
        %mul3A_1374 = arith.muli %mul3A_1373, %select_n3A_1312 : i32
        %dma_wait3A_1375 = arith.constant 4 : i32
        %dma_wait3A_1376 = arith.constant 64 : i32
        %dma_wait3A_1377 = arith.constant 0 : i32
        %dma_wait3A_1378 = tpu.memref_slice %arg7[%dma_wait3A_1376, %dma_wait3A_1377] : memref<256x129xf32, #tpu.memory_space<vmem>> -> memref<16x128xf32, #tpu.memory_space<vmem>>
        %dma_wait3A_1379 = arith.constant 0 : i32
        %dma_wait3A_1380 = tpu.memref_slice %arg4[%select_n3A_1296, %dma_wait3A_1375, %mul3A_1374, %dma_wait3A_1379] : memref<200x8x256x128xf32, #tpu.memory_space<hbm>> -> memref<1x1x16x128xf32, #tpu.memory_space<hbm>>
        %dma_wait3A_1381 = tpu.memref_squeeze %dma_wait3A_1380 : memref<1x1x16x128xf32, #tpu.memory_space<hbm>> -> memref<16x128xf32, #tpu.memory_space<hbm>>
        %dma_wait3A_1382 = arith.constant 0 : i32
        %dma_wait3A_1383 = tpu.memref_slice %arg4[%select_n3A_1296, %dma_wait3A_1375, %mul3A_1374, %dma_wait3A_1382] : memref<200x8x256x128xf32, #tpu.memory_space<hbm>> -> memref<1x1x16x128xf32, #tpu.memory_space<hbm>>
        %dma_wait3A_1384 = tpu.memref_squeeze %dma_wait3A_1383 : memref<1x1x16x128xf32, #tpu.memory_space<hbm>> -> memref<16x128xf32, #tpu.memory_space<hbm>>
        %dma_wait3A_1385 = arith.constant 64 : i32
        %dma_wait3A_1386 = arith.constant 0 : i32
        %dma_wait3A_1387 = tpu.memref_slice %arg7[%dma_wait3A_1385, %dma_wait3A_1386] : memref<256x129xf32, #tpu.memory_space<vmem>> -> memref<16x128xf32, #tpu.memory_space<vmem>>
        tpu.wait_dma2 semaphore(%arg12 : memref<!tpu.dma_semaphore, #tpu.memory_space<semaphore_mem>>) src(%dma_wait3A_1387 : memref<16x128xf32, #tpu.memory_space<vmem>>) dst(%dma_wait3A_1384 : memref<16x128xf32, #tpu.memory_space<hbm>>)
        %mul3A_1388 = arith.constant 16 : i32
        %mul3A_1389 = arith.muli %mul3A_1388, %select_n3A_1312 : i32
        %dma_wait3A_1390 = arith.constant 5 : i32
        %dma_wait3A_1391 = arith.constant 80 : i32
        %dma_wait3A_1392 = arith.constant 0 : i32
        %dma_wait3A_1393 = tpu.memref_slice %arg7[%dma_wait3A_1391, %dma_wait3A_1392] : memref<256x129xf32, #tpu.memory_space<vmem>> -> memref<16x128xf32, #tpu.memory_space<vmem>>
        %dma_wait3A_1394 = arith.constant 0 : i32
        %dma_wait3A_1395 = tpu.memref_slice %arg4[%select_n3A_1296, %dma_wait3A_1390, %mul3A_1389, %dma_wait3A_1394] : memref<200x8x256x128xf32, #tpu.memory_space<hbm>> -> memref<1x1x16x128xf32, #tpu.memory_space<hbm>>
        %dma_wait3A_1396 = tpu.memref_squeeze %dma_wait3A_1395 : memref<1x1x16x128xf32, #tpu.memory_space<hbm>> -> memref<16x128xf32, #tpu.memory_space<hbm>>
        %dma_wait3A_1397 = arith.constant 0 : i32
        %dma_wait3A_1398 = tpu.memref_slice %arg4[%select_n3A_1296, %dma_wait3A_1390, %mul3A_1389, %dma_wait3A_1397] : memref<200x8x256x128xf32, #tpu.memory_space<hbm>> -> memref<1x1x16x128xf32, #tpu.memory_space<hbm>>
        %dma_wait3A_1399 = tpu.memref_squeeze %dma_wait3A_1398 : memref<1x1x16x128xf32, #tpu.memory_space<hbm>> -> memref<16x128xf32, #tpu.memory_space<hbm>>
        %dma_wait3A_1400 = arith.constant 80 : i32
        %dma_wait3A_1401 = arith.constant 0 : i32
        %dma_wait3A_1402 = tpu.memref_slice %arg7[%dma_wait3A_1400, %dma_wait3A_1401] : memref<256x129xf32, #tpu.memory_space<vmem>> -> memref<16x128xf32, #tpu.memory_space<vmem>>
        tpu.wait_dma2 semaphore(%arg12 : memref<!tpu.dma_semaphore, #tpu.memory_space<semaphore_mem>>) src(%dma_wait3A_1402 : memref<16x128xf32, #tpu.memory_space<vmem>>) dst(%dma_wait3A_1399 : memref<16x128xf32, #tpu.memory_space<hbm>>)
        %mul3A_1403 = arith.constant 16 : i32
        %mul3A_1404 = arith.muli %mul3A_1403, %select_n3A_1312 : i32
        %dma_wait3A_1405 = arith.constant 6 : i32
        %dma_wait3A_1406 = arith.constant 96 : i32
        %dma_wait3A_1407 = arith.constant 0 : i32
        %dma_wait3A_1408 = tpu.memref_slice %arg7[%dma_wait3A_1406, %dma_wait3A_1407] : memref<256x129xf32, #tpu.memory_space<vmem>> -> memref<16x128xf32, #tpu.memory_space<vmem>>
        %dma_wait3A_1409 = arith.constant 0 : i32
        %dma_wait3A_1410 = tpu.memref_slice %arg4[%select_n3A_1296, %dma_wait3A_1405, %mul3A_1404, %dma_wait3A_1409] : memref<200x8x256x128xf32, #tpu.memory_space<hbm>> -> memref<1x1x16x128xf32, #tpu.memory_space<hbm>>
        %dma_wait3A_1411 = tpu.memref_squeeze %dma_wait3A_1410 : memref<1x1x16x128xf32, #tpu.memory_space<hbm>> -> memref<16x128xf32, #tpu.memory_space<hbm>>
        %dma_wait3A_1412 = arith.constant 0 : i32
        %dma_wait3A_1413 = tpu.memref_slice %arg4[%select_n3A_1296, %dma_wait3A_1405, %mul3A_1404, %dma_wait3A_1412] : memref<200x8x256x128xf32, #tpu.memory_space<hbm>> -> memref<1x1x16x128xf32, #tpu.memory_space<hbm>>
        %dma_wait3A_1414 = tpu.memref_squeeze %dma_wait3A_1413 : memref<1x1x16x128xf32, #tpu.memory_space<hbm>> -> memref<16x128xf32, #tpu.memory_space<hbm>>
        %dma_wait3A_1415 = arith.constant 96 : i32
        %dma_wait3A_1416 = arith.constant 0 : i32
        %dma_wait3A_1417 = tpu.memref_slice %arg7[%dma_wait3A_1415, %dma_wait3A_1416] : memref<256x129xf32, #tpu.memory_space<vmem>> -> memref<16x128xf32, #tpu.memory_space<vmem>>
        tpu.wait_dma2 semaphore(%arg12 : memref<!tpu.dma_semaphore, #tpu.memory_space<semaphore_mem>>) src(%dma_wait3A_1417 : memref<16x128xf32, #tpu.memory_space<vmem>>) dst(%dma_wait3A_1414 : memref<16x128xf32, #tpu.memory_space<hbm>>)
        %mul3A_1418 = arith.constant 16 : i32
        %mul3A_1419 = arith.muli %mul3A_1418, %select_n3A_1312 : i32
        %dma_wait3A_1420 = arith.constant 7 : i32
        %dma_wait3A_1421 = arith.constant 112 : i32
        %dma_wait3A_1422 = arith.constant 0 : i32
        %dma_wait3A_1423 = tpu.memref_slice %arg7[%dma_wait3A_1421, %dma_wait3A_1422] : memref<256x129xf32, #tpu.memory_space<vmem>> -> memref<16x128xf32, #tpu.memory_space<vmem>>
        %dma_wait3A_1424 = arith.constant 0 : i32
        %dma_wait3A_1425 = tpu.memref_slice %arg4[%select_n3A_1296, %dma_wait3A_1420, %mul3A_1419, %dma_wait3A_1424] : memref<200x8x256x128xf32, #tpu.memory_space<hbm>> -> memref<1x1x16x128xf32, #tpu.memory_space<hbm>>
        %dma_wait3A_1426 = tpu.memref_squeeze %dma_wait3A_1425 : memref<1x1x16x128xf32, #tpu.memory_space<hbm>> -> memref<16x128xf32, #tpu.memory_space<hbm>>
        %dma_wait3A_1427 = arith.constant 0 : i32
        %dma_wait3A_1428 = tpu.memref_slice %arg4[%select_n3A_1296, %dma_wait3A_1420, %mul3A_1419, %dma_wait3A_1427] : memref<200x8x256x128xf32, #tpu.memory_space<hbm>> -> memref<1x1x16x128xf32, #tpu.memory_space<hbm>>
        %dma_wait3A_1429 = tpu.memref_squeeze %dma_wait3A_1428 : memref<1x1x16x128xf32, #tpu.memory_space<hbm>> -> memref<16x128xf32, #tpu.memory_space<hbm>>
        %dma_wait3A_1430 = arith.constant 112 : i32
        %dma_wait3A_1431 = arith.constant 0 : i32
        %dma_wait3A_1432 = tpu.memref_slice %arg7[%dma_wait3A_1430, %dma_wait3A_1431] : memref<256x129xf32, #tpu.memory_space<vmem>> -> memref<16x128xf32, #tpu.memory_space<vmem>>
        tpu.wait_dma2 semaphore(%arg12 : memref<!tpu.dma_semaphore, #tpu.memory_space<semaphore_mem>>) src(%dma_wait3A_1432 : memref<16x128xf32, #tpu.memory_space<vmem>>) dst(%dma_wait3A_1429 : memref<16x128xf32, #tpu.memory_space<hbm>>)
      } else {
      }
      %mul3A_447 = arith.constant 2 : i32
      %mul3A_448 = arith.muli %add3A_437, %mul3A_447 : i32
      %add3A_449 = arith.constant 0 : i32
      %add3A_450 = arith.addi %mul3A_448, %add3A_449 : i32
      %dma_wait3A_451 = arith.constant 0 : i32
      %dma_wait3A_452 = arith.constant 0 : i32
      %dma_wait3A_453 = arith.constant 0 : i32
      %dma_wait3A_454 = tpu.memref_slice %arg6[%dma_wait3A_451, %dma_wait3A_452, %dma_wait3A_453] : memref<4x256x64xf32, #tpu.memory_space<vmem>> -> memref<1x128x64xf32, #tpu.memory_space<vmem>>
      %dma_wait3A_455 = tpu.memref_squeeze %dma_wait3A_454 : memref<1x128x64xf32, #tpu.memory_space<vmem>> -> memref<128x64xf32, #tpu.memory_space<vmem>>
      %dma_wait3A_456 = arith.constant 0 : i32
      %dma_wait3A_457 = tpu.memref_slice %arg5[%add3A_450, %dma_wait3A_456] : memref<200x128xi32, #tpu.memory_space<vmem>> -> memref<1x128xi32, #tpu.memory_space<vmem>>
      %dma_wait3A_458 = tpu.memref_squeeze %dma_wait3A_457 : memref<1x128xi32, #tpu.memory_space<vmem>> -> memref<128xi32, #tpu.memory_space<vmem>>
      %dma_wait3A_459 = arith.constant 0 : i32
      %dma_wait3A_460 = arith.constant 0 : i32
      %dma_wait3A_461 = tpu.memref_slice %arg3[%dma_wait3A_459, %dma_wait3A_460] : memref<1000000x64xf32, #tpu.memory_space<hbm>> -> memref<1000000x64xf32, #tpu.memory_space<hbm>>
      tpu.wait_indirect_dma semaphore(%arg8 : memref<!tpu.dma_semaphore, #tpu.memory_space<semaphore_mem>>) src(%dma_wait3A_461 : memref<1000000x64xf32, #tpu.memory_space<hbm>>) dst(%dma_wait3A_455 : memref<128x64xf32, #tpu.memory_space<vmem>>)
      %mul3A_462 = arith.constant 2 : i32
      %mul3A_463 = arith.muli %add3A_437, %mul3A_462 : i32
      %add3A_464 = arith.constant 1 : i32
      %add3A_465 = arith.addi %mul3A_463, %add3A_464 : i32
      %dma_wait3A_466 = arith.constant 0 : i32
      %dma_wait3A_467 = arith.constant 128 : i32
      %dma_wait3A_468 = arith.constant 0 : i32
      %dma_wait3A_469 = tpu.memref_slice %arg6[%dma_wait3A_466, %dma_wait3A_467, %dma_wait3A_468] : memref<4x256x64xf32, #tpu.memory_space<vmem>> -> memref<1x128x64xf32, #tpu.memory_space<vmem>>
      %dma_wait3A_470 = tpu.memref_squeeze %dma_wait3A_469 : memref<1x128x64xf32, #tpu.memory_space<vmem>> -> memref<128x64xf32, #tpu.memory_space<vmem>>
      %dma_wait3A_471 = arith.constant 0 : i32
      %dma_wait3A_472 = tpu.memref_slice %arg5[%add3A_465, %dma_wait3A_471] : memref<200x128xi32, #tpu.memory_space<vmem>> -> memref<1x128xi32, #tpu.memory_space<vmem>>
      %dma_wait3A_473 = tpu.memref_squeeze %dma_wait3A_472 : memref<1x128xi32, #tpu.memory_space<vmem>> -> memref<128xi32, #tpu.memory_space<vmem>>
      %dma_wait3A_474 = arith.constant 0 : i32
      %dma_wait3A_475 = arith.constant 0 : i32
      %dma_wait3A_476 = tpu.memref_slice %arg3[%dma_wait3A_474, %dma_wait3A_475] : memref<1000000x64xf32, #tpu.memory_space<hbm>> -> memref<1000000x64xf32, #tpu.memory_space<hbm>>
      tpu.wait_indirect_dma semaphore(%arg8 : memref<!tpu.dma_semaphore, #tpu.memory_space<semaphore_mem>>) src(%dma_wait3A_476 : memref<1000000x64xf32, #tpu.memory_space<hbm>>) dst(%dma_wait3A_470 : memref<128x64xf32, #tpu.memory_space<vmem>>)
      %parallel_loop3A = arith.constant 0 : i32
      %parallel_loop3A_477 = arith.constant 256 : i32
      %parallel_loop3A_478 = arith.constant 1 : i32
      scf.for %parallel_loop3A_1270 = %parallel_loop3A to %parallel_loop3A_477 step %parallel_loop3A_478  : i32 {
        %parallel_loop3A_1271 = arith.constant 7 : i32
        %parallel_loop3A_1272 = arith.shrui %parallel_loop3A_1270, %parallel_loop3A_1271 : i32
        %parallel_loop3A_1273 = arith.constant 8 : i32
        %parallel_loop3A_1274 = arith.muli %parallel_loop3A_1272, %parallel_loop3A_1273 : i32
        %parallel_loop3A_1275 = arith.constant 0 : i32
        %parallel_loop3A_1276 = arith.addi %parallel_loop3A_1275, %parallel_loop3A_1274 : i32
        %parallel_loop3A_1277 = vector.broadcast %parallel_loop3A_1276 : i32 to vector<16xi32>
        %parallel_loop3A_1278 = arith.constant 127 : i32
        %parallel_loop3A_1279 = arith.andi %parallel_loop3A_1270, %parallel_loop3A_1278 : i32
        %parallel_loop3A_1280 = vector.broadcast %parallel_loop3A_1279 : i32 to vector<16xi32>
        %parallel_loop3A_1281 = arith.constant 0 : i32
        %parallel_loop3A_1282 = arith.index_cast %parallel_loop3A_1281 : i32 to index
        %parallel_loop3A_1283 = arith.index_cast %parallel_loop3A_1270 : i32 to index
        %parallel_loop3A_1284 = arith.constant 0 : index
        %parallel_loop3A_1285 = tpu.vector_load %arg6[%parallel_loop3A_1282, %parallel_loop3A_1283, %parallel_loop3A_1284] {strides = array<i32>} : memref<4x256x64xf32, #tpu.memory_space<vmem>>, vector<16xf32>,
        %parallel_loop3A_1286 = arith.constant 8.000000e+00 : f32
        %parallel_loop3A_1287 = vector.broadcast %parallel_loop3A_1286 : f32 to vector<16xf32>
        %parallel_loop3A_1288 = arith.mulf %parallel_loop3A_1285, %parallel_loop3A_1287 : vector<16xf32>
        %parallel_loop3A_1289 = arith.addi %add3A_18, %parallel_loop3A_1277 : vector<16xi32>
        tpu.vector_store_idx %arg7[%parallel_loop3A_1289, %parallel_loop3A_1280], %parallel_loop3A_1288 : memref<256x129xf32, #tpu.memory_space<vmem>>[vector<16xi32>, vector<16xi32>], vector<16xf32>,
        %parallel_loop3A_1290 = arith.constant 0 : i32
        %parallel_loop3A_1291 = arith.index_cast %parallel_loop3A_1290 : i32 to index
        %parallel_loop3A_1292 = arith.index_cast %parallel_loop3A_1270 : i32 to index
        %parallel_loop3A_1293 = arith.constant 16 : index
        %parallel_loop3A_1294 = tpu.vector_load %arg6[%parallel_loop3A_1291, %parallel_loop3A_1292, %parallel_loop3A_1293] {strides = array<i32>} : memref<4x256x64xf32, #tpu.memory_space<vmem>>, vector<16xf32>,
        %parallel_loop3A_1295 = arith.constant 8.000000e+00 : f32
        %parallel_loop3A_1296 = vector.broadcast %parallel_loop3A_1295 : f32 to vector<16xf32>
        %parallel_loop3A_1297 = arith.mulf %parallel_loop3A_1294, %parallel_loop3A_1296 : vector<16xf32>
        %parallel_loop3A_1298 = arith.addi %add3A_34, %parallel_loop3A_1277 : vector<16xi32>
        tpu.vector_store_idx %arg7[%parallel_loop3A_1298, %parallel_loop3A_1280], %parallel_loop3A_1297 : memref<256x129xf32, #tpu.memory_space<vmem>>[vector<16xi32>, vector<16xi32>], vector<16xf32>,
        %parallel_loop3A_1299 = arith.constant 0 : i32
        %parallel_loop3A_1300 = arith.index_cast %parallel_loop3A_1299 : i32 to index
        %parallel_loop3A_1301 = arith.index_cast %parallel_loop3A_1270 : i32 to index
        %parallel_loop3A_1302 = arith.constant 32 : index
        %parallel_loop3A_1303 = tpu.vector_load %arg6[%parallel_loop3A_1300, %parallel_loop3A_1301, %parallel_loop3A_1302] {strides = array<i32>} : memref<4x256x64xf32, #tpu.memory_space<vmem>>, vector<16xf32>,
        %parallel_loop3A_1304 = arith.constant 8.000000e+00 : f32
        %parallel_loop3A_1305 = vector.broadcast %parallel_loop3A_1304 : f32 to vector<16xf32>
        %parallel_loop3A_1306 = arith.mulf %parallel_loop3A_1303, %parallel_loop3A_1305 : vector<16xf32>
        %parallel_loop3A_1307 = arith.addi %add3A_50, %parallel_loop3A_1277 : vector<16xi32>
        tpu.vector_store_idx %arg7[%parallel_loop3A_1307, %parallel_loop3A_1280], %parallel_loop3A_1306 : memref<256x129xf32, #tpu.memory_space<vmem>>[vector<16xi32>, vector<16xi32>], vector<16xf32>,
        %parallel_loop3A_1308 = arith.constant 0 : i32
        %parallel_loop3A_1309 = arith.index_cast %parallel_loop3A_1308 : i32 to index
        %parallel_loop3A_1310 = arith.index_cast %parallel_loop3A_1270 : i32 to index
        %parallel_loop3A_1311 = arith.constant 48 : index
        %parallel_loop3A_1312 = tpu.vector_load %arg6[%parallel_loop3A_1309, %parallel_loop3A_1310, %parallel_loop3A_1311] {strides = array<i32>} : memref<4x256x64xf32, #tpu.memory_space<vmem>>, vector<16xf32>,
        %parallel_loop3A_1313 = arith.constant 8.000000e+00 : f32
        %parallel_loop3A_1314 = vector.broadcast %parallel_loop3A_1313 : f32 to vector<16xf32>
        %parallel_loop3A_1315 = arith.mulf %parallel_loop3A_1312, %parallel_loop3A_1314 : vector<16xf32>
        %parallel_loop3A_1316 = arith.addi %add3A_66, %parallel_loop3A_1277 : vector<16xi32>
        tpu.vector_store_idx %arg7[%parallel_loop3A_1316, %parallel_loop3A_1280], %parallel_loop3A_1315 : memref<256x129xf32, #tpu.memory_space<vmem>>[vector<16xi32>, vector<16xi32>], vector<16xf32>,
      } {sc.loop_unroll_factor = 8 : i64, sc.parallel_access}
      %add3A_479 = arith.addi %mul3A_2, %add3A_437 : i32
      %jit3A_480 = arith.constant 16 : i32
      %div3A_481 = arith.divsi %add3A_479, %jit3A_480 : i32
      %sign3A_482 = arith.constant 0 : i32
      %sign3A_483 = arith.cmpi sgt, %add3A_479, %sign3A_482 : i32
      %sign3A_484 = arith.extui %sign3A_483 : i1 to i32
      %sign3A_485 = arith.constant 0 : i32
      %sign3A_486 = arith.cmpi slt, %add3A_479, %sign3A_485 : i32
      %sign3A_487 = arith.extui %sign3A_486 : i1 to i32
      %sign3A_488 = arith.subi %sign3A_484, %sign3A_487 : i32
      %sign3A_489 = arith.constant 0 : i32
      %sign3A_490 = arith.cmpi sgt, %jit3A_480, %sign3A_489 : i32
      %sign3A_491 = arith.extui %sign3A_490 : i1 to i32
      %sign3A_492 = arith.constant 0 : i32
      %sign3A_493 = arith.cmpi slt, %jit3A_480, %sign3A_492 : i32
      %sign3A_494 = arith.extui %sign3A_493 : i1 to i32
      %sign3A_495 = arith.subi %sign3A_491, %sign3A_494 : i32
      %ne3A_496 = arith.cmpi ne, %sign3A_488, %sign3A_495 : i32
      %rem3A_497 = arith.remsi %add3A_479, %jit3A_480 : i32
      %ne3A_498 = arith.constant 0 : i32
      %ne3A_499 = arith.cmpi ne, %rem3A_497, %ne3A_498 : i32
      %and3A_500 = arith.andi %ne3A_496, %ne3A_499 : i1
      %sub3A_501 = arith.constant 1 : i32
      %sub3A_502 = arith.subi %div3A_481, %sub3A_501 : i32
      %select_n3A_503 = arith.select %and3A_500, %sub3A_502, %div3A_481 : i32
      %jit3A_504 = arith.constant 16 : i32
      %eq3A_505 = arith.constant 0 : i32
      %eq3A_506 = arith.cmpi eq, %jit3A_504, %eq3A_505 : i32
      %jit3A_507 = arith.constant 1 : i32
      %select_n3A_508 = arith.select %eq3A_506, %jit3A_507, %jit3A_504 : i32
      %rem3A_509 = arith.remsi %add3A_479, %select_n3A_508 : i32
      %ne3A_510 = arith.constant 0 : i32
      %ne3A_511 = arith.cmpi ne, %rem3A_509, %ne3A_510 : i32
      %lt3A_512 = arith.constant 0 : i32
      %lt3A_513 = arith.cmpi slt, %rem3A_509, %lt3A_512 : i32
      %lt3A_514 = arith.constant 0 : i32
      %lt3A_515 = arith.cmpi slt, %select_n3A_508, %lt3A_514 : i32
      %ne3A_516 = arith.xori %lt3A_513, %lt3A_515 : i1
      %and3A_517 = arith.andi %ne3A_516, %ne3A_511 : i1
      %add3A_518 = arith.addi %rem3A_509, %select_n3A_508 : i32
      %select_n3A_519 = arith.select %and3A_517, %add3A_518, %rem3A_509 : i32
      %mul3A_520 = arith.constant 16 : i32
      %mul3A_521 = arith.muli %mul3A_520, %select_n3A_519 : i32
      %dma_start3A_522 = arith.constant 0 : i32
      %dma_start3A_523 = arith.constant 0 : i32
      %dma_start3A_524 = arith.constant 0 : i32
      %dma_start3A_525 = tpu.memref_slice %arg7[%dma_start3A_523, %dma_start3A_524] : memref<256x129xf32, #tpu.memory_space<vmem>> -> memref<16x128xf32, #tpu.memory_space<vmem>>
      %dma_start3A_526 = arith.constant 0 : i32
      %dma_start3A_527 = tpu.memref_slice %arg4[%select_n3A_503, %dma_start3A_522, %mul3A_521, %dma_start3A_526] : memref<200x8x256x128xf32, #tpu.memory_space<hbm>> -> memref<1x1x16x128xf32, #tpu.memory_space<hbm>>
      %dma_start3A_528 = tpu.memref_squeeze %dma_start3A_527 : memref<1x1x16x128xf32, #tpu.memory_space<hbm>> -> memref<16x128xf32, #tpu.memory_space<hbm>>
      %dma_start3A_529 = arith.constant 0 : i32
      %dma_start3A_530 = tpu.memref_slice %arg4[%select_n3A_503, %dma_start3A_522, %mul3A_521, %dma_start3A_529] : memref<200x8x256x128xf32, #tpu.memory_space<hbm>> -> memref<1x1x16x128xf32, #tpu.memory_space<hbm>>
      %dma_start3A_531 = tpu.memref_squeeze %dma_start3A_530 : memref<1x1x16x128xf32, #tpu.memory_space<hbm>> -> memref<16x128xf32, #tpu.memory_space<hbm>>
      %dma_start3A_532 = arith.constant 0 : i32
      %dma_start3A_533 = arith.constant 0 : i32
      %dma_start3A_534 = tpu.memref_slice %arg7[%dma_start3A_532, %dma_start3A_533] : memref<256x129xf32, #tpu.memory_space<vmem>> -> memref<16x128xf32, #tpu.memory_space<vmem>>
      tpu.enqueue_dma source(%dma_start3A_534 : memref<16x128xf32, #tpu.memory_space<vmem>>) target(%dma_start3A_531 : memref<16x128xf32, #tpu.memory_space<hbm>>) target_semaphore(%arg12 : memref<!tpu.dma_semaphore, #tpu.memory_space<semaphore_mem>>)
      %mul3A_535 = arith.constant 16 : i32
      %mul3A_536 = arith.muli %mul3A_535, %select_n3A_519 : i32
      %dma_start3A_537 = arith.constant 1 : i32
      %dma_start3A_538 = arith.constant 16 : i32
      %dma_start3A_539 = arith.constant 0 : i32
      %dma_start3A_540 = tpu.memref_slice %arg7[%dma_start3A_538, %dma_start3A_539] : memref<256x129xf32, #tpu.memory_space<vmem>> -> memref<16x128xf32, #tpu.memory_space<vmem>>
      %dma_start3A_541 = arith.constant 0 : i32
      %dma_start3A_542 = tpu.memref_slice %arg4[%select_n3A_503, %dma_start3A_537, %mul3A_536, %dma_start3A_541] : memref<200x8x256x128xf32, #tpu.memory_space<hbm>> -> memref<1x1x16x128xf32, #tpu.memory_space<hbm>>
      %dma_start3A_543 = tpu.memref_squeeze %dma_start3A_542 : memref<1x1x16x128xf32, #tpu.memory_space<hbm>> -> memref<16x128xf32, #tpu.memory_space<hbm>>
      %dma_start3A_544 = arith.constant 0 : i32
      %dma_start3A_545 = tpu.memref_slice %arg4[%select_n3A_503, %dma_start3A_537, %mul3A_536, %dma_start3A_544] : memref<200x8x256x128xf32, #tpu.memory_space<hbm>> -> memref<1x1x16x128xf32, #tpu.memory_space<hbm>>
      %dma_start3A_546 = tpu.memref_squeeze %dma_start3A_545 : memref<1x1x16x128xf32, #tpu.memory_space<hbm>> -> memref<16x128xf32, #tpu.memory_space<hbm>>
      %dma_start3A_547 = arith.constant 16 : i32
      %dma_start3A_548 = arith.constant 0 : i32
      %dma_start3A_549 = tpu.memref_slice %arg7[%dma_start3A_547, %dma_start3A_548] : memref<256x129xf32, #tpu.memory_space<vmem>> -> memref<16x128xf32, #tpu.memory_space<vmem>>
      tpu.enqueue_dma source(%dma_start3A_549 : memref<16x128xf32, #tpu.memory_space<vmem>>) target(%dma_start3A_546 : memref<16x128xf32, #tpu.memory_space<hbm>>) target_semaphore(%arg12 : memref<!tpu.dma_semaphore, #tpu.memory_space<semaphore_mem>>)
      %mul3A_550 = arith.constant 16 : i32
      %mul3A_551 = arith.muli %mul3A_550, %select_n3A_519 : i32
      %dma_start3A_552 = arith.constant 2 : i32
      %dma_start3A_553 = arith.constant 32 : i32
      %dma_start3A_554 = arith.constant 0 : i32
      %dma_start3A_555 = tpu.memref_slice %arg7[%dma_start3A_553, %dma_start3A_554] : memref<256x129xf32, #tpu.memory_space<vmem>> -> memref<16x128xf32, #tpu.memory_space<vmem>>
      %dma_start3A_556 = arith.constant 0 : i32
      %dma_start3A_557 = tpu.memref_slice %arg4[%select_n3A_503, %dma_start3A_552, %mul3A_551, %dma_start3A_556] : memref<200x8x256x128xf32, #tpu.memory_space<hbm>> -> memref<1x1x16x128xf32, #tpu.memory_space<hbm>>
      %dma_start3A_558 = tpu.memref_squeeze %dma_start3A_557 : memref<1x1x16x128xf32, #tpu.memory_space<hbm>> -> memref<16x128xf32, #tpu.memory_space<hbm>>
      %dma_start3A_559 = arith.constant 0 : i32
      %dma_start3A_560 = tpu.memref_slice %arg4[%select_n3A_503, %dma_start3A_552, %mul3A_551, %dma_start3A_559] : memref<200x8x256x128xf32, #tpu.memory_space<hbm>> -> memref<1x1x16x128xf32, #tpu.memory_space<hbm>>
      %dma_start3A_561 = tpu.memref_squeeze %dma_start3A_560 : memref<1x1x16x128xf32, #tpu.memory_space<hbm>> -> memref<16x128xf32, #tpu.memory_space<hbm>>
      %dma_start3A_562 = arith.constant 32 : i32
      %dma_start3A_563 = arith.constant 0 : i32
      %dma_start3A_564 = tpu.memref_slice %arg7[%dma_start3A_562, %dma_start3A_563] : memref<256x129xf32, #tpu.memory_space<vmem>> -> memref<16x128xf32, #tpu.memory_space<vmem>>
      tpu.enqueue_dma source(%dma_start3A_564 : memref<16x128xf32, #tpu.memory_space<vmem>>) target(%dma_start3A_561 : memref<16x128xf32, #tpu.memory_space<hbm>>) target_semaphore(%arg12 : memref<!tpu.dma_semaphore, #tpu.memory_space<semaphore_mem>>)
      %mul3A_565 = arith.constant 16 : i32
      %mul3A_566 = arith.muli %mul3A_565, %select_n3A_519 : i32
      %dma_start3A_567 = arith.constant 3 : i32
      %dma_start3A_568 = arith.constant 48 : i32
      %dma_start3A_569 = arith.constant 0 : i32
      %dma_start3A_570 = tpu.memref_slice %arg7[%dma_start3A_568, %dma_start3A_569] : memref<256x129xf32, #tpu.memory_space<vmem>> -> memref<16x128xf32, #tpu.memory_space<vmem>>
      %dma_start3A_571 = arith.constant 0 : i32
      %dma_start3A_572 = tpu.memref_slice %arg4[%select_n3A_503, %dma_start3A_567, %mul3A_566, %dma_start3A_571] : memref<200x8x256x128xf32, #tpu.memory_space<hbm>> -> memref<1x1x16x128xf32, #tpu.memory_space<hbm>>
      %dma_start3A_573 = tpu.memref_squeeze %dma_start3A_572 : memref<1x1x16x128xf32, #tpu.memory_space<hbm>> -> memref<16x128xf32, #tpu.memory_space<hbm>>
      %dma_start3A_574 = arith.constant 0 : i32
      %dma_start3A_575 = tpu.memref_slice %arg4[%select_n3A_503, %dma_start3A_567, %mul3A_566, %dma_start3A_574] : memref<200x8x256x128xf32, #tpu.memory_space<hbm>> -> memref<1x1x16x128xf32, #tpu.memory_space<hbm>>
      %dma_start3A_576 = tpu.memref_squeeze %dma_start3A_575 : memref<1x1x16x128xf32, #tpu.memory_space<hbm>> -> memref<16x128xf32, #tpu.memory_space<hbm>>
      %dma_start3A_577 = arith.constant 48 : i32
      %dma_start3A_578 = arith.constant 0 : i32
      %dma_start3A_579 = tpu.memref_slice %arg7[%dma_start3A_577, %dma_start3A_578] : memref<256x129xf32, #tpu.memory_space<vmem>> -> memref<16x128xf32, #tpu.memory_space<vmem>>
      tpu.enqueue_dma source(%dma_start3A_579 : memref<16x128xf32, #tpu.memory_space<vmem>>) target(%dma_start3A_576 : memref<16x128xf32, #tpu.memory_space<hbm>>) target_semaphore(%arg12 : memref<!tpu.dma_semaphore, #tpu.memory_space<semaphore_mem>>)
      %mul3A_580 = arith.constant 16 : i32
      %mul3A_581 = arith.muli %mul3A_580, %select_n3A_519 : i32
      %dma_start3A_582 = arith.constant 4 : i32
      %dma_start3A_583 = arith.constant 64 : i32
      %dma_start3A_584 = arith.constant 0 : i32
      %dma_start3A_585 = tpu.memref_slice %arg7[%dma_start3A_583, %dma_start3A_584] : memref<256x129xf32, #tpu.memory_space<vmem>> -> memref<16x128xf32, #tpu.memory_space<vmem>>
      %dma_start3A_586 = arith.constant 0 : i32
      %dma_start3A_587 = tpu.memref_slice %arg4[%select_n3A_503, %dma_start3A_582, %mul3A_581, %dma_start3A_586] : memref<200x8x256x128xf32, #tpu.memory_space<hbm>> -> memref<1x1x16x128xf32, #tpu.memory_space<hbm>>
      %dma_start3A_588 = tpu.memref_squeeze %dma_start3A_587 : memref<1x1x16x128xf32, #tpu.memory_space<hbm>> -> memref<16x128xf32, #tpu.memory_space<hbm>>
      %dma_start3A_589 = arith.constant 0 : i32
      %dma_start3A_590 = tpu.memref_slice %arg4[%select_n3A_503, %dma_start3A_582, %mul3A_581, %dma_start3A_589] : memref<200x8x256x128xf32, #tpu.memory_space<hbm>> -> memref<1x1x16x128xf32, #tpu.memory_space<hbm>>
      %dma_start3A_591 = tpu.memref_squeeze %dma_start3A_590 : memref<1x1x16x128xf32, #tpu.memory_space<hbm>> -> memref<16x128xf32, #tpu.memory_space<hbm>>
      %dma_start3A_592 = arith.constant 64 : i32
      %dma_start3A_593 = arith.constant 0 : i32
      %dma_start3A_594 = tpu.memref_slice %arg7[%dma_start3A_592, %dma_start3A_593] : memref<256x129xf32, #tpu.memory_space<vmem>> -> memref<16x128xf32, #tpu.memory_space<vmem>>
      tpu.enqueue_dma source(%dma_start3A_594 : memref<16x128xf32, #tpu.memory_space<vmem>>) target(%dma_start3A_591 : memref<16x128xf32, #tpu.memory_space<hbm>>) target_semaphore(%arg12 : memref<!tpu.dma_semaphore, #tpu.memory_space<semaphore_mem>>)
      %mul3A_595 = arith.constant 16 : i32
      %mul3A_596 = arith.muli %mul3A_595, %select_n3A_519 : i32
      %dma_start3A_597 = arith.constant 5 : i32
      %dma_start3A_598 = arith.constant 80 : i32
      %dma_start3A_599 = arith.constant 0 : i32
      %dma_start3A_600 = tpu.memref_slice %arg7[%dma_start3A_598, %dma_start3A_599] : memref<256x129xf32, #tpu.memory_space<vmem>> -> memref<16x128xf32, #tpu.memory_space<vmem>>
      %dma_start3A_601 = arith.constant 0 : i32
      %dma_start3A_602 = tpu.memref_slice %arg4[%select_n3A_503, %dma_start3A_597, %mul3A_596, %dma_start3A_601] : memref<200x8x256x128xf32, #tpu.memory_space<hbm>> -> memref<1x1x16x128xf32, #tpu.memory_space<hbm>>
      %dma_start3A_603 = tpu.memref_squeeze %dma_start3A_602 : memref<1x1x16x128xf32, #tpu.memory_space<hbm>> -> memref<16x128xf32, #tpu.memory_space<hbm>>
      %dma_start3A_604 = arith.constant 0 : i32
      %dma_start3A_605 = tpu.memref_slice %arg4[%select_n3A_503, %dma_start3A_597, %mul3A_596, %dma_start3A_604] : memref<200x8x256x128xf32, #tpu.memory_space<hbm>> -> memref<1x1x16x128xf32, #tpu.memory_space<hbm>>
      %dma_start3A_606 = tpu.memref_squeeze %dma_start3A_605 : memref<1x1x16x128xf32, #tpu.memory_space<hbm>> -> memref<16x128xf32, #tpu.memory_space<hbm>>
      %dma_start3A_607 = arith.constant 80 : i32
      %dma_start3A_608 = arith.constant 0 : i32
      %dma_start3A_609 = tpu.memref_slice %arg7[%dma_start3A_607, %dma_start3A_608] : memref<256x129xf32, #tpu.memory_space<vmem>> -> memref<16x128xf32, #tpu.memory_space<vmem>>
      tpu.enqueue_dma source(%dma_start3A_609 : memref<16x128xf32, #tpu.memory_space<vmem>>) target(%dma_start3A_606 : memref<16x128xf32, #tpu.memory_space<hbm>>) target_semaphore(%arg12 : memref<!tpu.dma_semaphore, #tpu.memory_space<semaphore_mem>>)
      %mul3A_610 = arith.constant 16 : i32
      %mul3A_611 = arith.muli %mul3A_610, %select_n3A_519 : i32
      %dma_start3A_612 = arith.constant 6 : i32
      %dma_start3A_613 = arith.constant 96 : i32
      %dma_start3A_614 = arith.constant 0 : i32
      %dma_start3A_615 = tpu.memref_slice %arg7[%dma_start3A_613, %dma_start3A_614] : memref<256x129xf32, #tpu.memory_space<vmem>> -> memref<16x128xf32, #tpu.memory_space<vmem>>
      %dma_start3A_616 = arith.constant 0 : i32
      %dma_start3A_617 = tpu.memref_slice %arg4[%select_n3A_503, %dma_start3A_612, %mul3A_611, %dma_start3A_616] : memref<200x8x256x128xf32, #tpu.memory_space<hbm>> -> memref<1x1x16x128xf32, #tpu.memory_space<hbm>>
      %dma_start3A_618 = tpu.memref_squeeze %dma_start3A_617 : memref<1x1x16x128xf32, #tpu.memory_space<hbm>> -> memref<16x128xf32, #tpu.memory_space<hbm>>
      %dma_start3A_619 = arith.constant 0 : i32
      %dma_start3A_620 = tpu.memref_slice %arg4[%select_n3A_503, %dma_start3A_612, %mul3A_611, %dma_start3A_619] : memref<200x8x256x128xf32, #tpu.memory_space<hbm>> -> memref<1x1x16x128xf32, #tpu.memory_space<hbm>>
      %dma_start3A_621 = tpu.memref_squeeze %dma_start3A_620 : memref<1x1x16x128xf32, #tpu.memory_space<hbm>> -> memref<16x128xf32, #tpu.memory_space<hbm>>
      %dma_start3A_622 = arith.constant 96 : i32
      %dma_start3A_623 = arith.constant 0 : i32
      %dma_start3A_624 = tpu.memref_slice %arg7[%dma_start3A_622, %dma_start3A_623] : memref<256x129xf32, #tpu.memory_space<vmem>> -> memref<16x128xf32, #tpu.memory_space<vmem>>
      tpu.enqueue_dma source(%dma_start3A_624 : memref<16x128xf32, #tpu.memory_space<vmem>>) target(%dma_start3A_621 : memref<16x128xf32, #tpu.memory_space<hbm>>) target_semaphore(%arg12 : memref<!tpu.dma_semaphore, #tpu.memory_space<semaphore_mem>>)
      %mul3A_625 = arith.constant 16 : i32
      %mul3A_626 = arith.muli %mul3A_625, %select_n3A_519 : i32
      %dma_start3A_627 = arith.constant 7 : i32
      %dma_start3A_628 = arith.constant 112 : i32
      %dma_start3A_629 = arith.constant 0 : i32
      %dma_start3A_630 = tpu.memref_slice %arg7[%dma_start3A_628, %dma_start3A_629] : memref<256x129xf32, #tpu.memory_space<vmem>> -> memref<16x128xf32, #tpu.memory_space<vmem>>
      %dma_start3A_631 = arith.constant 0 : i32
      %dma_start3A_632 = tpu.memref_slice %arg4[%select_n3A_503, %dma_start3A_627, %mul3A_626, %dma_start3A_631] : memref<200x8x256x128xf32, #tpu.memory_space<hbm>> -> memref<1x1x16x128xf32, #tpu.memory_space<hbm>>
      %dma_start3A_633 = tpu.memref_squeeze %dma_start3A_632 : memref<1x1x16x128xf32, #tpu.memory_space<hbm>> -> memref<16x128xf32, #tpu.memory_space<hbm>>
      %dma_start3A_634 = arith.constant 0 : i32
      %dma_start3A_635 = tpu.memref_slice %arg4[%select_n3A_503, %dma_start3A_627, %mul3A_626, %dma_start3A_634] : memref<200x8x256x128xf32, #tpu.memory_space<hbm>> -> memref<1x1x16x128xf32, #tpu.memory_space<hbm>>
      %dma_start3A_636 = tpu.memref_squeeze %dma_start3A_635 : memref<1x1x16x128xf32, #tpu.memory_space<hbm>> -> memref<16x128xf32, #tpu.memory_space<hbm>>
      %dma_start3A_637 = arith.constant 112 : i32
      %dma_start3A_638 = arith.constant 0 : i32
      %dma_start3A_639 = tpu.memref_slice %arg7[%dma_start3A_637, %dma_start3A_638] : memref<256x129xf32, #tpu.memory_space<vmem>> -> memref<16x128xf32, #tpu.memory_space<vmem>>
      tpu.enqueue_dma source(%dma_start3A_639 : memref<16x128xf32, #tpu.memory_space<vmem>>) target(%dma_start3A_636 : memref<16x128xf32, #tpu.memory_space<hbm>>) target_semaphore(%arg12 : memref<!tpu.dma_semaphore, #tpu.memory_space<semaphore_mem>>)
      %mul3A_640 = arith.constant 4 : i32
      %mul3A_641 = arith.muli %scan3A_433, %mul3A_640 : i32
      %add3A_642 = arith.constant 1 : i32
      %add3A_643 = arith.addi %mul3A_641, %add3A_642 : i32
      %add3A_644 = arith.constant 2 : i32
      %add3A_645 = arith.addi %add3A_643, %add3A_644 : i32
      %lt3A_646 = arith.constant 100 : i32
      %lt3A_647 = arith.cmpi slt, %add3A_645, %lt3A_646 : i32
      %convert_element_type3A_648 = arith.extui %lt3A_647 : i1 to i32
      %cond3A_649 = arith.constant 0 : i32
      %cond3A_650 = arith.cmpi ne, %convert_element_type3A_648, %cond3A_649 : i32
      scf.if %cond3A_650 {
        %mul3A_1270 = arith.constant 2 : i32
        %mul3A_1271 = arith.muli %add3A_645, %mul3A_1270 : i32
        %add3A_1272 = arith.constant 0 : i32
        %add3A_1273 = arith.addi %mul3A_1271, %add3A_1272 : i32
        %dma_start3A_1274 = arith.constant 3 : i32
        %dma_start3A_1275 = arith.constant 0 : i32
        %dma_start3A_1276 = arith.constant 0 : i32
        %dma_start3A_1277 = tpu.memref_slice %arg6[%dma_start3A_1274, %dma_start3A_1275, %dma_start3A_1276] : memref<4x256x64xf32, #tpu.memory_space<vmem>> -> memref<1x128x64xf32, #tpu.memory_space<vmem>>
        %dma_start3A_1278 = tpu.memref_squeeze %dma_start3A_1277 : memref<1x128x64xf32, #tpu.memory_space<vmem>> -> memref<128x64xf32, #tpu.memory_space<vmem>>
        %dma_start3A_1279 = arith.constant 0 : i32
        %dma_start3A_1280 = tpu.memref_slice %arg5[%add3A_1273, %dma_start3A_1279] : memref<200x128xi32, #tpu.memory_space<vmem>> -> memref<1x128xi32, #tpu.memory_space<vmem>>
        %dma_start3A_1281 = tpu.memref_squeeze %dma_start3A_1280 : memref<1x128xi32, #tpu.memory_space<vmem>> -> memref<128xi32, #tpu.memory_space<vmem>>
        %dma_start3A_1282 = arith.constant 0 : i32
        %dma_start3A_1283 = arith.constant 0 : i32
        %dma_start3A_1284 = tpu.memref_slice %arg3[%dma_start3A_1282, %dma_start3A_1283] : memref<1000000x64xf32, #tpu.memory_space<hbm>> -> memref<1000000x64xf32, #tpu.memory_space<hbm>>
        tpu.enqueue_indirect_dma source(%dma_start3A_1284 : memref<1000000x64xf32, #tpu.memory_space<hbm>>) target(%dma_start3A_1278 : memref<128x64xf32, #tpu.memory_space<vmem>>) offsets(%dma_start3A_1281 : memref<128xi32, #tpu.memory_space<vmem>>) semaphore(%arg11 : memref<!tpu.dma_semaphore, #tpu.memory_space<semaphore_mem>>)
        %mul3A_1285 = arith.constant 2 : i32
        %mul3A_1286 = arith.muli %add3A_645, %mul3A_1285 : i32
        %add3A_1287 = arith.constant 1 : i32
        %add3A_1288 = arith.addi %mul3A_1286, %add3A_1287 : i32
        %dma_start3A_1289 = arith.constant 3 : i32
        %dma_start3A_1290 = arith.constant 128 : i32
        %dma_start3A_1291 = arith.constant 0 : i32
        %dma_start3A_1292 = tpu.memref_slice %arg6[%dma_start3A_1289, %dma_start3A_1290, %dma_start3A_1291] : memref<4x256x64xf32, #tpu.memory_space<vmem>> -> memref<1x128x64xf32, #tpu.memory_space<vmem>>
        %dma_start3A_1293 = tpu.memref_squeeze %dma_start3A_1292 : memref<1x128x64xf32, #tpu.memory_space<vmem>> -> memref<128x64xf32, #tpu.memory_space<vmem>>
        %dma_start3A_1294 = arith.constant 0 : i32
        %dma_start3A_1295 = tpu.memref_slice %arg5[%add3A_1288, %dma_start3A_1294] : memref<200x128xi32, #tpu.memory_space<vmem>> -> memref<1x128xi32, #tpu.memory_space<vmem>>
        %dma_start3A_1296 = tpu.memref_squeeze %dma_start3A_1295 : memref<1x128xi32, #tpu.memory_space<vmem>> -> memref<128xi32, #tpu.memory_space<vmem>>
        %dma_start3A_1297 = arith.constant 0 : i32
        %dma_start3A_1298 = arith.constant 0 : i32
        %dma_start3A_1299 = tpu.memref_slice %arg3[%dma_start3A_1297, %dma_start3A_1298] : memref<1000000x64xf32, #tpu.memory_space<hbm>> -> memref<1000000x64xf32, #tpu.memory_space<hbm>>
        tpu.enqueue_indirect_dma source(%dma_start3A_1299 : memref<1000000x64xf32, #tpu.memory_space<hbm>>) target(%dma_start3A_1293 : memref<128x64xf32, #tpu.memory_space<vmem>>) offsets(%dma_start3A_1296 : memref<128xi32, #tpu.memory_space<vmem>>) semaphore(%arg11 : memref<!tpu.dma_semaphore, #tpu.memory_space<semaphore_mem>>)
      } else {
      }
      %ge3A_651 = arith.constant 2 : i32
      %ge3A_652 = arith.cmpi sge, %add3A_643, %ge3A_651 : i32
      %convert_element_type3A_653 = arith.extui %ge3A_652 : i1 to i32
      %cond3A_654 = arith.constant 0 : i32
      %cond3A_655 = arith.cmpi ne, %convert_element_type3A_653, %cond3A_654 : i32
      scf.if %cond3A_655 {
        %sub3A_1270 = arith.constant 2 : i32
        %sub3A_1271 = arith.subi %add3A_643, %sub3A_1270 : i32
        %add3A_1272 = arith.addi %mul3A_2, %sub3A_1271 : i32
        %jit3A_1273 = arith.constant 16 : i32
        %div3A_1274 = arith.divsi %add3A_1272, %jit3A_1273 : i32
        %sign3A_1275 = arith.constant 0 : i32
        %sign3A_1276 = arith.cmpi sgt, %add3A_1272, %sign3A_1275 : i32
        %sign3A_1277 = arith.extui %sign3A_1276 : i1 to i32
        %sign3A_1278 = arith.constant 0 : i32
        %sign3A_1279 = arith.cmpi slt, %add3A_1272, %sign3A_1278 : i32
        %sign3A_1280 = arith.extui %sign3A_1279 : i1 to i32
        %sign3A_1281 = arith.subi %sign3A_1277, %sign3A_1280 : i32
        %sign3A_1282 = arith.constant 0 : i32
        %sign3A_1283 = arith.cmpi sgt, %jit3A_1273, %sign3A_1282 : i32
        %sign3A_1284 = arith.extui %sign3A_1283 : i1 to i32
        %sign3A_1285 = arith.constant 0 : i32
        %sign3A_1286 = arith.cmpi slt, %jit3A_1273, %sign3A_1285 : i32
        %sign3A_1287 = arith.extui %sign3A_1286 : i1 to i32
        %sign3A_1288 = arith.subi %sign3A_1284, %sign3A_1287 : i32
        %ne3A_1289 = arith.cmpi ne, %sign3A_1281, %sign3A_1288 : i32
        %rem3A_1290 = arith.remsi %add3A_1272, %jit3A_1273 : i32
        %ne3A_1291 = arith.constant 0 : i32
        %ne3A_1292 = arith.cmpi ne, %rem3A_1290, %ne3A_1291 : i32
        %and3A_1293 = arith.andi %ne3A_1289, %ne3A_1292 : i1
        %sub3A_1294 = arith.constant 1 : i32
        %sub3A_1295 = arith.subi %div3A_1274, %sub3A_1294 : i32
        %select_n3A_1296 = arith.select %and3A_1293, %sub3A_1295, %div3A_1274 : i32
        %jit3A_1297 = arith.constant 16 : i32
        %eq3A_1298 = arith.constant 0 : i32
        %eq3A_1299 = arith.cmpi eq, %jit3A_1297, %eq3A_1298 : i32
        %jit3A_1300 = arith.constant 1 : i32
        %select_n3A_1301 = arith.select %eq3A_1299, %jit3A_1300, %jit3A_1297 : i32
        %rem3A_1302 = arith.remsi %add3A_1272, %select_n3A_1301 : i32
        %ne3A_1303 = arith.constant 0 : i32
        %ne3A_1304 = arith.cmpi ne, %rem3A_1302, %ne3A_1303 : i32
        %lt3A_1305 = arith.constant 0 : i32
        %lt3A_1306 = arith.cmpi slt, %rem3A_1302, %lt3A_1305 : i32
        %lt3A_1307 = arith.constant 0 : i32
        %lt3A_1308 = arith.cmpi slt, %select_n3A_1301, %lt3A_1307 : i32
        %ne3A_1309 = arith.xori %lt3A_1306, %lt3A_1308 : i1
        %and3A_1310 = arith.andi %ne3A_1309, %ne3A_1304 : i1
        %add3A_1311 = arith.addi %rem3A_1302, %select_n3A_1301 : i32
        %select_n3A_1312 = arith.select %and3A_1310, %add3A_1311, %rem3A_1302 : i32
        %mul3A_1313 = arith.constant 16 : i32
        %mul3A_1314 = arith.muli %mul3A_1313, %select_n3A_1312 : i32
        %dma_wait3A_1315 = arith.constant 0 : i32
        %dma_wait3A_1316 = arith.constant 128 : i32
        %dma_wait3A_1317 = arith.constant 0 : i32
        %dma_wait3A_1318 = tpu.memref_slice %arg7[%dma_wait3A_1316, %dma_wait3A_1317] : memref<256x129xf32, #tpu.memory_space<vmem>> -> memref<16x128xf32, #tpu.memory_space<vmem>>
        %dma_wait3A_1319 = arith.constant 0 : i32
        %dma_wait3A_1320 = tpu.memref_slice %arg4[%select_n3A_1296, %dma_wait3A_1315, %mul3A_1314, %dma_wait3A_1319] : memref<200x8x256x128xf32, #tpu.memory_space<hbm>> -> memref<1x1x16x128xf32, #tpu.memory_space<hbm>>
        %dma_wait3A_1321 = tpu.memref_squeeze %dma_wait3A_1320 : memref<1x1x16x128xf32, #tpu.memory_space<hbm>> -> memref<16x128xf32, #tpu.memory_space<hbm>>
        %dma_wait3A_1322 = arith.constant 0 : i32
        %dma_wait3A_1323 = tpu.memref_slice %arg4[%select_n3A_1296, %dma_wait3A_1315, %mul3A_1314, %dma_wait3A_1322] : memref<200x8x256x128xf32, #tpu.memory_space<hbm>> -> memref<1x1x16x128xf32, #tpu.memory_space<hbm>>
        %dma_wait3A_1324 = tpu.memref_squeeze %dma_wait3A_1323 : memref<1x1x16x128xf32, #tpu.memory_space<hbm>> -> memref<16x128xf32, #tpu.memory_space<hbm>>
        %dma_wait3A_1325 = arith.constant 128 : i32
        %dma_wait3A_1326 = arith.constant 0 : i32
        %dma_wait3A_1327 = tpu.memref_slice %arg7[%dma_wait3A_1325, %dma_wait3A_1326] : memref<256x129xf32, #tpu.memory_space<vmem>> -> memref<16x128xf32, #tpu.memory_space<vmem>>
        tpu.wait_dma2 semaphore(%arg13 : memref<!tpu.dma_semaphore, #tpu.memory_space<semaphore_mem>>) src(%dma_wait3A_1327 : memref<16x128xf32, #tpu.memory_space<vmem>>) dst(%dma_wait3A_1324 : memref<16x128xf32, #tpu.memory_space<hbm>>)
        %mul3A_1328 = arith.constant 16 : i32
        %mul3A_1329 = arith.muli %mul3A_1328, %select_n3A_1312 : i32
        %dma_wait3A_1330 = arith.constant 1 : i32
        %dma_wait3A_1331 = arith.constant 144 : i32
        %dma_wait3A_1332 = arith.constant 0 : i32
        %dma_wait3A_1333 = tpu.memref_slice %arg7[%dma_wait3A_1331, %dma_wait3A_1332] : memref<256x129xf32, #tpu.memory_space<vmem>> -> memref<16x128xf32, #tpu.memory_space<vmem>>
        %dma_wait3A_1334 = arith.constant 0 : i32
        %dma_wait3A_1335 = tpu.memref_slice %arg4[%select_n3A_1296, %dma_wait3A_1330, %mul3A_1329, %dma_wait3A_1334] : memref<200x8x256x128xf32, #tpu.memory_space<hbm>> -> memref<1x1x16x128xf32, #tpu.memory_space<hbm>>
        %dma_wait3A_1336 = tpu.memref_squeeze %dma_wait3A_1335 : memref<1x1x16x128xf32, #tpu.memory_space<hbm>> -> memref<16x128xf32, #tpu.memory_space<hbm>>
        %dma_wait3A_1337 = arith.constant 0 : i32
        %dma_wait3A_1338 = tpu.memref_slice %arg4[%select_n3A_1296, %dma_wait3A_1330, %mul3A_1329, %dma_wait3A_1337] : memref<200x8x256x128xf32, #tpu.memory_space<hbm>> -> memref<1x1x16x128xf32, #tpu.memory_space<hbm>>
        %dma_wait3A_1339 = tpu.memref_squeeze %dma_wait3A_1338 : memref<1x1x16x128xf32, #tpu.memory_space<hbm>> -> memref<16x128xf32, #tpu.memory_space<hbm>>
        %dma_wait3A_1340 = arith.constant 144 : i32
        %dma_wait3A_1341 = arith.constant 0 : i32
        %dma_wait3A_1342 = tpu.memref_slice %arg7[%dma_wait3A_1340, %dma_wait3A_1341] : memref<256x129xf32, #tpu.memory_space<vmem>> -> memref<16x128xf32, #tpu.memory_space<vmem>>
        tpu.wait_dma2 semaphore(%arg13 : memref<!tpu.dma_semaphore, #tpu.memory_space<semaphore_mem>>) src(%dma_wait3A_1342 : memref<16x128xf32, #tpu.memory_space<vmem>>) dst(%dma_wait3A_1339 : memref<16x128xf32, #tpu.memory_space<hbm>>)
        %mul3A_1343 = arith.constant 16 : i32
        %mul3A_1344 = arith.muli %mul3A_1343, %select_n3A_1312 : i32
        %dma_wait3A_1345 = arith.constant 2 : i32
        %dma_wait3A_1346 = arith.constant 160 : i32
        %dma_wait3A_1347 = arith.constant 0 : i32
        %dma_wait3A_1348 = tpu.memref_slice %arg7[%dma_wait3A_1346, %dma_wait3A_1347] : memref<256x129xf32, #tpu.memory_space<vmem>> -> memref<16x128xf32, #tpu.memory_space<vmem>>
        %dma_wait3A_1349 = arith.constant 0 : i32
        %dma_wait3A_1350 = tpu.memref_slice %arg4[%select_n3A_1296, %dma_wait3A_1345, %mul3A_1344, %dma_wait3A_1349] : memref<200x8x256x128xf32, #tpu.memory_space<hbm>> -> memref<1x1x16x128xf32, #tpu.memory_space<hbm>>
        %dma_wait3A_1351 = tpu.memref_squeeze %dma_wait3A_1350 : memref<1x1x16x128xf32, #tpu.memory_space<hbm>> -> memref<16x128xf32, #tpu.memory_space<hbm>>
        %dma_wait3A_1352 = arith.constant 0 : i32
        %dma_wait3A_1353 = tpu.memref_slice %arg4[%select_n3A_1296, %dma_wait3A_1345, %mul3A_1344, %dma_wait3A_1352] : memref<200x8x256x128xf32, #tpu.memory_space<hbm>> -> memref<1x1x16x128xf32, #tpu.memory_space<hbm>>
        %dma_wait3A_1354 = tpu.memref_squeeze %dma_wait3A_1353 : memref<1x1x16x128xf32, #tpu.memory_space<hbm>> -> memref<16x128xf32, #tpu.memory_space<hbm>>
        %dma_wait3A_1355 = arith.constant 160 : i32
        %dma_wait3A_1356 = arith.constant 0 : i32
        %dma_wait3A_1357 = tpu.memref_slice %arg7[%dma_wait3A_1355, %dma_wait3A_1356] : memref<256x129xf32, #tpu.memory_space<vmem>> -> memref<16x128xf32, #tpu.memory_space<vmem>>
        tpu.wait_dma2 semaphore(%arg13 : memref<!tpu.dma_semaphore, #tpu.memory_space<semaphore_mem>>) src(%dma_wait3A_1357 : memref<16x128xf32, #tpu.memory_space<vmem>>) dst(%dma_wait3A_1354 : memref<16x128xf32, #tpu.memory_space<hbm>>)
        %mul3A_1358 = arith.constant 16 : i32
        %mul3A_1359 = arith.muli %mul3A_1358, %select_n3A_1312 : i32
        %dma_wait3A_1360 = arith.constant 3 : i32
        %dma_wait3A_1361 = arith.constant 176 : i32
        %dma_wait3A_1362 = arith.constant 0 : i32
        %dma_wait3A_1363 = tpu.memref_slice %arg7[%dma_wait3A_1361, %dma_wait3A_1362] : memref<256x129xf32, #tpu.memory_space<vmem>> -> memref<16x128xf32, #tpu.memory_space<vmem>>
        %dma_wait3A_1364 = arith.constant 0 : i32
        %dma_wait3A_1365 = tpu.memref_slice %arg4[%select_n3A_1296, %dma_wait3A_1360, %mul3A_1359, %dma_wait3A_1364] : memref<200x8x256x128xf32, #tpu.memory_space<hbm>> -> memref<1x1x16x128xf32, #tpu.memory_space<hbm>>
        %dma_wait3A_1366 = tpu.memref_squeeze %dma_wait3A_1365 : memref<1x1x16x128xf32, #tpu.memory_space<hbm>> -> memref<16x128xf32, #tpu.memory_space<hbm>>
        %dma_wait3A_1367 = arith.constant 0 : i32
        %dma_wait3A_1368 = tpu.memref_slice %arg4[%select_n3A_1296, %dma_wait3A_1360, %mul3A_1359, %dma_wait3A_1367] : memref<200x8x256x128xf32, #tpu.memory_space<hbm>> -> memref<1x1x16x128xf32, #tpu.memory_space<hbm>>
        %dma_wait3A_1369 = tpu.memref_squeeze %dma_wait3A_1368 : memref<1x1x16x128xf32, #tpu.memory_space<hbm>> -> memref<16x128xf32, #tpu.memory_space<hbm>>
        %dma_wait3A_1370 = arith.constant 176 : i32
        %dma_wait3A_1371 = arith.constant 0 : i32
        %dma_wait3A_1372 = tpu.memref_slice %arg7[%dma_wait3A_1370, %dma_wait3A_1371] : memref<256x129xf32, #tpu.memory_space<vmem>> -> memref<16x128xf32, #tpu.memory_space<vmem>>
        tpu.wait_dma2 semaphore(%arg13 : memref<!tpu.dma_semaphore, #tpu.memory_space<semaphore_mem>>) src(%dma_wait3A_1372 : memref<16x128xf32, #tpu.memory_space<vmem>>) dst(%dma_wait3A_1369 : memref<16x128xf32, #tpu.memory_space<hbm>>)
        %mul3A_1373 = arith.constant 16 : i32
        %mul3A_1374 = arith.muli %mul3A_1373, %select_n3A_1312 : i32
        %dma_wait3A_1375 = arith.constant 4 : i32
        %dma_wait3A_1376 = arith.constant 192 : i32
        %dma_wait3A_1377 = arith.constant 0 : i32
        %dma_wait3A_1378 = tpu.memref_slice %arg7[%dma_wait3A_1376, %dma_wait3A_1377] : memref<256x129xf32, #tpu.memory_space<vmem>> -> memref<16x128xf32, #tpu.memory_space<vmem>>
        %dma_wait3A_1379 = arith.constant 0 : i32
        %dma_wait3A_1380 = tpu.memref_slice %arg4[%select_n3A_1296, %dma_wait3A_1375, %mul3A_1374, %dma_wait3A_1379] : memref<200x8x256x128xf32, #tpu.memory_space<hbm>> -> memref<1x1x16x128xf32, #tpu.memory_space<hbm>>
        %dma_wait3A_1381 = tpu.memref_squeeze %dma_wait3A_1380 : memref<1x1x16x128xf32, #tpu.memory_space<hbm>> -> memref<16x128xf32, #tpu.memory_space<hbm>>
        %dma_wait3A_1382 = arith.constant 0 : i32
        %dma_wait3A_1383 = tpu.memref_slice %arg4[%select_n3A_1296, %dma_wait3A_1375, %mul3A_1374, %dma_wait3A_1382] : memref<200x8x256x128xf32, #tpu.memory_space<hbm>> -> memref<1x1x16x128xf32, #tpu.memory_space<hbm>>
        %dma_wait3A_1384 = tpu.memref_squeeze %dma_wait3A_1383 : memref<1x1x16x128xf32, #tpu.memory_space<hbm>> -> memref<16x128xf32, #tpu.memory_space<hbm>>
        %dma_wait3A_1385 = arith.constant 192 : i32
        %dma_wait3A_1386 = arith.constant 0 : i32
        %dma_wait3A_1387 = tpu.memref_slice %arg7[%dma_wait3A_1385, %dma_wait3A_1386] : memref<256x129xf32, #tpu.memory_space<vmem>> -> memref<16x128xf32, #tpu.memory_space<vmem>>
        tpu.wait_dma2 semaphore(%arg13 : memref<!tpu.dma_semaphore, #tpu.memory_space<semaphore_mem>>) src(%dma_wait3A_1387 : memref<16x128xf32, #tpu.memory_space<vmem>>) dst(%dma_wait3A_1384 : memref<16x128xf32, #tpu.memory_space<hbm>>)
        %mul3A_1388 = arith.constant 16 : i32
        %mul3A_1389 = arith.muli %mul3A_1388, %select_n3A_1312 : i32
        %dma_wait3A_1390 = arith.constant 5 : i32
        %dma_wait3A_1391 = arith.constant 208 : i32
        %dma_wait3A_1392 = arith.constant 0 : i32
        %dma_wait3A_1393 = tpu.memref_slice %arg7[%dma_wait3A_1391, %dma_wait3A_1392] : memref<256x129xf32, #tpu.memory_space<vmem>> -> memref<16x128xf32, #tpu.memory_space<vmem>>
        %dma_wait3A_1394 = arith.constant 0 : i32
        %dma_wait3A_1395 = tpu.memref_slice %arg4[%select_n3A_1296, %dma_wait3A_1390, %mul3A_1389, %dma_wait3A_1394] : memref<200x8x256x128xf32, #tpu.memory_space<hbm>> -> memref<1x1x16x128xf32, #tpu.memory_space<hbm>>
        %dma_wait3A_1396 = tpu.memref_squeeze %dma_wait3A_1395 : memref<1x1x16x128xf32, #tpu.memory_space<hbm>> -> memref<16x128xf32, #tpu.memory_space<hbm>>
        %dma_wait3A_1397 = arith.constant 0 : i32
        %dma_wait3A_1398 = tpu.memref_slice %arg4[%select_n3A_1296, %dma_wait3A_1390, %mul3A_1389, %dma_wait3A_1397] : memref<200x8x256x128xf32, #tpu.memory_space<hbm>> -> memref<1x1x16x128xf32, #tpu.memory_space<hbm>>
        %dma_wait3A_1399 = tpu.memref_squeeze %dma_wait3A_1398 : memref<1x1x16x128xf32, #tpu.memory_space<hbm>> -> memref<16x128xf32, #tpu.memory_space<hbm>>
        %dma_wait3A_1400 = arith.constant 208 : i32
        %dma_wait3A_1401 = arith.constant 0 : i32
        %dma_wait3A_1402 = tpu.memref_slice %arg7[%dma_wait3A_1400, %dma_wait3A_1401] : memref<256x129xf32, #tpu.memory_space<vmem>> -> memref<16x128xf32, #tpu.memory_space<vmem>>
        tpu.wait_dma2 semaphore(%arg13 : memref<!tpu.dma_semaphore, #tpu.memory_space<semaphore_mem>>) src(%dma_wait3A_1402 : memref<16x128xf32, #tpu.memory_space<vmem>>) dst(%dma_wait3A_1399 : memref<16x128xf32, #tpu.memory_space<hbm>>)
        %mul3A_1403 = arith.constant 16 : i32
        %mul3A_1404 = arith.muli %mul3A_1403, %select_n3A_1312 : i32
        %dma_wait3A_1405 = arith.constant 6 : i32
        %dma_wait3A_1406 = arith.constant 224 : i32
        %dma_wait3A_1407 = arith.constant 0 : i32
        %dma_wait3A_1408 = tpu.memref_slice %arg7[%dma_wait3A_1406, %dma_wait3A_1407] : memref<256x129xf32, #tpu.memory_space<vmem>> -> memref<16x128xf32, #tpu.memory_space<vmem>>
        %dma_wait3A_1409 = arith.constant 0 : i32
        %dma_wait3A_1410 = tpu.memref_slice %arg4[%select_n3A_1296, %dma_wait3A_1405, %mul3A_1404, %dma_wait3A_1409] : memref<200x8x256x128xf32, #tpu.memory_space<hbm>> -> memref<1x1x16x128xf32, #tpu.memory_space<hbm>>
        %dma_wait3A_1411 = tpu.memref_squeeze %dma_wait3A_1410 : memref<1x1x16x128xf32, #tpu.memory_space<hbm>> -> memref<16x128xf32, #tpu.memory_space<hbm>>
        %dma_wait3A_1412 = arith.constant 0 : i32
        %dma_wait3A_1413 = tpu.memref_slice %arg4[%select_n3A_1296, %dma_wait3A_1405, %mul3A_1404, %dma_wait3A_1412] : memref<200x8x256x128xf32, #tpu.memory_space<hbm>> -> memref<1x1x16x128xf32, #tpu.memory_space<hbm>>
        %dma_wait3A_1414 = tpu.memref_squeeze %dma_wait3A_1413 : memref<1x1x16x128xf32, #tpu.memory_space<hbm>> -> memref<16x128xf32, #tpu.memory_space<hbm>>
        %dma_wait3A_1415 = arith.constant 224 : i32
        %dma_wait3A_1416 = arith.constant 0 : i32
        %dma_wait3A_1417 = tpu.memref_slice %arg7[%dma_wait3A_1415, %dma_wait3A_1416] : memref<256x129xf32, #tpu.memory_space<vmem>> -> memref<16x128xf32, #tpu.memory_space<vmem>>
        tpu.wait_dma2 semaphore(%arg13 : memref<!tpu.dma_semaphore, #tpu.memory_space<semaphore_mem>>) src(%dma_wait3A_1417 : memref<16x128xf32, #tpu.memory_space<vmem>>) dst(%dma_wait3A_1414 : memref<16x128xf32, #tpu.memory_space<hbm>>)
        %mul3A_1418 = arith.constant 16 : i32
        %mul3A_1419 = arith.muli %mul3A_1418, %select_n3A_1312 : i32
        %dma_wait3A_1420 = arith.constant 7 : i32
        %dma_wait3A_1421 = arith.constant 240 : i32
        %dma_wait3A_1422 = arith.constant 0 : i32
        %dma_wait3A_1423 = tpu.memref_slice %arg7[%dma_wait3A_1421, %dma_wait3A_1422] : memref<256x129xf32, #tpu.memory_space<vmem>> -> memref<16x128xf32, #tpu.memory_space<vmem>>
        %dma_wait3A_1424 = arith.constant 0 : i32
        %dma_wait3A_1425 = tpu.memref_slice %arg4[%select_n3A_1296, %dma_wait3A_1420, %mul3A_1419, %dma_wait3A_1424] : memref<200x8x256x128xf32, #tpu.memory_space<hbm>> -> memref<1x1x16x128xf32, #tpu.memory_space<hbm>>
        %dma_wait3A_1426 = tpu.memref_squeeze %dma_wait3A_1425 : memref<1x1x16x128xf32, #tpu.memory_space<hbm>> -> memref<16x128xf32, #tpu.memory_space<hbm>>
        %dma_wait3A_1427 = arith.constant 0 : i32
        %dma_wait3A_1428 = tpu.memref_slice %arg4[%select_n3A_1296, %dma_wait3A_1420, %mul3A_1419, %dma_wait3A_1427] : memref<200x8x256x128xf32, #tpu.memory_space<hbm>> -> memref<1x1x16x128xf32, #tpu.memory_space<hbm>>
        %dma_wait3A_1429 = tpu.memref_squeeze %dma_wait3A_1428 : memref<1x1x16x128xf32, #tpu.memory_space<hbm>> -> memref<16x128xf32, #tpu.memory_space<hbm>>
        %dma_wait3A_1430 = arith.constant 240 : i32
        %dma_wait3A_1431 = arith.constant 0 : i32
        %dma_wait3A_1432 = tpu.memref_slice %arg7[%dma_wait3A_1430, %dma_wait3A_1431] : memref<256x129xf32, #tpu.memory_space<vmem>> -> memref<16x128xf32, #tpu.memory_space<vmem>>
        tpu.wait_dma2 semaphore(%arg13 : memref<!tpu.dma_semaphore, #tpu.memory_space<semaphore_mem>>) src(%dma_wait3A_1432 : memref<16x128xf32, #tpu.memory_space<vmem>>) dst(%dma_wait3A_1429 : memref<16x128xf32, #tpu.memory_space<hbm>>)
      } else {
      }
      %mul3A_656 = arith.constant 2 : i32
      %mul3A_657 = arith.muli %add3A_643, %mul3A_656 : i32
      %add3A_658 = arith.constant 0 : i32
      %add3A_659 = arith.addi %mul3A_657, %add3A_658 : i32
      %dma_wait3A_660 = arith.constant 1 : i32
      %dma_wait3A_661 = arith.constant 0 : i32
      %dma_wait3A_662 = arith.constant 0 : i32
      %dma_wait3A_663 = tpu.memref_slice %arg6[%dma_wait3A_660, %dma_wait3A_661, %dma_wait3A_662] : memref<4x256x64xf32, #tpu.memory_space<vmem>> -> memref<1x128x64xf32, #tpu.memory_space<vmem>>
      %dma_wait3A_664 = tpu.memref_squeeze %dma_wait3A_663 : memref<1x128x64xf32, #tpu.memory_space<vmem>> -> memref<128x64xf32, #tpu.memory_space<vmem>>
      %dma_wait3A_665 = arith.constant 0 : i32
      %dma_wait3A_666 = tpu.memref_slice %arg5[%add3A_659, %dma_wait3A_665] : memref<200x128xi32, #tpu.memory_space<vmem>> -> memref<1x128xi32, #tpu.memory_space<vmem>>
      %dma_wait3A_667 = tpu.memref_squeeze %dma_wait3A_666 : memref<1x128xi32, #tpu.memory_space<vmem>> -> memref<128xi32, #tpu.memory_space<vmem>>
      %dma_wait3A_668 = arith.constant 0 : i32
      %dma_wait3A_669 = arith.constant 0 : i32
      %dma_wait3A_670 = tpu.memref_slice %arg3[%dma_wait3A_668, %dma_wait3A_669] : memref<1000000x64xf32, #tpu.memory_space<hbm>> -> memref<1000000x64xf32, #tpu.memory_space<hbm>>
      tpu.wait_indirect_dma semaphore(%arg9 : memref<!tpu.dma_semaphore, #tpu.memory_space<semaphore_mem>>) src(%dma_wait3A_670 : memref<1000000x64xf32, #tpu.memory_space<hbm>>) dst(%dma_wait3A_664 : memref<128x64xf32, #tpu.memory_space<vmem>>)
      %mul3A_671 = arith.constant 2 : i32
      %mul3A_672 = arith.muli %add3A_643, %mul3A_671 : i32
      %add3A_673 = arith.constant 1 : i32
      %add3A_674 = arith.addi %mul3A_672, %add3A_673 : i32
      %dma_wait3A_675 = arith.constant 1 : i32
      %dma_wait3A_676 = arith.constant 128 : i32
      %dma_wait3A_677 = arith.constant 0 : i32
      %dma_wait3A_678 = tpu.memref_slice %arg6[%dma_wait3A_675, %dma_wait3A_676, %dma_wait3A_677] : memref<4x256x64xf32, #tpu.memory_space<vmem>> -> memref<1x128x64xf32, #tpu.memory_space<vmem>>
      %dma_wait3A_679 = tpu.memref_squeeze %dma_wait3A_678 : memref<1x128x64xf32, #tpu.memory_space<vmem>> -> memref<128x64xf32, #tpu.memory_space<vmem>>
      %dma_wait3A_680 = arith.constant 0 : i32
      %dma_wait3A_681 = tpu.memref_slice %arg5[%add3A_674, %dma_wait3A_680] : memref<200x128xi32, #tpu.memory_space<vmem>> -> memref<1x128xi32, #tpu.memory_space<vmem>>
      %dma_wait3A_682 = tpu.memref_squeeze %dma_wait3A_681 : memref<1x128xi32, #tpu.memory_space<vmem>> -> memref<128xi32, #tpu.memory_space<vmem>>
      %dma_wait3A_683 = arith.constant 0 : i32
      %dma_wait3A_684 = arith.constant 0 : i32
      %dma_wait3A_685 = tpu.memref_slice %arg3[%dma_wait3A_683, %dma_wait3A_684] : memref<1000000x64xf32, #tpu.memory_space<hbm>> -> memref<1000000x64xf32, #tpu.memory_space<hbm>>
      tpu.wait_indirect_dma semaphore(%arg9 : memref<!tpu.dma_semaphore, #tpu.memory_space<semaphore_mem>>) src(%dma_wait3A_685 : memref<1000000x64xf32, #tpu.memory_space<hbm>>) dst(%dma_wait3A_679 : memref<128x64xf32, #tpu.memory_space<vmem>>)
      %parallel_loop3A_686 = arith.constant 0 : i32
      %parallel_loop3A_687 = arith.constant 256 : i32
      %parallel_loop3A_688 = arith.constant 1 : i32
      scf.for %parallel_loop3A_1270 = %parallel_loop3A_686 to %parallel_loop3A_687 step %parallel_loop3A_688  : i32 {
        %parallel_loop3A_1271 = arith.constant 7 : i32
        %parallel_loop3A_1272 = arith.shrui %parallel_loop3A_1270, %parallel_loop3A_1271 : i32
        %parallel_loop3A_1273 = arith.constant 8 : i32
        %parallel_loop3A_1274 = arith.muli %parallel_loop3A_1272, %parallel_loop3A_1273 : i32
        %parallel_loop3A_1275 = arith.constant 128 : i32
        %parallel_loop3A_1276 = arith.addi %parallel_loop3A_1275, %parallel_loop3A_1274 : i32
        %parallel_loop3A_1277 = vector.broadcast %parallel_loop3A_1276 : i32 to vector<16xi32>
        %parallel_loop3A_1278 = arith.constant 127 : i32
        %parallel_loop3A_1279 = arith.andi %parallel_loop3A_1270, %parallel_loop3A_1278 : i32
        %parallel_loop3A_1280 = vector.broadcast %parallel_loop3A_1279 : i32 to vector<16xi32>
        %parallel_loop3A_1281 = arith.constant 1 : i32
        %parallel_loop3A_1282 = arith.index_cast %parallel_loop3A_1281 : i32 to index
        %parallel_loop3A_1283 = arith.index_cast %parallel_loop3A_1270 : i32 to index
        %parallel_loop3A_1284 = arith.constant 0 : index
        %parallel_loop3A_1285 = tpu.vector_load %arg6[%parallel_loop3A_1282, %parallel_loop3A_1283, %parallel_loop3A_1284] {strides = array<i32>} : memref<4x256x64xf32, #tpu.memory_space<vmem>>, vector<16xf32>,
        %parallel_loop3A_1286 = arith.constant 8.000000e+00 : f32
        %parallel_loop3A_1287 = vector.broadcast %parallel_loop3A_1286 : f32 to vector<16xf32>
        %parallel_loop3A_1288 = arith.mulf %parallel_loop3A_1285, %parallel_loop3A_1287 : vector<16xf32>
        %parallel_loop3A_1289 = arith.addi %add3A_18, %parallel_loop3A_1277 : vector<16xi32>
        tpu.vector_store_idx %arg7[%parallel_loop3A_1289, %parallel_loop3A_1280], %parallel_loop3A_1288 : memref<256x129xf32, #tpu.memory_space<vmem>>[vector<16xi32>, vector<16xi32>], vector<16xf32>,
        %parallel_loop3A_1290 = arith.constant 1 : i32
        %parallel_loop3A_1291 = arith.index_cast %parallel_loop3A_1290 : i32 to index
        %parallel_loop3A_1292 = arith.index_cast %parallel_loop3A_1270 : i32 to index
        %parallel_loop3A_1293 = arith.constant 16 : index
        %parallel_loop3A_1294 = tpu.vector_load %arg6[%parallel_loop3A_1291, %parallel_loop3A_1292, %parallel_loop3A_1293] {strides = array<i32>} : memref<4x256x64xf32, #tpu.memory_space<vmem>>, vector<16xf32>,
        %parallel_loop3A_1295 = arith.constant 8.000000e+00 : f32
        %parallel_loop3A_1296 = vector.broadcast %parallel_loop3A_1295 : f32 to vector<16xf32>
        %parallel_loop3A_1297 = arith.mulf %parallel_loop3A_1294, %parallel_loop3A_1296 : vector<16xf32>
        %parallel_loop3A_1298 = arith.addi %add3A_34, %parallel_loop3A_1277 : vector<16xi32>
        tpu.vector_store_idx %arg7[%parallel_loop3A_1298, %parallel_loop3A_1280], %parallel_loop3A_1297 : memref<256x129xf32, #tpu.memory_space<vmem>>[vector<16xi32>, vector<16xi32>], vector<16xf32>,
        %parallel_loop3A_1299 = arith.constant 1 : i32
        %parallel_loop3A_1300 = arith.index_cast %parallel_loop3A_1299 : i32 to index
        %parallel_loop3A_1301 = arith.index_cast %parallel_loop3A_1270 : i32 to index
        %parallel_loop3A_1302 = arith.constant 32 : index
        %parallel_loop3A_1303 = tpu.vector_load %arg6[%parallel_loop3A_1300, %parallel_loop3A_1301, %parallel_loop3A_1302] {strides = array<i32>} : memref<4x256x64xf32, #tpu.memory_space<vmem>>, vector<16xf32>,
        %parallel_loop3A_1304 = arith.constant 8.000000e+00 : f32
        %parallel_loop3A_1305 = vector.broadcast %parallel_loop3A_1304 : f32 to vector<16xf32>
        %parallel_loop3A_1306 = arith.mulf %parallel_loop3A_1303, %parallel_loop3A_1305 : vector<16xf32>
        %parallel_loop3A_1307 = arith.addi %add3A_50, %parallel_loop3A_1277 : vector<16xi32>
        tpu.vector_store_idx %arg7[%parallel_loop3A_1307, %parallel_loop3A_1280], %parallel_loop3A_1306 : memref<256x129xf32, #tpu.memory_space<vmem>>[vector<16xi32>, vector<16xi32>], vector<16xf32>,
        %parallel_loop3A_1308 = arith.constant 1 : i32
        %parallel_loop3A_1309 = arith.index_cast %parallel_loop3A_1308 : i32 to index
        %parallel_loop3A_1310 = arith.index_cast %parallel_loop3A_1270 : i32 to index
        %parallel_loop3A_1311 = arith.constant 48 : index
        %parallel_loop3A_1312 = tpu.vector_load %arg6[%parallel_loop3A_1309, %parallel_loop3A_1310, %parallel_loop3A_1311] {strides = array<i32>} : memref<4x256x64xf32, #tpu.memory_space<vmem>>, vector<16xf32>,
        %parallel_loop3A_1313 = arith.constant 8.000000e+00 : f32
        %parallel_loop3A_1314 = vector.broadcast %parallel_loop3A_1313 : f32 to vector<16xf32>
        %parallel_loop3A_1315 = arith.mulf %parallel_loop3A_1312, %parallel_loop3A_1314 : vector<16xf32>
        %parallel_loop3A_1316 = arith.addi %add3A_66, %parallel_loop3A_1277 : vector<16xi32>
        tpu.vector_store_idx %arg7[%parallel_loop3A_1316, %parallel_loop3A_1280], %parallel_loop3A_1315 : memref<256x129xf32, #tpu.memory_space<vmem>>[vector<16xi32>, vector<16xi32>], vector<16xf32>,
      } {sc.loop_unroll_factor = 8 : i64, sc.parallel_access}
      %add3A_689 = arith.addi %mul3A_2, %add3A_643 : i32
      %jit3A_690 = arith.constant 16 : i32
      %div3A_691 = arith.divsi %add3A_689, %jit3A_690 : i32
      %sign3A_692 = arith.constant 0 : i32
      %sign3A_693 = arith.cmpi sgt, %add3A_689, %sign3A_692 : i32
      %sign3A_694 = arith.extui %sign3A_693 : i1 to i32
      %sign3A_695 = arith.constant 0 : i32
      %sign3A_696 = arith.cmpi slt, %add3A_689, %sign3A_695 : i32
      %sign3A_697 = arith.extui %sign3A_696 : i1 to i32
      %sign3A_698 = arith.subi %sign3A_694, %sign3A_697 : i32
      %sign3A_699 = arith.constant 0 : i32
      %sign3A_700 = arith.cmpi sgt, %jit3A_690, %sign3A_699 : i32
      %sign3A_701 = arith.extui %sign3A_700 : i1 to i32
      %sign3A_702 = arith.constant 0 : i32
      %sign3A_703 = arith.cmpi slt, %jit3A_690, %sign3A_702 : i32
      %sign3A_704 = arith.extui %sign3A_703 : i1 to i32
      %sign3A_705 = arith.subi %sign3A_701, %sign3A_704 : i32
      %ne3A_706 = arith.cmpi ne, %sign3A_698, %sign3A_705 : i32
      %rem3A_707 = arith.remsi %add3A_689, %jit3A_690 : i32
      %ne3A_708 = arith.constant 0 : i32
      %ne3A_709 = arith.cmpi ne, %rem3A_707, %ne3A_708 : i32
      %and3A_710 = arith.andi %ne3A_706, %ne3A_709 : i1
      %sub3A_711 = arith.constant 1 : i32
      %sub3A_712 = arith.subi %div3A_691, %sub3A_711 : i32
      %select_n3A_713 = arith.select %and3A_710, %sub3A_712, %div3A_691 : i32
      %jit3A_714 = arith.constant 16 : i32
      %eq3A_715 = arith.constant 0 : i32
      %eq3A_716 = arith.cmpi eq, %jit3A_714, %eq3A_715 : i32
      %jit3A_717 = arith.constant 1 : i32
      %select_n3A_718 = arith.select %eq3A_716, %jit3A_717, %jit3A_714 : i32
      %rem3A_719 = arith.remsi %add3A_689, %select_n3A_718 : i32
      %ne3A_720 = arith.constant 0 : i32
      %ne3A_721 = arith.cmpi ne, %rem3A_719, %ne3A_720 : i32
      %lt3A_722 = arith.constant 0 : i32
      %lt3A_723 = arith.cmpi slt, %rem3A_719, %lt3A_722 : i32
      %lt3A_724 = arith.constant 0 : i32
      %lt3A_725 = arith.cmpi slt, %select_n3A_718, %lt3A_724 : i32
      %ne3A_726 = arith.xori %lt3A_723, %lt3A_725 : i1
      %and3A_727 = arith.andi %ne3A_726, %ne3A_721 : i1
      %add3A_728 = arith.addi %rem3A_719, %select_n3A_718 : i32
      %select_n3A_729 = arith.select %and3A_727, %add3A_728, %rem3A_719 : i32
      %mul3A_730 = arith.constant 16 : i32
      %mul3A_731 = arith.muli %mul3A_730, %select_n3A_729 : i32
      %dma_start3A_732 = arith.constant 0 : i32
      %dma_start3A_733 = arith.constant 128 : i32
      %dma_start3A_734 = arith.constant 0 : i32
      %dma_start3A_735 = tpu.memref_slice %arg7[%dma_start3A_733, %dma_start3A_734] : memref<256x129xf32, #tpu.memory_space<vmem>> -> memref<16x128xf32, #tpu.memory_space<vmem>>
      %dma_start3A_736 = arith.constant 0 : i32
      %dma_start3A_737 = tpu.memref_slice %arg4[%select_n3A_713, %dma_start3A_732, %mul3A_731, %dma_start3A_736] : memref<200x8x256x128xf32, #tpu.memory_space<hbm>> -> memref<1x1x16x128xf32, #tpu.memory_space<hbm>>
      %dma_start3A_738 = tpu.memref_squeeze %dma_start3A_737 : memref<1x1x16x128xf32, #tpu.memory_space<hbm>> -> memref<16x128xf32, #tpu.memory_space<hbm>>
      %dma_start3A_739 = arith.constant 0 : i32
      %dma_start3A_740 = tpu.memref_slice %arg4[%select_n3A_713, %dma_start3A_732, %mul3A_731, %dma_start3A_739] : memref<200x8x256x128xf32, #tpu.memory_space<hbm>> -> memref<1x1x16x128xf32, #tpu.memory_space<hbm>>
      %dma_start3A_741 = tpu.memref_squeeze %dma_start3A_740 : memref<1x1x16x128xf32, #tpu.memory_space<hbm>> -> memref<16x128xf32, #tpu.memory_space<hbm>>
      %dma_start3A_742 = arith.constant 128 : i32
      %dma_start3A_743 = arith.constant 0 : i32
      %dma_start3A_744 = tpu.memref_slice %arg7[%dma_start3A_742, %dma_start3A_743] : memref<256x129xf32, #tpu.memory_space<vmem>> -> memref<16x128xf32, #tpu.memory_space<vmem>>
      tpu.enqueue_dma source(%dma_start3A_744 : memref<16x128xf32, #tpu.memory_space<vmem>>) target(%dma_start3A_741 : memref<16x128xf32, #tpu.memory_space<hbm>>) target_semaphore(%arg13 : memref<!tpu.dma_semaphore, #tpu.memory_space<semaphore_mem>>)
      %mul3A_745 = arith.constant 16 : i32
      %mul3A_746 = arith.muli %mul3A_745, %select_n3A_729 : i32
      %dma_start3A_747 = arith.constant 1 : i32
      %dma_start3A_748 = arith.constant 144 : i32
      %dma_start3A_749 = arith.constant 0 : i32
      %dma_start3A_750 = tpu.memref_slice %arg7[%dma_start3A_748, %dma_start3A_749] : memref<256x129xf32, #tpu.memory_space<vmem>> -> memref<16x128xf32, #tpu.memory_space<vmem>>
      %dma_start3A_751 = arith.constant 0 : i32
      %dma_start3A_752 = tpu.memref_slice %arg4[%select_n3A_713, %dma_start3A_747, %mul3A_746, %dma_start3A_751] : memref<200x8x256x128xf32, #tpu.memory_space<hbm>> -> memref<1x1x16x128xf32, #tpu.memory_space<hbm>>
      %dma_start3A_753 = tpu.memref_squeeze %dma_start3A_752 : memref<1x1x16x128xf32, #tpu.memory_space<hbm>> -> memref<16x128xf32, #tpu.memory_space<hbm>>
      %dma_start3A_754 = arith.constant 0 : i32
      %dma_start3A_755 = tpu.memref_slice %arg4[%select_n3A_713, %dma_start3A_747, %mul3A_746, %dma_start3A_754] : memref<200x8x256x128xf32, #tpu.memory_space<hbm>> -> memref<1x1x16x128xf32, #tpu.memory_space<hbm>>
      %dma_start3A_756 = tpu.memref_squeeze %dma_start3A_755 : memref<1x1x16x128xf32, #tpu.memory_space<hbm>> -> memref<16x128xf32, #tpu.memory_space<hbm>>
      %dma_start3A_757 = arith.constant 144 : i32
      %dma_start3A_758 = arith.constant 0 : i32
      %dma_start3A_759 = tpu.memref_slice %arg7[%dma_start3A_757, %dma_start3A_758] : memref<256x129xf32, #tpu.memory_space<vmem>> -> memref<16x128xf32, #tpu.memory_space<vmem>>
      tpu.enqueue_dma source(%dma_start3A_759 : memref<16x128xf32, #tpu.memory_space<vmem>>) target(%dma_start3A_756 : memref<16x128xf32, #tpu.memory_space<hbm>>) target_semaphore(%arg13 : memref<!tpu.dma_semaphore, #tpu.memory_space<semaphore_mem>>)
      %mul3A_760 = arith.constant 16 : i32
      %mul3A_761 = arith.muli %mul3A_760, %select_n3A_729 : i32
      %dma_start3A_762 = arith.constant 2 : i32
      %dma_start3A_763 = arith.constant 160 : i32
      %dma_start3A_764 = arith.constant 0 : i32
      %dma_start3A_765 = tpu.memref_slice %arg7[%dma_start3A_763, %dma_start3A_764] : memref<256x129xf32, #tpu.memory_space<vmem>> -> memref<16x128xf32, #tpu.memory_space<vmem>>
      %dma_start3A_766 = arith.constant 0 : i32
      %dma_start3A_767 = tpu.memref_slice %arg4[%select_n3A_713, %dma_start3A_762, %mul3A_761, %dma_start3A_766] : memref<200x8x256x128xf32, #tpu.memory_space<hbm>> -> memref<1x1x16x128xf32, #tpu.memory_space<hbm>>
      %dma_start3A_768 = tpu.memref_squeeze %dma_start3A_767 : memref<1x1x16x128xf32, #tpu.memory_space<hbm>> -> memref<16x128xf32, #tpu.memory_space<hbm>>
      %dma_start3A_769 = arith.constant 0 : i32
      %dma_start3A_770 = tpu.memref_slice %arg4[%select_n3A_713, %dma_start3A_762, %mul3A_761, %dma_start3A_769] : memref<200x8x256x128xf32, #tpu.memory_space<hbm>> -> memref<1x1x16x128xf32, #tpu.memory_space<hbm>>
      %dma_start3A_771 = tpu.memref_squeeze %dma_start3A_770 : memref<1x1x16x128xf32, #tpu.memory_space<hbm>> -> memref<16x128xf32, #tpu.memory_space<hbm>>
      %dma_start3A_772 = arith.constant 160 : i32
      %dma_start3A_773 = arith.constant 0 : i32
      %dma_start3A_774 = tpu.memref_slice %arg7[%dma_start3A_772, %dma_start3A_773] : memref<256x129xf32, #tpu.memory_space<vmem>> -> memref<16x128xf32, #tpu.memory_space<vmem>>
      tpu.enqueue_dma source(%dma_start3A_774 : memref<16x128xf32, #tpu.memory_space<vmem>>) target(%dma_start3A_771 : memref<16x128xf32, #tpu.memory_space<hbm>>) target_semaphore(%arg13 : memref<!tpu.dma_semaphore, #tpu.memory_space<semaphore_mem>>)
      %mul3A_775 = arith.constant 16 : i32
      %mul3A_776 = arith.muli %mul3A_775, %select_n3A_729 : i32
      %dma_start3A_777 = arith.constant 3 : i32
      %dma_start3A_778 = arith.constant 176 : i32
      %dma_start3A_779 = arith.constant 0 : i32
      %dma_start3A_780 = tpu.memref_slice %arg7[%dma_start3A_778, %dma_start3A_779] : memref<256x129xf32, #tpu.memory_space<vmem>> -> memref<16x128xf32, #tpu.memory_space<vmem>>
      %dma_start3A_781 = arith.constant 0 : i32
      %dma_start3A_782 = tpu.memref_slice %arg4[%select_n3A_713, %dma_start3A_777, %mul3A_776, %dma_start3A_781] : memref<200x8x256x128xf32, #tpu.memory_space<hbm>> -> memref<1x1x16x128xf32, #tpu.memory_space<hbm>>
      %dma_start3A_783 = tpu.memref_squeeze %dma_start3A_782 : memref<1x1x16x128xf32, #tpu.memory_space<hbm>> -> memref<16x128xf32, #tpu.memory_space<hbm>>
      %dma_start3A_784 = arith.constant 0 : i32
      %dma_start3A_785 = tpu.memref_slice %arg4[%select_n3A_713, %dma_start3A_777, %mul3A_776, %dma_start3A_784] : memref<200x8x256x128xf32, #tpu.memory_space<hbm>> -> memref<1x1x16x128xf32, #tpu.memory_space<hbm>>
      %dma_start3A_786 = tpu.memref_squeeze %dma_start3A_785 : memref<1x1x16x128xf32, #tpu.memory_space<hbm>> -> memref<16x128xf32, #tpu.memory_space<hbm>>
      %dma_start3A_787 = arith.constant 176 : i32
      %dma_start3A_788 = arith.constant 0 : i32
      %dma_start3A_789 = tpu.memref_slice %arg7[%dma_start3A_787, %dma_start3A_788] : memref<256x129xf32, #tpu.memory_space<vmem>> -> memref<16x128xf32, #tpu.memory_space<vmem>>
      tpu.enqueue_dma source(%dma_start3A_789 : memref<16x128xf32, #tpu.memory_space<vmem>>) target(%dma_start3A_786 : memref<16x128xf32, #tpu.memory_space<hbm>>) target_semaphore(%arg13 : memref<!tpu.dma_semaphore, #tpu.memory_space<semaphore_mem>>)
      %mul3A_790 = arith.constant 16 : i32
      %mul3A_791 = arith.muli %mul3A_790, %select_n3A_729 : i32
      %dma_start3A_792 = arith.constant 4 : i32
      %dma_start3A_793 = arith.constant 192 : i32
      %dma_start3A_794 = arith.constant 0 : i32
      %dma_start3A_795 = tpu.memref_slice %arg7[%dma_start3A_793, %dma_start3A_794] : memref<256x129xf32, #tpu.memory_space<vmem>> -> memref<16x128xf32, #tpu.memory_space<vmem>>
      %dma_start3A_796 = arith.constant 0 : i32
      %dma_start3A_797 = tpu.memref_slice %arg4[%select_n3A_713, %dma_start3A_792, %mul3A_791, %dma_start3A_796] : memref<200x8x256x128xf32, #tpu.memory_space<hbm>> -> memref<1x1x16x128xf32, #tpu.memory_space<hbm>>
      %dma_start3A_798 = tpu.memref_squeeze %dma_start3A_797 : memref<1x1x16x128xf32, #tpu.memory_space<hbm>> -> memref<16x128xf32, #tpu.memory_space<hbm>>
      %dma_start3A_799 = arith.constant 0 : i32
      %dma_start3A_800 = tpu.memref_slice %arg4[%select_n3A_713, %dma_start3A_792, %mul3A_791, %dma_start3A_799] : memref<200x8x256x128xf32, #tpu.memory_space<hbm>> -> memref<1x1x16x128xf32, #tpu.memory_space<hbm>>
      %dma_start3A_801 = tpu.memref_squeeze %dma_start3A_800 : memref<1x1x16x128xf32, #tpu.memory_space<hbm>> -> memref<16x128xf32, #tpu.memory_space<hbm>>
      %dma_start3A_802 = arith.constant 192 : i32
      %dma_start3A_803 = arith.constant 0 : i32
      %dma_start3A_804 = tpu.memref_slice %arg7[%dma_start3A_802, %dma_start3A_803] : memref<256x129xf32, #tpu.memory_space<vmem>> -> memref<16x128xf32, #tpu.memory_space<vmem>>
      tpu.enqueue_dma source(%dma_start3A_804 : memref<16x128xf32, #tpu.memory_space<vmem>>) target(%dma_start3A_801 : memref<16x128xf32, #tpu.memory_space<hbm>>) target_semaphore(%arg13 : memref<!tpu.dma_semaphore, #tpu.memory_space<semaphore_mem>>)
      %mul3A_805 = arith.constant 16 : i32
      %mul3A_806 = arith.muli %mul3A_805, %select_n3A_729 : i32
      %dma_start3A_807 = arith.constant 5 : i32
      %dma_start3A_808 = arith.constant 208 : i32
      %dma_start3A_809 = arith.constant 0 : i32
      %dma_start3A_810 = tpu.memref_slice %arg7[%dma_start3A_808, %dma_start3A_809] : memref<256x129xf32, #tpu.memory_space<vmem>> -> memref<16x128xf32, #tpu.memory_space<vmem>>
      %dma_start3A_811 = arith.constant 0 : i32
      %dma_start3A_812 = tpu.memref_slice %arg4[%select_n3A_713, %dma_start3A_807, %mul3A_806, %dma_start3A_811] : memref<200x8x256x128xf32, #tpu.memory_space<hbm>> -> memref<1x1x16x128xf32, #tpu.memory_space<hbm>>
      %dma_start3A_813 = tpu.memref_squeeze %dma_start3A_812 : memref<1x1x16x128xf32, #tpu.memory_space<hbm>> -> memref<16x128xf32, #tpu.memory_space<hbm>>
      %dma_start3A_814 = arith.constant 0 : i32
      %dma_start3A_815 = tpu.memref_slice %arg4[%select_n3A_713, %dma_start3A_807, %mul3A_806, %dma_start3A_814] : memref<200x8x256x128xf32, #tpu.memory_space<hbm>> -> memref<1x1x16x128xf32, #tpu.memory_space<hbm>>
      %dma_start3A_816 = tpu.memref_squeeze %dma_start3A_815 : memref<1x1x16x128xf32, #tpu.memory_space<hbm>> -> memref<16x128xf32, #tpu.memory_space<hbm>>
      %dma_start3A_817 = arith.constant 208 : i32
      %dma_start3A_818 = arith.constant 0 : i32
      %dma_start3A_819 = tpu.memref_slice %arg7[%dma_start3A_817, %dma_start3A_818] : memref<256x129xf32, #tpu.memory_space<vmem>> -> memref<16x128xf32, #tpu.memory_space<vmem>>
      tpu.enqueue_dma source(%dma_start3A_819 : memref<16x128xf32, #tpu.memory_space<vmem>>) target(%dma_start3A_816 : memref<16x128xf32, #tpu.memory_space<hbm>>) target_semaphore(%arg13 : memref<!tpu.dma_semaphore, #tpu.memory_space<semaphore_mem>>)
      %mul3A_820 = arith.constant 16 : i32
      %mul3A_821 = arith.muli %mul3A_820, %select_n3A_729 : i32
      %dma_start3A_822 = arith.constant 6 : i32
      %dma_start3A_823 = arith.constant 224 : i32
      %dma_start3A_824 = arith.constant 0 : i32
      %dma_start3A_825 = tpu.memref_slice %arg7[%dma_start3A_823, %dma_start3A_824] : memref<256x129xf32, #tpu.memory_space<vmem>> -> memref<16x128xf32, #tpu.memory_space<vmem>>
      %dma_start3A_826 = arith.constant 0 : i32
      %dma_start3A_827 = tpu.memref_slice %arg4[%select_n3A_713, %dma_start3A_822, %mul3A_821, %dma_start3A_826] : memref<200x8x256x128xf32, #tpu.memory_space<hbm>> -> memref<1x1x16x128xf32, #tpu.memory_space<hbm>>
      %dma_start3A_828 = tpu.memref_squeeze %dma_start3A_827 : memref<1x1x16x128xf32, #tpu.memory_space<hbm>> -> memref<16x128xf32, #tpu.memory_space<hbm>>
      %dma_start3A_829 = arith.constant 0 : i32
      %dma_start3A_830 = tpu.memref_slice %arg4[%select_n3A_713, %dma_start3A_822, %mul3A_821, %dma_start3A_829] : memref<200x8x256x128xf32, #tpu.memory_space<hbm>> -> memref<1x1x16x128xf32, #tpu.memory_space<hbm>>
      %dma_start3A_831 = tpu.memref_squeeze %dma_start3A_830 : memref<1x1x16x128xf32, #tpu.memory_space<hbm>> -> memref<16x128xf32, #tpu.memory_space<hbm>>
      %dma_start3A_832 = arith.constant 224 : i32
      %dma_start3A_833 = arith.constant 0 : i32
      %dma_start3A_834 = tpu.memref_slice %arg7[%dma_start3A_832, %dma_start3A_833] : memref<256x129xf32, #tpu.memory_space<vmem>> -> memref<16x128xf32, #tpu.memory_space<vmem>>
      tpu.enqueue_dma source(%dma_start3A_834 : memref<16x128xf32, #tpu.memory_space<vmem>>) target(%dma_start3A_831 : memref<16x128xf32, #tpu.memory_space<hbm>>) target_semaphore(%arg13 : memref<!tpu.dma_semaphore, #tpu.memory_space<semaphore_mem>>)
      %mul3A_835 = arith.constant 16 : i32
      %mul3A_836 = arith.muli %mul3A_835, %select_n3A_729 : i32
      %dma_start3A_837 = arith.constant 7 : i32
      %dma_start3A_838 = arith.constant 240 : i32
      %dma_start3A_839 = arith.constant 0 : i32
      %dma_start3A_840 = tpu.memref_slice %arg7[%dma_start3A_838, %dma_start3A_839] : memref<256x129xf32, #tpu.memory_space<vmem>> -> memref<16x128xf32, #tpu.memory_space<vmem>>
      %dma_start3A_841 = arith.constant 0 : i32
      %dma_start3A_842 = tpu.memref_slice %arg4[%select_n3A_713, %dma_start3A_837, %mul3A_836, %dma_start3A_841] : memref<200x8x256x128xf32, #tpu.memory_space<hbm>> -> memref<1x1x16x128xf32, #tpu.memory_space<hbm>>
      %dma_start3A_843 = tpu.memref_squeeze %dma_start3A_842 : memref<1x1x16x128xf32, #tpu.memory_space<hbm>> -> memref<16x128xf32, #tpu.memory_space<hbm>>
      %dma_start3A_844 = arith.constant 0 : i32
      %dma_start3A_845 = tpu.memref_slice %arg4[%select_n3A_713, %dma_start3A_837, %mul3A_836, %dma_start3A_844] : memref<200x8x256x128xf32, #tpu.memory_space<hbm>> -> memref<1x1x16x128xf32, #tpu.memory_space<hbm>>
      %dma_start3A_846 = tpu.memref_squeeze %dma_start3A_845 : memref<1x1x16x128xf32, #tpu.memory_space<hbm>> -> memref<16x128xf32, #tpu.memory_space<hbm>>
      %dma_start3A_847 = arith.constant 240 : i32
      %dma_start3A_848 = arith.constant 0 : i32
      %dma_start3A_849 = tpu.memref_slice %arg7[%dma_start3A_847, %dma_start3A_848] : memref<256x129xf32, #tpu.memory_space<vmem>> -> memref<16x128xf32, #tpu.memory_space<vmem>>
      tpu.enqueue_dma source(%dma_start3A_849 : memref<16x128xf32, #tpu.memory_space<vmem>>) target(%dma_start3A_846 : memref<16x128xf32, #tpu.memory_space<hbm>>) target_semaphore(%arg13 : memref<!tpu.dma_semaphore, #tpu.memory_space<semaphore_mem>>)
      %mul3A_850 = arith.constant 4 : i32
      %mul3A_851 = arith.muli %scan3A_433, %mul3A_850 : i32
      %add3A_852 = arith.constant 2 : i32
      %add3A_853 = arith.addi %mul3A_851, %add3A_852 : i32
      %add3A_854 = arith.constant 2 : i32
      %add3A_855 = arith.addi %add3A_853, %add3A_854 : i32
      %lt3A_856 = arith.constant 100 : i32
      %lt3A_857 = arith.cmpi slt, %add3A_855, %lt3A_856 : i32
      %convert_element_type3A_858 = arith.extui %lt3A_857 : i1 to i32
      %cond3A_859 = arith.constant 0 : i32
      %cond3A_860 = arith.cmpi ne, %convert_element_type3A_858, %cond3A_859 : i32
      scf.if %cond3A_860 {
        %mul3A_1270 = arith.constant 2 : i32
        %mul3A_1271 = arith.muli %add3A_855, %mul3A_1270 : i32
        %add3A_1272 = arith.constant 0 : i32
        %add3A_1273 = arith.addi %mul3A_1271, %add3A_1272 : i32
        %dma_start3A_1274 = arith.constant 0 : i32
        %dma_start3A_1275 = arith.constant 0 : i32
        %dma_start3A_1276 = arith.constant 0 : i32
        %dma_start3A_1277 = tpu.memref_slice %arg6[%dma_start3A_1274, %dma_start3A_1275, %dma_start3A_1276] : memref<4x256x64xf32, #tpu.memory_space<vmem>> -> memref<1x128x64xf32, #tpu.memory_space<vmem>>
        %dma_start3A_1278 = tpu.memref_squeeze %dma_start3A_1277 : memref<1x128x64xf32, #tpu.memory_space<vmem>> -> memref<128x64xf32, #tpu.memory_space<vmem>>
        %dma_start3A_1279 = arith.constant 0 : i32
        %dma_start3A_1280 = tpu.memref_slice %arg5[%add3A_1273, %dma_start3A_1279] : memref<200x128xi32, #tpu.memory_space<vmem>> -> memref<1x128xi32, #tpu.memory_space<vmem>>
        %dma_start3A_1281 = tpu.memref_squeeze %dma_start3A_1280 : memref<1x128xi32, #tpu.memory_space<vmem>> -> memref<128xi32, #tpu.memory_space<vmem>>
        %dma_start3A_1282 = arith.constant 0 : i32
        %dma_start3A_1283 = arith.constant 0 : i32
        %dma_start3A_1284 = tpu.memref_slice %arg3[%dma_start3A_1282, %dma_start3A_1283] : memref<1000000x64xf32, #tpu.memory_space<hbm>> -> memref<1000000x64xf32, #tpu.memory_space<hbm>>
        tpu.enqueue_indirect_dma source(%dma_start3A_1284 : memref<1000000x64xf32, #tpu.memory_space<hbm>>) target(%dma_start3A_1278 : memref<128x64xf32, #tpu.memory_space<vmem>>) offsets(%dma_start3A_1281 : memref<128xi32, #tpu.memory_space<vmem>>) semaphore(%arg8 : memref<!tpu.dma_semaphore, #tpu.memory_space<semaphore_mem>>)
        %mul3A_1285 = arith.constant 2 : i32
        %mul3A_1286 = arith.muli %add3A_855, %mul3A_1285 : i32
        %add3A_1287 = arith.constant 1 : i32
        %add3A_1288 = arith.addi %mul3A_1286, %add3A_1287 : i32
        %dma_start3A_1289 = arith.constant 0 : i32
        %dma_start3A_1290 = arith.constant 128 : i32
        %dma_start3A_1291 = arith.constant 0 : i32
        %dma_start3A_1292 = tpu.memref_slice %arg6[%dma_start3A_1289, %dma_start3A_1290, %dma_start3A_1291] : memref<4x256x64xf32, #tpu.memory_space<vmem>> -> memref<1x128x64xf32, #tpu.memory_space<vmem>>
        %dma_start3A_1293 = tpu.memref_squeeze %dma_start3A_1292 : memref<1x128x64xf32, #tpu.memory_space<vmem>> -> memref<128x64xf32, #tpu.memory_space<vmem>>
        %dma_start3A_1294 = arith.constant 0 : i32
        %dma_start3A_1295 = tpu.memref_slice %arg5[%add3A_1288, %dma_start3A_1294] : memref<200x128xi32, #tpu.memory_space<vmem>> -> memref<1x128xi32, #tpu.memory_space<vmem>>
        %dma_start3A_1296 = tpu.memref_squeeze %dma_start3A_1295 : memref<1x128xi32, #tpu.memory_space<vmem>> -> memref<128xi32, #tpu.memory_space<vmem>>
        %dma_start3A_1297 = arith.constant 0 : i32
        %dma_start3A_1298 = arith.constant 0 : i32
        %dma_start3A_1299 = tpu.memref_slice %arg3[%dma_start3A_1297, %dma_start3A_1298] : memref<1000000x64xf32, #tpu.memory_space<hbm>> -> memref<1000000x64xf32, #tpu.memory_space<hbm>>
        tpu.enqueue_indirect_dma source(%dma_start3A_1299 : memref<1000000x64xf32, #tpu.memory_space<hbm>>) target(%dma_start3A_1293 : memref<128x64xf32, #tpu.memory_space<vmem>>) offsets(%dma_start3A_1296 : memref<128xi32, #tpu.memory_space<vmem>>) semaphore(%arg8 : memref<!tpu.dma_semaphore, #tpu.memory_space<semaphore_mem>>)
      } else {
      }
      %ge3A_861 = arith.constant 2 : i32
      %ge3A_862 = arith.cmpi sge, %add3A_853, %ge3A_861 : i32
      %convert_element_type3A_863 = arith.extui %ge3A_862 : i1 to i32
      %cond3A_864 = arith.constant 0 : i32
      %cond3A_865 = arith.cmpi ne, %convert_element_type3A_863, %cond3A_864 : i32
      scf.if %cond3A_865 {
        %sub3A_1270 = arith.constant 2 : i32
        %sub3A_1271 = arith.subi %add3A_853, %sub3A_1270 : i32
        %add3A_1272 = arith.addi %mul3A_2, %sub3A_1271 : i32
        %jit3A_1273 = arith.constant 16 : i32
        %div3A_1274 = arith.divsi %add3A_1272, %jit3A_1273 : i32
        %sign3A_1275 = arith.constant 0 : i32
        %sign3A_1276 = arith.cmpi sgt, %add3A_1272, %sign3A_1275 : i32
        %sign3A_1277 = arith.extui %sign3A_1276 : i1 to i32
        %sign3A_1278 = arith.constant 0 : i32
        %sign3A_1279 = arith.cmpi slt, %add3A_1272, %sign3A_1278 : i32
        %sign3A_1280 = arith.extui %sign3A_1279 : i1 to i32
        %sign3A_1281 = arith.subi %sign3A_1277, %sign3A_1280 : i32
        %sign3A_1282 = arith.constant 0 : i32
        %sign3A_1283 = arith.cmpi sgt, %jit3A_1273, %sign3A_1282 : i32
        %sign3A_1284 = arith.extui %sign3A_1283 : i1 to i32
        %sign3A_1285 = arith.constant 0 : i32
        %sign3A_1286 = arith.cmpi slt, %jit3A_1273, %sign3A_1285 : i32
        %sign3A_1287 = arith.extui %sign3A_1286 : i1 to i32
        %sign3A_1288 = arith.subi %sign3A_1284, %sign3A_1287 : i32
        %ne3A_1289 = arith.cmpi ne, %sign3A_1281, %sign3A_1288 : i32
        %rem3A_1290 = arith.remsi %add3A_1272, %jit3A_1273 : i32
        %ne3A_1291 = arith.constant 0 : i32
        %ne3A_1292 = arith.cmpi ne, %rem3A_1290, %ne3A_1291 : i32
        %and3A_1293 = arith.andi %ne3A_1289, %ne3A_1292 : i1
        %sub3A_1294 = arith.constant 1 : i32
        %sub3A_1295 = arith.subi %div3A_1274, %sub3A_1294 : i32
        %select_n3A_1296 = arith.select %and3A_1293, %sub3A_1295, %div3A_1274 : i32
        %jit3A_1297 = arith.constant 16 : i32
        %eq3A_1298 = arith.constant 0 : i32
        %eq3A_1299 = arith.cmpi eq, %jit3A_1297, %eq3A_1298 : i32
        %jit3A_1300 = arith.constant 1 : i32
        %select_n3A_1301 = arith.select %eq3A_1299, %jit3A_1300, %jit3A_1297 : i32
        %rem3A_1302 = arith.remsi %add3A_1272, %select_n3A_1301 : i32
        %ne3A_1303 = arith.constant 0 : i32
        %ne3A_1304 = arith.cmpi ne, %rem3A_1302, %ne3A_1303 : i32
        %lt3A_1305 = arith.constant 0 : i32
        %lt3A_1306 = arith.cmpi slt, %rem3A_1302, %lt3A_1305 : i32
        %lt3A_1307 = arith.constant 0 : i32
        %lt3A_1308 = arith.cmpi slt, %select_n3A_1301, %lt3A_1307 : i32
        %ne3A_1309 = arith.xori %lt3A_1306, %lt3A_1308 : i1
        %and3A_1310 = arith.andi %ne3A_1309, %ne3A_1304 : i1
        %add3A_1311 = arith.addi %rem3A_1302, %select_n3A_1301 : i32
        %select_n3A_1312 = arith.select %and3A_1310, %add3A_1311, %rem3A_1302 : i32
        %mul3A_1313 = arith.constant 16 : i32
        %mul3A_1314 = arith.muli %mul3A_1313, %select_n3A_1312 : i32
        %dma_wait3A_1315 = arith.constant 0 : i32
        %dma_wait3A_1316 = arith.constant 0 : i32
        %dma_wait3A_1317 = arith.constant 0 : i32
        %dma_wait3A_1318 = tpu.memref_slice %arg7[%dma_wait3A_1316, %dma_wait3A_1317] : memref<256x129xf32, #tpu.memory_space<vmem>> -> memref<16x128xf32, #tpu.memory_space<vmem>>
        %dma_wait3A_1319 = arith.constant 0 : i32
        %dma_wait3A_1320 = tpu.memref_slice %arg4[%select_n3A_1296, %dma_wait3A_1315, %mul3A_1314, %dma_wait3A_1319] : memref<200x8x256x128xf32, #tpu.memory_space<hbm>> -> memref<1x1x16x128xf32, #tpu.memory_space<hbm>>
        %dma_wait3A_1321 = tpu.memref_squeeze %dma_wait3A_1320 : memref<1x1x16x128xf32, #tpu.memory_space<hbm>> -> memref<16x128xf32, #tpu.memory_space<hbm>>
        %dma_wait3A_1322 = arith.constant 0 : i32
        %dma_wait3A_1323 = tpu.memref_slice %arg4[%select_n3A_1296, %dma_wait3A_1315, %mul3A_1314, %dma_wait3A_1322] : memref<200x8x256x128xf32, #tpu.memory_space<hbm>> -> memref<1x1x16x128xf32, #tpu.memory_space<hbm>>
        %dma_wait3A_1324 = tpu.memref_squeeze %dma_wait3A_1323 : memref<1x1x16x128xf32, #tpu.memory_space<hbm>> -> memref<16x128xf32, #tpu.memory_space<hbm>>
        %dma_wait3A_1325 = arith.constant 0 : i32
        %dma_wait3A_1326 = arith.constant 0 : i32
        %dma_wait3A_1327 = tpu.memref_slice %arg7[%dma_wait3A_1325, %dma_wait3A_1326] : memref<256x129xf32, #tpu.memory_space<vmem>> -> memref<16x128xf32, #tpu.memory_space<vmem>>
        tpu.wait_dma2 semaphore(%arg12 : memref<!tpu.dma_semaphore, #tpu.memory_space<semaphore_mem>>) src(%dma_wait3A_1327 : memref<16x128xf32, #tpu.memory_space<vmem>>) dst(%dma_wait3A_1324 : memref<16x128xf32, #tpu.memory_space<hbm>>)
        %mul3A_1328 = arith.constant 16 : i32
        %mul3A_1329 = arith.muli %mul3A_1328, %select_n3A_1312 : i32
        %dma_wait3A_1330 = arith.constant 1 : i32
        %dma_wait3A_1331 = arith.constant 16 : i32
        %dma_wait3A_1332 = arith.constant 0 : i32
        %dma_wait3A_1333 = tpu.memref_slice %arg7[%dma_wait3A_1331, %dma_wait3A_1332] : memref<256x129xf32, #tpu.memory_space<vmem>> -> memref<16x128xf32, #tpu.memory_space<vmem>>
        %dma_wait3A_1334 = arith.constant 0 : i32
        %dma_wait3A_1335 = tpu.memref_slice %arg4[%select_n3A_1296, %dma_wait3A_1330, %mul3A_1329, %dma_wait3A_1334] : memref<200x8x256x128xf32, #tpu.memory_space<hbm>> -> memref<1x1x16x128xf32, #tpu.memory_space<hbm>>
        %dma_wait3A_1336 = tpu.memref_squeeze %dma_wait3A_1335 : memref<1x1x16x128xf32, #tpu.memory_space<hbm>> -> memref<16x128xf32, #tpu.memory_space<hbm>>
        %dma_wait3A_1337 = arith.constant 0 : i32
        %dma_wait3A_1338 = tpu.memref_slice %arg4[%select_n3A_1296, %dma_wait3A_1330, %mul3A_1329, %dma_wait3A_1337] : memref<200x8x256x128xf32, #tpu.memory_space<hbm>> -> memref<1x1x16x128xf32, #tpu.memory_space<hbm>>
        %dma_wait3A_1339 = tpu.memref_squeeze %dma_wait3A_1338 : memref<1x1x16x128xf32, #tpu.memory_space<hbm>> -> memref<16x128xf32, #tpu.memory_space<hbm>>
        %dma_wait3A_1340 = arith.constant 16 : i32
        %dma_wait3A_1341 = arith.constant 0 : i32
        %dma_wait3A_1342 = tpu.memref_slice %arg7[%dma_wait3A_1340, %dma_wait3A_1341] : memref<256x129xf32, #tpu.memory_space<vmem>> -> memref<16x128xf32, #tpu.memory_space<vmem>>
        tpu.wait_dma2 semaphore(%arg12 : memref<!tpu.dma_semaphore, #tpu.memory_space<semaphore_mem>>) src(%dma_wait3A_1342 : memref<16x128xf32, #tpu.memory_space<vmem>>) dst(%dma_wait3A_1339 : memref<16x128xf32, #tpu.memory_space<hbm>>)
        %mul3A_1343 = arith.constant 16 : i32
        %mul3A_1344 = arith.muli %mul3A_1343, %select_n3A_1312 : i32
        %dma_wait3A_1345 = arith.constant 2 : i32
        %dma_wait3A_1346 = arith.constant 32 : i32
        %dma_wait3A_1347 = arith.constant 0 : i32
        %dma_wait3A_1348 = tpu.memref_slice %arg7[%dma_wait3A_1346, %dma_wait3A_1347] : memref<256x129xf32, #tpu.memory_space<vmem>> -> memref<16x128xf32, #tpu.memory_space<vmem>>
        %dma_wait3A_1349 = arith.constant 0 : i32
        %dma_wait3A_1350 = tpu.memref_slice %arg4[%select_n3A_1296, %dma_wait3A_1345, %mul3A_1344, %dma_wait3A_1349] : memref<200x8x256x128xf32, #tpu.memory_space<hbm>> -> memref<1x1x16x128xf32, #tpu.memory_space<hbm>>
        %dma_wait3A_1351 = tpu.memref_squeeze %dma_wait3A_1350 : memref<1x1x16x128xf32, #tpu.memory_space<hbm>> -> memref<16x128xf32, #tpu.memory_space<hbm>>
        %dma_wait3A_1352 = arith.constant 0 : i32
        %dma_wait3A_1353 = tpu.memref_slice %arg4[%select_n3A_1296, %dma_wait3A_1345, %mul3A_1344, %dma_wait3A_1352] : memref<200x8x256x128xf32, #tpu.memory_space<hbm>> -> memref<1x1x16x128xf32, #tpu.memory_space<hbm>>
        %dma_wait3A_1354 = tpu.memref_squeeze %dma_wait3A_1353 : memref<1x1x16x128xf32, #tpu.memory_space<hbm>> -> memref<16x128xf32, #tpu.memory_space<hbm>>
        %dma_wait3A_1355 = arith.constant 32 : i32
        %dma_wait3A_1356 = arith.constant 0 : i32
        %dma_wait3A_1357 = tpu.memref_slice %arg7[%dma_wait3A_1355, %dma_wait3A_1356] : memref<256x129xf32, #tpu.memory_space<vmem>> -> memref<16x128xf32, #tpu.memory_space<vmem>>
        tpu.wait_dma2 semaphore(%arg12 : memref<!tpu.dma_semaphore, #tpu.memory_space<semaphore_mem>>) src(%dma_wait3A_1357 : memref<16x128xf32, #tpu.memory_space<vmem>>) dst(%dma_wait3A_1354 : memref<16x128xf32, #tpu.memory_space<hbm>>)
        %mul3A_1358 = arith.constant 16 : i32
        %mul3A_1359 = arith.muli %mul3A_1358, %select_n3A_1312 : i32
        %dma_wait3A_1360 = arith.constant 3 : i32
        %dma_wait3A_1361 = arith.constant 48 : i32
        %dma_wait3A_1362 = arith.constant 0 : i32
        %dma_wait3A_1363 = tpu.memref_slice %arg7[%dma_wait3A_1361, %dma_wait3A_1362] : memref<256x129xf32, #tpu.memory_space<vmem>> -> memref<16x128xf32, #tpu.memory_space<vmem>>
        %dma_wait3A_1364 = arith.constant 0 : i32
        %dma_wait3A_1365 = tpu.memref_slice %arg4[%select_n3A_1296, %dma_wait3A_1360, %mul3A_1359, %dma_wait3A_1364] : memref<200x8x256x128xf32, #tpu.memory_space<hbm>> -> memref<1x1x16x128xf32, #tpu.memory_space<hbm>>
        %dma_wait3A_1366 = tpu.memref_squeeze %dma_wait3A_1365 : memref<1x1x16x128xf32, #tpu.memory_space<hbm>> -> memref<16x128xf32, #tpu.memory_space<hbm>>
        %dma_wait3A_1367 = arith.constant 0 : i32
        %dma_wait3A_1368 = tpu.memref_slice %arg4[%select_n3A_1296, %dma_wait3A_1360, %mul3A_1359, %dma_wait3A_1367] : memref<200x8x256x128xf32, #tpu.memory_space<hbm>> -> memref<1x1x16x128xf32, #tpu.memory_space<hbm>>
        %dma_wait3A_1369 = tpu.memref_squeeze %dma_wait3A_1368 : memref<1x1x16x128xf32, #tpu.memory_space<hbm>> -> memref<16x128xf32, #tpu.memory_space<hbm>>
        %dma_wait3A_1370 = arith.constant 48 : i32
        %dma_wait3A_1371 = arith.constant 0 : i32
        %dma_wait3A_1372 = tpu.memref_slice %arg7[%dma_wait3A_1370, %dma_wait3A_1371] : memref<256x129xf32, #tpu.memory_space<vmem>> -> memref<16x128xf32, #tpu.memory_space<vmem>>
        tpu.wait_dma2 semaphore(%arg12 : memref<!tpu.dma_semaphore, #tpu.memory_space<semaphore_mem>>) src(%dma_wait3A_1372 : memref<16x128xf32, #tpu.memory_space<vmem>>) dst(%dma_wait3A_1369 : memref<16x128xf32, #tpu.memory_space<hbm>>)
        %mul3A_1373 = arith.constant 16 : i32
        %mul3A_1374 = arith.muli %mul3A_1373, %select_n3A_1312 : i32
        %dma_wait3A_1375 = arith.constant 4 : i32
        %dma_wait3A_1376 = arith.constant 64 : i32
        %dma_wait3A_1377 = arith.constant 0 : i32
        %dma_wait3A_1378 = tpu.memref_slice %arg7[%dma_wait3A_1376, %dma_wait3A_1377] : memref<256x129xf32, #tpu.memory_space<vmem>> -> memref<16x128xf32, #tpu.memory_space<vmem>>
        %dma_wait3A_1379 = arith.constant 0 : i32
        %dma_wait3A_1380 = tpu.memref_slice %arg4[%select_n3A_1296, %dma_wait3A_1375, %mul3A_1374, %dma_wait3A_1379] : memref<200x8x256x128xf32, #tpu.memory_space<hbm>> -> memref<1x1x16x128xf32, #tpu.memory_space<hbm>>
        %dma_wait3A_1381 = tpu.memref_squeeze %dma_wait3A_1380 : memref<1x1x16x128xf32, #tpu.memory_space<hbm>> -> memref<16x128xf32, #tpu.memory_space<hbm>>
        %dma_wait3A_1382 = arith.constant 0 : i32
        %dma_wait3A_1383 = tpu.memref_slice %arg4[%select_n3A_1296, %dma_wait3A_1375, %mul3A_1374, %dma_wait3A_1382] : memref<200x8x256x128xf32, #tpu.memory_space<hbm>> -> memref<1x1x16x128xf32, #tpu.memory_space<hbm>>
        %dma_wait3A_1384 = tpu.memref_squeeze %dma_wait3A_1383 : memref<1x1x16x128xf32, #tpu.memory_space<hbm>> -> memref<16x128xf32, #tpu.memory_space<hbm>>
        %dma_wait3A_1385 = arith.constant 64 : i32
        %dma_wait3A_1386 = arith.constant 0 : i32
        %dma_wait3A_1387 = tpu.memref_slice %arg7[%dma_wait3A_1385, %dma_wait3A_1386] : memref<256x129xf32, #tpu.memory_space<vmem>> -> memref<16x128xf32, #tpu.memory_space<vmem>>
        tpu.wait_dma2 semaphore(%arg12 : memref<!tpu.dma_semaphore, #tpu.memory_space<semaphore_mem>>) src(%dma_wait3A_1387 : memref<16x128xf32, #tpu.memory_space<vmem>>) dst(%dma_wait3A_1384 : memref<16x128xf32, #tpu.memory_space<hbm>>)
        %mul3A_1388 = arith.constant 16 : i32
        %mul3A_1389 = arith.muli %mul3A_1388, %select_n3A_1312 : i32
        %dma_wait3A_1390 = arith.constant 5 : i32
        %dma_wait3A_1391 = arith.constant 80 : i32
        %dma_wait3A_1392 = arith.constant 0 : i32
        %dma_wait3A_1393 = tpu.memref_slice %arg7[%dma_wait3A_1391, %dma_wait3A_1392] : memref<256x129xf32, #tpu.memory_space<vmem>> -> memref<16x128xf32, #tpu.memory_space<vmem>>
        %dma_wait3A_1394 = arith.constant 0 : i32
        %dma_wait3A_1395 = tpu.memref_slice %arg4[%select_n3A_1296, %dma_wait3A_1390, %mul3A_1389, %dma_wait3A_1394] : memref<200x8x256x128xf32, #tpu.memory_space<hbm>> -> memref<1x1x16x128xf32, #tpu.memory_space<hbm>>
        %dma_wait3A_1396 = tpu.memref_squeeze %dma_wait3A_1395 : memref<1x1x16x128xf32, #tpu.memory_space<hbm>> -> memref<16x128xf32, #tpu.memory_space<hbm>>
        %dma_wait3A_1397 = arith.constant 0 : i32
        %dma_wait3A_1398 = tpu.memref_slice %arg4[%select_n3A_1296, %dma_wait3A_1390, %mul3A_1389, %dma_wait3A_1397] : memref<200x8x256x128xf32, #tpu.memory_space<hbm>> -> memref<1x1x16x128xf32, #tpu.memory_space<hbm>>
        %dma_wait3A_1399 = tpu.memref_squeeze %dma_wait3A_1398 : memref<1x1x16x128xf32, #tpu.memory_space<hbm>> -> memref<16x128xf32, #tpu.memory_space<hbm>>
        %dma_wait3A_1400 = arith.constant 80 : i32
        %dma_wait3A_1401 = arith.constant 0 : i32
        %dma_wait3A_1402 = tpu.memref_slice %arg7[%dma_wait3A_1400, %dma_wait3A_1401] : memref<256x129xf32, #tpu.memory_space<vmem>> -> memref<16x128xf32, #tpu.memory_space<vmem>>
        tpu.wait_dma2 semaphore(%arg12 : memref<!tpu.dma_semaphore, #tpu.memory_space<semaphore_mem>>) src(%dma_wait3A_1402 : memref<16x128xf32, #tpu.memory_space<vmem>>) dst(%dma_wait3A_1399 : memref<16x128xf32, #tpu.memory_space<hbm>>)
        %mul3A_1403 = arith.constant 16 : i32
        %mul3A_1404 = arith.muli %mul3A_1403, %select_n3A_1312 : i32
        %dma_wait3A_1405 = arith.constant 6 : i32
        %dma_wait3A_1406 = arith.constant 96 : i32
        %dma_wait3A_1407 = arith.constant 0 : i32
        %dma_wait3A_1408 = tpu.memref_slice %arg7[%dma_wait3A_1406, %dma_wait3A_1407] : memref<256x129xf32, #tpu.memory_space<vmem>> -> memref<16x128xf32, #tpu.memory_space<vmem>>
        %dma_wait3A_1409 = arith.constant 0 : i32
        %dma_wait3A_1410 = tpu.memref_slice %arg4[%select_n3A_1296, %dma_wait3A_1405, %mul3A_1404, %dma_wait3A_1409] : memref<200x8x256x128xf32, #tpu.memory_space<hbm>> -> memref<1x1x16x128xf32, #tpu.memory_space<hbm>>
        %dma_wait3A_1411 = tpu.memref_squeeze %dma_wait3A_1410 : memref<1x1x16x128xf32, #tpu.memory_space<hbm>> -> memref<16x128xf32, #tpu.memory_space<hbm>>
        %dma_wait3A_1412 = arith.constant 0 : i32
        %dma_wait3A_1413 = tpu.memref_slice %arg4[%select_n3A_1296, %dma_wait3A_1405, %mul3A_1404, %dma_wait3A_1412] : memref<200x8x256x128xf32, #tpu.memory_space<hbm>> -> memref<1x1x16x128xf32, #tpu.memory_space<hbm>>
        %dma_wait3A_1414 = tpu.memref_squeeze %dma_wait3A_1413 : memref<1x1x16x128xf32, #tpu.memory_space<hbm>> -> memref<16x128xf32, #tpu.memory_space<hbm>>
        %dma_wait3A_1415 = arith.constant 96 : i32
        %dma_wait3A_1416 = arith.constant 0 : i32
        %dma_wait3A_1417 = tpu.memref_slice %arg7[%dma_wait3A_1415, %dma_wait3A_1416] : memref<256x129xf32, #tpu.memory_space<vmem>> -> memref<16x128xf32, #tpu.memory_space<vmem>>
        tpu.wait_dma2 semaphore(%arg12 : memref<!tpu.dma_semaphore, #tpu.memory_space<semaphore_mem>>) src(%dma_wait3A_1417 : memref<16x128xf32, #tpu.memory_space<vmem>>) dst(%dma_wait3A_1414 : memref<16x128xf32, #tpu.memory_space<hbm>>)
        %mul3A_1418 = arith.constant 16 : i32
        %mul3A_1419 = arith.muli %mul3A_1418, %select_n3A_1312 : i32
        %dma_wait3A_1420 = arith.constant 7 : i32
        %dma_wait3A_1421 = arith.constant 112 : i32
        %dma_wait3A_1422 = arith.constant 0 : i32
        %dma_wait3A_1423 = tpu.memref_slice %arg7[%dma_wait3A_1421, %dma_wait3A_1422] : memref<256x129xf32, #tpu.memory_space<vmem>> -> memref<16x128xf32, #tpu.memory_space<vmem>>
        %dma_wait3A_1424 = arith.constant 0 : i32
        %dma_wait3A_1425 = tpu.memref_slice %arg4[%select_n3A_1296, %dma_wait3A_1420, %mul3A_1419, %dma_wait3A_1424] : memref<200x8x256x128xf32, #tpu.memory_space<hbm>> -> memref<1x1x16x128xf32, #tpu.memory_space<hbm>>
        %dma_wait3A_1426 = tpu.memref_squeeze %dma_wait3A_1425 : memref<1x1x16x128xf32, #tpu.memory_space<hbm>> -> memref<16x128xf32, #tpu.memory_space<hbm>>
        %dma_wait3A_1427 = arith.constant 0 : i32
        %dma_wait3A_1428 = tpu.memref_slice %arg4[%select_n3A_1296, %dma_wait3A_1420, %mul3A_1419, %dma_wait3A_1427] : memref<200x8x256x128xf32, #tpu.memory_space<hbm>> -> memref<1x1x16x128xf32, #tpu.memory_space<hbm>>
        %dma_wait3A_1429 = tpu.memref_squeeze %dma_wait3A_1428 : memref<1x1x16x128xf32, #tpu.memory_space<hbm>> -> memref<16x128xf32, #tpu.memory_space<hbm>>
        %dma_wait3A_1430 = arith.constant 112 : i32
        %dma_wait3A_1431 = arith.constant 0 : i32
        %dma_wait3A_1432 = tpu.memref_slice %arg7[%dma_wait3A_1430, %dma_wait3A_1431] : memref<256x129xf32, #tpu.memory_space<vmem>> -> memref<16x128xf32, #tpu.memory_space<vmem>>
        tpu.wait_dma2 semaphore(%arg12 : memref<!tpu.dma_semaphore, #tpu.memory_space<semaphore_mem>>) src(%dma_wait3A_1432 : memref<16x128xf32, #tpu.memory_space<vmem>>) dst(%dma_wait3A_1429 : memref<16x128xf32, #tpu.memory_space<hbm>>)
      } else {
      }
      %mul3A_866 = arith.constant 2 : i32
      %mul3A_867 = arith.muli %add3A_853, %mul3A_866 : i32
      %add3A_868 = arith.constant 0 : i32
      %add3A_869 = arith.addi %mul3A_867, %add3A_868 : i32
      %dma_wait3A_870 = arith.constant 2 : i32
      %dma_wait3A_871 = arith.constant 0 : i32
      %dma_wait3A_872 = arith.constant 0 : i32
      %dma_wait3A_873 = tpu.memref_slice %arg6[%dma_wait3A_870, %dma_wait3A_871, %dma_wait3A_872] : memref<4x256x64xf32, #tpu.memory_space<vmem>> -> memref<1x128x64xf32, #tpu.memory_space<vmem>>
      %dma_wait3A_874 = tpu.memref_squeeze %dma_wait3A_873 : memref<1x128x64xf32, #tpu.memory_space<vmem>> -> memref<128x64xf32, #tpu.memory_space<vmem>>
      %dma_wait3A_875 = arith.constant 0 : i32
      %dma_wait3A_876 = tpu.memref_slice %arg5[%add3A_869, %dma_wait3A_875] : memref<200x128xi32, #tpu.memory_space<vmem>> -> memref<1x128xi32, #tpu.memory_space<vmem>>
      %dma_wait3A_877 = tpu.memref_squeeze %dma_wait3A_876 : memref<1x128xi32, #tpu.memory_space<vmem>> -> memref<128xi32, #tpu.memory_space<vmem>>
      %dma_wait3A_878 = arith.constant 0 : i32
      %dma_wait3A_879 = arith.constant 0 : i32
      %dma_wait3A_880 = tpu.memref_slice %arg3[%dma_wait3A_878, %dma_wait3A_879] : memref<1000000x64xf32, #tpu.memory_space<hbm>> -> memref<1000000x64xf32, #tpu.memory_space<hbm>>
      tpu.wait_indirect_dma semaphore(%arg10 : memref<!tpu.dma_semaphore, #tpu.memory_space<semaphore_mem>>) src(%dma_wait3A_880 : memref<1000000x64xf32, #tpu.memory_space<hbm>>) dst(%dma_wait3A_874 : memref<128x64xf32, #tpu.memory_space<vmem>>)
      %mul3A_881 = arith.constant 2 : i32
      %mul3A_882 = arith.muli %add3A_853, %mul3A_881 : i32
      %add3A_883 = arith.constant 1 : i32
      %add3A_884 = arith.addi %mul3A_882, %add3A_883 : i32
      %dma_wait3A_885 = arith.constant 2 : i32
      %dma_wait3A_886 = arith.constant 128 : i32
      %dma_wait3A_887 = arith.constant 0 : i32
      %dma_wait3A_888 = tpu.memref_slice %arg6[%dma_wait3A_885, %dma_wait3A_886, %dma_wait3A_887] : memref<4x256x64xf32, #tpu.memory_space<vmem>> -> memref<1x128x64xf32, #tpu.memory_space<vmem>>
      %dma_wait3A_889 = tpu.memref_squeeze %dma_wait3A_888 : memref<1x128x64xf32, #tpu.memory_space<vmem>> -> memref<128x64xf32, #tpu.memory_space<vmem>>
      %dma_wait3A_890 = arith.constant 0 : i32
      %dma_wait3A_891 = tpu.memref_slice %arg5[%add3A_884, %dma_wait3A_890] : memref<200x128xi32, #tpu.memory_space<vmem>> -> memref<1x128xi32, #tpu.memory_space<vmem>>
      %dma_wait3A_892 = tpu.memref_squeeze %dma_wait3A_891 : memref<1x128xi32, #tpu.memory_space<vmem>> -> memref<128xi32, #tpu.memory_space<vmem>>
      %dma_wait3A_893 = arith.constant 0 : i32
      %dma_wait3A_894 = arith.constant 0 : i32
      %dma_wait3A_895 = tpu.memref_slice %arg3[%dma_wait3A_893, %dma_wait3A_894] : memref<1000000x64xf32, #tpu.memory_space<hbm>> -> memref<1000000x64xf32, #tpu.memory_space<hbm>>
      tpu.wait_indirect_dma semaphore(%arg10 : memref<!tpu.dma_semaphore, #tpu.memory_space<semaphore_mem>>) src(%dma_wait3A_895 : memref<1000000x64xf32, #tpu.memory_space<hbm>>) dst(%dma_wait3A_889 : memref<128x64xf32, #tpu.memory_space<vmem>>)
      %parallel_loop3A_896 = arith.constant 0 : i32
      %parallel_loop3A_897 = arith.constant 256 : i32
      %parallel_loop3A_898 = arith.constant 1 : i32
      scf.for %parallel_loop3A_1270 = %parallel_loop3A_896 to %parallel_loop3A_897 step %parallel_loop3A_898  : i32 {
        %parallel_loop3A_1271 = arith.constant 7 : i32
        %parallel_loop3A_1272 = arith.shrui %parallel_loop3A_1270, %parallel_loop3A_1271 : i32
        %parallel_loop3A_1273 = arith.constant 8 : i32
        %parallel_loop3A_1274 = arith.muli %parallel_loop3A_1272, %parallel_loop3A_1273 : i32
        %parallel_loop3A_1275 = arith.constant 0 : i32
        %parallel_loop3A_1276 = arith.addi %parallel_loop3A_1275, %parallel_loop3A_1274 : i32
        %parallel_loop3A_1277 = vector.broadcast %parallel_loop3A_1276 : i32 to vector<16xi32>
        %parallel_loop3A_1278 = arith.constant 127 : i32
        %parallel_loop3A_1279 = arith.andi %parallel_loop3A_1270, %parallel_loop3A_1278 : i32
        %parallel_loop3A_1280 = vector.broadcast %parallel_loop3A_1279 : i32 to vector<16xi32>
        %parallel_loop3A_1281 = arith.constant 2 : i32
        %parallel_loop3A_1282 = arith.index_cast %parallel_loop3A_1281 : i32 to index
        %parallel_loop3A_1283 = arith.index_cast %parallel_loop3A_1270 : i32 to index
        %parallel_loop3A_1284 = arith.constant 0 : index
        %parallel_loop3A_1285 = tpu.vector_load %arg6[%parallel_loop3A_1282, %parallel_loop3A_1283, %parallel_loop3A_1284] {strides = array<i32>} : memref<4x256x64xf32, #tpu.memory_space<vmem>>, vector<16xf32>,
        %parallel_loop3A_1286 = arith.constant 8.000000e+00 : f32
        %parallel_loop3A_1287 = vector.broadcast %parallel_loop3A_1286 : f32 to vector<16xf32>
        %parallel_loop3A_1288 = arith.mulf %parallel_loop3A_1285, %parallel_loop3A_1287 : vector<16xf32>
        %parallel_loop3A_1289 = arith.addi %add3A_18, %parallel_loop3A_1277 : vector<16xi32>
        tpu.vector_store_idx %arg7[%parallel_loop3A_1289, %parallel_loop3A_1280], %parallel_loop3A_1288 : memref<256x129xf32, #tpu.memory_space<vmem>>[vector<16xi32>, vector<16xi32>], vector<16xf32>,
        %parallel_loop3A_1290 = arith.constant 2 : i32
        %parallel_loop3A_1291 = arith.index_cast %parallel_loop3A_1290 : i32 to index
        %parallel_loop3A_1292 = arith.index_cast %parallel_loop3A_1270 : i32 to index
        %parallel_loop3A_1293 = arith.constant 16 : index
        %parallel_loop3A_1294 = tpu.vector_load %arg6[%parallel_loop3A_1291, %parallel_loop3A_1292, %parallel_loop3A_1293] {strides = array<i32>} : memref<4x256x64xf32, #tpu.memory_space<vmem>>, vector<16xf32>,
        %parallel_loop3A_1295 = arith.constant 8.000000e+00 : f32
        %parallel_loop3A_1296 = vector.broadcast %parallel_loop3A_1295 : f32 to vector<16xf32>
        %parallel_loop3A_1297 = arith.mulf %parallel_loop3A_1294, %parallel_loop3A_1296 : vector<16xf32>
        %parallel_loop3A_1298 = arith.addi %add3A_34, %parallel_loop3A_1277 : vector<16xi32>
        tpu.vector_store_idx %arg7[%parallel_loop3A_1298, %parallel_loop3A_1280], %parallel_loop3A_1297 : memref<256x129xf32, #tpu.memory_space<vmem>>[vector<16xi32>, vector<16xi32>], vector<16xf32>,
        %parallel_loop3A_1299 = arith.constant 2 : i32
        %parallel_loop3A_1300 = arith.index_cast %parallel_loop3A_1299 : i32 to index
        %parallel_loop3A_1301 = arith.index_cast %parallel_loop3A_1270 : i32 to index
        %parallel_loop3A_1302 = arith.constant 32 : index
        %parallel_loop3A_1303 = tpu.vector_load %arg6[%parallel_loop3A_1300, %parallel_loop3A_1301, %parallel_loop3A_1302] {strides = array<i32>} : memref<4x256x64xf32, #tpu.memory_space<vmem>>, vector<16xf32>,
        %parallel_loop3A_1304 = arith.constant 8.000000e+00 : f32
        %parallel_loop3A_1305 = vector.broadcast %parallel_loop3A_1304 : f32 to vector<16xf32>
        %parallel_loop3A_1306 = arith.mulf %parallel_loop3A_1303, %parallel_loop3A_1305 : vector<16xf32>
        %parallel_loop3A_1307 = arith.addi %add3A_50, %parallel_loop3A_1277 : vector<16xi32>
        tpu.vector_store_idx %arg7[%parallel_loop3A_1307, %parallel_loop3A_1280], %parallel_loop3A_1306 : memref<256x129xf32, #tpu.memory_space<vmem>>[vector<16xi32>, vector<16xi32>], vector<16xf32>,
        %parallel_loop3A_1308 = arith.constant 2 : i32
        %parallel_loop3A_1309 = arith.index_cast %parallel_loop3A_1308 : i32 to index
        %parallel_loop3A_1310 = arith.index_cast %parallel_loop3A_1270 : i32 to index
        %parallel_loop3A_1311 = arith.constant 48 : index
        %parallel_loop3A_1312 = tpu.vector_load %arg6[%parallel_loop3A_1309, %parallel_loop3A_1310, %parallel_loop3A_1311] {strides = array<i32>} : memref<4x256x64xf32, #tpu.memory_space<vmem>>, vector<16xf32>,
        %parallel_loop3A_1313 = arith.constant 8.000000e+00 : f32
        %parallel_loop3A_1314 = vector.broadcast %parallel_loop3A_1313 : f32 to vector<16xf32>
        %parallel_loop3A_1315 = arith.mulf %parallel_loop3A_1312, %parallel_loop3A_1314 : vector<16xf32>
        %parallel_loop3A_1316 = arith.addi %add3A_66, %parallel_loop3A_1277 : vector<16xi32>
        tpu.vector_store_idx %arg7[%parallel_loop3A_1316, %parallel_loop3A_1280], %parallel_loop3A_1315 : memref<256x129xf32, #tpu.memory_space<vmem>>[vector<16xi32>, vector<16xi32>], vector<16xf32>,
      } {sc.loop_unroll_factor = 8 : i64, sc.parallel_access}
      %add3A_899 = arith.addi %mul3A_2, %add3A_853 : i32
      %jit3A_900 = arith.constant 16 : i32
      %div3A_901 = arith.divsi %add3A_899, %jit3A_900 : i32
      %sign3A_902 = arith.constant 0 : i32
      %sign3A_903 = arith.cmpi sgt, %add3A_899, %sign3A_902 : i32
      %sign3A_904 = arith.extui %sign3A_903 : i1 to i32
      %sign3A_905 = arith.constant 0 : i32
      %sign3A_906 = arith.cmpi slt, %add3A_899, %sign3A_905 : i32
      %sign3A_907 = arith.extui %sign3A_906 : i1 to i32
      %sign3A_908 = arith.subi %sign3A_904, %sign3A_907 : i32
      %sign3A_909 = arith.constant 0 : i32
      %sign3A_910 = arith.cmpi sgt, %jit3A_900, %sign3A_909 : i32
      %sign3A_911 = arith.extui %sign3A_910 : i1 to i32
      %sign3A_912 = arith.constant 0 : i32
      %sign3A_913 = arith.cmpi slt, %jit3A_900, %sign3A_912 : i32
      %sign3A_914 = arith.extui %sign3A_913 : i1 to i32
      %sign3A_915 = arith.subi %sign3A_911, %sign3A_914 : i32
      %ne3A_916 = arith.cmpi ne, %sign3A_908, %sign3A_915 : i32
      %rem3A_917 = arith.remsi %add3A_899, %jit3A_900 : i32
      %ne3A_918 = arith.constant 0 : i32
      %ne3A_919 = arith.cmpi ne, %rem3A_917, %ne3A_918 : i32
      %and3A_920 = arith.andi %ne3A_916, %ne3A_919 : i1
      %sub3A_921 = arith.constant 1 : i32
      %sub3A_922 = arith.subi %div3A_901, %sub3A_921 : i32
      %select_n3A_923 = arith.select %and3A_920, %sub3A_922, %div3A_901 : i32
      %jit3A_924 = arith.constant 16 : i32
      %eq3A_925 = arith.constant 0 : i32
      %eq3A_926 = arith.cmpi eq, %jit3A_924, %eq3A_925 : i32
      %jit3A_927 = arith.constant 1 : i32
      %select_n3A_928 = arith.select %eq3A_926, %jit3A_927, %jit3A_924 : i32
      %rem3A_929 = arith.remsi %add3A_899, %select_n3A_928 : i32
      %ne3A_930 = arith.constant 0 : i32
      %ne3A_931 = arith.cmpi ne, %rem3A_929, %ne3A_930 : i32
      %lt3A_932 = arith.constant 0 : i32
      %lt3A_933 = arith.cmpi slt, %rem3A_929, %lt3A_932 : i32
      %lt3A_934 = arith.constant 0 : i32
      %lt3A_935 = arith.cmpi slt, %select_n3A_928, %lt3A_934 : i32
      %ne3A_936 = arith.xori %lt3A_933, %lt3A_935 : i1
      %and3A_937 = arith.andi %ne3A_936, %ne3A_931 : i1
      %add3A_938 = arith.addi %rem3A_929, %select_n3A_928 : i32
      %select_n3A_939 = arith.select %and3A_937, %add3A_938, %rem3A_929 : i32
      %mul3A_940 = arith.constant 16 : i32
      %mul3A_941 = arith.muli %mul3A_940, %select_n3A_939 : i32
      %dma_start3A_942 = arith.constant 0 : i32
      %dma_start3A_943 = arith.constant 0 : i32
      %dma_start3A_944 = arith.constant 0 : i32
      %dma_start3A_945 = tpu.memref_slice %arg7[%dma_start3A_943, %dma_start3A_944] : memref<256x129xf32, #tpu.memory_space<vmem>> -> memref<16x128xf32, #tpu.memory_space<vmem>>
      %dma_start3A_946 = arith.constant 0 : i32
      %dma_start3A_947 = tpu.memref_slice %arg4[%select_n3A_923, %dma_start3A_942, %mul3A_941, %dma_start3A_946] : memref<200x8x256x128xf32, #tpu.memory_space<hbm>> -> memref<1x1x16x128xf32, #tpu.memory_space<hbm>>
      %dma_start3A_948 = tpu.memref_squeeze %dma_start3A_947 : memref<1x1x16x128xf32, #tpu.memory_space<hbm>> -> memref<16x128xf32, #tpu.memory_space<hbm>>
      %dma_start3A_949 = arith.constant 0 : i32
      %dma_start3A_950 = tpu.memref_slice %arg4[%select_n3A_923, %dma_start3A_942, %mul3A_941, %dma_start3A_949] : memref<200x8x256x128xf32, #tpu.memory_space<hbm>> -> memref<1x1x16x128xf32, #tpu.memory_space<hbm>>
      %dma_start3A_951 = tpu.memref_squeeze %dma_start3A_950 : memref<1x1x16x128xf32, #tpu.memory_space<hbm>> -> memref<16x128xf32, #tpu.memory_space<hbm>>
      %dma_start3A_952 = arith.constant 0 : i32
      %dma_start3A_953 = arith.constant 0 : i32
      %dma_start3A_954 = tpu.memref_slice %arg7[%dma_start3A_952, %dma_start3A_953] : memref<256x129xf32, #tpu.memory_space<vmem>> -> memref<16x128xf32, #tpu.memory_space<vmem>>
      tpu.enqueue_dma source(%dma_start3A_954 : memref<16x128xf32, #tpu.memory_space<vmem>>) target(%dma_start3A_951 : memref<16x128xf32, #tpu.memory_space<hbm>>) target_semaphore(%arg12 : memref<!tpu.dma_semaphore, #tpu.memory_space<semaphore_mem>>)
      %mul3A_955 = arith.constant 16 : i32
      %mul3A_956 = arith.muli %mul3A_955, %select_n3A_939 : i32
      %dma_start3A_957 = arith.constant 1 : i32
      %dma_start3A_958 = arith.constant 16 : i32
      %dma_start3A_959 = arith.constant 0 : i32
      %dma_start3A_960 = tpu.memref_slice %arg7[%dma_start3A_958, %dma_start3A_959] : memref<256x129xf32, #tpu.memory_space<vmem>> -> memref<16x128xf32, #tpu.memory_space<vmem>>
      %dma_start3A_961 = arith.constant 0 : i32
      %dma_start3A_962 = tpu.memref_slice %arg4[%select_n3A_923, %dma_start3A_957, %mul3A_956, %dma_start3A_961] : memref<200x8x256x128xf32, #tpu.memory_space<hbm>> -> memref<1x1x16x128xf32, #tpu.memory_space<hbm>>
      %dma_start3A_963 = tpu.memref_squeeze %dma_start3A_962 : memref<1x1x16x128xf32, #tpu.memory_space<hbm>> -> memref<16x128xf32, #tpu.memory_space<hbm>>
      %dma_start3A_964 = arith.constant 0 : i32
      %dma_start3A_965 = tpu.memref_slice %arg4[%select_n3A_923, %dma_start3A_957, %mul3A_956, %dma_start3A_964] : memref<200x8x256x128xf32, #tpu.memory_space<hbm>> -> memref<1x1x16x128xf32, #tpu.memory_space<hbm>>
      %dma_start3A_966 = tpu.memref_squeeze %dma_start3A_965 : memref<1x1x16x128xf32, #tpu.memory_space<hbm>> -> memref<16x128xf32, #tpu.memory_space<hbm>>
      %dma_start3A_967 = arith.constant 16 : i32
      %dma_start3A_968 = arith.constant 0 : i32
      %dma_start3A_969 = tpu.memref_slice %arg7[%dma_start3A_967, %dma_start3A_968] : memref<256x129xf32, #tpu.memory_space<vmem>> -> memref<16x128xf32, #tpu.memory_space<vmem>>
      tpu.enqueue_dma source(%dma_start3A_969 : memref<16x128xf32, #tpu.memory_space<vmem>>) target(%dma_start3A_966 : memref<16x128xf32, #tpu.memory_space<hbm>>) target_semaphore(%arg12 : memref<!tpu.dma_semaphore, #tpu.memory_space<semaphore_mem>>)
      %mul3A_970 = arith.constant 16 : i32
      %mul3A_971 = arith.muli %mul3A_970, %select_n3A_939 : i32
      %dma_start3A_972 = arith.constant 2 : i32
      %dma_start3A_973 = arith.constant 32 : i32
      %dma_start3A_974 = arith.constant 0 : i32
      %dma_start3A_975 = tpu.memref_slice %arg7[%dma_start3A_973, %dma_start3A_974] : memref<256x129xf32, #tpu.memory_space<vmem>> -> memref<16x128xf32, #tpu.memory_space<vmem>>
      %dma_start3A_976 = arith.constant 0 : i32
      %dma_start3A_977 = tpu.memref_slice %arg4[%select_n3A_923, %dma_start3A_972, %mul3A_971, %dma_start3A_976] : memref<200x8x256x128xf32, #tpu.memory_space<hbm>> -> memref<1x1x16x128xf32, #tpu.memory_space<hbm>>
      %dma_start3A_978 = tpu.memref_squeeze %dma_start3A_977 : memref<1x1x16x128xf32, #tpu.memory_space<hbm>> -> memref<16x128xf32, #tpu.memory_space<hbm>>
      %dma_start3A_979 = arith.constant 0 : i32
      %dma_start3A_980 = tpu.memref_slice %arg4[%select_n3A_923, %dma_start3A_972, %mul3A_971, %dma_start3A_979] : memref<200x8x256x128xf32, #tpu.memory_space<hbm>> -> memref<1x1x16x128xf32, #tpu.memory_space<hbm>>
      %dma_start3A_981 = tpu.memref_squeeze %dma_start3A_980 : memref<1x1x16x128xf32, #tpu.memory_space<hbm>> -> memref<16x128xf32, #tpu.memory_space<hbm>>
      %dma_start3A_982 = arith.constant 32 : i32
      %dma_start3A_983 = arith.constant 0 : i32
      %dma_start3A_984 = tpu.memref_slice %arg7[%dma_start3A_982, %dma_start3A_983] : memref<256x129xf32, #tpu.memory_space<vmem>> -> memref<16x128xf32, #tpu.memory_space<vmem>>
      tpu.enqueue_dma source(%dma_start3A_984 : memref<16x128xf32, #tpu.memory_space<vmem>>) target(%dma_start3A_981 : memref<16x128xf32, #tpu.memory_space<hbm>>) target_semaphore(%arg12 : memref<!tpu.dma_semaphore, #tpu.memory_space<semaphore_mem>>)
      %mul3A_985 = arith.constant 16 : i32
      %mul3A_986 = arith.muli %mul3A_985, %select_n3A_939 : i32
      %dma_start3A_987 = arith.constant 3 : i32
      %dma_start3A_988 = arith.constant 48 : i32
      %dma_start3A_989 = arith.constant 0 : i32
      %dma_start3A_990 = tpu.memref_slice %arg7[%dma_start3A_988, %dma_start3A_989] : memref<256x129xf32, #tpu.memory_space<vmem>> -> memref<16x128xf32, #tpu.memory_space<vmem>>
      %dma_start3A_991 = arith.constant 0 : i32
      %dma_start3A_992 = tpu.memref_slice %arg4[%select_n3A_923, %dma_start3A_987, %mul3A_986, %dma_start3A_991] : memref<200x8x256x128xf32, #tpu.memory_space<hbm>> -> memref<1x1x16x128xf32, #tpu.memory_space<hbm>>
      %dma_start3A_993 = tpu.memref_squeeze %dma_start3A_992 : memref<1x1x16x128xf32, #tpu.memory_space<hbm>> -> memref<16x128xf32, #tpu.memory_space<hbm>>
      %dma_start3A_994 = arith.constant 0 : i32
      %dma_start3A_995 = tpu.memref_slice %arg4[%select_n3A_923, %dma_start3A_987, %mul3A_986, %dma_start3A_994] : memref<200x8x256x128xf32, #tpu.memory_space<hbm>> -> memref<1x1x16x128xf32, #tpu.memory_space<hbm>>
      %dma_start3A_996 = tpu.memref_squeeze %dma_start3A_995 : memref<1x1x16x128xf32, #tpu.memory_space<hbm>> -> memref<16x128xf32, #tpu.memory_space<hbm>>
      %dma_start3A_997 = arith.constant 48 : i32
      %dma_start3A_998 = arith.constant 0 : i32
      %dma_start3A_999 = tpu.memref_slice %arg7[%dma_start3A_997, %dma_start3A_998] : memref<256x129xf32, #tpu.memory_space<vmem>> -> memref<16x128xf32, #tpu.memory_space<vmem>>
      tpu.enqueue_dma source(%dma_start3A_999 : memref<16x128xf32, #tpu.memory_space<vmem>>) target(%dma_start3A_996 : memref<16x128xf32, #tpu.memory_space<hbm>>) target_semaphore(%arg12 : memref<!tpu.dma_semaphore, #tpu.memory_space<semaphore_mem>>)
      %mul3A_1000 = arith.constant 16 : i32
      %mul3A_1001 = arith.muli %mul3A_1000, %select_n3A_939 : i32
      %dma_start3A_1002 = arith.constant 4 : i32
      %dma_start3A_1003 = arith.constant 64 : i32
      %dma_start3A_1004 = arith.constant 0 : i32
      %dma_start3A_1005 = tpu.memref_slice %arg7[%dma_start3A_1003, %dma_start3A_1004] : memref<256x129xf32, #tpu.memory_space<vmem>> -> memref<16x128xf32, #tpu.memory_space<vmem>>
      %dma_start3A_1006 = arith.constant 0 : i32
      %dma_start3A_1007 = tpu.memref_slice %arg4[%select_n3A_923, %dma_start3A_1002, %mul3A_1001, %dma_start3A_1006] : memref<200x8x256x128xf32, #tpu.memory_space<hbm>> -> memref<1x1x16x128xf32, #tpu.memory_space<hbm>>
      %dma_start3A_1008 = tpu.memref_squeeze %dma_start3A_1007 : memref<1x1x16x128xf32, #tpu.memory_space<hbm>> -> memref<16x128xf32, #tpu.memory_space<hbm>>
      %dma_start3A_1009 = arith.constant 0 : i32
      %dma_start3A_1010 = tpu.memref_slice %arg4[%select_n3A_923, %dma_start3A_1002, %mul3A_1001, %dma_start3A_1009] : memref<200x8x256x128xf32, #tpu.memory_space<hbm>> -> memref<1x1x16x128xf32, #tpu.memory_space<hbm>>
      %dma_start3A_1011 = tpu.memref_squeeze %dma_start3A_1010 : memref<1x1x16x128xf32, #tpu.memory_space<hbm>> -> memref<16x128xf32, #tpu.memory_space<hbm>>
      %dma_start3A_1012 = arith.constant 64 : i32
      %dma_start3A_1013 = arith.constant 0 : i32
      %dma_start3A_1014 = tpu.memref_slice %arg7[%dma_start3A_1012, %dma_start3A_1013] : memref<256x129xf32, #tpu.memory_space<vmem>> -> memref<16x128xf32, #tpu.memory_space<vmem>>
      tpu.enqueue_dma source(%dma_start3A_1014 : memref<16x128xf32, #tpu.memory_space<vmem>>) target(%dma_start3A_1011 : memref<16x128xf32, #tpu.memory_space<hbm>>) target_semaphore(%arg12 : memref<!tpu.dma_semaphore, #tpu.memory_space<semaphore_mem>>)
      %mul3A_1015 = arith.constant 16 : i32
      %mul3A_1016 = arith.muli %mul3A_1015, %select_n3A_939 : i32
      %dma_start3A_1017 = arith.constant 5 : i32
      %dma_start3A_1018 = arith.constant 80 : i32
      %dma_start3A_1019 = arith.constant 0 : i32
      %dma_start3A_1020 = tpu.memref_slice %arg7[%dma_start3A_1018, %dma_start3A_1019] : memref<256x129xf32, #tpu.memory_space<vmem>> -> memref<16x128xf32, #tpu.memory_space<vmem>>
      %dma_start3A_1021 = arith.constant 0 : i32
      %dma_start3A_1022 = tpu.memref_slice %arg4[%select_n3A_923, %dma_start3A_1017, %mul3A_1016, %dma_start3A_1021] : memref<200x8x256x128xf32, #tpu.memory_space<hbm>> -> memref<1x1x16x128xf32, #tpu.memory_space<hbm>>
      %dma_start3A_1023 = tpu.memref_squeeze %dma_start3A_1022 : memref<1x1x16x128xf32, #tpu.memory_space<hbm>> -> memref<16x128xf32, #tpu.memory_space<hbm>>
      %dma_start3A_1024 = arith.constant 0 : i32
      %dma_start3A_1025 = tpu.memref_slice %arg4[%select_n3A_923, %dma_start3A_1017, %mul3A_1016, %dma_start3A_1024] : memref<200x8x256x128xf32, #tpu.memory_space<hbm>> -> memref<1x1x16x128xf32, #tpu.memory_space<hbm>>
      %dma_start3A_1026 = tpu.memref_squeeze %dma_start3A_1025 : memref<1x1x16x128xf32, #tpu.memory_space<hbm>> -> memref<16x128xf32, #tpu.memory_space<hbm>>
      %dma_start3A_1027 = arith.constant 80 : i32
      %dma_start3A_1028 = arith.constant 0 : i32
      %dma_start3A_1029 = tpu.memref_slice %arg7[%dma_start3A_1027, %dma_start3A_1028] : memref<256x129xf32, #tpu.memory_space<vmem>> -> memref<16x128xf32, #tpu.memory_space<vmem>>
      tpu.enqueue_dma source(%dma_start3A_1029 : memref<16x128xf32, #tpu.memory_space<vmem>>) target(%dma_start3A_1026 : memref<16x128xf32, #tpu.memory_space<hbm>>) target_semaphore(%arg12 : memref<!tpu.dma_semaphore, #tpu.memory_space<semaphore_mem>>)
      %mul3A_1030 = arith.constant 16 : i32
      %mul3A_1031 = arith.muli %mul3A_1030, %select_n3A_939 : i32
      %dma_start3A_1032 = arith.constant 6 : i32
      %dma_start3A_1033 = arith.constant 96 : i32
      %dma_start3A_1034 = arith.constant 0 : i32
      %dma_start3A_1035 = tpu.memref_slice %arg7[%dma_start3A_1033, %dma_start3A_1034] : memref<256x129xf32, #tpu.memory_space<vmem>> -> memref<16x128xf32, #tpu.memory_space<vmem>>
      %dma_start3A_1036 = arith.constant 0 : i32
      %dma_start3A_1037 = tpu.memref_slice %arg4[%select_n3A_923, %dma_start3A_1032, %mul3A_1031, %dma_start3A_1036] : memref<200x8x256x128xf32, #tpu.memory_space<hbm>> -> memref<1x1x16x128xf32, #tpu.memory_space<hbm>>
      %dma_start3A_1038 = tpu.memref_squeeze %dma_start3A_1037 : memref<1x1x16x128xf32, #tpu.memory_space<hbm>> -> memref<16x128xf32, #tpu.memory_space<hbm>>
      %dma_start3A_1039 = arith.constant 0 : i32
      %dma_start3A_1040 = tpu.memref_slice %arg4[%select_n3A_923, %dma_start3A_1032, %mul3A_1031, %dma_start3A_1039] : memref<200x8x256x128xf32, #tpu.memory_space<hbm>> -> memref<1x1x16x128xf32, #tpu.memory_space<hbm>>
      %dma_start3A_1041 = tpu.memref_squeeze %dma_start3A_1040 : memref<1x1x16x128xf32, #tpu.memory_space<hbm>> -> memref<16x128xf32, #tpu.memory_space<hbm>>
      %dma_start3A_1042 = arith.constant 96 : i32
      %dma_start3A_1043 = arith.constant 0 : i32
      %dma_start3A_1044 = tpu.memref_slice %arg7[%dma_start3A_1042, %dma_start3A_1043] : memref<256x129xf32, #tpu.memory_space<vmem>> -> memref<16x128xf32, #tpu.memory_space<vmem>>
      tpu.enqueue_dma source(%dma_start3A_1044 : memref<16x128xf32, #tpu.memory_space<vmem>>) target(%dma_start3A_1041 : memref<16x128xf32, #tpu.memory_space<hbm>>) target_semaphore(%arg12 : memref<!tpu.dma_semaphore, #tpu.memory_space<semaphore_mem>>)
      %mul3A_1045 = arith.constant 16 : i32
      %mul3A_1046 = arith.muli %mul3A_1045, %select_n3A_939 : i32
      %dma_start3A_1047 = arith.constant 7 : i32
      %dma_start3A_1048 = arith.constant 112 : i32
      %dma_start3A_1049 = arith.constant 0 : i32
      %dma_start3A_1050 = tpu.memref_slice %arg7[%dma_start3A_1048, %dma_start3A_1049] : memref<256x129xf32, #tpu.memory_space<vmem>> -> memref<16x128xf32, #tpu.memory_space<vmem>>
      %dma_start3A_1051 = arith.constant 0 : i32
      %dma_start3A_1052 = tpu.memref_slice %arg4[%select_n3A_923, %dma_start3A_1047, %mul3A_1046, %dma_start3A_1051] : memref<200x8x256x128xf32, #tpu.memory_space<hbm>> -> memref<1x1x16x128xf32, #tpu.memory_space<hbm>>
      %dma_start3A_1053 = tpu.memref_squeeze %dma_start3A_1052 : memref<1x1x16x128xf32, #tpu.memory_space<hbm>> -> memref<16x128xf32, #tpu.memory_space<hbm>>
      %dma_start3A_1054 = arith.constant 0 : i32
      %dma_start3A_1055 = tpu.memref_slice %arg4[%select_n3A_923, %dma_start3A_1047, %mul3A_1046, %dma_start3A_1054] : memref<200x8x256x128xf32, #tpu.memory_space<hbm>> -> memref<1x1x16x128xf32, #tpu.memory_space<hbm>>
      %dma_start3A_1056 = tpu.memref_squeeze %dma_start3A_1055 : memref<1x1x16x128xf32, #tpu.memory_space<hbm>> -> memref<16x128xf32, #tpu.memory_space<hbm>>
      %dma_start3A_1057 = arith.constant 112 : i32
      %dma_start3A_1058 = arith.constant 0 : i32
      %dma_start3A_1059 = tpu.memref_slice %arg7[%dma_start3A_1057, %dma_start3A_1058] : memref<256x129xf32, #tpu.memory_space<vmem>> -> memref<16x128xf32, #tpu.memory_space<vmem>>
      tpu.enqueue_dma source(%dma_start3A_1059 : memref<16x128xf32, #tpu.memory_space<vmem>>) target(%dma_start3A_1056 : memref<16x128xf32, #tpu.memory_space<hbm>>) target_semaphore(%arg12 : memref<!tpu.dma_semaphore, #tpu.memory_space<semaphore_mem>>)
      %mul3A_1060 = arith.constant 4 : i32
      %mul3A_1061 = arith.muli %scan3A_433, %mul3A_1060 : i32
      %add3A_1062 = arith.constant 3 : i32
      %add3A_1063 = arith.addi %mul3A_1061, %add3A_1062 : i32
      %add3A_1064 = arith.constant 2 : i32
      %add3A_1065 = arith.addi %add3A_1063, %add3A_1064 : i32
      %lt3A_1066 = arith.constant 100 : i32
      %lt3A_1067 = arith.cmpi slt, %add3A_1065, %lt3A_1066 : i32
      %convert_element_type3A_1068 = arith.extui %lt3A_1067 : i1 to i32
      %cond3A_1069 = arith.constant 0 : i32
      %cond3A_1070 = arith.cmpi ne, %convert_element_type3A_1068, %cond3A_1069 : i32
      scf.if %cond3A_1070 {
        %mul3A_1270 = arith.constant 2 : i32
        %mul3A_1271 = arith.muli %add3A_1065, %mul3A_1270 : i32
        %add3A_1272 = arith.constant 0 : i32
        %add3A_1273 = arith.addi %mul3A_1271, %add3A_1272 : i32
        %dma_start3A_1274 = arith.constant 1 : i32
        %dma_start3A_1275 = arith.constant 0 : i32
        %dma_start3A_1276 = arith.constant 0 : i32
        %dma_start3A_1277 = tpu.memref_slice %arg6[%dma_start3A_1274, %dma_start3A_1275, %dma_start3A_1276] : memref<4x256x64xf32, #tpu.memory_space<vmem>> -> memref<1x128x64xf32, #tpu.memory_space<vmem>>
        %dma_start3A_1278 = tpu.memref_squeeze %dma_start3A_1277 : memref<1x128x64xf32, #tpu.memory_space<vmem>> -> memref<128x64xf32, #tpu.memory_space<vmem>>
        %dma_start3A_1279 = arith.constant 0 : i32
        %dma_start3A_1280 = tpu.memref_slice %arg5[%add3A_1273, %dma_start3A_1279] : memref<200x128xi32, #tpu.memory_space<vmem>> -> memref<1x128xi32, #tpu.memory_space<vmem>>
        %dma_start3A_1281 = tpu.memref_squeeze %dma_start3A_1280 : memref<1x128xi32, #tpu.memory_space<vmem>> -> memref<128xi32, #tpu.memory_space<vmem>>
        %dma_start3A_1282 = arith.constant 0 : i32
        %dma_start3A_1283 = arith.constant 0 : i32
        %dma_start3A_1284 = tpu.memref_slice %arg3[%dma_start3A_1282, %dma_start3A_1283] : memref<1000000x64xf32, #tpu.memory_space<hbm>> -> memref<1000000x64xf32, #tpu.memory_space<hbm>>
        tpu.enqueue_indirect_dma source(%dma_start3A_1284 : memref<1000000x64xf32, #tpu.memory_space<hbm>>) target(%dma_start3A_1278 : memref<128x64xf32, #tpu.memory_space<vmem>>) offsets(%dma_start3A_1281 : memref<128xi32, #tpu.memory_space<vmem>>) semaphore(%arg9 : memref<!tpu.dma_semaphore, #tpu.memory_space<semaphore_mem>>)
        %mul3A_1285 = arith.constant 2 : i32
        %mul3A_1286 = arith.muli %add3A_1065, %mul3A_1285 : i32
        %add3A_1287 = arith.constant 1 : i32
        %add3A_1288 = arith.addi %mul3A_1286, %add3A_1287 : i32
        %dma_start3A_1289 = arith.constant 1 : i32
        %dma_start3A_1290 = arith.constant 128 : i32
        %dma_start3A_1291 = arith.constant 0 : i32
        %dma_start3A_1292 = tpu.memref_slice %arg6[%dma_start3A_1289, %dma_start3A_1290, %dma_start3A_1291] : memref<4x256x64xf32, #tpu.memory_space<vmem>> -> memref<1x128x64xf32, #tpu.memory_space<vmem>>
        %dma_start3A_1293 = tpu.memref_squeeze %dma_start3A_1292 : memref<1x128x64xf32, #tpu.memory_space<vmem>> -> memref<128x64xf32, #tpu.memory_space<vmem>>
        %dma_start3A_1294 = arith.constant 0 : i32
        %dma_start3A_1295 = tpu.memref_slice %arg5[%add3A_1288, %dma_start3A_1294] : memref<200x128xi32, #tpu.memory_space<vmem>> -> memref<1x128xi32, #tpu.memory_space<vmem>>
        %dma_start3A_1296 = tpu.memref_squeeze %dma_start3A_1295 : memref<1x128xi32, #tpu.memory_space<vmem>> -> memref<128xi32, #tpu.memory_space<vmem>>
        %dma_start3A_1297 = arith.constant 0 : i32
        %dma_start3A_1298 = arith.constant 0 : i32
        %dma_start3A_1299 = tpu.memref_slice %arg3[%dma_start3A_1297, %dma_start3A_1298] : memref<1000000x64xf32, #tpu.memory_space<hbm>> -> memref<1000000x64xf32, #tpu.memory_space<hbm>>
        tpu.enqueue_indirect_dma source(%dma_start3A_1299 : memref<1000000x64xf32, #tpu.memory_space<hbm>>) target(%dma_start3A_1293 : memref<128x64xf32, #tpu.memory_space<vmem>>) offsets(%dma_start3A_1296 : memref<128xi32, #tpu.memory_space<vmem>>) semaphore(%arg9 : memref<!tpu.dma_semaphore, #tpu.memory_space<semaphore_mem>>)
      } else {
      }
      %ge3A_1071 = arith.constant 2 : i32
      %ge3A_1072 = arith.cmpi sge, %add3A_1063, %ge3A_1071 : i32
      %convert_element_type3A_1073 = arith.extui %ge3A_1072 : i1 to i32
      %cond3A_1074 = arith.constant 0 : i32
      %cond3A_1075 = arith.cmpi ne, %convert_element_type3A_1073, %cond3A_1074 : i32
      scf.if %cond3A_1075 {
        %sub3A_1270 = arith.constant 2 : i32
        %sub3A_1271 = arith.subi %add3A_1063, %sub3A_1270 : i32
        %add3A_1272 = arith.addi %mul3A_2, %sub3A_1271 : i32
        %jit3A_1273 = arith.constant 16 : i32
        %div3A_1274 = arith.divsi %add3A_1272, %jit3A_1273 : i32
        %sign3A_1275 = arith.constant 0 : i32
        %sign3A_1276 = arith.cmpi sgt, %add3A_1272, %sign3A_1275 : i32
        %sign3A_1277 = arith.extui %sign3A_1276 : i1 to i32
        %sign3A_1278 = arith.constant 0 : i32
        %sign3A_1279 = arith.cmpi slt, %add3A_1272, %sign3A_1278 : i32
        %sign3A_1280 = arith.extui %sign3A_1279 : i1 to i32
        %sign3A_1281 = arith.subi %sign3A_1277, %sign3A_1280 : i32
        %sign3A_1282 = arith.constant 0 : i32
        %sign3A_1283 = arith.cmpi sgt, %jit3A_1273, %sign3A_1282 : i32
        %sign3A_1284 = arith.extui %sign3A_1283 : i1 to i32
        %sign3A_1285 = arith.constant 0 : i32
        %sign3A_1286 = arith.cmpi slt, %jit3A_1273, %sign3A_1285 : i32
        %sign3A_1287 = arith.extui %sign3A_1286 : i1 to i32
        %sign3A_1288 = arith.subi %sign3A_1284, %sign3A_1287 : i32
        %ne3A_1289 = arith.cmpi ne, %sign3A_1281, %sign3A_1288 : i32
        %rem3A_1290 = arith.remsi %add3A_1272, %jit3A_1273 : i32
        %ne3A_1291 = arith.constant 0 : i32
        %ne3A_1292 = arith.cmpi ne, %rem3A_1290, %ne3A_1291 : i32
        %and3A_1293 = arith.andi %ne3A_1289, %ne3A_1292 : i1
        %sub3A_1294 = arith.constant 1 : i32
        %sub3A_1295 = arith.subi %div3A_1274, %sub3A_1294 : i32
        %select_n3A_1296 = arith.select %and3A_1293, %sub3A_1295, %div3A_1274 : i32
        %jit3A_1297 = arith.constant 16 : i32
        %eq3A_1298 = arith.constant 0 : i32
        %eq3A_1299 = arith.cmpi eq, %jit3A_1297, %eq3A_1298 : i32
        %jit3A_1300 = arith.constant 1 : i32
        %select_n3A_1301 = arith.select %eq3A_1299, %jit3A_1300, %jit3A_1297 : i32
        %rem3A_1302 = arith.remsi %add3A_1272, %select_n3A_1301 : i32
        %ne3A_1303 = arith.constant 0 : i32
        %ne3A_1304 = arith.cmpi ne, %rem3A_1302, %ne3A_1303 : i32
        %lt3A_1305 = arith.constant 0 : i32
        %lt3A_1306 = arith.cmpi slt, %rem3A_1302, %lt3A_1305 : i32
        %lt3A_1307 = arith.constant 0 : i32
        %lt3A_1308 = arith.cmpi slt, %select_n3A_1301, %lt3A_1307 : i32
        %ne3A_1309 = arith.xori %lt3A_1306, %lt3A_1308 : i1
        %and3A_1310 = arith.andi %ne3A_1309, %ne3A_1304 : i1
        %add3A_1311 = arith.addi %rem3A_1302, %select_n3A_1301 : i32
        %select_n3A_1312 = arith.select %and3A_1310, %add3A_1311, %rem3A_1302 : i32
        %mul3A_1313 = arith.constant 16 : i32
        %mul3A_1314 = arith.muli %mul3A_1313, %select_n3A_1312 : i32
        %dma_wait3A_1315 = arith.constant 0 : i32
        %dma_wait3A_1316 = arith.constant 128 : i32
        %dma_wait3A_1317 = arith.constant 0 : i32
        %dma_wait3A_1318 = tpu.memref_slice %arg7[%dma_wait3A_1316, %dma_wait3A_1317] : memref<256x129xf32, #tpu.memory_space<vmem>> -> memref<16x128xf32, #tpu.memory_space<vmem>>
        %dma_wait3A_1319 = arith.constant 0 : i32
        %dma_wait3A_1320 = tpu.memref_slice %arg4[%select_n3A_1296, %dma_wait3A_1315, %mul3A_1314, %dma_wait3A_1319] : memref<200x8x256x128xf32, #tpu.memory_space<hbm>> -> memref<1x1x16x128xf32, #tpu.memory_space<hbm>>
        %dma_wait3A_1321 = tpu.memref_squeeze %dma_wait3A_1320 : memref<1x1x16x128xf32, #tpu.memory_space<hbm>> -> memref<16x128xf32, #tpu.memory_space<hbm>>
        %dma_wait3A_1322 = arith.constant 0 : i32
        %dma_wait3A_1323 = tpu.memref_slice %arg4[%select_n3A_1296, %dma_wait3A_1315, %mul3A_1314, %dma_wait3A_1322] : memref<200x8x256x128xf32, #tpu.memory_space<hbm>> -> memref<1x1x16x128xf32, #tpu.memory_space<hbm>>
        %dma_wait3A_1324 = tpu.memref_squeeze %dma_wait3A_1323 : memref<1x1x16x128xf32, #tpu.memory_space<hbm>> -> memref<16x128xf32, #tpu.memory_space<hbm>>
        %dma_wait3A_1325 = arith.constant 128 : i32
        %dma_wait3A_1326 = arith.constant 0 : i32
        %dma_wait3A_1327 = tpu.memref_slice %arg7[%dma_wait3A_1325, %dma_wait3A_1326] : memref<256x129xf32, #tpu.memory_space<vmem>> -> memref<16x128xf32, #tpu.memory_space<vmem>>
        tpu.wait_dma2 semaphore(%arg13 : memref<!tpu.dma_semaphore, #tpu.memory_space<semaphore_mem>>) src(%dma_wait3A_1327 : memref<16x128xf32, #tpu.memory_space<vmem>>) dst(%dma_wait3A_1324 : memref<16x128xf32, #tpu.memory_space<hbm>>)
        %mul3A_1328 = arith.constant 16 : i32
        %mul3A_1329 = arith.muli %mul3A_1328, %select_n3A_1312 : i32
        %dma_wait3A_1330 = arith.constant 1 : i32
        %dma_wait3A_1331 = arith.constant 144 : i32
        %dma_wait3A_1332 = arith.constant 0 : i32
        %dma_wait3A_1333 = tpu.memref_slice %arg7[%dma_wait3A_1331, %dma_wait3A_1332] : memref<256x129xf32, #tpu.memory_space<vmem>> -> memref<16x128xf32, #tpu.memory_space<vmem>>
        %dma_wait3A_1334 = arith.constant 0 : i32
        %dma_wait3A_1335 = tpu.memref_slice %arg4[%select_n3A_1296, %dma_wait3A_1330, %mul3A_1329, %dma_wait3A_1334] : memref<200x8x256x128xf32, #tpu.memory_space<hbm>> -> memref<1x1x16x128xf32, #tpu.memory_space<hbm>>
        %dma_wait3A_1336 = tpu.memref_squeeze %dma_wait3A_1335 : memref<1x1x16x128xf32, #tpu.memory_space<hbm>> -> memref<16x128xf32, #tpu.memory_space<hbm>>
        %dma_wait3A_1337 = arith.constant 0 : i32
        %dma_wait3A_1338 = tpu.memref_slice %arg4[%select_n3A_1296, %dma_wait3A_1330, %mul3A_1329, %dma_wait3A_1337] : memref<200x8x256x128xf32, #tpu.memory_space<hbm>> -> memref<1x1x16x128xf32, #tpu.memory_space<hbm>>
        %dma_wait3A_1339 = tpu.memref_squeeze %dma_wait3A_1338 : memref<1x1x16x128xf32, #tpu.memory_space<hbm>> -> memref<16x128xf32, #tpu.memory_space<hbm>>
        %dma_wait3A_1340 = arith.constant 144 : i32
        %dma_wait3A_1341 = arith.constant 0 : i32
        %dma_wait3A_1342 = tpu.memref_slice %arg7[%dma_wait3A_1340, %dma_wait3A_1341] : memref<256x129xf32, #tpu.memory_space<vmem>> -> memref<16x128xf32, #tpu.memory_space<vmem>>
        tpu.wait_dma2 semaphore(%arg13 : memref<!tpu.dma_semaphore, #tpu.memory_space<semaphore_mem>>) src(%dma_wait3A_1342 : memref<16x128xf32, #tpu.memory_space<vmem>>) dst(%dma_wait3A_1339 : memref<16x128xf32, #tpu.memory_space<hbm>>)
        %mul3A_1343 = arith.constant 16 : i32
        %mul3A_1344 = arith.muli %mul3A_1343, %select_n3A_1312 : i32
        %dma_wait3A_1345 = arith.constant 2 : i32
        %dma_wait3A_1346 = arith.constant 160 : i32
        %dma_wait3A_1347 = arith.constant 0 : i32
        %dma_wait3A_1348 = tpu.memref_slice %arg7[%dma_wait3A_1346, %dma_wait3A_1347] : memref<256x129xf32, #tpu.memory_space<vmem>> -> memref<16x128xf32, #tpu.memory_space<vmem>>
        %dma_wait3A_1349 = arith.constant 0 : i32
        %dma_wait3A_1350 = tpu.memref_slice %arg4[%select_n3A_1296, %dma_wait3A_1345, %mul3A_1344, %dma_wait3A_1349] : memref<200x8x256x128xf32, #tpu.memory_space<hbm>> -> memref<1x1x16x128xf32, #tpu.memory_space<hbm>>
        %dma_wait3A_1351 = tpu.memref_squeeze %dma_wait3A_1350 : memref<1x1x16x128xf32, #tpu.memory_space<hbm>> -> memref<16x128xf32, #tpu.memory_space<hbm>>
        %dma_wait3A_1352 = arith.constant 0 : i32
        %dma_wait3A_1353 = tpu.memref_slice %arg4[%select_n3A_1296, %dma_wait3A_1345, %mul3A_1344, %dma_wait3A_1352] : memref<200x8x256x128xf32, #tpu.memory_space<hbm>> -> memref<1x1x16x128xf32, #tpu.memory_space<hbm>>
        %dma_wait3A_1354 = tpu.memref_squeeze %dma_wait3A_1353 : memref<1x1x16x128xf32, #tpu.memory_space<hbm>> -> memref<16x128xf32, #tpu.memory_space<hbm>>
        %dma_wait3A_1355 = arith.constant 160 : i32
        %dma_wait3A_1356 = arith.constant 0 : i32
        %dma_wait3A_1357 = tpu.memref_slice %arg7[%dma_wait3A_1355, %dma_wait3A_1356] : memref<256x129xf32, #tpu.memory_space<vmem>> -> memref<16x128xf32, #tpu.memory_space<vmem>>
        tpu.wait_dma2 semaphore(%arg13 : memref<!tpu.dma_semaphore, #tpu.memory_space<semaphore_mem>>) src(%dma_wait3A_1357 : memref<16x128xf32, #tpu.memory_space<vmem>>) dst(%dma_wait3A_1354 : memref<16x128xf32, #tpu.memory_space<hbm>>)
        %mul3A_1358 = arith.constant 16 : i32
        %mul3A_1359 = arith.muli %mul3A_1358, %select_n3A_1312 : i32
        %dma_wait3A_1360 = arith.constant 3 : i32
        %dma_wait3A_1361 = arith.constant 176 : i32
        %dma_wait3A_1362 = arith.constant 0 : i32
        %dma_wait3A_1363 = tpu.memref_slice %arg7[%dma_wait3A_1361, %dma_wait3A_1362] : memref<256x129xf32, #tpu.memory_space<vmem>> -> memref<16x128xf32, #tpu.memory_space<vmem>>
        %dma_wait3A_1364 = arith.constant 0 : i32
        %dma_wait3A_1365 = tpu.memref_slice %arg4[%select_n3A_1296, %dma_wait3A_1360, %mul3A_1359, %dma_wait3A_1364] : memref<200x8x256x128xf32, #tpu.memory_space<hbm>> -> memref<1x1x16x128xf32, #tpu.memory_space<hbm>>
        %dma_wait3A_1366 = tpu.memref_squeeze %dma_wait3A_1365 : memref<1x1x16x128xf32, #tpu.memory_space<hbm>> -> memref<16x128xf32, #tpu.memory_space<hbm>>
        %dma_wait3A_1367 = arith.constant 0 : i32
        %dma_wait3A_1368 = tpu.memref_slice %arg4[%select_n3A_1296, %dma_wait3A_1360, %mul3A_1359, %dma_wait3A_1367] : memref<200x8x256x128xf32, #tpu.memory_space<hbm>> -> memref<1x1x16x128xf32, #tpu.memory_space<hbm>>
        %dma_wait3A_1369 = tpu.memref_squeeze %dma_wait3A_1368 : memref<1x1x16x128xf32, #tpu.memory_space<hbm>> -> memref<16x128xf32, #tpu.memory_space<hbm>>
        %dma_wait3A_1370 = arith.constant 176 : i32
        %dma_wait3A_1371 = arith.constant 0 : i32
        %dma_wait3A_1372 = tpu.memref_slice %arg7[%dma_wait3A_1370, %dma_wait3A_1371] : memref<256x129xf32, #tpu.memory_space<vmem>> -> memref<16x128xf32, #tpu.memory_space<vmem>>
        tpu.wait_dma2 semaphore(%arg13 : memref<!tpu.dma_semaphore, #tpu.memory_space<semaphore_mem>>) src(%dma_wait3A_1372 : memref<16x128xf32, #tpu.memory_space<vmem>>) dst(%dma_wait3A_1369 : memref<16x128xf32, #tpu.memory_space<hbm>>)
        %mul3A_1373 = arith.constant 16 : i32
        %mul3A_1374 = arith.muli %mul3A_1373, %select_n3A_1312 : i32
        %dma_wait3A_1375 = arith.constant 4 : i32
        %dma_wait3A_1376 = arith.constant 192 : i32
        %dma_wait3A_1377 = arith.constant 0 : i32
        %dma_wait3A_1378 = tpu.memref_slice %arg7[%dma_wait3A_1376, %dma_wait3A_1377] : memref<256x129xf32, #tpu.memory_space<vmem>> -> memref<16x128xf32, #tpu.memory_space<vmem>>
        %dma_wait3A_1379 = arith.constant 0 : i32
        %dma_wait3A_1380 = tpu.memref_slice %arg4[%select_n3A_1296, %dma_wait3A_1375, %mul3A_1374, %dma_wait3A_1379] : memref<200x8x256x128xf32, #tpu.memory_space<hbm>> -> memref<1x1x16x128xf32, #tpu.memory_space<hbm>>
        %dma_wait3A_1381 = tpu.memref_squeeze %dma_wait3A_1380 : memref<1x1x16x128xf32, #tpu.memory_space<hbm>> -> memref<16x128xf32, #tpu.memory_space<hbm>>
        %dma_wait3A_1382 = arith.constant 0 : i32
        %dma_wait3A_1383 = tpu.memref_slice %arg4[%select_n3A_1296, %dma_wait3A_1375, %mul3A_1374, %dma_wait3A_1382] : memref<200x8x256x128xf32, #tpu.memory_space<hbm>> -> memref<1x1x16x128xf32, #tpu.memory_space<hbm>>
        %dma_wait3A_1384 = tpu.memref_squeeze %dma_wait3A_1383 : memref<1x1x16x128xf32, #tpu.memory_space<hbm>> -> memref<16x128xf32, #tpu.memory_space<hbm>>
        %dma_wait3A_1385 = arith.constant 192 : i32
        %dma_wait3A_1386 = arith.constant 0 : i32
        %dma_wait3A_1387 = tpu.memref_slice %arg7[%dma_wait3A_1385, %dma_wait3A_1386] : memref<256x129xf32, #tpu.memory_space<vmem>> -> memref<16x128xf32, #tpu.memory_space<vmem>>
        tpu.wait_dma2 semaphore(%arg13 : memref<!tpu.dma_semaphore, #tpu.memory_space<semaphore_mem>>) src(%dma_wait3A_1387 : memref<16x128xf32, #tpu.memory_space<vmem>>) dst(%dma_wait3A_1384 : memref<16x128xf32, #tpu.memory_space<hbm>>)
        %mul3A_1388 = arith.constant 16 : i32
        %mul3A_1389 = arith.muli %mul3A_1388, %select_n3A_1312 : i32
        %dma_wait3A_1390 = arith.constant 5 : i32
        %dma_wait3A_1391 = arith.constant 208 : i32
        %dma_wait3A_1392 = arith.constant 0 : i32
        %dma_wait3A_1393 = tpu.memref_slice %arg7[%dma_wait3A_1391, %dma_wait3A_1392] : memref<256x129xf32, #tpu.memory_space<vmem>> -> memref<16x128xf32, #tpu.memory_space<vmem>>
        %dma_wait3A_1394 = arith.constant 0 : i32
        %dma_wait3A_1395 = tpu.memref_slice %arg4[%select_n3A_1296, %dma_wait3A_1390, %mul3A_1389, %dma_wait3A_1394] : memref<200x8x256x128xf32, #tpu.memory_space<hbm>> -> memref<1x1x16x128xf32, #tpu.memory_space<hbm>>
        %dma_wait3A_1396 = tpu.memref_squeeze %dma_wait3A_1395 : memref<1x1x16x128xf32, #tpu.memory_space<hbm>> -> memref<16x128xf32, #tpu.memory_space<hbm>>
        %dma_wait3A_1397 = arith.constant 0 : i32
        %dma_wait3A_1398 = tpu.memref_slice %arg4[%select_n3A_1296, %dma_wait3A_1390, %mul3A_1389, %dma_wait3A_1397] : memref<200x8x256x128xf32, #tpu.memory_space<hbm>> -> memref<1x1x16x128xf32, #tpu.memory_space<hbm>>
        %dma_wait3A_1399 = tpu.memref_squeeze %dma_wait3A_1398 : memref<1x1x16x128xf32, #tpu.memory_space<hbm>> -> memref<16x128xf32, #tpu.memory_space<hbm>>
        %dma_wait3A_1400 = arith.constant 208 : i32
        %dma_wait3A_1401 = arith.constant 0 : i32
        %dma_wait3A_1402 = tpu.memref_slice %arg7[%dma_wait3A_1400, %dma_wait3A_1401] : memref<256x129xf32, #tpu.memory_space<vmem>> -> memref<16x128xf32, #tpu.memory_space<vmem>>
        tpu.wait_dma2 semaphore(%arg13 : memref<!tpu.dma_semaphore, #tpu.memory_space<semaphore_mem>>) src(%dma_wait3A_1402 : memref<16x128xf32, #tpu.memory_space<vmem>>) dst(%dma_wait3A_1399 : memref<16x128xf32, #tpu.memory_space<hbm>>)
        %mul3A_1403 = arith.constant 16 : i32
        %mul3A_1404 = arith.muli %mul3A_1403, %select_n3A_1312 : i32
        %dma_wait3A_1405 = arith.constant 6 : i32
        %dma_wait3A_1406 = arith.constant 224 : i32
        %dma_wait3A_1407 = arith.constant 0 : i32
        %dma_wait3A_1408 = tpu.memref_slice %arg7[%dma_wait3A_1406, %dma_wait3A_1407] : memref<256x129xf32, #tpu.memory_space<vmem>> -> memref<16x128xf32, #tpu.memory_space<vmem>>
        %dma_wait3A_1409 = arith.constant 0 : i32
        %dma_wait3A_1410 = tpu.memref_slice %arg4[%select_n3A_1296, %dma_wait3A_1405, %mul3A_1404, %dma_wait3A_1409] : memref<200x8x256x128xf32, #tpu.memory_space<hbm>> -> memref<1x1x16x128xf32, #tpu.memory_space<hbm>>
        %dma_wait3A_1411 = tpu.memref_squeeze %dma_wait3A_1410 : memref<1x1x16x128xf32, #tpu.memory_space<hbm>> -> memref<16x128xf32, #tpu.memory_space<hbm>>
        %dma_wait3A_1412 = arith.constant 0 : i32
        %dma_wait3A_1413 = tpu.memref_slice %arg4[%select_n3A_1296, %dma_wait3A_1405, %mul3A_1404, %dma_wait3A_1412] : memref<200x8x256x128xf32, #tpu.memory_space<hbm>> -> memref<1x1x16x128xf32, #tpu.memory_space<hbm>>
        %dma_wait3A_1414 = tpu.memref_squeeze %dma_wait3A_1413 : memref<1x1x16x128xf32, #tpu.memory_space<hbm>> -> memref<16x128xf32, #tpu.memory_space<hbm>>
        %dma_wait3A_1415 = arith.constant 224 : i32
        %dma_wait3A_1416 = arith.constant 0 : i32
        %dma_wait3A_1417 = tpu.memref_slice %arg7[%dma_wait3A_1415, %dma_wait3A_1416] : memref<256x129xf32, #tpu.memory_space<vmem>> -> memref<16x128xf32, #tpu.memory_space<vmem>>
        tpu.wait_dma2 semaphore(%arg13 : memref<!tpu.dma_semaphore, #tpu.memory_space<semaphore_mem>>) src(%dma_wait3A_1417 : memref<16x128xf32, #tpu.memory_space<vmem>>) dst(%dma_wait3A_1414 : memref<16x128xf32, #tpu.memory_space<hbm>>)
        %mul3A_1418 = arith.constant 16 : i32
        %mul3A_1419 = arith.muli %mul3A_1418, %select_n3A_1312 : i32
        %dma_wait3A_1420 = arith.constant 7 : i32
        %dma_wait3A_1421 = arith.constant 240 : i32
        %dma_wait3A_1422 = arith.constant 0 : i32
        %dma_wait3A_1423 = tpu.memref_slice %arg7[%dma_wait3A_1421, %dma_wait3A_1422] : memref<256x129xf32, #tpu.memory_space<vmem>> -> memref<16x128xf32, #tpu.memory_space<vmem>>
        %dma_wait3A_1424 = arith.constant 0 : i32
        %dma_wait3A_1425 = tpu.memref_slice %arg4[%select_n3A_1296, %dma_wait3A_1420, %mul3A_1419, %dma_wait3A_1424] : memref<200x8x256x128xf32, #tpu.memory_space<hbm>> -> memref<1x1x16x128xf32, #tpu.memory_space<hbm>>
        %dma_wait3A_1426 = tpu.memref_squeeze %dma_wait3A_1425 : memref<1x1x16x128xf32, #tpu.memory_space<hbm>> -> memref<16x128xf32, #tpu.memory_space<hbm>>
        %dma_wait3A_1427 = arith.constant 0 : i32
        %dma_wait3A_1428 = tpu.memref_slice %arg4[%select_n3A_1296, %dma_wait3A_1420, %mul3A_1419, %dma_wait3A_1427] : memref<200x8x256x128xf32, #tpu.memory_space<hbm>> -> memref<1x1x16x128xf32, #tpu.memory_space<hbm>>
        %dma_wait3A_1429 = tpu.memref_squeeze %dma_wait3A_1428 : memref<1x1x16x128xf32, #tpu.memory_space<hbm>> -> memref<16x128xf32, #tpu.memory_space<hbm>>
        %dma_wait3A_1430 = arith.constant 240 : i32
        %dma_wait3A_1431 = arith.constant 0 : i32
        %dma_wait3A_1432 = tpu.memref_slice %arg7[%dma_wait3A_1430, %dma_wait3A_1431] : memref<256x129xf32, #tpu.memory_space<vmem>> -> memref<16x128xf32, #tpu.memory_space<vmem>>
        tpu.wait_dma2 semaphore(%arg13 : memref<!tpu.dma_semaphore, #tpu.memory_space<semaphore_mem>>) src(%dma_wait3A_1432 : memref<16x128xf32, #tpu.memory_space<vmem>>) dst(%dma_wait3A_1429 : memref<16x128xf32, #tpu.memory_space<hbm>>)
      } else {
      }
      %mul3A_1076 = arith.constant 2 : i32
      %mul3A_1077 = arith.muli %add3A_1063, %mul3A_1076 : i32
      %add3A_1078 = arith.constant 0 : i32
      %add3A_1079 = arith.addi %mul3A_1077, %add3A_1078 : i32
      %dma_wait3A_1080 = arith.constant 3 : i32
      %dma_wait3A_1081 = arith.constant 0 : i32
      %dma_wait3A_1082 = arith.constant 0 : i32
      %dma_wait3A_1083 = tpu.memref_slice %arg6[%dma_wait3A_1080, %dma_wait3A_1081, %dma_wait3A_1082] : memref<4x256x64xf32, #tpu.memory_space<vmem>> -> memref<1x128x64xf32, #tpu.memory_space<vmem>>
      %dma_wait3A_1084 = tpu.memref_squeeze %dma_wait3A_1083 : memref<1x128x64xf32, #tpu.memory_space<vmem>> -> memref<128x64xf32, #tpu.memory_space<vmem>>
      %dma_wait3A_1085 = arith.constant 0 : i32
      %dma_wait3A_1086 = tpu.memref_slice %arg5[%add3A_1079, %dma_wait3A_1085] : memref<200x128xi32, #tpu.memory_space<vmem>> -> memref<1x128xi32, #tpu.memory_space<vmem>>
      %dma_wait3A_1087 = tpu.memref_squeeze %dma_wait3A_1086 : memref<1x128xi32, #tpu.memory_space<vmem>> -> memref<128xi32, #tpu.memory_space<vmem>>
      %dma_wait3A_1088 = arith.constant 0 : i32
      %dma_wait3A_1089 = arith.constant 0 : i32
      %dma_wait3A_1090 = tpu.memref_slice %arg3[%dma_wait3A_1088, %dma_wait3A_1089] : memref<1000000x64xf32, #tpu.memory_space<hbm>> -> memref<1000000x64xf32, #tpu.memory_space<hbm>>
      tpu.wait_indirect_dma semaphore(%arg11 : memref<!tpu.dma_semaphore, #tpu.memory_space<semaphore_mem>>) src(%dma_wait3A_1090 : memref<1000000x64xf32, #tpu.memory_space<hbm>>) dst(%dma_wait3A_1084 : memref<128x64xf32, #tpu.memory_space<vmem>>)
      %mul3A_1091 = arith.constant 2 : i32
      %mul3A_1092 = arith.muli %add3A_1063, %mul3A_1091 : i32
      %add3A_1093 = arith.constant 1 : i32
      %add3A_1094 = arith.addi %mul3A_1092, %add3A_1093 : i32
      %dma_wait3A_1095 = arith.constant 3 : i32
      %dma_wait3A_1096 = arith.constant 128 : i32
      %dma_wait3A_1097 = arith.constant 0 : i32
      %dma_wait3A_1098 = tpu.memref_slice %arg6[%dma_wait3A_1095, %dma_wait3A_1096, %dma_wait3A_1097] : memref<4x256x64xf32, #tpu.memory_space<vmem>> -> memref<1x128x64xf32, #tpu.memory_space<vmem>>
      %dma_wait3A_1099 = tpu.memref_squeeze %dma_wait3A_1098 : memref<1x128x64xf32, #tpu.memory_space<vmem>> -> memref<128x64xf32, #tpu.memory_space<vmem>>
      %dma_wait3A_1100 = arith.constant 0 : i32
      %dma_wait3A_1101 = tpu.memref_slice %arg5[%add3A_1094, %dma_wait3A_1100] : memref<200x128xi32, #tpu.memory_space<vmem>> -> memref<1x128xi32, #tpu.memory_space<vmem>>
      %dma_wait3A_1102 = tpu.memref_squeeze %dma_wait3A_1101 : memref<1x128xi32, #tpu.memory_space<vmem>> -> memref<128xi32, #tpu.memory_space<vmem>>
      %dma_wait3A_1103 = arith.constant 0 : i32
      %dma_wait3A_1104 = arith.constant 0 : i32
      %dma_wait3A_1105 = tpu.memref_slice %arg3[%dma_wait3A_1103, %dma_wait3A_1104] : memref<1000000x64xf32, #tpu.memory_space<hbm>> -> memref<1000000x64xf32, #tpu.memory_space<hbm>>
      tpu.wait_indirect_dma semaphore(%arg11 : memref<!tpu.dma_semaphore, #tpu.memory_space<semaphore_mem>>) src(%dma_wait3A_1105 : memref<1000000x64xf32, #tpu.memory_space<hbm>>) dst(%dma_wait3A_1099 : memref<128x64xf32, #tpu.memory_space<vmem>>)
      %parallel_loop3A_1106 = arith.constant 0 : i32
      %parallel_loop3A_1107 = arith.constant 256 : i32
      %parallel_loop3A_1108 = arith.constant 1 : i32
      scf.for %parallel_loop3A_1270 = %parallel_loop3A_1106 to %parallel_loop3A_1107 step %parallel_loop3A_1108  : i32 {
        %parallel_loop3A_1271 = arith.constant 7 : i32
        %parallel_loop3A_1272 = arith.shrui %parallel_loop3A_1270, %parallel_loop3A_1271 : i32
        %parallel_loop3A_1273 = arith.constant 8 : i32
        %parallel_loop3A_1274 = arith.muli %parallel_loop3A_1272, %parallel_loop3A_1273 : i32
        %parallel_loop3A_1275 = arith.constant 128 : i32
        %parallel_loop3A_1276 = arith.addi %parallel_loop3A_1275, %parallel_loop3A_1274 : i32
        %parallel_loop3A_1277 = vector.broadcast %parallel_loop3A_1276 : i32 to vector<16xi32>
        %parallel_loop3A_1278 = arith.constant 127 : i32
        %parallel_loop3A_1279 = arith.andi %parallel_loop3A_1270, %parallel_loop3A_1278 : i32
        %parallel_loop3A_1280 = vector.broadcast %parallel_loop3A_1279 : i32 to vector<16xi32>
        %parallel_loop3A_1281 = arith.constant 3 : i32
        %parallel_loop3A_1282 = arith.index_cast %parallel_loop3A_1281 : i32 to index
        %parallel_loop3A_1283 = arith.index_cast %parallel_loop3A_1270 : i32 to index
        %parallel_loop3A_1284 = arith.constant 0 : index
        %parallel_loop3A_1285 = tpu.vector_load %arg6[%parallel_loop3A_1282, %parallel_loop3A_1283, %parallel_loop3A_1284] {strides = array<i32>} : memref<4x256x64xf32, #tpu.memory_space<vmem>>, vector<16xf32>,
        %parallel_loop3A_1286 = arith.constant 8.000000e+00 : f32
        %parallel_loop3A_1287 = vector.broadcast %parallel_loop3A_1286 : f32 to vector<16xf32>
        %parallel_loop3A_1288 = arith.mulf %parallel_loop3A_1285, %parallel_loop3A_1287 : vector<16xf32>
        %parallel_loop3A_1289 = arith.addi %add3A_18, %parallel_loop3A_1277 : vector<16xi32>
        tpu.vector_store_idx %arg7[%parallel_loop3A_1289, %parallel_loop3A_1280], %parallel_loop3A_1288 : memref<256x129xf32, #tpu.memory_space<vmem>>[vector<16xi32>, vector<16xi32>], vector<16xf32>,
        %parallel_loop3A_1290 = arith.constant 3 : i32
        %parallel_loop3A_1291 = arith.index_cast %parallel_loop3A_1290 : i32 to index
        %parallel_loop3A_1292 = arith.index_cast %parallel_loop3A_1270 : i32 to index
        %parallel_loop3A_1293 = arith.constant 16 : index
        %parallel_loop3A_1294 = tpu.vector_load %arg6[%parallel_loop3A_1291, %parallel_loop3A_1292, %parallel_loop3A_1293] {strides = array<i32>} : memref<4x256x64xf32, #tpu.memory_space<vmem>>, vector<16xf32>,
        %parallel_loop3A_1295 = arith.constant 8.000000e+00 : f32
        %parallel_loop3A_1296 = vector.broadcast %parallel_loop3A_1295 : f32 to vector<16xf32>
        %parallel_loop3A_1297 = arith.mulf %parallel_loop3A_1294, %parallel_loop3A_1296 : vector<16xf32>
        %parallel_loop3A_1298 = arith.addi %add3A_34, %parallel_loop3A_1277 : vector<16xi32>
        tpu.vector_store_idx %arg7[%parallel_loop3A_1298, %parallel_loop3A_1280], %parallel_loop3A_1297 : memref<256x129xf32, #tpu.memory_space<vmem>>[vector<16xi32>, vector<16xi32>], vector<16xf32>,
        %parallel_loop3A_1299 = arith.constant 3 : i32
        %parallel_loop3A_1300 = arith.index_cast %parallel_loop3A_1299 : i32 to index
        %parallel_loop3A_1301 = arith.index_cast %parallel_loop3A_1270 : i32 to index
        %parallel_loop3A_1302 = arith.constant 32 : index
        %parallel_loop3A_1303 = tpu.vector_load %arg6[%parallel_loop3A_1300, %parallel_loop3A_1301, %parallel_loop3A_1302] {strides = array<i32>} : memref<4x256x64xf32, #tpu.memory_space<vmem>>, vector<16xf32>,
        %parallel_loop3A_1304 = arith.constant 8.000000e+00 : f32
        %parallel_loop3A_1305 = vector.broadcast %parallel_loop3A_1304 : f32 to vector<16xf32>
        %parallel_loop3A_1306 = arith.mulf %parallel_loop3A_1303, %parallel_loop3A_1305 : vector<16xf32>
        %parallel_loop3A_1307 = arith.addi %add3A_50, %parallel_loop3A_1277 : vector<16xi32>
        tpu.vector_store_idx %arg7[%parallel_loop3A_1307, %parallel_loop3A_1280], %parallel_loop3A_1306 : memref<256x129xf32, #tpu.memory_space<vmem>>[vector<16xi32>, vector<16xi32>], vector<16xf32>,
        %parallel_loop3A_1308 = arith.constant 3 : i32
        %parallel_loop3A_1309 = arith.index_cast %parallel_loop3A_1308 : i32 to index
        %parallel_loop3A_1310 = arith.index_cast %parallel_loop3A_1270 : i32 to index
        %parallel_loop3A_1311 = arith.constant 48 : index
        %parallel_loop3A_1312 = tpu.vector_load %arg6[%parallel_loop3A_1309, %parallel_loop3A_1310, %parallel_loop3A_1311] {strides = array<i32>} : memref<4x256x64xf32, #tpu.memory_space<vmem>>, vector<16xf32>,
        %parallel_loop3A_1313 = arith.constant 8.000000e+00 : f32
        %parallel_loop3A_1314 = vector.broadcast %parallel_loop3A_1313 : f32 to vector<16xf32>
        %parallel_loop3A_1315 = arith.mulf %parallel_loop3A_1312, %parallel_loop3A_1314 : vector<16xf32>
        %parallel_loop3A_1316 = arith.addi %add3A_66, %parallel_loop3A_1277 : vector<16xi32>
        tpu.vector_store_idx %arg7[%parallel_loop3A_1316, %parallel_loop3A_1280], %parallel_loop3A_1315 : memref<256x129xf32, #tpu.memory_space<vmem>>[vector<16xi32>, vector<16xi32>], vector<16xf32>,
      } {sc.loop_unroll_factor = 8 : i64, sc.parallel_access}
      %add3A_1109 = arith.addi %mul3A_2, %add3A_1063 : i32
      %jit3A_1110 = arith.constant 16 : i32
      %div3A_1111 = arith.divsi %add3A_1109, %jit3A_1110 : i32
      %sign3A_1112 = arith.constant 0 : i32
      %sign3A_1113 = arith.cmpi sgt, %add3A_1109, %sign3A_1112 : i32
      %sign3A_1114 = arith.extui %sign3A_1113 : i1 to i32
      %sign3A_1115 = arith.constant 0 : i32
      %sign3A_1116 = arith.cmpi slt, %add3A_1109, %sign3A_1115 : i32
      %sign3A_1117 = arith.extui %sign3A_1116 : i1 to i32
      %sign3A_1118 = arith.subi %sign3A_1114, %sign3A_1117 : i32
      %sign3A_1119 = arith.constant 0 : i32
      %sign3A_1120 = arith.cmpi sgt, %jit3A_1110, %sign3A_1119 : i32
      %sign3A_1121 = arith.extui %sign3A_1120 : i1 to i32
      %sign3A_1122 = arith.constant 0 : i32
      %sign3A_1123 = arith.cmpi slt, %jit3A_1110, %sign3A_1122 : i32
      %sign3A_1124 = arith.extui %sign3A_1123 : i1 to i32
      %sign3A_1125 = arith.subi %sign3A_1121, %sign3A_1124 : i32
      %ne3A_1126 = arith.cmpi ne, %sign3A_1118, %sign3A_1125 : i32
      %rem3A_1127 = arith.remsi %add3A_1109, %jit3A_1110 : i32
      %ne3A_1128 = arith.constant 0 : i32
      %ne3A_1129 = arith.cmpi ne, %rem3A_1127, %ne3A_1128 : i32
      %and3A_1130 = arith.andi %ne3A_1126, %ne3A_1129 : i1
      %sub3A_1131 = arith.constant 1 : i32
      %sub3A_1132 = arith.subi %div3A_1111, %sub3A_1131 : i32
      %select_n3A_1133 = arith.select %and3A_1130, %sub3A_1132, %div3A_1111 : i32
      %jit3A_1134 = arith.constant 16 : i32
      %eq3A_1135 = arith.constant 0 : i32
      %eq3A_1136 = arith.cmpi eq, %jit3A_1134, %eq3A_1135 : i32
      %jit3A_1137 = arith.constant 1 : i32
      %select_n3A_1138 = arith.select %eq3A_1136, %jit3A_1137, %jit3A_1134 : i32
      %rem3A_1139 = arith.remsi %add3A_1109, %select_n3A_1138 : i32
      %ne3A_1140 = arith.constant 0 : i32
      %ne3A_1141 = arith.cmpi ne, %rem3A_1139, %ne3A_1140 : i32
      %lt3A_1142 = arith.constant 0 : i32
      %lt3A_1143 = arith.cmpi slt, %rem3A_1139, %lt3A_1142 : i32
      %lt3A_1144 = arith.constant 0 : i32
      %lt3A_1145 = arith.cmpi slt, %select_n3A_1138, %lt3A_1144 : i32
      %ne3A_1146 = arith.xori %lt3A_1143, %lt3A_1145 : i1
      %and3A_1147 = arith.andi %ne3A_1146, %ne3A_1141 : i1
      %add3A_1148 = arith.addi %rem3A_1139, %select_n3A_1138 : i32
      %select_n3A_1149 = arith.select %and3A_1147, %add3A_1148, %rem3A_1139 : i32
      %mul3A_1150 = arith.constant 16 : i32
      %mul3A_1151 = arith.muli %mul3A_1150, %select_n3A_1149 : i32
      %dma_start3A_1152 = arith.constant 0 : i32
      %dma_start3A_1153 = arith.constant 128 : i32
      %dma_start3A_1154 = arith.constant 0 : i32
      %dma_start3A_1155 = tpu.memref_slice %arg7[%dma_start3A_1153, %dma_start3A_1154] : memref<256x129xf32, #tpu.memory_space<vmem>> -> memref<16x128xf32, #tpu.memory_space<vmem>>
      %dma_start3A_1156 = arith.constant 0 : i32
      %dma_start3A_1157 = tpu.memref_slice %arg4[%select_n3A_1133, %dma_start3A_1152, %mul3A_1151, %dma_start3A_1156] : memref<200x8x256x128xf32, #tpu.memory_space<hbm>> -> memref<1x1x16x128xf32, #tpu.memory_space<hbm>>
      %dma_start3A_1158 = tpu.memref_squeeze %dma_start3A_1157 : memref<1x1x16x128xf32, #tpu.memory_space<hbm>> -> memref<16x128xf32, #tpu.memory_space<hbm>>
      %dma_start3A_1159 = arith.constant 0 : i32
      %dma_start3A_1160 = tpu.memref_slice %arg4[%select_n3A_1133, %dma_start3A_1152, %mul3A_1151, %dma_start3A_1159] : memref<200x8x256x128xf32, #tpu.memory_space<hbm>> -> memref<1x1x16x128xf32, #tpu.memory_space<hbm>>
      %dma_start3A_1161 = tpu.memref_squeeze %dma_start3A_1160 : memref<1x1x16x128xf32, #tpu.memory_space<hbm>> -> memref<16x128xf32, #tpu.memory_space<hbm>>
      %dma_start3A_1162 = arith.constant 128 : i32
      %dma_start3A_1163 = arith.constant 0 : i32
      %dma_start3A_1164 = tpu.memref_slice %arg7[%dma_start3A_1162, %dma_start3A_1163] : memref<256x129xf32, #tpu.memory_space<vmem>> -> memref<16x128xf32, #tpu.memory_space<vmem>>
      tpu.enqueue_dma source(%dma_start3A_1164 : memref<16x128xf32, #tpu.memory_space<vmem>>) target(%dma_start3A_1161 : memref<16x128xf32, #tpu.memory_space<hbm>>) target_semaphore(%arg13 : memref<!tpu.dma_semaphore, #tpu.memory_space<semaphore_mem>>)
      %mul3A_1165 = arith.constant 16 : i32
      %mul3A_1166 = arith.muli %mul3A_1165, %select_n3A_1149 : i32
      %dma_start3A_1167 = arith.constant 1 : i32
      %dma_start3A_1168 = arith.constant 144 : i32
      %dma_start3A_1169 = arith.constant 0 : i32
      %dma_start3A_1170 = tpu.memref_slice %arg7[%dma_start3A_1168, %dma_start3A_1169] : memref<256x129xf32, #tpu.memory_space<vmem>> -> memref<16x128xf32, #tpu.memory_space<vmem>>
      %dma_start3A_1171 = arith.constant 0 : i32
      %dma_start3A_1172 = tpu.memref_slice %arg4[%select_n3A_1133, %dma_start3A_1167, %mul3A_1166, %dma_start3A_1171] : memref<200x8x256x128xf32, #tpu.memory_space<hbm>> -> memref<1x1x16x128xf32, #tpu.memory_space<hbm>>
      %dma_start3A_1173 = tpu.memref_squeeze %dma_start3A_1172 : memref<1x1x16x128xf32, #tpu.memory_space<hbm>> -> memref<16x128xf32, #tpu.memory_space<hbm>>
      %dma_start3A_1174 = arith.constant 0 : i32
      %dma_start3A_1175 = tpu.memref_slice %arg4[%select_n3A_1133, %dma_start3A_1167, %mul3A_1166, %dma_start3A_1174] : memref<200x8x256x128xf32, #tpu.memory_space<hbm>> -> memref<1x1x16x128xf32, #tpu.memory_space<hbm>>
      %dma_start3A_1176 = tpu.memref_squeeze %dma_start3A_1175 : memref<1x1x16x128xf32, #tpu.memory_space<hbm>> -> memref<16x128xf32, #tpu.memory_space<hbm>>
      %dma_start3A_1177 = arith.constant 144 : i32
      %dma_start3A_1178 = arith.constant 0 : i32
      %dma_start3A_1179 = tpu.memref_slice %arg7[%dma_start3A_1177, %dma_start3A_1178] : memref<256x129xf32, #tpu.memory_space<vmem>> -> memref<16x128xf32, #tpu.memory_space<vmem>>
      tpu.enqueue_dma source(%dma_start3A_1179 : memref<16x128xf32, #tpu.memory_space<vmem>>) target(%dma_start3A_1176 : memref<16x128xf32, #tpu.memory_space<hbm>>) target_semaphore(%arg13 : memref<!tpu.dma_semaphore, #tpu.memory_space<semaphore_mem>>)
      %mul3A_1180 = arith.constant 16 : i32
      %mul3A_1181 = arith.muli %mul3A_1180, %select_n3A_1149 : i32
      %dma_start3A_1182 = arith.constant 2 : i32
      %dma_start3A_1183 = arith.constant 160 : i32
      %dma_start3A_1184 = arith.constant 0 : i32
      %dma_start3A_1185 = tpu.memref_slice %arg7[%dma_start3A_1183, %dma_start3A_1184] : memref<256x129xf32, #tpu.memory_space<vmem>> -> memref<16x128xf32, #tpu.memory_space<vmem>>
      %dma_start3A_1186 = arith.constant 0 : i32
      %dma_start3A_1187 = tpu.memref_slice %arg4[%select_n3A_1133, %dma_start3A_1182, %mul3A_1181, %dma_start3A_1186] : memref<200x8x256x128xf32, #tpu.memory_space<hbm>> -> memref<1x1x16x128xf32, #tpu.memory_space<hbm>>
      %dma_start3A_1188 = tpu.memref_squeeze %dma_start3A_1187 : memref<1x1x16x128xf32, #tpu.memory_space<hbm>> -> memref<16x128xf32, #tpu.memory_space<hbm>>
      %dma_start3A_1189 = arith.constant 0 : i32
      %dma_start3A_1190 = tpu.memref_slice %arg4[%select_n3A_1133, %dma_start3A_1182, %mul3A_1181, %dma_start3A_1189] : memref<200x8x256x128xf32, #tpu.memory_space<hbm>> -> memref<1x1x16x128xf32, #tpu.memory_space<hbm>>
      %dma_start3A_1191 = tpu.memref_squeeze %dma_start3A_1190 : memref<1x1x16x128xf32, #tpu.memory_space<hbm>> -> memref<16x128xf32, #tpu.memory_space<hbm>>
      %dma_start3A_1192 = arith.constant 160 : i32
      %dma_start3A_1193 = arith.constant 0 : i32
      %dma_start3A_1194 = tpu.memref_slice %arg7[%dma_start3A_1192, %dma_start3A_1193] : memref<256x129xf32, #tpu.memory_space<vmem>> -> memref<16x128xf32, #tpu.memory_space<vmem>>
      tpu.enqueue_dma source(%dma_start3A_1194 : memref<16x128xf32, #tpu.memory_space<vmem>>) target(%dma_start3A_1191 : memref<16x128xf32, #tpu.memory_space<hbm>>) target_semaphore(%arg13 : memref<!tpu.dma_semaphore, #tpu.memory_space<semaphore_mem>>)
      %mul3A_1195 = arith.constant 16 : i32
      %mul3A_1196 = arith.muli %mul3A_1195, %select_n3A_1149 : i32
      %dma_start3A_1197 = arith.constant 3 : i32
      %dma_start3A_1198 = arith.constant 176 : i32
      %dma_start3A_1199 = arith.constant 0 : i32
      %dma_start3A_1200 = tpu.memref_slice %arg7[%dma_start3A_1198, %dma_start3A_1199] : memref<256x129xf32, #tpu.memory_space<vmem>> -> memref<16x128xf32, #tpu.memory_space<vmem>>
      %dma_start3A_1201 = arith.constant 0 : i32
      %dma_start3A_1202 = tpu.memref_slice %arg4[%select_n3A_1133, %dma_start3A_1197, %mul3A_1196, %dma_start3A_1201] : memref<200x8x256x128xf32, #tpu.memory_space<hbm>> -> memref<1x1x16x128xf32, #tpu.memory_space<hbm>>
      %dma_start3A_1203 = tpu.memref_squeeze %dma_start3A_1202 : memref<1x1x16x128xf32, #tpu.memory_space<hbm>> -> memref<16x128xf32, #tpu.memory_space<hbm>>
      %dma_start3A_1204 = arith.constant 0 : i32
      %dma_start3A_1205 = tpu.memref_slice %arg4[%select_n3A_1133, %dma_start3A_1197, %mul3A_1196, %dma_start3A_1204] : memref<200x8x256x128xf32, #tpu.memory_space<hbm>> -> memref<1x1x16x128xf32, #tpu.memory_space<hbm>>
      %dma_start3A_1206 = tpu.memref_squeeze %dma_start3A_1205 : memref<1x1x16x128xf32, #tpu.memory_space<hbm>> -> memref<16x128xf32, #tpu.memory_space<hbm>>
      %dma_start3A_1207 = arith.constant 176 : i32
      %dma_start3A_1208 = arith.constant 0 : i32
      %dma_start3A_1209 = tpu.memref_slice %arg7[%dma_start3A_1207, %dma_start3A_1208] : memref<256x129xf32, #tpu.memory_space<vmem>> -> memref<16x128xf32, #tpu.memory_space<vmem>>
      tpu.enqueue_dma source(%dma_start3A_1209 : memref<16x128xf32, #tpu.memory_space<vmem>>) target(%dma_start3A_1206 : memref<16x128xf32, #tpu.memory_space<hbm>>) target_semaphore(%arg13 : memref<!tpu.dma_semaphore, #tpu.memory_space<semaphore_mem>>)
      %mul3A_1210 = arith.constant 16 : i32
      %mul3A_1211 = arith.muli %mul3A_1210, %select_n3A_1149 : i32
      %dma_start3A_1212 = arith.constant 4 : i32
      %dma_start3A_1213 = arith.constant 192 : i32
      %dma_start3A_1214 = arith.constant 0 : i32
      %dma_start3A_1215 = tpu.memref_slice %arg7[%dma_start3A_1213, %dma_start3A_1214] : memref<256x129xf32, #tpu.memory_space<vmem>> -> memref<16x128xf32, #tpu.memory_space<vmem>>
      %dma_start3A_1216 = arith.constant 0 : i32
      %dma_start3A_1217 = tpu.memref_slice %arg4[%select_n3A_1133, %dma_start3A_1212, %mul3A_1211, %dma_start3A_1216] : memref<200x8x256x128xf32, #tpu.memory_space<hbm>> -> memref<1x1x16x128xf32, #tpu.memory_space<hbm>>
      %dma_start3A_1218 = tpu.memref_squeeze %dma_start3A_1217 : memref<1x1x16x128xf32, #tpu.memory_space<hbm>> -> memref<16x128xf32, #tpu.memory_space<hbm>>
      %dma_start3A_1219 = arith.constant 0 : i32
      %dma_start3A_1220 = tpu.memref_slice %arg4[%select_n3A_1133, %dma_start3A_1212, %mul3A_1211, %dma_start3A_1219] : memref<200x8x256x128xf32, #tpu.memory_space<hbm>> -> memref<1x1x16x128xf32, #tpu.memory_space<hbm>>
      %dma_start3A_1221 = tpu.memref_squeeze %dma_start3A_1220 : memref<1x1x16x128xf32, #tpu.memory_space<hbm>> -> memref<16x128xf32, #tpu.memory_space<hbm>>
      %dma_start3A_1222 = arith.constant 192 : i32
      %dma_start3A_1223 = arith.constant 0 : i32
      %dma_start3A_1224 = tpu.memref_slice %arg7[%dma_start3A_1222, %dma_start3A_1223] : memref<256x129xf32, #tpu.memory_space<vmem>> -> memref<16x128xf32, #tpu.memory_space<vmem>>
      tpu.enqueue_dma source(%dma_start3A_1224 : memref<16x128xf32, #tpu.memory_space<vmem>>) target(%dma_start3A_1221 : memref<16x128xf32, #tpu.memory_space<hbm>>) target_semaphore(%arg13 : memref<!tpu.dma_semaphore, #tpu.memory_space<semaphore_mem>>)
      %mul3A_1225 = arith.constant 16 : i32
      %mul3A_1226 = arith.muli %mul3A_1225, %select_n3A_1149 : i32
      %dma_start3A_1227 = arith.constant 5 : i32
      %dma_start3A_1228 = arith.constant 208 : i32
      %dma_start3A_1229 = arith.constant 0 : i32
      %dma_start3A_1230 = tpu.memref_slice %arg7[%dma_start3A_1228, %dma_start3A_1229] : memref<256x129xf32, #tpu.memory_space<vmem>> -> memref<16x128xf32, #tpu.memory_space<vmem>>
      %dma_start3A_1231 = arith.constant 0 : i32
      %dma_start3A_1232 = tpu.memref_slice %arg4[%select_n3A_1133, %dma_start3A_1227, %mul3A_1226, %dma_start3A_1231] : memref<200x8x256x128xf32, #tpu.memory_space<hbm>> -> memref<1x1x16x128xf32, #tpu.memory_space<hbm>>
      %dma_start3A_1233 = tpu.memref_squeeze %dma_start3A_1232 : memref<1x1x16x128xf32, #tpu.memory_space<hbm>> -> memref<16x128xf32, #tpu.memory_space<hbm>>
      %dma_start3A_1234 = arith.constant 0 : i32
      %dma_start3A_1235 = tpu.memref_slice %arg4[%select_n3A_1133, %dma_start3A_1227, %mul3A_1226, %dma_start3A_1234] : memref<200x8x256x128xf32, #tpu.memory_space<hbm>> -> memref<1x1x16x128xf32, #tpu.memory_space<hbm>>
      %dma_start3A_1236 = tpu.memref_squeeze %dma_start3A_1235 : memref<1x1x16x128xf32, #tpu.memory_space<hbm>> -> memref<16x128xf32, #tpu.memory_space<hbm>>
      %dma_start3A_1237 = arith.constant 208 : i32
      %dma_start3A_1238 = arith.constant 0 : i32
      %dma_start3A_1239 = tpu.memref_slice %arg7[%dma_start3A_1237, %dma_start3A_1238] : memref<256x129xf32, #tpu.memory_space<vmem>> -> memref<16x128xf32, #tpu.memory_space<vmem>>
      tpu.enqueue_dma source(%dma_start3A_1239 : memref<16x128xf32, #tpu.memory_space<vmem>>) target(%dma_start3A_1236 : memref<16x128xf32, #tpu.memory_space<hbm>>) target_semaphore(%arg13 : memref<!tpu.dma_semaphore, #tpu.memory_space<semaphore_mem>>)
      %mul3A_1240 = arith.constant 16 : i32
      %mul3A_1241 = arith.muli %mul3A_1240, %select_n3A_1149 : i32
      %dma_start3A_1242 = arith.constant 6 : i32
      %dma_start3A_1243 = arith.constant 224 : i32
      %dma_start3A_1244 = arith.constant 0 : i32
      %dma_start3A_1245 = tpu.memref_slice %arg7[%dma_start3A_1243, %dma_start3A_1244] : memref<256x129xf32, #tpu.memory_space<vmem>> -> memref<16x128xf32, #tpu.memory_space<vmem>>
      %dma_start3A_1246 = arith.constant 0 : i32
      %dma_start3A_1247 = tpu.memref_slice %arg4[%select_n3A_1133, %dma_start3A_1242, %mul3A_1241, %dma_start3A_1246] : memref<200x8x256x128xf32, #tpu.memory_space<hbm>> -> memref<1x1x16x128xf32, #tpu.memory_space<hbm>>
      %dma_start3A_1248 = tpu.memref_squeeze %dma_start3A_1247 : memref<1x1x16x128xf32, #tpu.memory_space<hbm>> -> memref<16x128xf32, #tpu.memory_space<hbm>>
      %dma_start3A_1249 = arith.constant 0 : i32
      %dma_start3A_1250 = tpu.memref_slice %arg4[%select_n3A_1133, %dma_start3A_1242, %mul3A_1241, %dma_start3A_1249] : memref<200x8x256x128xf32, #tpu.memory_space<hbm>> -> memref<1x1x16x128xf32, #tpu.memory_space<hbm>>
      %dma_start3A_1251 = tpu.memref_squeeze %dma_start3A_1250 : memref<1x1x16x128xf32, #tpu.memory_space<hbm>> -> memref<16x128xf32, #tpu.memory_space<hbm>>
      %dma_start3A_1252 = arith.constant 224 : i32
      %dma_start3A_1253 = arith.constant 0 : i32
      %dma_start3A_1254 = tpu.memref_slice %arg7[%dma_start3A_1252, %dma_start3A_1253] : memref<256x129xf32, #tpu.memory_space<vmem>> -> memref<16x128xf32, #tpu.memory_space<vmem>>
      tpu.enqueue_dma source(%dma_start3A_1254 : memref<16x128xf32, #tpu.memory_space<vmem>>) target(%dma_start3A_1251 : memref<16x128xf32, #tpu.memory_space<hbm>>) target_semaphore(%arg13 : memref<!tpu.dma_semaphore, #tpu.memory_space<semaphore_mem>>)
      %mul3A_1255 = arith.constant 16 : i32
      %mul3A_1256 = arith.muli %mul3A_1255, %select_n3A_1149 : i32
      %dma_start3A_1257 = arith.constant 7 : i32
      %dma_start3A_1258 = arith.constant 240 : i32
      %dma_start3A_1259 = arith.constant 0 : i32
      %dma_start3A_1260 = tpu.memref_slice %arg7[%dma_start3A_1258, %dma_start3A_1259] : memref<256x129xf32, #tpu.memory_space<vmem>> -> memref<16x128xf32, #tpu.memory_space<vmem>>
      %dma_start3A_1261 = arith.constant 0 : i32
      %dma_start3A_1262 = tpu.memref_slice %arg4[%select_n3A_1133, %dma_start3A_1257, %mul3A_1256, %dma_start3A_1261] : memref<200x8x256x128xf32, #tpu.memory_space<hbm>> -> memref<1x1x16x128xf32, #tpu.memory_space<hbm>>
      %dma_start3A_1263 = tpu.memref_squeeze %dma_start3A_1262 : memref<1x1x16x128xf32, #tpu.memory_space<hbm>> -> memref<16x128xf32, #tpu.memory_space<hbm>>
      %dma_start3A_1264 = arith.constant 0 : i32
      %dma_start3A_1265 = tpu.memref_slice %arg4[%select_n3A_1133, %dma_start3A_1257, %mul3A_1256, %dma_start3A_1264] : memref<200x8x256x128xf32, #tpu.memory_space<hbm>> -> memref<1x1x16x128xf32, #tpu.memory_space<hbm>>
      %dma_start3A_1266 = tpu.memref_squeeze %dma_start3A_1265 : memref<1x1x16x128xf32, #tpu.memory_space<hbm>> -> memref<16x128xf32, #tpu.memory_space<hbm>>
      %dma_start3A_1267 = arith.constant 240 : i32
      %dma_start3A_1268 = arith.constant 0 : i32
      %dma_start3A_1269 = tpu.memref_slice %arg7[%dma_start3A_1267, %dma_start3A_1268] : memref<256x129xf32, #tpu.memory_space<vmem>> -> memref<16x128xf32, #tpu.memory_space<vmem>>
      tpu.enqueue_dma source(%dma_start3A_1269 : memref<16x128xf32, #tpu.memory_space<vmem>>) target(%dma_start3A_1266 : memref<16x128xf32, #tpu.memory_space<hbm>>) target_semaphore(%arg13 : memref<!tpu.dma_semaphore, #tpu.memory_space<semaphore_mem>>)
    }
    %scan3A_118 = arith.constant 25 : i32
    %add3A_119 = arith.constant 98 : i32
    %add3A_120 = arith.addi %mul3A_2, %add3A_119 : i32
    %jit3A = arith.constant 16 : i32
    %div3A = arith.divsi %add3A_120, %jit3A : i32
    %sign3A = arith.constant 0 : i32
    %sign3A_121 = arith.cmpi sgt, %add3A_120, %sign3A : i32
    %sign3A_122 = arith.extui %sign3A_121 : i1 to i32
    %sign3A_123 = arith.constant 0 : i32
    %sign3A_124 = arith.cmpi slt, %add3A_120, %sign3A_123 : i32
    %sign3A_125 = arith.extui %sign3A_124 : i1 to i32
    %sign3A_126 = arith.subi %sign3A_122, %sign3A_125 : i32
    %sign3A_127 = arith.constant 0 : i32
    %sign3A_128 = arith.cmpi sgt, %jit3A, %sign3A_127 : i32
    %sign3A_129 = arith.extui %sign3A_128 : i1 to i32
    %sign3A_130 = arith.constant 0 : i32
    %sign3A_131 = arith.cmpi slt, %jit3A, %sign3A_130 : i32
    %sign3A_132 = arith.extui %sign3A_131 : i1 to i32
    %sign3A_133 = arith.subi %sign3A_129, %sign3A_132 : i32
    %ne3A = arith.cmpi ne, %sign3A_126, %sign3A_133 : i32
    %rem3A = arith.remsi %add3A_120, %jit3A : i32
    %ne3A_134 = arith.constant 0 : i32
    %ne3A_135 = arith.cmpi ne, %rem3A, %ne3A_134 : i32
    %and3A_136 = arith.andi %ne3A, %ne3A_135 : i1
    %sub3A = arith.constant 1 : i32
    %sub3A_137 = arith.subi %div3A, %sub3A : i32
    %select_n3A = arith.select %and3A_136, %sub3A_137, %div3A : i32
    %jit3A_138 = arith.constant 16 : i32
    %eq3A = arith.constant 0 : i32
    %eq3A_139 = arith.cmpi eq, %jit3A_138, %eq3A : i32
    %jit3A_140 = arith.constant 1 : i32
    %select_n3A_141 = arith.select %eq3A_139, %jit3A_140, %jit3A_138 : i32
    %rem3A_142 = arith.remsi %add3A_120, %select_n3A_141 : i32
    %ne3A_143 = arith.constant 0 : i32
    %ne3A_144 = arith.cmpi ne, %rem3A_142, %ne3A_143 : i32
    %lt3A = arith.constant 0 : i32
    %lt3A_145 = arith.cmpi slt, %rem3A_142, %lt3A : i32
    %lt3A_146 = arith.constant 0 : i32
    %lt3A_147 = arith.cmpi slt, %select_n3A_141, %lt3A_146 : i32
    %ne3A_148 = arith.xori %lt3A_145, %lt3A_147 : i1
    %and3A_149 = arith.andi %ne3A_148, %ne3A_144 : i1
    %add3A_150 = arith.addi %rem3A_142, %select_n3A_141 : i32
    %select_n3A_151 = arith.select %and3A_149, %add3A_150, %rem3A_142 : i32
    %mul3A_152 = arith.constant 16 : i32
    %mul3A_153 = arith.muli %mul3A_152, %select_n3A_151 : i32
    %dma_wait3A = arith.constant 0 : i32
    %dma_wait3A_154 = arith.constant 0 : i32
    %dma_wait3A_155 = arith.constant 0 : i32
    %dma_wait3A_156 = tpu.memref_slice %arg7[%dma_wait3A_154, %dma_wait3A_155] : memref<256x129xf32, #tpu.memory_space<vmem>> -> memref<16x128xf32, #tpu.memory_space<vmem>>
    %dma_wait3A_157 = arith.constant 0 : i32
    %dma_wait3A_158 = tpu.memref_slice %arg4[%select_n3A, %dma_wait3A, %mul3A_153, %dma_wait3A_157] : memref<200x8x256x128xf32, #tpu.memory_space<hbm>> -> memref<1x1x16x128xf32, #tpu.memory_space<hbm>>
    %dma_wait3A_159 = tpu.memref_squeeze %dma_wait3A_158 : memref<1x1x16x128xf32, #tpu.memory_space<hbm>> -> memref<16x128xf32, #tpu.memory_space<hbm>>
    %dma_wait3A_160 = arith.constant 0 : i32
    %dma_wait3A_161 = tpu.memref_slice %arg4[%select_n3A, %dma_wait3A, %mul3A_153, %dma_wait3A_160] : memref<200x8x256x128xf32, #tpu.memory_space<hbm>> -> memref<1x1x16x128xf32, #tpu.memory_space<hbm>>
    %dma_wait3A_162 = tpu.memref_squeeze %dma_wait3A_161 : memref<1x1x16x128xf32, #tpu.memory_space<hbm>> -> memref<16x128xf32, #tpu.memory_space<hbm>>
    %dma_wait3A_163 = arith.constant 0 : i32
    %dma_wait3A_164 = arith.constant 0 : i32
    %dma_wait3A_165 = tpu.memref_slice %arg7[%dma_wait3A_163, %dma_wait3A_164] : memref<256x129xf32, #tpu.memory_space<vmem>> -> memref<16x128xf32, #tpu.memory_space<vmem>>
    tpu.wait_dma2 semaphore(%arg12 : memref<!tpu.dma_semaphore, #tpu.memory_space<semaphore_mem>>) src(%dma_wait3A_165 : memref<16x128xf32, #tpu.memory_space<vmem>>) dst(%dma_wait3A_162 : memref<16x128xf32, #tpu.memory_space<hbm>>)
    %mul3A_166 = arith.constant 16 : i32
    %mul3A_167 = arith.muli %mul3A_166, %select_n3A_151 : i32
    %dma_wait3A_168 = arith.constant 1 : i32
    %dma_wait3A_169 = arith.constant 16 : i32
    %dma_wait3A_170 = arith.constant 0 : i32
    %dma_wait3A_171 = tpu.memref_slice %arg7[%dma_wait3A_169, %dma_wait3A_170] : memref<256x129xf32, #tpu.memory_space<vmem>> -> memref<16x128xf32, #tpu.memory_space<vmem>>
    %dma_wait3A_172 = arith.constant 0 : i32
    %dma_wait3A_173 = tpu.memref_slice %arg4[%select_n3A, %dma_wait3A_168, %mul3A_167, %dma_wait3A_172] : memref<200x8x256x128xf32, #tpu.memory_space<hbm>> -> memref<1x1x16x128xf32, #tpu.memory_space<hbm>>
    %dma_wait3A_174 = tpu.memref_squeeze %dma_wait3A_173 : memref<1x1x16x128xf32, #tpu.memory_space<hbm>> -> memref<16x128xf32, #tpu.memory_space<hbm>>
    %dma_wait3A_175 = arith.constant 0 : i32
    %dma_wait3A_176 = tpu.memref_slice %arg4[%select_n3A, %dma_wait3A_168, %mul3A_167, %dma_wait3A_175] : memref<200x8x256x128xf32, #tpu.memory_space<hbm>> -> memref<1x1x16x128xf32, #tpu.memory_space<hbm>>
    %dma_wait3A_177 = tpu.memref_squeeze %dma_wait3A_176 : memref<1x1x16x128xf32, #tpu.memory_space<hbm>> -> memref<16x128xf32, #tpu.memory_space<hbm>>
    %dma_wait3A_178 = arith.constant 16 : i32
    %dma_wait3A_179 = arith.constant 0 : i32
    %dma_wait3A_180 = tpu.memref_slice %arg7[%dma_wait3A_178, %dma_wait3A_179] : memref<256x129xf32, #tpu.memory_space<vmem>> -> memref<16x128xf32, #tpu.memory_space<vmem>>
    tpu.wait_dma2 semaphore(%arg12 : memref<!tpu.dma_semaphore, #tpu.memory_space<semaphore_mem>>) src(%dma_wait3A_180 : memref<16x128xf32, #tpu.memory_space<vmem>>) dst(%dma_wait3A_177 : memref<16x128xf32, #tpu.memory_space<hbm>>)
    %mul3A_181 = arith.constant 16 : i32
    %mul3A_182 = arith.muli %mul3A_181, %select_n3A_151 : i32
    %dma_wait3A_183 = arith.constant 2 : i32
    %dma_wait3A_184 = arith.constant 32 : i32
    %dma_wait3A_185 = arith.constant 0 : i32
    %dma_wait3A_186 = tpu.memref_slice %arg7[%dma_wait3A_184, %dma_wait3A_185] : memref<256x129xf32, #tpu.memory_space<vmem>> -> memref<16x128xf32, #tpu.memory_space<vmem>>
    %dma_wait3A_187 = arith.constant 0 : i32
    %dma_wait3A_188 = tpu.memref_slice %arg4[%select_n3A, %dma_wait3A_183, %mul3A_182, %dma_wait3A_187] : memref<200x8x256x128xf32, #tpu.memory_space<hbm>> -> memref<1x1x16x128xf32, #tpu.memory_space<hbm>>
    %dma_wait3A_189 = tpu.memref_squeeze %dma_wait3A_188 : memref<1x1x16x128xf32, #tpu.memory_space<hbm>> -> memref<16x128xf32, #tpu.memory_space<hbm>>
    %dma_wait3A_190 = arith.constant 0 : i32
    %dma_wait3A_191 = tpu.memref_slice %arg4[%select_n3A, %dma_wait3A_183, %mul3A_182, %dma_wait3A_190] : memref<200x8x256x128xf32, #tpu.memory_space<hbm>> -> memref<1x1x16x128xf32, #tpu.memory_space<hbm>>
    %dma_wait3A_192 = tpu.memref_squeeze %dma_wait3A_191 : memref<1x1x16x128xf32, #tpu.memory_space<hbm>> -> memref<16x128xf32, #tpu.memory_space<hbm>>
    %dma_wait3A_193 = arith.constant 32 : i32
    %dma_wait3A_194 = arith.constant 0 : i32
    %dma_wait3A_195 = tpu.memref_slice %arg7[%dma_wait3A_193, %dma_wait3A_194] : memref<256x129xf32, #tpu.memory_space<vmem>> -> memref<16x128xf32, #tpu.memory_space<vmem>>
    tpu.wait_dma2 semaphore(%arg12 : memref<!tpu.dma_semaphore, #tpu.memory_space<semaphore_mem>>) src(%dma_wait3A_195 : memref<16x128xf32, #tpu.memory_space<vmem>>) dst(%dma_wait3A_192 : memref<16x128xf32, #tpu.memory_space<hbm>>)
    %mul3A_196 = arith.constant 16 : i32
    %mul3A_197 = arith.muli %mul3A_196, %select_n3A_151 : i32
    %dma_wait3A_198 = arith.constant 3 : i32
    %dma_wait3A_199 = arith.constant 48 : i32
    %dma_wait3A_200 = arith.constant 0 : i32
    %dma_wait3A_201 = tpu.memref_slice %arg7[%dma_wait3A_199, %dma_wait3A_200] : memref<256x129xf32, #tpu.memory_space<vmem>> -> memref<16x128xf32, #tpu.memory_space<vmem>>
    %dma_wait3A_202 = arith.constant 0 : i32
    %dma_wait3A_203 = tpu.memref_slice %arg4[%select_n3A, %dma_wait3A_198, %mul3A_197, %dma_wait3A_202] : memref<200x8x256x128xf32, #tpu.memory_space<hbm>> -> memref<1x1x16x128xf32, #tpu.memory_space<hbm>>
    %dma_wait3A_204 = tpu.memref_squeeze %dma_wait3A_203 : memref<1x1x16x128xf32, #tpu.memory_space<hbm>> -> memref<16x128xf32, #tpu.memory_space<hbm>>
    %dma_wait3A_205 = arith.constant 0 : i32
    %dma_wait3A_206 = tpu.memref_slice %arg4[%select_n3A, %dma_wait3A_198, %mul3A_197, %dma_wait3A_205] : memref<200x8x256x128xf32, #tpu.memory_space<hbm>> -> memref<1x1x16x128xf32, #tpu.memory_space<hbm>>
    %dma_wait3A_207 = tpu.memref_squeeze %dma_wait3A_206 : memref<1x1x16x128xf32, #tpu.memory_space<hbm>> -> memref<16x128xf32, #tpu.memory_space<hbm>>
    %dma_wait3A_208 = arith.constant 48 : i32
    %dma_wait3A_209 = arith.constant 0 : i32
    %dma_wait3A_210 = tpu.memref_slice %arg7[%dma_wait3A_208, %dma_wait3A_209] : memref<256x129xf32, #tpu.memory_space<vmem>> -> memref<16x128xf32, #tpu.memory_space<vmem>>
    tpu.wait_dma2 semaphore(%arg12 : memref<!tpu.dma_semaphore, #tpu.memory_space<semaphore_mem>>) src(%dma_wait3A_210 : memref<16x128xf32, #tpu.memory_space<vmem>>) dst(%dma_wait3A_207 : memref<16x128xf32, #tpu.memory_space<hbm>>)
    %mul3A_211 = arith.constant 16 : i32
    %mul3A_212 = arith.muli %mul3A_211, %select_n3A_151 : i32
    %dma_wait3A_213 = arith.constant 4 : i32
    %dma_wait3A_214 = arith.constant 64 : i32
    %dma_wait3A_215 = arith.constant 0 : i32
    %dma_wait3A_216 = tpu.memref_slice %arg7[%dma_wait3A_214, %dma_wait3A_215] : memref<256x129xf32, #tpu.memory_space<vmem>> -> memref<16x128xf32, #tpu.memory_space<vmem>>
    %dma_wait3A_217 = arith.constant 0 : i32
    %dma_wait3A_218 = tpu.memref_slice %arg4[%select_n3A, %dma_wait3A_213, %mul3A_212, %dma_wait3A_217] : memref<200x8x256x128xf32, #tpu.memory_space<hbm>> -> memref<1x1x16x128xf32, #tpu.memory_space<hbm>>
    %dma_wait3A_219 = tpu.memref_squeeze %dma_wait3A_218 : memref<1x1x16x128xf32, #tpu.memory_space<hbm>> -> memref<16x128xf32, #tpu.memory_space<hbm>>
    %dma_wait3A_220 = arith.constant 0 : i32
    %dma_wait3A_221 = tpu.memref_slice %arg4[%select_n3A, %dma_wait3A_213, %mul3A_212, %dma_wait3A_220] : memref<200x8x256x128xf32, #tpu.memory_space<hbm>> -> memref<1x1x16x128xf32, #tpu.memory_space<hbm>>
    %dma_wait3A_222 = tpu.memref_squeeze %dma_wait3A_221 : memref<1x1x16x128xf32, #tpu.memory_space<hbm>> -> memref<16x128xf32, #tpu.memory_space<hbm>>
    %dma_wait3A_223 = arith.constant 64 : i32
    %dma_wait3A_224 = arith.constant 0 : i32
    %dma_wait3A_225 = tpu.memref_slice %arg7[%dma_wait3A_223, %dma_wait3A_224] : memref<256x129xf32, #tpu.memory_space<vmem>> -> memref<16x128xf32, #tpu.memory_space<vmem>>
    tpu.wait_dma2 semaphore(%arg12 : memref<!tpu.dma_semaphore, #tpu.memory_space<semaphore_mem>>) src(%dma_wait3A_225 : memref<16x128xf32, #tpu.memory_space<vmem>>) dst(%dma_wait3A_222 : memref<16x128xf32, #tpu.memory_space<hbm>>)
    %mul3A_226 = arith.constant 16 : i32
    %mul3A_227 = arith.muli %mul3A_226, %select_n3A_151 : i32
    %dma_wait3A_228 = arith.constant 5 : i32
    %dma_wait3A_229 = arith.constant 80 : i32
    %dma_wait3A_230 = arith.constant 0 : i32
    %dma_wait3A_231 = tpu.memref_slice %arg7[%dma_wait3A_229, %dma_wait3A_230] : memref<256x129xf32, #tpu.memory_space<vmem>> -> memref<16x128xf32, #tpu.memory_space<vmem>>
    %dma_wait3A_232 = arith.constant 0 : i32
    %dma_wait3A_233 = tpu.memref_slice %arg4[%select_n3A, %dma_wait3A_228, %mul3A_227, %dma_wait3A_232] : memref<200x8x256x128xf32, #tpu.memory_space<hbm>> -> memref<1x1x16x128xf32, #tpu.memory_space<hbm>>
    %dma_wait3A_234 = tpu.memref_squeeze %dma_wait3A_233 : memref<1x1x16x128xf32, #tpu.memory_space<hbm>> -> memref<16x128xf32, #tpu.memory_space<hbm>>
    %dma_wait3A_235 = arith.constant 0 : i32
    %dma_wait3A_236 = tpu.memref_slice %arg4[%select_n3A, %dma_wait3A_228, %mul3A_227, %dma_wait3A_235] : memref<200x8x256x128xf32, #tpu.memory_space<hbm>> -> memref<1x1x16x128xf32, #tpu.memory_space<hbm>>
    %dma_wait3A_237 = tpu.memref_squeeze %dma_wait3A_236 : memref<1x1x16x128xf32, #tpu.memory_space<hbm>> -> memref<16x128xf32, #tpu.memory_space<hbm>>
    %dma_wait3A_238 = arith.constant 80 : i32
    %dma_wait3A_239 = arith.constant 0 : i32
    %dma_wait3A_240 = tpu.memref_slice %arg7[%dma_wait3A_238, %dma_wait3A_239] : memref<256x129xf32, #tpu.memory_space<vmem>> -> memref<16x128xf32, #tpu.memory_space<vmem>>
    tpu.wait_dma2 semaphore(%arg12 : memref<!tpu.dma_semaphore, #tpu.memory_space<semaphore_mem>>) src(%dma_wait3A_240 : memref<16x128xf32, #tpu.memory_space<vmem>>) dst(%dma_wait3A_237 : memref<16x128xf32, #tpu.memory_space<hbm>>)
    %mul3A_241 = arith.constant 16 : i32
    %mul3A_242 = arith.muli %mul3A_241, %select_n3A_151 : i32
    %dma_wait3A_243 = arith.constant 6 : i32
    %dma_wait3A_244 = arith.constant 96 : i32
    %dma_wait3A_245 = arith.constant 0 : i32
    %dma_wait3A_246 = tpu.memref_slice %arg7[%dma_wait3A_244, %dma_wait3A_245] : memref<256x129xf32, #tpu.memory_space<vmem>> -> memref<16x128xf32, #tpu.memory_space<vmem>>
    %dma_wait3A_247 = arith.constant 0 : i32
    %dma_wait3A_248 = tpu.memref_slice %arg4[%select_n3A, %dma_wait3A_243, %mul3A_242, %dma_wait3A_247] : memref<200x8x256x128xf32, #tpu.memory_space<hbm>> -> memref<1x1x16x128xf32, #tpu.memory_space<hbm>>
    %dma_wait3A_249 = tpu.memref_squeeze %dma_wait3A_248 : memref<1x1x16x128xf32, #tpu.memory_space<hbm>> -> memref<16x128xf32, #tpu.memory_space<hbm>>
    %dma_wait3A_250 = arith.constant 0 : i32
    %dma_wait3A_251 = tpu.memref_slice %arg4[%select_n3A, %dma_wait3A_243, %mul3A_242, %dma_wait3A_250] : memref<200x8x256x128xf32, #tpu.memory_space<hbm>> -> memref<1x1x16x128xf32, #tpu.memory_space<hbm>>
    %dma_wait3A_252 = tpu.memref_squeeze %dma_wait3A_251 : memref<1x1x16x128xf32, #tpu.memory_space<hbm>> -> memref<16x128xf32, #tpu.memory_space<hbm>>
    %dma_wait3A_253 = arith.constant 96 : i32
    %dma_wait3A_254 = arith.constant 0 : i32
    %dma_wait3A_255 = tpu.memref_slice %arg7[%dma_wait3A_253, %dma_wait3A_254] : memref<256x129xf32, #tpu.memory_space<vmem>> -> memref<16x128xf32, #tpu.memory_space<vmem>>
    tpu.wait_dma2 semaphore(%arg12 : memref<!tpu.dma_semaphore, #tpu.memory_space<semaphore_mem>>) src(%dma_wait3A_255 : memref<16x128xf32, #tpu.memory_space<vmem>>) dst(%dma_wait3A_252 : memref<16x128xf32, #tpu.memory_space<hbm>>)
    %mul3A_256 = arith.constant 16 : i32
    %mul3A_257 = arith.muli %mul3A_256, %select_n3A_151 : i32
    %dma_wait3A_258 = arith.constant 7 : i32
    %dma_wait3A_259 = arith.constant 112 : i32
    %dma_wait3A_260 = arith.constant 0 : i32
    %dma_wait3A_261 = tpu.memref_slice %arg7[%dma_wait3A_259, %dma_wait3A_260] : memref<256x129xf32, #tpu.memory_space<vmem>> -> memref<16x128xf32, #tpu.memory_space<vmem>>
    %dma_wait3A_262 = arith.constant 0 : i32
    %dma_wait3A_263 = tpu.memref_slice %arg4[%select_n3A, %dma_wait3A_258, %mul3A_257, %dma_wait3A_262] : memref<200x8x256x128xf32, #tpu.memory_space<hbm>> -> memref<1x1x16x128xf32, #tpu.memory_space<hbm>>
    %dma_wait3A_264 = tpu.memref_squeeze %dma_wait3A_263 : memref<1x1x16x128xf32, #tpu.memory_space<hbm>> -> memref<16x128xf32, #tpu.memory_space<hbm>>
    %dma_wait3A_265 = arith.constant 0 : i32
    %dma_wait3A_266 = tpu.memref_slice %arg4[%select_n3A, %dma_wait3A_258, %mul3A_257, %dma_wait3A_265] : memref<200x8x256x128xf32, #tpu.memory_space<hbm>> -> memref<1x1x16x128xf32, #tpu.memory_space<hbm>>
    %dma_wait3A_267 = tpu.memref_squeeze %dma_wait3A_266 : memref<1x1x16x128xf32, #tpu.memory_space<hbm>> -> memref<16x128xf32, #tpu.memory_space<hbm>>
    %dma_wait3A_268 = arith.constant 112 : i32
    %dma_wait3A_269 = arith.constant 0 : i32
    %dma_wait3A_270 = tpu.memref_slice %arg7[%dma_wait3A_268, %dma_wait3A_269] : memref<256x129xf32, #tpu.memory_space<vmem>> -> memref<16x128xf32, #tpu.memory_space<vmem>>
    tpu.wait_dma2 semaphore(%arg12 : memref<!tpu.dma_semaphore, #tpu.memory_space<semaphore_mem>>) src(%dma_wait3A_270 : memref<16x128xf32, #tpu.memory_space<vmem>>) dst(%dma_wait3A_267 : memref<16x128xf32, #tpu.memory_space<hbm>>)
    %add3A_271 = arith.constant 99 : i32
    %add3A_272 = arith.addi %mul3A_2, %add3A_271 : i32
    %jit3A_273 = arith.constant 16 : i32
    %div3A_274 = arith.divsi %add3A_272, %jit3A_273 : i32
    %sign3A_275 = arith.constant 0 : i32
    %sign3A_276 = arith.cmpi sgt, %add3A_272, %sign3A_275 : i32
    %sign3A_277 = arith.extui %sign3A_276 : i1 to i32
    %sign3A_278 = arith.constant 0 : i32
    %sign3A_279 = arith.cmpi slt, %add3A_272, %sign3A_278 : i32
    %sign3A_280 = arith.extui %sign3A_279 : i1 to i32
    %sign3A_281 = arith.subi %sign3A_277, %sign3A_280 : i32
    %sign3A_282 = arith.constant 0 : i32
    %sign3A_283 = arith.cmpi sgt, %jit3A_273, %sign3A_282 : i32
    %sign3A_284 = arith.extui %sign3A_283 : i1 to i32
    %sign3A_285 = arith.constant 0 : i32
    %sign3A_286 = arith.cmpi slt, %jit3A_273, %sign3A_285 : i32
    %sign3A_287 = arith.extui %sign3A_286 : i1 to i32
    %sign3A_288 = arith.subi %sign3A_284, %sign3A_287 : i32
    %ne3A_289 = arith.cmpi ne, %sign3A_281, %sign3A_288 : i32
    %rem3A_290 = arith.remsi %add3A_272, %jit3A_273 : i32
    %ne3A_291 = arith.constant 0 : i32
    %ne3A_292 = arith.cmpi ne, %rem3A_290, %ne3A_291 : i32
    %and3A_293 = arith.andi %ne3A_289, %ne3A_292 : i1
    %sub3A_294 = arith.constant 1 : i32
    %sub3A_295 = arith.subi %div3A_274, %sub3A_294 : i32
    %select_n3A_296 = arith.select %and3A_293, %sub3A_295, %div3A_274 : i32
    %jit3A_297 = arith.constant 16 : i32
    %eq3A_298 = arith.constant 0 : i32
    %eq3A_299 = arith.cmpi eq, %jit3A_297, %eq3A_298 : i32
    %jit3A_300 = arith.constant 1 : i32
    %select_n3A_301 = arith.select %eq3A_299, %jit3A_300, %jit3A_297 : i32
    %rem3A_302 = arith.remsi %add3A_272, %select_n3A_301 : i32
    %ne3A_303 = arith.constant 0 : i32
    %ne3A_304 = arith.cmpi ne, %rem3A_302, %ne3A_303 : i32
    %lt3A_305 = arith.constant 0 : i32
    %lt3A_306 = arith.cmpi slt, %rem3A_302, %lt3A_305 : i32
    %lt3A_307 = arith.constant 0 : i32
    %lt3A_308 = arith.cmpi slt, %select_n3A_301, %lt3A_307 : i32
    %ne3A_309 = arith.xori %lt3A_306, %lt3A_308 : i1
    %and3A_310 = arith.andi %ne3A_309, %ne3A_304 : i1
    %add3A_311 = arith.addi %rem3A_302, %select_n3A_301 : i32
    %select_n3A_312 = arith.select %and3A_310, %add3A_311, %rem3A_302 : i32
    %mul3A_313 = arith.constant 16 : i32
    %mul3A_314 = arith.muli %mul3A_313, %select_n3A_312 : i32
    %dma_wait3A_315 = arith.constant 0 : i32
    %dma_wait3A_316 = arith.constant 128 : i32
    %dma_wait3A_317 = arith.constant 0 : i32
    %dma_wait3A_318 = tpu.memref_slice %arg7[%dma_wait3A_316, %dma_wait3A_317] : memref<256x129xf32, #tpu.memory_space<vmem>> -> memref<16x128xf32, #tpu.memory_space<vmem>>
    %dma_wait3A_319 = arith.constant 0 : i32
    %dma_wait3A_320 = tpu.memref_slice %arg4[%select_n3A_296, %dma_wait3A_315, %mul3A_314, %dma_wait3A_319] : memref<200x8x256x128xf32, #tpu.memory_space<hbm>> -> memref<1x1x16x128xf32, #tpu.memory_space<hbm>>
    %dma_wait3A_321 = tpu.memref_squeeze %dma_wait3A_320 : memref<1x1x16x128xf32, #tpu.memory_space<hbm>> -> memref<16x128xf32, #tpu.memory_space<hbm>>
    %dma_wait3A_322 = arith.constant 0 : i32
    %dma_wait3A_323 = tpu.memref_slice %arg4[%select_n3A_296, %dma_wait3A_315, %mul3A_314, %dma_wait3A_322] : memref<200x8x256x128xf32, #tpu.memory_space<hbm>> -> memref<1x1x16x128xf32, #tpu.memory_space<hbm>>
    %dma_wait3A_324 = tpu.memref_squeeze %dma_wait3A_323 : memref<1x1x16x128xf32, #tpu.memory_space<hbm>> -> memref<16x128xf32, #tpu.memory_space<hbm>>
    %dma_wait3A_325 = arith.constant 128 : i32
    %dma_wait3A_326 = arith.constant 0 : i32
    %dma_wait3A_327 = tpu.memref_slice %arg7[%dma_wait3A_325, %dma_wait3A_326] : memref<256x129xf32, #tpu.memory_space<vmem>> -> memref<16x128xf32, #tpu.memory_space<vmem>>
    tpu.wait_dma2 semaphore(%arg13 : memref<!tpu.dma_semaphore, #tpu.memory_space<semaphore_mem>>) src(%dma_wait3A_327 : memref<16x128xf32, #tpu.memory_space<vmem>>) dst(%dma_wait3A_324 : memref<16x128xf32, #tpu.memory_space<hbm>>)
    %mul3A_328 = arith.constant 16 : i32
    %mul3A_329 = arith.muli %mul3A_328, %select_n3A_312 : i32
    %dma_wait3A_330 = arith.constant 1 : i32
    %dma_wait3A_331 = arith.constant 144 : i32
    %dma_wait3A_332 = arith.constant 0 : i32
    %dma_wait3A_333 = tpu.memref_slice %arg7[%dma_wait3A_331, %dma_wait3A_332] : memref<256x129xf32, #tpu.memory_space<vmem>> -> memref<16x128xf32, #tpu.memory_space<vmem>>
    %dma_wait3A_334 = arith.constant 0 : i32
    %dma_wait3A_335 = tpu.memref_slice %arg4[%select_n3A_296, %dma_wait3A_330, %mul3A_329, %dma_wait3A_334] : memref<200x8x256x128xf32, #tpu.memory_space<hbm>> -> memref<1x1x16x128xf32, #tpu.memory_space<hbm>>
    %dma_wait3A_336 = tpu.memref_squeeze %dma_wait3A_335 : memref<1x1x16x128xf32, #tpu.memory_space<hbm>> -> memref<16x128xf32, #tpu.memory_space<hbm>>
    %dma_wait3A_337 = arith.constant 0 : i32
    %dma_wait3A_338 = tpu.memref_slice %arg4[%select_n3A_296, %dma_wait3A_330, %mul3A_329, %dma_wait3A_337] : memref<200x8x256x128xf32, #tpu.memory_space<hbm>> -> memref<1x1x16x128xf32, #tpu.memory_space<hbm>>
    %dma_wait3A_339 = tpu.memref_squeeze %dma_wait3A_338 : memref<1x1x16x128xf32, #tpu.memory_space<hbm>> -> memref<16x128xf32, #tpu.memory_space<hbm>>
    %dma_wait3A_340 = arith.constant 144 : i32
    %dma_wait3A_341 = arith.constant 0 : i32
    %dma_wait3A_342 = tpu.memref_slice %arg7[%dma_wait3A_340, %dma_wait3A_341] : memref<256x129xf32, #tpu.memory_space<vmem>> -> memref<16x128xf32, #tpu.memory_space<vmem>>
    tpu.wait_dma2 semaphore(%arg13 : memref<!tpu.dma_semaphore, #tpu.memory_space<semaphore_mem>>) src(%dma_wait3A_342 : memref<16x128xf32, #tpu.memory_space<vmem>>) dst(%dma_wait3A_339 : memref<16x128xf32, #tpu.memory_space<hbm>>)
    %mul3A_343 = arith.constant 16 : i32
    %mul3A_344 = arith.muli %mul3A_343, %select_n3A_312 : i32
    %dma_wait3A_345 = arith.constant 2 : i32
    %dma_wait3A_346 = arith.constant 160 : i32
    %dma_wait3A_347 = arith.constant 0 : i32
    %dma_wait3A_348 = tpu.memref_slice %arg7[%dma_wait3A_346, %dma_wait3A_347] : memref<256x129xf32, #tpu.memory_space<vmem>> -> memref<16x128xf32, #tpu.memory_space<vmem>>
    %dma_wait3A_349 = arith.constant 0 : i32
    %dma_wait3A_350 = tpu.memref_slice %arg4[%select_n3A_296, %dma_wait3A_345, %mul3A_344, %dma_wait3A_349] : memref<200x8x256x128xf32, #tpu.memory_space<hbm>> -> memref<1x1x16x128xf32, #tpu.memory_space<hbm>>
    %dma_wait3A_351 = tpu.memref_squeeze %dma_wait3A_350 : memref<1x1x16x128xf32, #tpu.memory_space<hbm>> -> memref<16x128xf32, #tpu.memory_space<hbm>>
    %dma_wait3A_352 = arith.constant 0 : i32
    %dma_wait3A_353 = tpu.memref_slice %arg4[%select_n3A_296, %dma_wait3A_345, %mul3A_344, %dma_wait3A_352] : memref<200x8x256x128xf32, #tpu.memory_space<hbm>> -> memref<1x1x16x128xf32, #tpu.memory_space<hbm>>
    %dma_wait3A_354 = tpu.memref_squeeze %dma_wait3A_353 : memref<1x1x16x128xf32, #tpu.memory_space<hbm>> -> memref<16x128xf32, #tpu.memory_space<hbm>>
    %dma_wait3A_355 = arith.constant 160 : i32
    %dma_wait3A_356 = arith.constant 0 : i32
    %dma_wait3A_357 = tpu.memref_slice %arg7[%dma_wait3A_355, %dma_wait3A_356] : memref<256x129xf32, #tpu.memory_space<vmem>> -> memref<16x128xf32, #tpu.memory_space<vmem>>
    tpu.wait_dma2 semaphore(%arg13 : memref<!tpu.dma_semaphore, #tpu.memory_space<semaphore_mem>>) src(%dma_wait3A_357 : memref<16x128xf32, #tpu.memory_space<vmem>>) dst(%dma_wait3A_354 : memref<16x128xf32, #tpu.memory_space<hbm>>)
    %mul3A_358 = arith.constant 16 : i32
    %mul3A_359 = arith.muli %mul3A_358, %select_n3A_312 : i32
    %dma_wait3A_360 = arith.constant 3 : i32
    %dma_wait3A_361 = arith.constant 176 : i32
    %dma_wait3A_362 = arith.constant 0 : i32
    %dma_wait3A_363 = tpu.memref_slice %arg7[%dma_wait3A_361, %dma_wait3A_362] : memref<256x129xf32, #tpu.memory_space<vmem>> -> memref<16x128xf32, #tpu.memory_space<vmem>>
    %dma_wait3A_364 = arith.constant 0 : i32
    %dma_wait3A_365 = tpu.memref_slice %arg4[%select_n3A_296, %dma_wait3A_360, %mul3A_359, %dma_wait3A_364] : memref<200x8x256x128xf32, #tpu.memory_space<hbm>> -> memref<1x1x16x128xf32, #tpu.memory_space<hbm>>
    %dma_wait3A_366 = tpu.memref_squeeze %dma_wait3A_365 : memref<1x1x16x128xf32, #tpu.memory_space<hbm>> -> memref<16x128xf32, #tpu.memory_space<hbm>>
    %dma_wait3A_367 = arith.constant 0 : i32
    %dma_wait3A_368 = tpu.memref_slice %arg4[%select_n3A_296, %dma_wait3A_360, %mul3A_359, %dma_wait3A_367] : memref<200x8x256x128xf32, #tpu.memory_space<hbm>> -> memref<1x1x16x128xf32, #tpu.memory_space<hbm>>
    %dma_wait3A_369 = tpu.memref_squeeze %dma_wait3A_368 : memref<1x1x16x128xf32, #tpu.memory_space<hbm>> -> memref<16x128xf32, #tpu.memory_space<hbm>>
    %dma_wait3A_370 = arith.constant 176 : i32
    %dma_wait3A_371 = arith.constant 0 : i32
    %dma_wait3A_372 = tpu.memref_slice %arg7[%dma_wait3A_370, %dma_wait3A_371] : memref<256x129xf32, #tpu.memory_space<vmem>> -> memref<16x128xf32, #tpu.memory_space<vmem>>
    tpu.wait_dma2 semaphore(%arg13 : memref<!tpu.dma_semaphore, #tpu.memory_space<semaphore_mem>>) src(%dma_wait3A_372 : memref<16x128xf32, #tpu.memory_space<vmem>>) dst(%dma_wait3A_369 : memref<16x128xf32, #tpu.memory_space<hbm>>)
    %mul3A_373 = arith.constant 16 : i32
    %mul3A_374 = arith.muli %mul3A_373, %select_n3A_312 : i32
    %dma_wait3A_375 = arith.constant 4 : i32
    %dma_wait3A_376 = arith.constant 192 : i32
    %dma_wait3A_377 = arith.constant 0 : i32
    %dma_wait3A_378 = tpu.memref_slice %arg7[%dma_wait3A_376, %dma_wait3A_377] : memref<256x129xf32, #tpu.memory_space<vmem>> -> memref<16x128xf32, #tpu.memory_space<vmem>>
    %dma_wait3A_379 = arith.constant 0 : i32
    %dma_wait3A_380 = tpu.memref_slice %arg4[%select_n3A_296, %dma_wait3A_375, %mul3A_374, %dma_wait3A_379] : memref<200x8x256x128xf32, #tpu.memory_space<hbm>> -> memref<1x1x16x128xf32, #tpu.memory_space<hbm>>
    %dma_wait3A_381 = tpu.memref_squeeze %dma_wait3A_380 : memref<1x1x16x128xf32, #tpu.memory_space<hbm>> -> memref<16x128xf32, #tpu.memory_space<hbm>>
    %dma_wait3A_382 = arith.constant 0 : i32
    %dma_wait3A_383 = tpu.memref_slice %arg4[%select_n3A_296, %dma_wait3A_375, %mul3A_374, %dma_wait3A_382] : memref<200x8x256x128xf32, #tpu.memory_space<hbm>> -> memref<1x1x16x128xf32, #tpu.memory_space<hbm>>
    %dma_wait3A_384 = tpu.memref_squeeze %dma_wait3A_383 : memref<1x1x16x128xf32, #tpu.memory_space<hbm>> -> memref<16x128xf32, #tpu.memory_space<hbm>>
    %dma_wait3A_385 = arith.constant 192 : i32
    %dma_wait3A_386 = arith.constant 0 : i32
    %dma_wait3A_387 = tpu.memref_slice %arg7[%dma_wait3A_385, %dma_wait3A_386] : memref<256x129xf32, #tpu.memory_space<vmem>> -> memref<16x128xf32, #tpu.memory_space<vmem>>
    tpu.wait_dma2 semaphore(%arg13 : memref<!tpu.dma_semaphore, #tpu.memory_space<semaphore_mem>>) src(%dma_wait3A_387 : memref<16x128xf32, #tpu.memory_space<vmem>>) dst(%dma_wait3A_384 : memref<16x128xf32, #tpu.memory_space<hbm>>)
    %mul3A_388 = arith.constant 16 : i32
    %mul3A_389 = arith.muli %mul3A_388, %select_n3A_312 : i32
    %dma_wait3A_390 = arith.constant 5 : i32
    %dma_wait3A_391 = arith.constant 208 : i32
    %dma_wait3A_392 = arith.constant 0 : i32
    %dma_wait3A_393 = tpu.memref_slice %arg7[%dma_wait3A_391, %dma_wait3A_392] : memref<256x129xf32, #tpu.memory_space<vmem>> -> memref<16x128xf32, #tpu.memory_space<vmem>>
    %dma_wait3A_394 = arith.constant 0 : i32
    %dma_wait3A_395 = tpu.memref_slice %arg4[%select_n3A_296, %dma_wait3A_390, %mul3A_389, %dma_wait3A_394] : memref<200x8x256x128xf32, #tpu.memory_space<hbm>> -> memref<1x1x16x128xf32, #tpu.memory_space<hbm>>
    %dma_wait3A_396 = tpu.memref_squeeze %dma_wait3A_395 : memref<1x1x16x128xf32, #tpu.memory_space<hbm>> -> memref<16x128xf32, #tpu.memory_space<hbm>>
    %dma_wait3A_397 = arith.constant 0 : i32
    %dma_wait3A_398 = tpu.memref_slice %arg4[%select_n3A_296, %dma_wait3A_390, %mul3A_389, %dma_wait3A_397] : memref<200x8x256x128xf32, #tpu.memory_space<hbm>> -> memref<1x1x16x128xf32, #tpu.memory_space<hbm>>
    %dma_wait3A_399 = tpu.memref_squeeze %dma_wait3A_398 : memref<1x1x16x128xf32, #tpu.memory_space<hbm>> -> memref<16x128xf32, #tpu.memory_space<hbm>>
    %dma_wait3A_400 = arith.constant 208 : i32
    %dma_wait3A_401 = arith.constant 0 : i32
    %dma_wait3A_402 = tpu.memref_slice %arg7[%dma_wait3A_400, %dma_wait3A_401] : memref<256x129xf32, #tpu.memory_space<vmem>> -> memref<16x128xf32, #tpu.memory_space<vmem>>
    tpu.wait_dma2 semaphore(%arg13 : memref<!tpu.dma_semaphore, #tpu.memory_space<semaphore_mem>>) src(%dma_wait3A_402 : memref<16x128xf32, #tpu.memory_space<vmem>>) dst(%dma_wait3A_399 : memref<16x128xf32, #tpu.memory_space<hbm>>)
    %mul3A_403 = arith.constant 16 : i32
    %mul3A_404 = arith.muli %mul3A_403, %select_n3A_312 : i32
    %dma_wait3A_405 = arith.constant 6 : i32
    %dma_wait3A_406 = arith.constant 224 : i32
    %dma_wait3A_407 = arith.constant 0 : i32
    %dma_wait3A_408 = tpu.memref_slice %arg7[%dma_wait3A_406, %dma_wait3A_407] : memref<256x129xf32, #tpu.memory_space<vmem>> -> memref<16x128xf32, #tpu.memory_space<vmem>>
    %dma_wait3A_409 = arith.constant 0 : i32
    %dma_wait3A_410 = tpu.memref_slice %arg4[%select_n3A_296, %dma_wait3A_405, %mul3A_404, %dma_wait3A_409] : memref<200x8x256x128xf32, #tpu.memory_space<hbm>> -> memref<1x1x16x128xf32, #tpu.memory_space<hbm>>
    %dma_wait3A_411 = tpu.memref_squeeze %dma_wait3A_410 : memref<1x1x16x128xf32, #tpu.memory_space<hbm>> -> memref<16x128xf32, #tpu.memory_space<hbm>>
    %dma_wait3A_412 = arith.constant 0 : i32
    %dma_wait3A_413 = tpu.memref_slice %arg4[%select_n3A_296, %dma_wait3A_405, %mul3A_404, %dma_wait3A_412] : memref<200x8x256x128xf32, #tpu.memory_space<hbm>> -> memref<1x1x16x128xf32, #tpu.memory_space<hbm>>
    %dma_wait3A_414 = tpu.memref_squeeze %dma_wait3A_413 : memref<1x1x16x128xf32, #tpu.memory_space<hbm>> -> memref<16x128xf32, #tpu.memory_space<hbm>>
    %dma_wait3A_415 = arith.constant 224 : i32
    %dma_wait3A_416 = arith.constant 0 : i32
    %dma_wait3A_417 = tpu.memref_slice %arg7[%dma_wait3A_415, %dma_wait3A_416] : memref<256x129xf32, #tpu.memory_space<vmem>> -> memref<16x128xf32, #tpu.memory_space<vmem>>
    tpu.wait_dma2 semaphore(%arg13 : memref<!tpu.dma_semaphore, #tpu.memory_space<semaphore_mem>>) src(%dma_wait3A_417 : memref<16x128xf32, #tpu.memory_space<vmem>>) dst(%dma_wait3A_414 : memref<16x128xf32, #tpu.memory_space<hbm>>)
    %mul3A_418 = arith.constant 16 : i32
    %mul3A_419 = arith.muli %mul3A_418, %select_n3A_312 : i32
    %dma_wait3A_420 = arith.constant 7 : i32
    %dma_wait3A_421 = arith.constant 240 : i32
    %dma_wait3A_422 = arith.constant 0 : i32
    %dma_wait3A_423 = tpu.memref_slice %arg7[%dma_wait3A_421, %dma_wait3A_422] : memref<256x129xf32, #tpu.memory_space<vmem>> -> memref<16x128xf32, #tpu.memory_space<vmem>>
    %dma_wait3A_424 = arith.constant 0 : i32
    %dma_wait3A_425 = tpu.memref_slice %arg4[%select_n3A_296, %dma_wait3A_420, %mul3A_419, %dma_wait3A_424] : memref<200x8x256x128xf32, #tpu.memory_space<hbm>> -> memref<1x1x16x128xf32, #tpu.memory_space<hbm>>
    %dma_wait3A_426 = tpu.memref_squeeze %dma_wait3A_425 : memref<1x1x16x128xf32, #tpu.memory_space<hbm>> -> memref<16x128xf32, #tpu.memory_space<hbm>>
    %dma_wait3A_427 = arith.constant 0 : i32
    %dma_wait3A_428 = tpu.memref_slice %arg4[%select_n3A_296, %dma_wait3A_420, %mul3A_419, %dma_wait3A_427] : memref<200x8x256x128xf32, #tpu.memory_space<hbm>> -> memref<1x1x16x128xf32, #tpu.memory_space<hbm>>
    %dma_wait3A_429 = tpu.memref_squeeze %dma_wait3A_428 : memref<1x1x16x128xf32, #tpu.memory_space<hbm>> -> memref<16x128xf32, #tpu.memory_space<hbm>>
    %dma_wait3A_430 = arith.constant 240 : i32
    %dma_wait3A_431 = arith.constant 0 : i32
    %dma_wait3A_432 = tpu.memref_slice %arg7[%dma_wait3A_430, %dma_wait3A_431] : memref<256x129xf32, #tpu.memory_space<vmem>> -> memref<16x128xf32, #tpu.memory_space<vmem>>
    tpu.wait_dma2 semaphore(%arg13 : memref<!tpu.dma_semaphore, #tpu.memory_space<semaphore_mem>>) src(%dma_wait3A_432 : memref<16x128xf32, #tpu.memory_space<vmem>>) dst(%dma_wait3A_429 : memref<16x128xf32, #tpu.memory_space<hbm>>)
    return
  }
}

</mosaic_0001>

<sc_bundles>
// kernel: kernel.3.cloned.1.call-start
scs
__scs_entry_jumppad:
0x0: {  	(pc) =	sbr.rel $0x88, $3  }
0x1: {  	(tag) =	ssettag $0x0;
	lr =	simm.s32 $0x1  }
0x2: {  	[smem:$0x3F9F] =	sst lr;
	_ =	strace $0xD0000000  }
0x3: {  	_ = 	snop  }
0x4: {  	_ = 	snop  }
0x5: {  	_ = 	snop  }
0x6: {  	_ = 	snop  }
0x7: {  	_ = 	snop  }
__scs_overlays_trampoline_lowered:
0x8: {  	[smem:$0x3FAE] =	sst s0  }
0x9: {  	[smem:$0x3FAF] =	sst s1  }
0xa: {  	[smem:$0x3FB0] =	sst s2  }
0xb: {  	[smem:$0x3FB1] =	sst s3  }
0xc: {  	[smem:$0x3FB2] =	sst s4  }
0xd: {  	[smem:$0x3FB3] =	sst s5  }
0xe: {  	[smem:$0x3FB4] =	sst s6  }
0xf: {  	[smem:$0x3FB5] =	sst s7  }
0x10: {  	[smem:$0x3FB6] =	sst s8  }
0x11: {  	[smem:$0x3FB7] =	sst s9;
	s0 =	simm.s32 @!p0 $0x0  }
0x12: {  	s1 =	sld [smem:$0x3F9D];
	s0 =	simm.s32 @p0 $0x1  }
0x13: {  	[smem:$0x3FB8] =	sst s0;
	s0 =	simm.s32 @!p1 $0x0  }
0x14: {  	s2 =	sld [smem:$0x3F9C];
	s0 =	simm.s32 @p1 $0x1  }
0x15: {  	[smem:$0x3FB9] =	sst s0;
	s0 =	simm.s32 @!p2 $0x0  }
0x16: {  	s3 =	sld [smem:$0x3FDB];
	s0 =	simm.s32 @p2 $0x1  }
0x17: {  	s4 =	simm.s32 $0x1BF5;
	[smem:$0x3FBB] =	sst s0  }
0x18: {  	s0 =	sld [smem:$0x3F9E];
	_ =	swait.ge [sflag:s4], $0x0  }
0x19: {  	s7 =	sld [smem:$0x3F9F]  }
0x1a: {  	s8 =	sadd.s32 $0xFFFFE003, lr  }
0x1b: {  	s9 =	sadd.s32 $0xFFFFFEF7, lr;
	s5 =	simm.s32 $0xFFFFFFFF;
	p2 =	slt.u32 s8, $0xFFFFF086  }
0x1c: {  	p1 =	slt.u32 s9, $0xF7A;
	s5 =	simm.s32 @!p2 $0x0  }
0x1d: {  	s5 =	simm.s32 @p1 $0x1;
	p0 =	seq.s32 s7, s2  }
0x1e: {  	s7 =	smul.u32 @!p0 $0xF7A, s2;
	p2 =	seq.s32 @!p0 s5, $0x0  }
0x1f: {  	s9 =	smul.u32 $0xF7A, s1;
	s8 =	simm.s32 @!p0 $0x1BF5;
	p2 =	por !p2, p0  }
0x20: {  	[sflag:s8] =	ssyncset.s32 @!p0 $0xFFFFF086;
	s6 =	sadd.s32 @!p0 s3, s7;
	s7 =	simm.s32 @!p0 $0x108  }
0x21: {  	s3 =	sadd.s32 s3, s9;
	s6 =	sadd.s32 @!p0 $0x88, s6;
	s7 =	simm.s32 @p2 $0x1082  }
0x22: {  	[simem:s7], [sflag:s8] =	dma.local @!p0 [hbm:s6], $0xF7A  }
0x23: {  	s9 =	sor.u32 $0xD0000000, s2;
	s6 =	simm.s32 $0x108;
	_ =	swait.ge @!p0 [sflag:s8], $0x0  }
0x24: {  	s3 =	sadd.s32 $0x88, s3;
	s6 =	simm.s32 @!p1 $0x1082;
	[sflag:s4] =	ssyncset.s32 $0xFFFFF086  }
0x25: {  	[simem:s6], [sflag:s4] =	dma.local [hbm:s3], $0xF7A  }
0x26: {  	[smem:$0x3F9F] =	sst s1;
	(tag) =	ssettag s2;
	_ =	strace s9  }
0x27: {  	s1 =	sld [smem:$0x3FAF]  }
0x28: {  	s2 =	sld [smem:$0x3FB0]  }
0x29: {  	s4 =	sld [smem:$0x3FB2]  }
0x2a: {  	p0 =	seq.s32 s5, $0x0;
	s5 =	sld [smem:$0x3FB3]  }
0x2b: {  	s6 =	sld [smem:$0x3FB4]  }
0x2c: {  	s7 =	sld [smem:$0x3FB5]  }
0x2d: {  	s3 =	simm.s32 $0x108;
	s8 =	sld [smem:$0x3FB6]  }
0x2e: {  	s3 =	simm.s32 @!p0 $0x1082;
	s9 =	sld [smem:$0x3FB7]  }
0x2f: {  	lr =	sadd.s32 s0, s3;
	s0 =	sld [smem:$0x3FAE]  }
0x30: {  	s3 =	sld [smem:$0x3FB1]  }
0x31: {  	[smem:$0x3FBA] =	sst s10  }
0x32: {  	s10 =	sld [smem:$0x3FB8];
	_ =	sdelay $0x3  }
0x33: {  	p0 =	seq.s32 s10, $0x1;
	s10 =	sld [smem:$0x3FBA];
	_ =	sdelay $0x3  }
0x34: {  	[smem:$0x3FBA] =	sst s10  }
0x35: {  	s10 =	sld [smem:$0x3FB9];
	_ =	sdelay $0x3  }
0x36: {  	p1 =	seq.s32 s10, $0x1;
	s10 =	sld [smem:$0x3FBA];
	_ =	sdelay $0x3  }
0x37: {  	[smem:$0x3FBA] =	sst s10  }
0x38: {  	s10 =	sld [smem:$0x3FBB]  }
0x39: {  	_ = 	snop;
	(pc) =	sbr.ind lr, $3  }
0x3a: {  	_ = 	snop  }
0x3b: {  	_ = 	snop  }
0x3c: {  	p2 =	seq.s32 s10, $0x1;
	s10 =	sld [smem:$0x3FBA]  }
0x3d: {  	_ =	shalt  }
0x3e: {  	_ =	shalt  }
0x3f: {  	_ =	shalt  }
0x40: {  	_ =	shalt  }
0x41: {  	_ =	shalt  }
0x42: {  	_ =	shalt  }
0x43: {  	_ =	shalt  }
0x44: {  	_ =	shalt  }
0x45: {  	_ =	shalt  }
0x46: {  	_ =	shalt  }
0x47: {  	_ =	shalt  }
0x48: {  	_ =	shalt  }
0x49: {  	_ =	shalt  }
0x4a: {  	_ =	shalt  }
0x4b: {  	_ =	shalt  }
0x4c: {  	_ =	shalt  }
0x4d: {  	_ =	shalt  }
0x4e: {  	_ =	shalt  }
0x4f: {  	_ =	shalt  }
0x50: {  	_ =	shalt  }
0x51: {  	_ =	shalt  }
0x52: {  	_ =	shalt  }
0x53: {  	_ =	shalt  }
0x54: {  	_ =	shalt  }
0x55: {  	_ =	shalt  }
0x56: {  	_ =	shalt  }
0x57: {  	_ =	shalt  }
0x58: {  	_ =	shalt  }
0x59: {  	_ =	shalt  }
0x5a: {  	_ =	shalt  }
0x5b: {  	_ =	shalt  }
0x5c: {  	_ =	shalt  }
0x5d: {  	_ =	shalt  }
0x5e: {  	_ =	shalt  }
0x5f: {  	_ =	shalt  }
0x60: {  	_ =	shalt  }
0x61: {  	_ =	shalt  }
0x62: {  	_ =	shalt  }
0x63: {  	_ =	shalt  }
0x64: {  	_ =	shalt  }
0x65: {  	_ =	shalt  }
0x66: {  	_ =	shalt  }
0x67: {  	_ =	shalt  }
0x68: {  	_ =	shalt  }
0x69: {  	_ =	shalt  }
0x6a: {  	_ =	shalt  }
0x6b: {  	_ =	shalt  }
0x6c: {  	_ =	shalt  }
0x6d: {  	_ =	shalt  }
0x6e: {  	_ =	shalt  }
0x6f: {  	_ =	shalt  }
0x70: {  	_ =	shalt  }
0x71: {  	_ =	shalt  }
0x72: {  	_ =	shalt  }
0x73: {  	_ =	shalt  }
0x74: {  	_ =	shalt  }
0x75: {  	_ =	shalt  }
0x76: {  	_ =	shalt  }
0x77: {  	_ =	shalt  }
0x78: {  	_ =	shalt  }
0x79: {  	_ =	shalt  }
0x7a: {  	_ =	shalt  }
0x7b: {  	_ =	shalt  }
0x7c: {  	_ =	shalt  }
0x7d: {  	_ =	shalt  }
0x7e: {  	_ =	shalt  }
0x7f: {  	_ =	shalt  }
0x80: {  	_ =	shalt  }
0x81: {  	_ =	shalt  }
0x82: {  	_ =	shalt  }
0x83: {  	_ =	shalt  }
0x84: {  	_ =	shalt  }
0x85: {  	_ =	shalt  }
0x86: {  	_ =	shalt  }
0x87: {  	_ =	shalt  }
.Lfunc_end0:
.L_simem_size_0:
called_computation_lowered:
.L_overlay_start_0:
0x88: {  	s2 =	sld [smem:$0x3FD9]  }
0x89: {  	s3 =	sld [smem:$0x3FFE];
	_ =	sdelay $0x1  }
0x8a: {  	s1 =	srdreg.scid  }
0x8b: {  	s0 =	sand.u32 $0x1, s1  }
0x8c: {  	s17 =	sshll.u32 s0, $0xA;
	s2 =	sadd.s32 s3, s2  }
0x8d: {  	s2 =	sadd.s32 s2, s17  }
0x8e: {  	[smem:$0x3FC6] =	sst s2  }
0x8f: {  	_ = 	snop  }
0x90: {  	s2 =	sld [smem:$0x3FD0];
	(tm) =	ssettm $0x1  }
0x91: {  	s18 =	sld [smem:$0x3FFB];
	_ =	sdelay $0x3  }
0x92: {  	_ =	strace s18  }
0x93: {  	s3 =	sld [smem:$0x3FFC];
	_ =	sdelay $0x3  }
0x94: {  	_ =	strace s3  }
0x95: {  	s3 =	sld [smem:$0x3FFD];
	_ =	sdelay $0x3  }
0x96: {  	_ =	strace s3  }
0x97: {  	_ =	strace $0x8FFFFFFF  }
0x98: {  	s19 =	sld [smem:$0x3FDB];
	_ =	sdelay $0x1  }
0x99: {  	s4 =	simm.s32 $_scs_section_size  }
0x9a: {  	s5 =	simm.s32 $_size__tile_overlayer_lowered;
	s6 =	simm.s32 $_tile_overlayer_lowered  }
0x9b: {  	s22 =	simm.s32 $0x1BFF;
	s21 =	sshll.u32 s6, $0x1;
	s3 =	sadd.s32 s4, s19  }
0x9c: {  	s7 =	simm.s32 $0x0;
	s20 =	sshll.u32 s5, $0x1;
	s5 =	sadd.s32 s21, s3  }
0x9d: {  	[timem:s7], [sflag:s22] =	dma.local [hbm:s5], s20  }
0x9e: {  	_ =	swait.ge [sflag:s22], s20  }
0x9f: {  	s4 =	ssub.s32 $0x0, s20;
	[sflag:s22] =	ssyncset.done $0x0  }
0xa0: {  	[sflag:s22] =	ssyncadd.s32 s4;
	_ =	sdelay $0x1  }
0xa1: {  	s23 =	simm.s32 $0x1B8B  }
0xa2: {  	_ =	swait.ge [sflag:s23], $0x1  }
0xa3: {  	[sflag:s23] =	ssyncset.done $0x0  }
0xa4: {  	s25 =	simm.s32 $0x1B8E;
	s24 =	sld [smem:$0x3FFE];
	[sflag:s23] =	ssyncadd.s32 $0xFFFFFFFF  }
0xa5: {  	s26 =	simm.s32 $execute0_lowered;
	[smem:$0x3FD2] =	sst s25  }
0xa6: {  	s5 =	sshll.u32 s26, $0x1;
	_ =	strace $0x80000046;
	[dreg:$0x1] =	wrdreg $0xFFFFFFFF  }
0xa7: {  	s28 =	simm.s32 $_size_execute0_lowered;
	s3 =	sadd.s32 s3, s5;
	[dreg:$0x0] =	wrdreg $0x0  }
0xa8: {  	s5 =	sshll.u32 s28, $0x1;
	[dreg:$0x2] =	wrdreg s3  }
0xa9: {  	[dreg:$0x3] =	wrdreg s5  }
0xaa: {  	[dreg:$0x4] =	wrdreg $0xC0  }
0xab: {  	_ =	task [dreg:s7], $0x5FFFF  }
0xac: {  	[dreg:$0x1] =	wrdreg $0xFFFFFFFF  }
0xad: {  	[dreg:$0x0] =	wrdreg $0x60  }
0xae: {  	[dreg:$0x2] =	wrdreg s24  }
0xaf: {  	[dreg:$0x3] =	wrdreg s2  }
0xb0: {  	[dreg:$0x4] =	wrdreg $0x9  }
0xb1: {  	_ =	task.clear_ibuf [dreg:s7], $0x5FFFF;
	_ =	strace $0x90000046  }
0xb2: {  	s29 =	simm.s32 $0x9;
	_ =	strace $0x80000048  }
0xb3: {  	_ =	swait.ge [sflag:s29], $0x1  }
0xb4: {  	[sflag:s29] =	ssyncadd.s32 $0xFFFFFFFF  }
0xb5: {  	_ =	strace $0x90000048  }
0xb6: {  	_ =	sfence  }
0xb7: {  	s30 =	sld [smem:$0x0];
	_ =	sdelay $0x2  }
0xb8: {  	s31 =	sshll.u32 s1, $0xD;
	s1 =	sshrl.u32 s1, $0x2  }
0xb9: {  	s3 =	sand.u32 $0x4000, s31;
	s1 =	sadd.s32 s1, s30  }
0xba: {  	s0 =	sor.u32 s3, s0;
	s1 =	sshll.u32 s1, $0x11  }
0xbb: {  	s0 =	sor.u32 s1, s0  }
0xbc: {  	s0 =	sadd.s32 $0x8F2B, s0  }
0xbd: {  	[sflag:s0] =	ssyncadd.remote.s32 $0x1  }
0xbe: {  	_ =	sfence.sel $0xFFFF  }
0xbf: {  	[dreg:$0x0] =	wrdreg $0xFFFFFFFF;
	(pc) =	sbr.abs _section_cstart, $3  }
0xc0: {  	[dreg:$0x1] =	wrdreg $0xFFFFFFFF  }
0xc1: {  	_ =	task.clear_ibuf [dreg:s7], $0x2FFFF;
	_ =	strace $0x9FFFFFFF  }
0xc2: {  	(tm) =	ssettm $0x7FFFFFFF  }
0xc3: {  	_ =	shalt  }
tec
execute0_lowered:
.L_overlay_start_1:
0x0: {  	(tag) =	ssettag $0x1  }
0x1: {  	v0 =	vimm.s32 $0xC38;
	vm14 =	vcmask $0x300;
	vm13 =	vcmask $0x704  }
0x2: {  	vm12 =	vcmask $0xB08;
	vm11 =	vcmask $0xF0C;
	vm10 =	vcmask $0x1310  }
0x3: {  	vm9 =	vcmask $0x1714;
	vm8 =	vcmask $0x1B18;
	vm7 =	vcmask $0x1F1C  }
0x4: {  	vm6 =	vcmask $0x2320;
	vm5 =	vcmask $0x2724;
	vm4 =	vcmask $0x2B28  }
0x5: {  	vm3 =	vcmask $0x2F2C;
	vm2 =	vcmask $0x3330;
	vm1 =	vcmask $0x3734  }
0x6: {  	vm0 =	vcmask $0x3B38;
	v1 =	vimm.s32 $0x0;
	v2 =	vimm.s32 $0x1D38  }
0x7: {  	v3 =	vimm.s32 $0x2E38;
	v4 =	vimm.s32 $0x3F38;
	v0 =	vsel vm14, $0x0, v0  }
0x8: {  	v1 =	vsel vm14, $0x3, v1;
	v2 =	vsel vm14, $0x1100, v2;
	v3 =	vsel vm14, $0x2200, v3  }
0x9: {  	v4 =	vsel vm14, $0x3300, v4;
	v0 =	vsel vm13, $0x88, v0;
	v2 =	vsel vm13, $0x1188, v2  }
0xa: {  	v3 =	vsel vm13, $0x2288, v3;
	v4 =	vsel vm13, $0x3388, v4;
	v0 =	vsel vm12, $0x110, v0  }
0xb: {  	v2 =	vsel vm12, $0x1210, v2;
	v3 =	vsel vm12, $0x2310, v3;
	v4 =	vsel vm12, $0x3410, v4  }
0xc: {  	v0 =	vsel vm11, $0x198, v0;
	v2 =	vsel vm11, $0x1298, v2;
	v3 =	vsel vm11, $0x2398, v3  }
0xd: {  	v4 =	vsel vm11, $0x3498, v4;
	v0 =	vsel vm10, $0x220, v0;
	v2 =	vsel vm10, $0x1320, v2  }
0xe: {  	v3 =	vsel vm10, $0x2420, v3;
	v4 =	vsel vm10, $0x3520, v4;
	v0 =	vsel vm9, $0x2A8, v0  }
0xf: {  	s0 =	rddreg [dreg:$0x0];
	s1 =	srdreg.scid;
	v2 =	vsel vm9, $0x13A8, v2;
	v3 =	vsel vm9, $0x24A8, v3;
	v4 =	vsel vm9, $0x35A8, v4  }
0x10: {  	s2 =	stileid.u32;
	s13 =	rddreg [dreg:$0x1];
	v0 =	vsel vm8, $0x330, v0;
	v2 =	vsel vm8, $0x1430, v2;
	v3 =	vsel vm8, $0x2530, v3  }
0x11: {  	s3 =	simm.s32 $0x0;
	s16 =	simm.s32 $0x80;
	s25 =	simm.s32 $0x1;
	v4 =	vsel vm8, $0x3630, v4;
	v0 =	vsel vm7, $0x3B8, v0;
	v2 =	vsel vm7, $0x14B8, v2  }
0x12: {  	s26 =	simm.s32 $0x16400;
	s19 =	simm.s32 $0x2;
	s30 =	simm.s32 $0x3;
	v3 =	vsel vm7, $0x25B8, v3;
	v4 =	vsel vm7, $0x36B8, v4;
	v0 =	vsel vm6, $0x880, v0  }
0x13: {  	s31 =	simm.s32 $0x5;
	s14 =	simm.s32 $0x6;
	s15 =	simm.s32 $0x4;
	v2 =	vsel vm6, $0x1980, v2;
	v3 =	vsel vm6, $0x2A80, v3;
	v4 =	vsel vm6, $0x3B80, v4  }
0x14: {  	s1 =	sand.u32 $0x1, s1;
	s4 =	sshll.u32 s2, $0x1;
	[smem:$0x7FF] =	sst s3;
	v0 =	vsel vm5, $0x908, v0;
	v2 =	vsel vm5, $0x1A08, v2;
	v3 =	vsel vm5, $0x2B08, v3  }
0x15: {  	s8 =	sadd.s32 $0x2000, s13;
	s9 =	sadd.s32 $0x3000, s13;
	s10 =	sadd.s32 $0x4000, s13;
	v4 =	vsel vm5, $0x3C08, v4;
	v0 =	vsel vm4, $0x990, v0;
	v2 =	vsel vm4, $0x1A90, v2  }
0x16: {  	s11 =	sadd.s32 $0x5000, s13;
	s5 =	sor.u32 s1, s4;
	s1 =	ssub.s32 $0x2, s1;
	v3 =	vsel vm4, $0x2B90, v3;
	v4 =	vsel vm4, $0x3C90, v4;
	v0 =	vsel vm3, $0xA18, v0  }
0x17: {  	s12 =	sadd.s32 $0x6000, s13;
	s4 =	smul.u32 $0xC80, s5;
	s6 =	sshrl.u32 s1, $0x1;
	v2 =	vsel vm3, $0x1B18, v2;
	v3 =	vsel vm3, $0x2C18, v3;
	v4 =	vsel vm3, $0x3D18, v4  }
0x18: {  	_ =	strace $0x80000047;
	s5 =	smul.u32 $0x64, s5;
	s28 =	ssub.s32 s1, s6;
	v0 =	vsel vm2, $0xAA0, v0;
	v2 =	vsel vm2, $0x1BA0, v2;
	v3 =	vsel vm2, $0x2CA0, v3  }
0x19: {  	s7 =	sadd.s32 s4, s0;
	s4 =	sadd.s32 $0xF42A00, s0;
	s0 =	smax.u32 s28, $0x1;
	v4 =	vsel vm2, $0x3DA0, v4;
	v0 =	vsel vm1, $0xB28, v0;
	v2 =	vsel vm1, $0x1C28, v2  }
0x1a: {  	s1 =	simm.s32 $0x0;
	s29 =	sadd.s32 $0x600, s7;
	[dreg:$0x4] =	wrdreg s0;
	v3 =	vsel vm1, $0x2D28, v3;
	v4 =	vsel vm1, $0x3E28, v4;
	v0 =	vsel vm0, $0xBB0, v0  }
0x1b: {  	s7 =	sadd.s32 $0x1000, s13;
	s13 =	sadd.s32 $0x7000, s13;
	[dreg:$0x3] =	wrdreg s29;
	v2 =	vsel vm0, $0x1CB0, v2;
	v3 =	vsel vm0, $0x2DB0, v3;
	v4 =	vsel vm0, $0x3EB0, v4  }
.LBB2_1:
0x1c: {  	[dreg:$0x5] =	wrdreg s1  }
0x1d: {  	s0 =	rddreg [dreg:$0x3];
	s20 =	simm.s32 $0x7  }
0x1e: {  	[tilespmem:s3], [sflag:$0x7] =	stream.linear.gather [hbm4b:s0+s3], $0x6400, $0x38;
	[tilespmem:$0x1EC00] =	vst v63  }
0x1f: {  	_ =	swait.ge [sflag:s20], $0x6400  }
0x20: {  	[sflag:s20] =	ssyncset.done $0x0  }
0x21: {  	s21 =	simm.s32 $0x6400;
	[sflag:s20] =	ssyncadd.s32 $0xFFFF9C00  }
0x22: {  	[tilespmem:s21], [sflag:$0x1] =	stream.indirect.gather [hbm4b:s4+s16], $0x40, s3, s16, $0xb8;
	[tilespmem:$0x1EC00] =	vst v63  }
0x23: {  	s22 =	simm.s32 $0x8400  }
0x24: {  	[tilespmem:s22], [sflag:$0x1] =	stream.indirect.gather [hbm4b:s4+s16], $0x40, s16, s16, $0xb8;
	[tilespmem:$0x1EC00] =	vst v63  }
0x25: {  	s23 =	simm.s32 $0x100;
	s24 =	simm.s32 $0xA400  }
0x26: {  	[tilespmem:s24], [sflag:$0x2] =	stream.indirect.gather [hbm4b:s4+s16], $0x40, s23, s16, $0xb8;
	[tilespmem:$0x1EC00] =	vst v63  }
0x27: {  	s28 =	simm.s32 $0x180;
	s29 =	simm.s32 $0xC400;
	s23 =	simm.s32 $0x0  }
0x28: {  	[tilespmem:s29], [sflag:$0x2] =	stream.indirect.gather [hbm4b:s4+s16], $0x40, s28, s16, $0xb8;
	[tilespmem:$0x1EC00] =	vst v63  }
.LBB2_2:
0x29: {  	s29 =	sshll.u32 s23, $0x2  }
0x2a: {  	s28 =	sor.u32 $0x2, s29  }
0x2b: {  	s0 =	sshll.u32 s28, $0x8  }
0x2c: {  	s1 =	simm.s32 $0xE400;
	s0 =	sand.u32 $0x3FFFFE00, s0  }
0x2d: {  	[tilespmem:s1], [sflag:$0x3] =	stream.indirect.gather [hbm4b:s4+s16], $0x40, s0, s16, $0xb8;
	[tilespmem:$0x1EC00] =	vst v63  }
0x2e: {  	s21 =	simm.s32 $0x10400;
	p0 =	seq.s32 s23, $0x0;
	s0 =	sor.u32 $0x80, s0  }
0x2f: {  	[tilespmem:s21], [sflag:$0x3] =	stream.indirect.gather [hbm4b:s4+s16], $0x40, s0, s16, $0xb8;
	[tilespmem:$0x1EC00] =	vst v63  }
0x30: {  	s0 =	simm.s32 @!p0 $0x5  }
0x31: {  	_ =	swait.ge @!p0 [sflag:s0], $0x800  }
0x32: {  	[sflag:s0] =	ssyncset.done @!p0 $0x0  }
0x33: {  	[sflag:s0] =	ssyncadd.s32 @!p0 $0xFFFFF800  }
0x34: {  	_ =	swait.ge @!p0 [sflag:s0], $0x800  }
0x35: {  	[sflag:s0] =	ssyncset.done @!p0 $0x0  }
0x36: {  	[sflag:s0] =	ssyncadd.s32 @!p0 $0xFFFFF800  }
0x37: {  	_ =	swait.ge @!p0 [sflag:s0], $0x800  }
0x38: {  	[sflag:s0] =	ssyncset.done @!p0 $0x0  }
0x39: {  	[sflag:s0] =	ssyncadd.s32 @!p0 $0xFFFFF800  }
0x3a: {  	_ =	swait.ge @!p0 [sflag:s0], $0x800  }
0x3b: {  	[sflag:s0] =	ssyncset.done @!p0 $0x0  }
0x3c: {  	[sflag:s0] =	ssyncadd.s32 @!p0 $0xFFFFF800  }
0x3d: {  	_ =	swait.ge @!p0 [sflag:s0], $0x800  }
0x3e: {  	[sflag:s0] =	ssyncset.done @!p0 $0x0  }
0x3f: {  	[sflag:s0] =	ssyncadd.s32 @!p0 $0xFFFFF800  }
0x40: {  	_ =	swait.ge @!p0 [sflag:s0], $0x800  }
0x41: {  	[sflag:s0] =	ssyncset.done @!p0 $0x0  }
0x42: {  	s17 =	simm.s32 $0x3;
	s24 =	simm.s32 $0x4;
	[sflag:s0] =	ssyncadd.s32 @!p0 $0xFFFFF800  }
0x43: {  	s2 =	simm.s32 $0x6;
	s18 =	simm.s32 $0x0;
	_ =	swait.ge @!p0 [sflag:s0], $0x800  }
0x44: {  	s17 =	sand.u32 $0x78, s17;
	s24 =	sand.u32 $0x78, s24;
	[sflag:s0] =	ssyncset.done @!p0 $0x0  }
0x45: {  	s6 =	sand.u32 $0x78, s2;
	s18 =	sand.u32 $0x8, s18;
	v7 =	vmov s17;
	v9 =	vmov s24;
	[sflag:s0] =	ssyncadd.s32 @!p0 $0xFFFFF800  }
0x46: {  	v10 =	vmov s6;
	v11 =	vmov s18;
	s24 =	simm.s32 $0x7;
	v7 =	vshrl.u32 v7, $0x3;
	_ =	swait.ge @!p0 [sflag:s0], $0x800  }
0x47: {  	v11 =	vmul.u32 $0x88, v11;
	v9 =	vshrl.u32 v9, $0x3;
	v10 =	vshrl.u32 v10, $0x3;
	s18 =	sand.u32 $0x78, s24;
	[sflag:s0] =	ssyncset.done @!p0 $0x0  }
0x48: {  	v7 =	vshll.u32 v7, v1;
	v9 =	vshll.u32 v9, v1;
	v21 =	vmov s18;
	[sflag:s0] =	ssyncadd.s32 @!p0 $0xFFFFF800  }
0x49: {  	v10 =	vshll.u32 v10, v1;
	v11 =	vbroadcast v11, $0x0;
	v21 =	vshrl.u32 v21, $0x3;
	_ =	swait.ge [sflag:s25], $0x2000  }
0x4a: {  	v7 =	vbroadcast v7, $0x0;
	v25 =	vbroadcast v9, $0x0;
	s21 =	simm.s32 $0x1;
	v9 =	vshll.u32 v21, v1;
	[sflag:s25] =	ssyncset.done $0x0  }
0x4b: {  	s22 =	simm.s32 $0x2;
	s17 =	sand.u32 $0x78, s21;
	v16 =	vadd.s32 v0, v11;
	v18 =	vadd.s32 v4, v11;
	v22 =	vadd.s32 v3, v11;
	[sflag:s25] =	ssyncadd.s32 $0xFFFFE000  }
0x4c: {  	v11 =	vadd.s32 v2, v11;
	v9 =	vbroadcast v9, $0x0;
	v15 =	vmov s17;
	s0 =	sand.u32 $0x78, s22;
	_ =	swait.ge [sflag:s25], $0x2000  }
0x4d: {  	s1 =	simm.s32 $0x6500;
	v19 =	vadd.s32 v7, v16;
	v23 =	vadd.s32 v7, v11;
	v6 =	vmov s0;
	s0 =	simm.s32 $0x0;
	[sflag:s25] =	ssyncset.done $0x0  }
0x4e: {  	v28 =	vadd.s32 v25, v16;
	v62 =	vadd.s32 v7, v18;
	v15 =	vshrl.u32 v15, $0x3;
	s22 =	simm.s32 $0x5;
	s20 =	sand.u32 $0x78, s0;
	[sflag:s25] =	ssyncadd.s32 $0xFFFFE000  }
0x4f: {  	v19 =	vor.u32 $0x3, v19;
	v15 =	vshll.u32 v15, v1;
	s17 =	sand.u32 $0x78, s22;
	v13 =	vmov s20;
	v14 =	vld [tilespmem:s1+$0xFFFFFFC0]  }
0x50: {  	v6 =	vshrl.u32 v6, $0x3;
	v20 =	vmov s17;
	v13 =	vshrl.u32 v13, $0x3  }
0x51: {  	v6 =	vshll.u32 v6, v1;
	v20 =	vshrl.u32 v20, $0x3;
	v13 =	vshll.u32 v13, v1;
	v5 =	vld [tilespmem:s1+$0xC0]  }
0x52: {  	v6 =	vbroadcast v6, $0x0;
	v20 =	vshll.u32 v20, v1;
	v13 =	vbroadcast v13, $0x0;
	v8 =	vld [tilespmem:s1+$0xFFFFFF00]  }
0x53: {  	v27 =	vbroadcast v15, $0x0;
	v15 =	vor.u32 $0x3, v23;
	v21 =	vbroadcast v20, $0x0;
	v12 =	vld [tilespmem:s1+$0xFFFFFF80]  }
0x54: {  	v17 =	vadd.s32 v6, v16;
	v23 =	vld [tilespmem:s1+$0x0];
	v26 =	vadd.s32 v13, v16;
	v14 =	vmul.f32 $8.000000000e+00, v14  }
0x55: {  	v28 =	vor.u32 $0x4, v28;
	v32 =	vadd.s32 v9, v16;
	v17 =	vor.u32 $0x2, v17;
	v24 =	vld [tilespmem:s1+$0x40]  }
0x56: {  	v36 =	vadd.s32 v9, v11;
	v32 =	vor.u32 $0x7, v32;
	v30 =	vadd.s32 v21, v16;
	[tilespmem:v19+s26+$0x0] =	vst.idx.msk $0xffff, v14  }
0x57: {  	v33 =	vadd.s32 v27, v16;
	v30 =	vor.u32 $0x5, v30;
	v8 =	vmul.f32 $8.000000000e+00, v8;
	v20 =	vld [tilespmem:s1+$0xFFFFFFD0]  }
0x58: {  	v61 =	vadd.s32 v6, v18;
	v31 =	vld [tilespmem:s1+$0xFFFFFF40];
	v35 =	vadd.s32 v21, v22;
	v12 =	vmul.f32 $8.000000000e+00, v12  }
0x59: {  	v29 =	vadd.s32 v13, v22;
	v5 =	vmul.f32 $8.000000000e+00, v5;
	v23 =	vmul.f32 $8.000000000e+00, v23;
	[tilespmem:v26+s26+$0x0] =	vst.idx.msk $0xffff, v8  }
0x5a: {  	v24 =	vmul.f32 $8.000000000e+00, v24;
	v19 =	vadd.s32 v13, v11;
	v14 =	vadd.s32 v6, v11;
	[tilespmem:v17+s26+$0x0] =	vst.idx.msk $0xffff, v12;
	v17 =	vld [tilespmem:s1+$0xFFFFFF10]  }
0x5b: {  	v26 =	vbroadcast v10, $0x0;
	[tilespmem:v28+s26+$0x0] =	vst.idx.msk $0xffff, v23;
	v34 =	vor.u32 $0x2, v14;
	v14 =	vor.u32 $0x1, v33;
	v37 =	vld [tilespmem:s1+$0xFFFFFF90]  }
0x5c: {  	v8 =	vadd.s32 v7, v22;
	v12 =	vadd.s32 v25, v11;
	[tilespmem:v30+s26+$0x0] =	vst.idx.msk $0xffff, v24;
	v20 =	vmul.f32 $8.000000000e+00, v20  }
0x5d: {  	v57 =	vld [tilespmem:s1+$0x80];
	v31 =	vmul.f32 $8.000000000e+00, v31;
	v28 =	vadd.s32 v25, v22;
	[tilespmem:v32+s26+$0x0] =	vst.idx.msk $0xffff, v5;
	v5 =	vadd.s32 v27, v11  }
0x5e: {  	v39 =	vor.u32 $0x3, v8;
	v40 =	vld [tilespmem:s1+$0x10];
	v12 =	vor.u32 $0x4, v12;
	[tilespmem:v15+s26+$0x0] =	vst.idx.msk $0xffff, v20;
	v15 =	vadd.s32 v26, v16  }
0x5f: {  	v30 =	vld [tilespmem:s1+$0x50];
	v10 =	vadd.s32 v26, v22;
	v38 =	vadd.s32 v26, v11;
	v23 =	vor.u32 $0x6, v15  }
0x60: {  	[tilespmem:v14+s26+$0x0] =	vst.idx.msk $0xffff, v31;
	v24 =	vmul.f32 $8.000000000e+00, v17;
	v16 =	vadd.s32 v21, v11;
	v11 =	vmul.f32 $8.000000000e+00, v37;
	v20 =	vld [tilespmem:s1+$0xFFFFFFE0]  }
0x61: {  	v31 =	vld [tilespmem:s1+$0xFFFFFF50];
	v15 =	vadd.s32 v6, v22;
	v58 =	vor.u32 $0x5, v16;
	v16 =	vadd.s32 v26, v18  }
0x62: {  	[tilespmem:v19+s26+$0x0] =	vst.idx.msk $0xffff, v24;
	v26 =	vld [tilespmem:s1+$0xD0];
	v17 =	vor.u32 $0x2, v15;
	v15 =	vor.u32 $0x1, v5;
	v5 =	vmul.f32 $8.000000000e+00, v57  }
0x63: {  	v36 =	vor.u32 $0x7, v36;
	v7 =	vadd.s32 v21, v18;
	v13 =	vadd.s32 v13, v18;
	v59 =	vld [tilespmem:s1+$0xFFFFFF20];
	[tilespmem:v34+s26+$0x0] =	vst.idx.msk $0xffff, v11  }
0x64: {  	v8 =	vor.u32 $0x5, v35;
	v7 =	vor.u32 $0x5, v7;
	v11 =	vmul.f32 $8.000000000e+00, v40;
	v60 =	vld [tilespmem:s1+$0xFFFFFFA0];
	[tilespmem:v23+s26+$0x0] =	vst.idx.msk $0xffff, v5  }
0x65: {  	v14 =	vadd.s32 v9, v22;
	v6 =	vadd.s32 v25, v18;
	v24 =	vmul.f32 $8.000000000e+00, v20;
	v63 =	vld [tilespmem:s1+$0x90]  }
0x66: {  	v19 =	vadd.s32 v9, v18;
	v6 =	vor.u32 $0x4, v6;
	[tilespmem:v12+s26+$0x0] =	vst.idx.msk $0xffff, v11;
	v5 =	vmul.f32 $8.000000000e+00, v30  }
0x67: {  	v9 =	vmul.f32 $8.000000000e+00, v31;
	v12 =	vadd.s32 v27, v18;
	v11 =	vmul.f32 $8.000000000e+00, v26;
	v23 =	vld [tilespmem:s1+$0x20];
	[tilespmem:v39+s26+$0x0] =	vst.idx.msk $0xffff, v24  }
0x68: {  	v20 =	vadd.s32 v27, v22;
	v22 =	vor.u32 $0x6, v38;
	v18 =	vmul.f32 $8.000000000e+00, v59;
	[tilespmem:v58+s26+$0x0] =	vst.idx.msk $0xffff, v5;
	v21 =	vld [tilespmem:s1+$0xFFFFFFF0]  }
0x69: {  	v5 =	vor.u32 $0x1, v12;
	v12 =	vor.u32 $0x4, v28;
	v26 =	vmul.f32 $8.000000000e+00, v60;
	[tilespmem:v36+s26+$0x0] =	vst.idx.msk $0xffff, v11;
	v24 =	vld [tilespmem:s1+$0x60]  }
0x6a: {  	s17 =	simm.s32 $0x6700;
	[tilespmem:v29+s26+$0x0] =	vst.idx.msk $0xffff, v18;
	v18 =	vor.u32 $0x2, v61;
	v11 =	vor.u32 $0x3, v62;
	v25 =	vld [tilespmem:s1+$0xE0];
	v27 =	vmul.f32 $8.000000000e+00, v63  }
.LBB2_3:
0x6b: {  	s18 =	sadd.s32 $0xA, s0  }
0x6c: {  	s24 =	sadd.s32 $0xB, s0;
	s20 =	sadd.s32 $0xC, s0;
	v28 =	vld [tilespmem:s1+$0xFFFFFF30];
	v20 =	vor.u32 $0x1, v20;
	[tilespmem:v17+s26+$0x0] =	vst.idx.msk $0xffff, v26;
	v17 =	vor.u32 $0x6, v10;
	v10 =	vor.u32 $0x7, v19;
	s21 =	smov.u32 s0  }
0x6d: {  	s22 =	sadd.s32 $0x9, s0;
	v21 =	vmul.f32 $8.000000000e+00, v21;
	v16 =	vor.u32 $0x6, v16;
	v14 =	vor.u32 $0x7, v14;
	s18 =	sand.u32 $0x78, s18;
	s24 =	sand.u32 $0x78, s24;
	v19 =	vld [tilespmem:s1+$0xFFFFFFB0];
	[tilespmem:v22+s26+$0x0] =	vst.idx.msk $0xffff, v27  }
0x6e: {  	s0 =	sadd.s32 $0x8, s0;
	v22 =	vmov s18;
	v26 =	vmov s24;
	s18 =	sand.u32 $0x78, s20;
	s20 =	sadd.s32 $0xE, s21;
	v23 =	vmul.f32 $8.000000000e+00, v23;
	v27 =	vld [tilespmem:s1+$0xA0]  }
0x6f: {  	s24 =	sshrl.u32 s0, $0x4;
	v22 =	vshrl.u32 v22, $0x3;
	v29 =	vmov s18;
	s18 =	sadd.s32 $0xD, s21;
	s20 =	sand.u32 $0x78, s20;
	v30 =	vld [tilespmem:s17+$0xC0];
	v24 =	vmul.f32 $8.000000000e+00, v24  }
0x70: {  	s24 =	sand.u32 $0x8, s24;
	v26 =	vshrl.u32 v26, $0x3;
	v31 =	vld [tilespmem:s17+$0xFFFFFF00];
	s18 =	sand.u32 $0x78, s18;
	v32 =	vmov s20;
	s20 =	sadd.s32 $0xF, s21;
	[tilespmem:v15+s26+$0x0] =	vst.idx.msk $0xffff, v9;
	v9 =	vmul.f32 $8.000000000e+00, v25  }
0x71: {  	s22 =	sand.u32 $0x78, s22;
	v15 =	vmov s24;
	s21 =	sand.u32 $0x78, s0;
	v22 =	vshll.u32 v22, v1;
	v25 =	vld [tilespmem:s17+$0xFFFFFF80];
	s20 =	sand.u32 $0x78, s20;
	v28 =	vmul.f32 $8.000000000e+00, v28;
	[tilespmem:v8+s26+$0x0] =	vst.idx.msk $0xffff, v24  }
0x72: {  	p1 =	slt.u32 s0, $0xF8;
	v8 =	vmov s21;
	v24 =	vmul.u32 $0x88, v15;
	v33 =	vld [tilespmem:s1+$0xFFFFFF60];
	v19 =	vmul.f32 $8.000000000e+00, v19;
	[tilespmem:v14+s26+$0x0] =	vst.idx.msk $0xffff, v9  }
0x73: {  	v9 =	vbroadcast v22, $0x0;
	v22 =	vshll.u32 v26, v1;
	v14 =	vld [tilespmem:s17+$0xFFFFFFC0];
	[tilespmem:v13+s26+$0x0] =	vst.idx.msk $0xffff, v28;
	v13 =	vmul.f32 $8.000000000e+00, v27  }
0x74: {  	v8 =	vshrl.u32 v8, $0x3;
	v26 =	vshrl.u32 v29, $0x3;
	v15 =	vmul.f32 $8.000000000e+00, v30;
	[tilespmem:v18+s26+$0x0] =	vst.idx.msk $0xffff, v19  }
0x75: {  	v19 =	vbroadcast v24, $0x0;
	v24 =	vshll.u32 v26, v1;
	v18 =	vmul.f32 $8.000000000e+00, v31;
	v26 =	vld [tilespmem:s1+$0x70];
	[tilespmem:v17+s26+$0x0] =	vst.idx.msk $0xffff, v13  }
0x76: {  	v17 =	vmov s22;
	v13 =	vbroadcast v22, $0x0;
	v25 =	vmul.f32 $8.000000000e+00, v25;
	[tilespmem:v11+s26+$0x0] =	vst.idx.msk $0xffff, v21;
	v21 =	vld [tilespmem:s1+$0xB0]  }
0x77: {  	v27 =	vshrl.u32 v32, $0x3;
	v22 =	vadd.s32 v0, v19;
	v11 =	vadd.s32 v4, v19  }
0x78: {  	v28 =	vadd.s32 v9, v22;
	v29 =	vadd.s32 v13, v22;
	v14 =	vmul.f32 $8.000000000e+00, v14  }
0x79: {  	v30 =	vmov s18;
	v31 =	vmov s20;
	v29 =	vor.u32 $0x3, v29;
	[tilespmem:v12+s26+$0x0] =	vst.idx.msk $0xffff, v23;
	v12 =	vld [tilespmem:s1+$0xF0]  }
0x7a: {  	v17 =	vshrl.u32 v17, $0x3;
	v23 =	vshrl.u32 v30, $0x3;
	v30 =	vld [tilespmem:s1+$0x30];
	v26 =	vmul.f32 $8.000000000e+00, v26  }
0x7b: {  	v17 =	vshll.u32 v17, v1;
	v28 =	vor.u32 $0x2, v28;
	v21 =	vmul.f32 $8.000000000e+00, v21  }
0x7c: {  	v8 =	vshll.u32 v8, v1;
	v32 =	vadd.s32 v3, v19;
	v23 =	vshll.u32 v23, v1  }
0x7d: {  	v19 =	vadd.s32 v2, v19;
	v31 =	vshrl.u32 v31, $0x3;
	v33 =	vmul.f32 $8.000000000e+00, v33;
	[tilespmem:v16+s26+$0x0] =	vst.idx.msk $0xffff, v21  }
0x7e: {  	v34 =	vbroadcast v8, $0x0;
	v8 =	vadd.s32 v13, v19;
	[tilespmem:v29+s26+$0x0] =	vst.idx.msk $0xffff, v14;
	v14 =	vshll.u32 v27, v1  }
0x7f: {  	v24 =	vbroadcast v24, $0x0;
	v21 =	vshll.u32 v31, v1;
	v12 =	vmul.f32 $8.000000000e+00, v12;
	v16 =	vld [tilespmem:s17+$0x40];
	[tilespmem:v20+s26+$0x0] =	vst.idx.msk $0xffff, v33  }
0x80: {  	v23 =	vbroadcast v23, $0x0;
	v20 =	vadd.s32 v34, v19;
	[tilespmem:v28+s26+$0x0] =	vst.idx.msk $0xffff, v25;
	v25 =	vadd.s32 v9, v19;
	v27 =	vld [tilespmem:s1+$0xFFFFFF70];
	s1 =	smov.u32 s17  }
0x81: {  	v29 =	vbroadcast v17, $0x0;
	v30 =	vmul.f32 $8.000000000e+00, v30;
	v28 =	vadd.s32 v34, v22;
	v17 =	vld [tilespmem:s17+$0xFFFFFFD0];
	[tilespmem:v10+s26+$0x0] =	vst.idx.msk $0xffff, v12  }
0x82: {  	v8 =	vor.u32 $0x3, v8;
	v21 =	vbroadcast v21, $0x0;
	v12 =	vadd.s32 v24, v22;
	v10 =	vld [tilespmem:s17+$0x0];
	[tilespmem:v7+s26+$0x0] =	vst.idx.msk $0xffff, v26  }
0x83: {  	v31 =	vadd.s32 v34, v32;
	v7 =	vor.u32 $0x4, v12;
	v12 =	vadd.s32 v23, v22;
	[tilespmem:v6+s26+$0x0] =	vst.idx.msk $0xffff, v30  }
0x84: {  	v26 =	vadd.s32 v21, v22;
	v12 =	vor.u32 $0x5, v12;
	v6 =	vld [tilespmem:s17+$0xFFFFFF40];
	v16 =	vmul.f32 $8.000000000e+00, v16  }
0x85: {  	v25 =	vor.u32 $0x2, v25;
	v30 =	vadd.s32 v29, v22;
	v27 =	vmul.f32 $8.000000000e+00, v27  }
0x86: {  	[tilespmem:v28+s26+$0x0] =	vst.idx.msk $0xffff, v18;
	v18 =	vor.u32 $0x1, v30;
	v17 =	vmul.f32 $8.000000000e+00, v17;
	v28 =	vbroadcast v14, $0x0  }
0x87: {  	v33 =	vadd.s32 v24, v19;
	v14 =	vadd.s32 v13, v32;
	v30 =	vmul.f32 $8.000000000e+00, v10;
	v35 =	vld [tilespmem:s17+$0x80];
	[tilespmem:v5+s26+$0x0] =	vst.idx.msk $0xffff, v27  }
0x88: {  	v36 =	vadd.s32 v21, v19;
	v26 =	vor.u32 $0x7, v26;
	v27 =	vadd.s32 v23, v32;
	v5 =	vld [tilespmem:s17+$0xFFFFFF10]  }
0x89: {  	v10 =	vadd.s32 v28, v32;
	v6 =	vmul.f32 $8.000000000e+00, v6;
	v37 =	vld [tilespmem:s17+$0xFFFFFF90];
	[tilespmem:v8+s26+$0x0] =	vst.idx.msk $0xffff, v17;
	v8 =	vadd.s32 v28, v22  }
0x8a: {  	v38 =	vadd.s32 v28, v19;
	v22 =	vld [tilespmem:s17+$0xFFFFFFE0];
	[tilespmem:v7+s26+$0x0] =	vst.idx.msk $0xffff, v30;
	v7 =	vadd.s32 v24, v32;
	v30 =	vor.u32 $0x6, v8  }
0x8b: {  	v33 =	vor.u32 $0x4, v33;
	[tilespmem:v18+s26+$0x0] =	vst.idx.msk $0xffff, v6;
	v6 =	vadd.s32 v9, v32;
	v18 =	vor.u32 $0x3, v14;
	v39 =	vld [tilespmem:s17+$0x10]  }
0x8c: {  	v8 =	vor.u32 $0x5, v27;
	v14 =	vadd.s32 v21, v32;
	v40 =	vld [tilespmem:s17+$0xFFFFFF50];
	[tilespmem:v12+s26+$0x0] =	vst.idx.msk $0xffff, v16;
	v12 =	vadd.s32 v23, v19  }
0x8d: {  	v17 =	vor.u32 $0x2, v6;
	v5 =	vmul.f32 $8.000000000e+00, v5;
	v6 =	vld [tilespmem:s17+$0x50];
	v12 =	vor.u32 $0x5, v12;
	[tilespmem:v26+s26+$0x0] =	vst.idx.msk $0xffff, v15  }
0x8e: {  	v16 =	vadd.s32 v28, v11;
	v15 =	vadd.s32 v29, v19;
	v19 =	vmul.f32 $8.000000000e+00, v37;
	v26 =	vld [tilespmem:s17+$0xD0]  }
0x8f: {  	v15 =	vor.u32 $0x1, v15;
	[tilespmem:v20+s26+$0x0] =	vst.idx.msk $0xffff, v5;
	v5 =	vmul.f32 $8.000000000e+00, v22;
	v22 =	vmul.f32 $8.000000000e+00, v35  }
0x90: {  	v20 =	vadd.s32 v29, v32;
	v27 =	vld [tilespmem:s17+$0xFFFFFF20];
	[tilespmem:v25+s26+$0x0] =	vst.idx.msk $0xffff, v19;
	v25 =	vmul.f32 $8.000000000e+00, v39;
	v19 =	vadd.s32 v21, v11  }
0x91: {  	v32 =	vadd.s32 v9, v11;
	v35 =	vadd.s32 v13, v11;
	v28 =	vld [tilespmem:s17+$0xFFFFFFA0];
	[tilespmem:v30+s26+$0x0] =	vst.idx.msk $0xffff, v22;
	v30 =	vor.u32 $0x7, v36  }
0x92: {  	v22 =	vor.u32 $0x6, v38;
	[tilespmem:v18+s26+$0x0] =	vst.idx.msk $0xffff, v5;
	v5 =	vmul.f32 $8.000000000e+00, v6;
	v18 =	vadd.s32 v23, v11;
	v36 =	vld [tilespmem:s17+$0x90]  }
.Ltmp0:
0x93: {  	v9 =	vmul.f32 $8.000000000e+00, v40;
	v6 =	vadd.s32 v24, v11;
	v21 =	vld [tilespmem:s17+$0xFFFFFFF0];
	[tilespmem:v33+s26+$0x0] =	vst.idx.msk $0xffff, v25;
	v25 =	vmul.f32 $8.000000000e+00, v26;
	(pc) =	sbr.rel @p1 .LBB2_3-.Ltmp0, $4  }
0x94: {  	v13 =	vadd.s32 v34, v11;
	v11 =	vadd.s32 v29, v11;
	[tilespmem:v12+s26+$0x0] =	vst.idx.msk $0xffff, v5  }
0x95: {  	v5 =	vor.u32 $0x1, v11;
	v12 =	vor.u32 $0x4, v7;
	v27 =	vmul.f32 $8.000000000e+00, v27;
	v23 =	vld [tilespmem:s17+$0x20]  }
0x96: {  	v6 =	vor.u32 $0x4, v6;
	v7 =	vor.u32 $0x5, v18;
	v26 =	vmul.f32 $8.000000000e+00, v28;
	v24 =	vld [tilespmem:s17+$0x60];
	[tilespmem:v30+s26+$0x0] =	vst.idx.msk $0xffff, v25  }
0x97: {  	v18 =	vor.u32 $0x2, v32;
	v11 =	vor.u32 $0x3, v35;
	s17 =	sadd.s32 $0x200, s17;
	[tilespmem:v31+s26+$0x0] =	vst.idx.msk $0xffff, v27;
	v27 =	vmul.f32 $8.000000000e+00, v36;
	v25 =	vld [tilespmem:s1+$0xE0]  }
0x98: {  	_ =	sdelay $0x3  }
0x99: {  	[tilespmem:v22+s26+$0x0] =	vst.idx.msk $0xffff, v27  }
0x9a: {  	[tilespmem:v15+s26+$0x0] =	vst.idx.msk $0xffff, v9;
	v22 =	vld [tilespmem:s1+$0xA0]  }
0x9b: {  	v14 =	vor.u32 $0x7, v14;
	v9 =	vld [tilespmem:s1+$0xFFFFFF60]  }
0x9c: {  	v10 =	vor.u32 $0x6, v10  }
0x9d: {  	v15 =	vld [tilespmem:s1+$0xFFFFFF30];
	v20 =	vor.u32 $0x1, v20;
	v24 =	vmul.f32 $8.000000000e+00, v24  }
0x9e: {  	[tilespmem:v17+s26+$0x0] =	vst.idx.msk $0xffff, v26;
	v25 =	vmul.f32 $8.000000000e+00, v25  }
0x9f: {  	[tilespmem:v8+s26+$0x0] =	vst.idx.msk $0xffff, v24;
	v17 =	vmul.f32 $8.000000000e+00, v22  }
0xa0: {  	[tilespmem:v14+s26+$0x0] =	vst.idx.msk $0xffff, v25;
	v9 =	vmul.f32 $8.000000000e+00, v9;
	v22 =	vld [tilespmem:s1+$0xFFFFFFB0]  }
0xa1: {  	v8 =	vld [tilespmem:s1+$0xF0];
	[tilespmem:v10+s26+$0x0] =	vst.idx.msk $0xffff, v17;
	v10 =	vmul.f32 $8.000000000e+00, v23  }
0xa2: {  	v15 =	vmul.f32 $8.000000000e+00, v15;
	[tilespmem:v20+s26+$0x0] =	vst.idx.msk $0xffff, v9;
	v17 =	vld [tilespmem:s1+$0x70]  }
0xa3: {  	v14 =	vld [tilespmem:s1+$0xB0];
	[tilespmem:v12+s26+$0x0] =	vst.idx.msk $0xffff, v10;
	v10 =	vor.u32 $0x7, v19  }
0xa4: {  	[tilespmem:v13+s26+$0x0] =	vst.idx.msk $0xffff, v15;
	v9 =	vmul.f32 $8.000000000e+00, v21;
	v13 =	vld [tilespmem:s1+$0xFFFFFF70]  }
0xa5: {  	v16 =	vor.u32 $0x6, v16;
	v12 =	vmul.f32 $8.000000000e+00, v22;
	v19 =	vld [tilespmem:s1+$0x30]  }
0xa6: {  	[tilespmem:v11+s26+$0x0] =	vst.idx.msk $0xffff, v9;
	v8 =	vmul.f32 $8.000000000e+00, v8  }
0xa7: {  	[tilespmem:v18+s26+$0x0] =	vst.idx.msk $0xffff, v12;
	v9 =	vmul.f32 $8.000000000e+00, v17  }
0xa8: {  	s0 =	sadd.s32 s5, s29;
	v12 =	vmul.f32 $8.000000000e+00, v14;
	[tilespmem:v10+s26+$0x0] =	vst.idx.msk $0xffff, v8  }
0xa9: {  	s24 =	sshll.u32 s0, $0x8;
	s0 =	sshll.u32 s0, $0xB;
	[tilespmem:v7+s26+$0x0] =	vst.idx.msk $0xffff, v9;
	v7 =	vmul.f32 $8.000000000e+00, v13  }
0xaa: {  	s0 =	sand.u32 $0xFFF8000, s0;
	s1 =	sand.u32 $0xC00, s24;
	[tilespmem:v16+s26+$0x0] =	vst.idx.msk $0xffff, v12;
	v11 =	vmul.f32 $8.000000000e+00, v19  }
0xab: {  	s2 =	rddreg [dreg:$0x1];
	s0 =	sor.u32 s1, s0;
	[tilespmem:v5+s26+$0x0] =	vst.idx.msk $0xffff, v7  }
0xac: {  	s1 =	sadd.s32 s2, s0;
	[tilespmem:v6+s26+$0x0] =	vst.idx.msk $0xffff, v11  }
0xad: {  	[hbm4b:s1+s3] =	stream.linear.scatter [tilespmem:s26], [sflag:$0x5], $0x80, $0x38;
	[tilespmem:$0x1EC00] =	vst v63  }
0xae: {  	s2 =	simm.s32 $0x16488;
	s17 =	sadd.s32 $0x10, s1  }
0xaf: {  	[hbm4b:s17+s3] =	stream.linear.scatter [tilespmem:s2], [sflag:$0x5], $0x80, $0x38;
	[tilespmem:$0x1EC00] =	vst v63  }
0xb0: {  	s18 =	simm.s32 $0x16510;
	s6 =	sadd.s32 $0x20, s1  }
0xb1: {  	[hbm4b:s6+s3] =	stream.linear.scatter [tilespmem:s18], [sflag:$0x5], $0x80, $0x38;
	[tilespmem:$0x1EC00] =	vst v63  }
0xb2: {  	s21 =	simm.s32 $0x16598;
	s20 =	sadd.s32 $0x30, s1  }
0xb3: {  	[hbm4b:s20+s3] =	stream.linear.scatter [tilespmem:s21], [sflag:$0x5], $0x80, $0x38;
	[tilespmem:$0x1EC00] =	vst v63  }
0xb4: {  	s24 =	simm.s32 $0x16620;
	s22 =	sadd.s32 $0x40, s1  }
0xb5: {  	[hbm4b:s22+s3] =	stream.linear.scatter [tilespmem:s24], [sflag:$0x5], $0x80, $0x38;
	[tilespmem:$0x1EC00] =	vst v63  }
0xb6: {  	s6 =	sadd.s32 $0x50, s1;
	s18 =	simm.s32 $0x166A8  }
0xb7: {  	[hbm4b:s6+s3] =	stream.linear.scatter [tilespmem:s18], [sflag:$0x5], $0x80, $0x38;
	[tilespmem:$0x1EC00] =	vst v63  }
0xb8: {  	s20 =	sadd.s32 $0x60, s1;
	s21 =	simm.s32 $0x16730  }
0xb9: {  	[hbm4b:s20+s3] =	stream.linear.scatter [tilespmem:s21], [sflag:$0x5], $0x80, $0x38;
	[tilespmem:$0x1EC00] =	vst v63  }
0xba: {  	s22 =	sadd.s32 $0x70, s1;
	s24 =	simm.s32 $0x167B8  }
0xbb: {  	[hbm4b:s22+s3] =	stream.linear.scatter [tilespmem:s24], [sflag:$0x5], $0x80, $0x38;
	[tilespmem:$0x1EC00] =	vst v63  }
0xbc: {  	s6 =	sadd.s32 $0x80, s1;
	s18 =	simm.s32 $0x16840  }
0xbd: {  	[hbm4b:s6+s3] =	stream.linear.scatter [tilespmem:s18], [sflag:$0x5], $0x80, $0x38;
	[tilespmem:$0x1EC00] =	vst v63  }
0xbe: {  	s20 =	sadd.s32 $0x90, s1;
	s21 =	simm.s32 $0x168C8  }
0xbf: {  	[hbm4b:s20+s3] =	stream.linear.scatter [tilespmem:s21], [sflag:$0x5], $0x80, $0x38;
	[tilespmem:$0x1EC00] =	vst v63  }
0xc0: {  	s22 =	sadd.s32 $0xA0, s1;
	s24 =	simm.s32 $0x16950  }
0xc1: {  	[hbm4b:s22+s3] =	stream.linear.scatter [tilespmem:s24], [sflag:$0x5], $0x80, $0x38;
	[tilespmem:$0x1EC00] =	vst v63  }
0xc2: {  	s6 =	sadd.s32 $0xB0, s1;
	s18 =	simm.s32 $0x169D8  }
0xc3: {  	[hbm4b:s6+s3] =	stream.linear.scatter [tilespmem:s18], [sflag:$0x5], $0x80, $0x38;
	[tilespmem:$0x1EC00] =	vst v63  }
0xc4: {  	s20 =	sadd.s32 $0xC0, s1;
	s21 =	simm.s32 $0x16A60  }
0xc5: {  	[hbm4b:s20+s3] =	stream.linear.scatter [tilespmem:s21], [sflag:$0x5], $0x80, $0x38;
	[tilespmem:$0x1EC00] =	vst v63  }
0xc6: {  	s22 =	sadd.s32 $0xD0, s1;
	s24 =	simm.s32 $0x16AE8  }
0xc7: {  	[hbm4b:s22+s3] =	stream.linear.scatter [tilespmem:s24], [sflag:$0x5], $0x80, $0x38;
	[tilespmem:$0x1EC00] =	vst v63  }
0xc8: {  	s6 =	sadd.s32 $0xE0, s1;
	s18 =	simm.s32 $0x16B70  }
0xc9: {  	[hbm4b:s6+s3] =	stream.linear.scatter [tilespmem:s18], [sflag:$0x5], $0x80, $0x38;
	[tilespmem:$0x1EC00] =	vst v63  }
0xca: {  	s1 =	sadd.s32 $0xF0, s1;
	s20 =	simm.s32 $0x16BF8  }
0xcb: {  	[hbm4b:s1+s3] =	stream.linear.scatter [tilespmem:s20], [sflag:$0x5], $0x80, $0x38;
	[tilespmem:$0x1EC00] =	vst v63  }
0xcc: {  	s21 =	simm.s32 $0x16C80;
	s1 =	sadd.s32 s0, s7  }
0xcd: {  	[hbm4b:s1+s3] =	stream.linear.scatter [tilespmem:s21], [sflag:$0x5], $0x80, $0x38;
	[tilespmem:$0x1EC00] =	vst v63  }
0xce: {  	s24 =	simm.s32 $0x16D08;
	s22 =	sadd.s32 $0x10, s1  }
0xcf: {  	[hbm4b:s22+s3] =	stream.linear.scatter [tilespmem:s24], [sflag:$0x5], $0x80, $0x38;
	[tilespmem:$0x1EC00] =	vst v63  }
0xd0: {  	s18 =	simm.s32 $0x16D90;
	s6 =	sadd.s32 $0x20, s1  }
0xd1: {  	[hbm4b:s6+s3] =	stream.linear.scatter [tilespmem:s18], [sflag:$0x5], $0x80, $0x38;
	[tilespmem:$0x1EC00] =	vst v63  }
0xd2: {  	s20 =	sadd.s32 $0x30, s1;
	s21 =	simm.s32 $0x16E18  }
0xd3: {  	[hbm4b:s20+s3] =	stream.linear.scatter [tilespmem:s21], [sflag:$0x5], $0x80, $0x38;
	[tilespmem:$0x1EC00] =	vst v63  }
0xd4: {  	s22 =	sadd.s32 $0x40, s1;
	s24 =	simm.s32 $0x16EA0  }
0xd5: {  	[hbm4b:s22+s3] =	stream.linear.scatter [tilespmem:s24], [sflag:$0x5], $0x80, $0x38;
	[tilespmem:$0x1EC00] =	vst v63  }
0xd6: {  	s6 =	sadd.s32 $0x50, s1;
	s18 =	simm.s32 $0x16F28  }
0xd7: {  	[hbm4b:s6+s3] =	stream.linear.scatter [tilespmem:s18], [sflag:$0x5], $0x80, $0x38;
	[tilespmem:$0x1EC00] =	vst v63  }
0xd8: {  	s20 =	sadd.s32 $0x60, s1;
	s21 =	simm.s32 $0x16FB0  }
0xd9: {  	[hbm4b:s20+s3] =	stream.linear.scatter [tilespmem:s21], [sflag:$0x5], $0x80, $0x38;
	[tilespmem:$0x1EC00] =	vst v63  }
0xda: {  	s22 =	sadd.s32 $0x70, s1;
	s24 =	simm.s32 $0x17038  }
0xdb: {  	[hbm4b:s22+s3] =	stream.linear.scatter [tilespmem:s24], [sflag:$0x5], $0x80, $0x38;
	[tilespmem:$0x1EC00] =	vst v63  }
0xdc: {  	s6 =	sadd.s32 $0x80, s1;
	s18 =	simm.s32 $0x170C0  }
0xdd: {  	[hbm4b:s6+s3] =	stream.linear.scatter [tilespmem:s18], [sflag:$0x5], $0x80, $0x38;
	[tilespmem:$0x1EC00] =	vst v63  }
0xde: {  	s20 =	sadd.s32 $0x90, s1;
	s21 =	simm.s32 $0x17148  }
0xdf: {  	[hbm4b:s20+s3] =	stream.linear.scatter [tilespmem:s21], [sflag:$0x5], $0x80, $0x38;
	[tilespmem:$0x1EC00] =	vst v63  }
0xe0: {  	s22 =	sadd.s32 $0xA0, s1;
	s24 =	simm.s32 $0x171D0  }
0xe1: {  	[hbm4b:s22+s3] =	stream.linear.scatter [tilespmem:s24], [sflag:$0x5], $0x80, $0x38;
	[tilespmem:$0x1EC00] =	vst v63  }
0xe2: {  	s6 =	sadd.s32 $0xB0, s1;
	s18 =	simm.s32 $0x17258  }
0xe3: {  	[hbm4b:s6+s3] =	stream.linear.scatter [tilespmem:s18], [sflag:$0x5], $0x80, $0x38;
	[tilespmem:$0x1EC00] =	vst v63  }
0xe4: {  	s20 =	sadd.s32 $0xC0, s1;
	s21 =	simm.s32 $0x172E0  }
0xe5: {  	[hbm4b:s20+s3] =	stream.linear.scatter [tilespmem:s21], [sflag:$0x5], $0x80, $0x38;
	[tilespmem:$0x1EC00] =	vst v63  }
0xe6: {  	s22 =	sadd.s32 $0xD0, s1;
	s24 =	simm.s32 $0x17368  }
0xe7: {  	[hbm4b:s22+s3] =	stream.linear.scatter [tilespmem:s24], [sflag:$0x5], $0x80, $0x38;
	[tilespmem:$0x1EC00] =	vst v63  }
0xe8: {  	s6 =	sadd.s32 $0xE0, s1;
	s18 =	simm.s32 $0x173F0  }
0xe9: {  	[hbm4b:s6+s3] =	stream.linear.scatter [tilespmem:s18], [sflag:$0x5], $0x80, $0x38;
	[tilespmem:$0x1EC00] =	vst v63  }
0xea: {  	s1 =	sadd.s32 $0xF0, s1;
	s20 =	simm.s32 $0x17478  }
0xeb: {  	[hbm4b:s1+s3] =	stream.linear.scatter [tilespmem:s20], [sflag:$0x5], $0x80, $0x38;
	[tilespmem:$0x1EC00] =	vst v63  }
0xec: {  	s21 =	simm.s32 $0x17500;
	s1 =	sadd.s32 s0, s8  }
0xed: {  	[hbm4b:s1+s3] =	stream.linear.scatter [tilespmem:s21], [sflag:$0x5], $0x80, $0x38;
	[tilespmem:$0x1EC00] =	vst v63  }
0xee: {  	s24 =	simm.s32 $0x17588;
	s22 =	sadd.s32 $0x10, s1  }
0xef: {  	[hbm4b:s22+s3] =	stream.linear.scatter [tilespmem:s24], [sflag:$0x5], $0x80, $0x38;
	[tilespmem:$0x1EC00] =	vst v63  }
0xf0: {  	s18 =	simm.s32 $0x17610;
	s6 =	sadd.s32 $0x20, s1  }
0xf1: {  	[hbm4b:s6+s3] =	stream.linear.scatter [tilespmem:s18], [sflag:$0x5], $0x80, $0x38;
	[tilespmem:$0x1EC00] =	vst v63  }
0xf2: {  	s20 =	sadd.s32 $0x30, s1;
	s21 =	simm.s32 $0x17698  }
0xf3: {  	[hbm4b:s20+s3] =	stream.linear.scatter [tilespmem:s21], [sflag:$0x5], $0x80, $0x38;
	[tilespmem:$0x1EC00] =	vst v63  }
0xf4: {  	s22 =	sadd.s32 $0x40, s1;
	s24 =	simm.s32 $0x17720  }
0xf5: {  	[hbm4b:s22+s3] =	stream.linear.scatter [tilespmem:s24], [sflag:$0x5], $0x80, $0x38;
	[tilespmem:$0x1EC00] =	vst v63  }
0xf6: {  	s6 =	sadd.s32 $0x50, s1;
	s18 =	simm.s32 $0x177A8  }
0xf7: {  	[hbm4b:s6+s3] =	stream.linear.scatter [tilespmem:s18], [sflag:$0x5], $0x80, $0x38;
	[tilespmem:$0x1EC00] =	vst v63  }
0xf8: {  	s20 =	sadd.s32 $0x60, s1;
	s21 =	simm.s32 $0x17830  }
0xf9: {  	[hbm4b:s20+s3] =	stream.linear.scatter [tilespmem:s21], [sflag:$0x5], $0x80, $0x38;
	[tilespmem:$0x1EC00] =	vst v63  }
0xfa: {  	s22 =	sadd.s32 $0x70, s1;
	s24 =	simm.s32 $0x178B8  }
0xfb: {  	[hbm4b:s22+s3] =	stream.linear.scatter [tilespmem:s24], [sflag:$0x5], $0x80, $0x38;
	[tilespmem:$0x1EC00] =	vst v63  }
0xfc: {  	s6 =	sadd.s32 $0x80, s1;
	s18 =	simm.s32 $0x17940  }
0xfd: {  	[hbm4b:s6+s3] =	stream.linear.scatter [tilespmem:s18], [sflag:$0x5], $0x80, $0x38;
	[tilespmem:$0x1EC00] =	vst v63  }
0xfe: {  	s20 =	sadd.s32 $0x90, s1;
	s21 =	simm.s32 $0x179C8  }
0xff: {  	[hbm4b:s20+s3] =	stream.linear.scatter [tilespmem:s21], [sflag:$0x5], $0x80, $0x38;
	[tilespmem:$0x1EC00] =	vst v63  }
0x100: {  	s22 =	sadd.s32 $0xA0, s1;
	s24 =	simm.s32 $0x17A50  }
0x101: {  	[hbm4b:s22+s3] =	stream.linear.scatter [tilespmem:s24], [sflag:$0x5], $0x80, $0x38;
	[tilespmem:$0x1EC00] =	vst v63  }
0x102: {  	s6 =	sadd.s32 $0xB0, s1;
	s18 =	simm.s32 $0x17AD8  }
0x103: {  	[hbm4b:s6+s3] =	stream.linear.scatter [tilespmem:s18], [sflag:$0x5], $0x80, $0x38;
	[tilespmem:$0x1EC00] =	vst v63  }
0x104: {  	s20 =	sadd.s32 $0xC0, s1;
	s21 =	simm.s32 $0x17B60  }
0x105: {  	[hbm4b:s20+s3] =	stream.linear.scatter [tilespmem:s21], [sflag:$0x5], $0x80, $0x38;
	[tilespmem:$0x1EC00] =	vst v63  }
0x106: {  	s22 =	sadd.s32 $0xD0, s1;
	s24 =	simm.s32 $0x17BE8  }
0x107: {  	[hbm4b:s22+s3] =	stream.linear.scatter [tilespmem:s24], [sflag:$0x5], $0x80, $0x38;
	[tilespmem:$0x1EC00] =	vst v63  }
0x108: {  	s6 =	sadd.s32 $0xE0, s1;
	s18 =	simm.s32 $0x17C70  }
0x109: {  	[hbm4b:s6+s3] =	stream.linear.scatter [tilespmem:s18], [sflag:$0x5], $0x80, $0x38;
	[tilespmem:$0x1EC00] =	vst v63  }
0x10a: {  	s1 =	sadd.s32 $0xF0, s1;
	s20 =	simm.s32 $0x17CF8  }
0x10b: {  	[hbm4b:s1+s3] =	stream.linear.scatter [tilespmem:s20], [sflag:$0x5], $0x80, $0x38;
	[tilespmem:$0x1EC00] =	vst v63  }
0x10c: {  	s21 =	simm.s32 $0x17D80;
	s1 =	sadd.s32 s0, s9  }
0x10d: {  	[hbm4b:s1+s3] =	stream.linear.scatter [tilespmem:s21], [sflag:$0x5], $0x80, $0x38;
	[tilespmem:$0x1EC00] =	vst v63  }
0x10e: {  	s24 =	simm.s32 $0x17E08;
	s22 =	sadd.s32 $0x10, s1  }
0x10f: {  	[hbm4b:s22+s3] =	stream.linear.scatter [tilespmem:s24], [sflag:$0x5], $0x80, $0x38;
	[tilespmem:$0x1EC00] =	vst v63  }
0x110: {  	s18 =	simm.s32 $0x17E90;
	s6 =	sadd.s32 $0x20, s1  }
0x111: {  	[hbm4b:s6+s3] =	stream.linear.scatter [tilespmem:s18], [sflag:$0x5], $0x80, $0x38;
	[tilespmem:$0x1EC00] =	vst v63  }
0x112: {  	s20 =	sadd.s32 $0x30, s1;
	s21 =	simm.s32 $0x17F18  }
0x113: {  	[hbm4b:s20+s3] =	stream.linear.scatter [tilespmem:s21], [sflag:$0x5], $0x80, $0x38;
	[tilespmem:$0x1EC00] =	vst v63  }
0x114: {  	s22 =	sadd.s32 $0x40, s1;
	s24 =	simm.s32 $0x17FA0  }
0x115: {  	[hbm4b:s22+s3] =	stream.linear.scatter [tilespmem:s24], [sflag:$0x5], $0x80, $0x38;
	[tilespmem:$0x1EC00] =	vst v63  }
0x116: {  	s6 =	sadd.s32 $0x50, s1;
	s18 =	simm.s32 $0x18028  }
0x117: {  	[hbm4b:s6+s3] =	stream.linear.scatter [tilespmem:s18], [sflag:$0x5], $0x80, $0x38;
	[tilespmem:$0x1EC00] =	vst v63  }
0x118: {  	s20 =	sadd.s32 $0x60, s1;
	s21 =	simm.s32 $0x180B0  }
0x119: {  	[hbm4b:s20+s3] =	stream.linear.scatter [tilespmem:s21], [sflag:$0x5], $0x80, $0x38;
	[tilespmem:$0x1EC00] =	vst v63  }
0x11a: {  	s22 =	sadd.s32 $0x70, s1;
	s24 =	simm.s32 $0x18138  }
0x11b: {  	[hbm4b:s22+s3] =	stream.linear.scatter [tilespmem:s24], [sflag:$0x5], $0x80, $0x38;
	[tilespmem:$0x1EC00] =	vst v63  }
0x11c: {  	s6 =	sadd.s32 $0x80, s1;
	s18 =	simm.s32 $0x181C0  }
0x11d: {  	[hbm4b:s6+s3] =	stream.linear.scatter [tilespmem:s18], [sflag:$0x5], $0x80, $0x38;
	[tilespmem:$0x1EC00] =	vst v63  }
0x11e: {  	s20 =	sadd.s32 $0x90, s1;
	s21 =	simm.s32 $0x18248  }
0x11f: {  	[hbm4b:s20+s3] =	stream.linear.scatter [tilespmem:s21], [sflag:$0x5], $0x80, $0x38;
	[tilespmem:$0x1EC00] =	vst v63  }
0x120: {  	s22 =	sadd.s32 $0xA0, s1;
	s24 =	simm.s32 $0x182D0  }
0x121: {  	[hbm4b:s22+s3] =	stream.linear.scatter [tilespmem:s24], [sflag:$0x5], $0x80, $0x38;
	[tilespmem:$0x1EC00] =	vst v63  }
0x122: {  	s6 =	sadd.s32 $0xB0, s1;
	s18 =	simm.s32 $0x18358  }
0x123: {  	[hbm4b:s6+s3] =	stream.linear.scatter [tilespmem:s18], [sflag:$0x5], $0x80, $0x38;
	[tilespmem:$0x1EC00] =	vst v63  }
0x124: {  	s20 =	sadd.s32 $0xC0, s1;
	s21 =	simm.s32 $0x183E0  }
0x125: {  	[hbm4b:s20+s3] =	stream.linear.scatter [tilespmem:s21], [sflag:$0x5], $0x80, $0x38;
	[tilespmem:$0x1EC00] =	vst v63  }
0x126: {  	s22 =	sadd.s32 $0xD0, s1;
	s24 =	simm.s32 $0x18468  }
0x127: {  	[hbm4b:s22+s3] =	stream.linear.scatter [tilespmem:s24], [sflag:$0x5], $0x80, $0x38;
	[tilespmem:$0x1EC00] =	vst v63  }
0x128: {  	s6 =	sadd.s32 $0xE0, s1;
	s18 =	simm.s32 $0x184F0  }
0x129: {  	[hbm4b:s6+s3] =	stream.linear.scatter [tilespmem:s18], [sflag:$0x5], $0x80, $0x38;
	[tilespmem:$0x1EC00] =	vst v63  }
0x12a: {  	s1 =	sadd.s32 $0xF0, s1;
	s20 =	simm.s32 $0x18578  }
0x12b: {  	[hbm4b:s1+s3] =	stream.linear.scatter [tilespmem:s20], [sflag:$0x5], $0x80, $0x38;
	[tilespmem:$0x1EC00] =	vst v63  }
0x12c: {  	s21 =	simm.s32 $0x18600;
	s1 =	sadd.s32 s0, s10  }
0x12d: {  	[hbm4b:s1+s3] =	stream.linear.scatter [tilespmem:s21], [sflag:$0x5], $0x80, $0x38;
	[tilespmem:$0x1EC00] =	vst v63  }
0x12e: {  	s24 =	simm.s32 $0x18688;
	s22 =	sadd.s32 $0x10, s1  }
0x12f: {  	[hbm4b:s22+s3] =	stream.linear.scatter [tilespmem:s24], [sflag:$0x5], $0x80, $0x38;
	[tilespmem:$0x1EC00] =	vst v63  }
0x130: {  	s18 =	simm.s32 $0x18710;
	s6 =	sadd.s32 $0x20, s1  }
0x131: {  	[hbm4b:s6+s3] =	stream.linear.scatter [tilespmem:s18], [sflag:$0x5], $0x80, $0x38;
	[tilespmem:$0x1EC00] =	vst v63  }
0x132: {  	s20 =	sadd.s32 $0x30, s1;
	s21 =	simm.s32 $0x18798  }
0x133: {  	[hbm4b:s20+s3] =	stream.linear.scatter [tilespmem:s21], [sflag:$0x5], $0x80, $0x38;
	[tilespmem:$0x1EC00] =	vst v63  }
0x134: {  	s22 =	sadd.s32 $0x40, s1;
	s24 =	simm.s32 $0x18820  }
0x135: {  	[hbm4b:s22+s3] =	stream.linear.scatter [tilespmem:s24], [sflag:$0x5], $0x80, $0x38;
	[tilespmem:$0x1EC00] =	vst v63  }
0x136: {  	s6 =	sadd.s32 $0x50, s1;
	s18 =	simm.s32 $0x188A8  }
0x137: {  	[hbm4b:s6+s3] =	stream.linear.scatter [tilespmem:s18], [sflag:$0x5], $0x80, $0x38;
	[tilespmem:$0x1EC00] =	vst v63  }
0x138: {  	s20 =	sadd.s32 $0x60, s1;
	s21 =	simm.s32 $0x18930  }
0x139: {  	[hbm4b:s20+s3] =	stream.linear.scatter [tilespmem:s21], [sflag:$0x5], $0x80, $0x38;
	[tilespmem:$0x1EC00] =	vst v63  }
0x13a: {  	s22 =	sadd.s32 $0x70, s1;
	s24 =	simm.s32 $0x189B8  }
0x13b: {  	[hbm4b:s22+s3] =	stream.linear.scatter [tilespmem:s24], [sflag:$0x5], $0x80, $0x38;
	[tilespmem:$0x1EC00] =	vst v63  }
0x13c: {  	s6 =	sadd.s32 $0x80, s1;
	s18 =	simm.s32 $0x18A40  }
0x13d: {  	[hbm4b:s6+s3] =	stream.linear.scatter [tilespmem:s18], [sflag:$0x5], $0x80, $0x38;
	[tilespmem:$0x1EC00] =	vst v63  }
0x13e: {  	s20 =	sadd.s32 $0x90, s1;
	s21 =	simm.s32 $0x18AC8  }
0x13f: {  	[hbm4b:s20+s3] =	stream.linear.scatter [tilespmem:s21], [sflag:$0x5], $0x80, $0x38;
	[tilespmem:$0x1EC00] =	vst v63  }
0x140: {  	s22 =	sadd.s32 $0xA0, s1;
	s24 =	simm.s32 $0x18B50  }
0x141: {  	[hbm4b:s22+s3] =	stream.linear.scatter [tilespmem:s24], [sflag:$0x5], $0x80, $0x38;
	[tilespmem:$0x1EC00] =	vst v63  }
0x142: {  	s6 =	sadd.s32 $0xB0, s1;
	s18 =	simm.s32 $0x18BD8  }
0x143: {  	[hbm4b:s6+s3] =	stream.linear.scatter [tilespmem:s18], [sflag:$0x5], $0x80, $0x38;
	[tilespmem:$0x1EC00] =	vst v63  }
0x144: {  	s20 =	sadd.s32 $0xC0, s1;
	s21 =	simm.s32 $0x18C60  }
0x145: {  	[hbm4b:s20+s3] =	stream.linear.scatter [tilespmem:s21], [sflag:$0x5], $0x80, $0x38;
	[tilespmem:$0x1EC00] =	vst v63  }
0x146: {  	s22 =	sadd.s32 $0xD0, s1;
	s24 =	simm.s32 $0x18CE8  }
0x147: {  	[hbm4b:s22+s3] =	stream.linear.scatter [tilespmem:s24], [sflag:$0x5], $0x80, $0x38;
	[tilespmem:$0x1EC00] =	vst v63  }
0x148: {  	s6 =	sadd.s32 $0xE0, s1;
	s18 =	simm.s32 $0x18D70  }
0x149: {  	[hbm4b:s6+s3] =	stream.linear.scatter [tilespmem:s18], [sflag:$0x5], $0x80, $0x38;
	[tilespmem:$0x1EC00] =	vst v63  }
0x14a: {  	s1 =	sadd.s32 $0xF0, s1;
	s20 =	simm.s32 $0x18DF8  }
0x14b: {  	[hbm4b:s1+s3] =	stream.linear.scatter [tilespmem:s20], [sflag:$0x5], $0x80, $0x38;
	[tilespmem:$0x1EC00] =	vst v63  }
0x14c: {  	s21 =	simm.s32 $0x18E80;
	s1 =	sadd.s32 s0, s11  }
0x14d: {  	[hbm4b:s1+s3] =	stream.linear.scatter [tilespmem:s21], [sflag:$0x5], $0x80, $0x38;
	[tilespmem:$0x1EC00] =	vst v63  }
0x14e: {  	s24 =	simm.s32 $0x18F08;
	s22 =	sadd.s32 $0x10, s1  }
0x14f: {  	[hbm4b:s22+s3] =	stream.linear.scatter [tilespmem:s24], [sflag:$0x5], $0x80, $0x38;
	[tilespmem:$0x1EC00] =	vst v63  }
0x150: {  	s18 =	simm.s32 $0x18F90;
	s6 =	sadd.s32 $0x20, s1  }
0x151: {  	[hbm4b:s6+s3] =	stream.linear.scatter [tilespmem:s18], [sflag:$0x5], $0x80, $0x38;
	[tilespmem:$0x1EC00] =	vst v63  }
0x152: {  	s20 =	sadd.s32 $0x30, s1;
	s21 =	simm.s32 $0x19018  }
0x153: {  	[hbm4b:s20+s3] =	stream.linear.scatter [tilespmem:s21], [sflag:$0x5], $0x80, $0x38;
	[tilespmem:$0x1EC00] =	vst v63  }
0x154: {  	s22 =	sadd.s32 $0x40, s1;
	s24 =	simm.s32 $0x190A0  }
0x155: {  	[hbm4b:s22+s3] =	stream.linear.scatter [tilespmem:s24], [sflag:$0x5], $0x80, $0x38;
	[tilespmem:$0x1EC00] =	vst v63  }
0x156: {  	s6 =	sadd.s32 $0x50, s1;
	s18 =	simm.s32 $0x19128  }
0x157: {  	[hbm4b:s6+s3] =	stream.linear.scatter [tilespmem:s18], [sflag:$0x5], $0x80, $0x38;
	[tilespmem:$0x1EC00] =	vst v63  }
0x158: {  	s20 =	sadd.s32 $0x60, s1;
	s21 =	simm.s32 $0x191B0  }
0x159: {  	[hbm4b:s20+s3] =	stream.linear.scatter [tilespmem:s21], [sflag:$0x5], $0x80, $0x38;
	[tilespmem:$0x1EC00] =	vst v63  }
0x15a: {  	s22 =	sadd.s32 $0x70, s1;
	s24 =	simm.s32 $0x19238  }
0x15b: {  	[hbm4b:s22+s3] =	stream.linear.scatter [tilespmem:s24], [sflag:$0x5], $0x80, $0x38;
	[tilespmem:$0x1EC00] =	vst v63  }
0x15c: {  	s6 =	sadd.s32 $0x80, s1;
	s18 =	simm.s32 $0x192C0  }
0x15d: {  	[hbm4b:s6+s3] =	stream.linear.scatter [tilespmem:s18], [sflag:$0x5], $0x80, $0x38;
	[tilespmem:$0x1EC00] =	vst v63  }
0x15e: {  	s20 =	sadd.s32 $0x90, s1;
	s21 =	simm.s32 $0x19348  }
0x15f: {  	[hbm4b:s20+s3] =	stream.linear.scatter [tilespmem:s21], [sflag:$0x5], $0x80, $0x38;
	[tilespmem:$0x1EC00] =	vst v63  }
0x160: {  	s22 =	sadd.s32 $0xA0, s1;
	s24 =	simm.s32 $0x193D0  }
0x161: {  	[hbm4b:s22+s3] =	stream.linear.scatter [tilespmem:s24], [sflag:$0x5], $0x80, $0x38;
	[tilespmem:$0x1EC00] =	vst v63  }
0x162: {  	s6 =	sadd.s32 $0xB0, s1;
	s18 =	simm.s32 $0x19458  }
0x163: {  	[hbm4b:s6+s3] =	stream.linear.scatter [tilespmem:s18], [sflag:$0x5], $0x80, $0x38;
	[tilespmem:$0x1EC00] =	vst v63  }
0x164: {  	s20 =	sadd.s32 $0xC0, s1;
	s21 =	simm.s32 $0x194E0  }
0x165: {  	[hbm4b:s20+s3] =	stream.linear.scatter [tilespmem:s21], [sflag:$0x5], $0x80, $0x38;
	[tilespmem:$0x1EC00] =	vst v63  }
0x166: {  	s22 =	sadd.s32 $0xD0, s1;
	s24 =	simm.s32 $0x19568  }
0x167: {  	[hbm4b:s22+s3] =	stream.linear.scatter [tilespmem:s24], [sflag:$0x5], $0x80, $0x38;
	[tilespmem:$0x1EC00] =	vst v63  }
0x168: {  	s6 =	sadd.s32 $0xE0, s1;
	s18 =	simm.s32 $0x195F0  }
0x169: {  	[hbm4b:s6+s3] =	stream.linear.scatter [tilespmem:s18], [sflag:$0x5], $0x80, $0x38;
	[tilespmem:$0x1EC00] =	vst v63  }
0x16a: {  	s1 =	sadd.s32 $0xF0, s1;
	s20 =	simm.s32 $0x19678  }
0x16b: {  	[hbm4b:s1+s3] =	stream.linear.scatter [tilespmem:s20], [sflag:$0x5], $0x80, $0x38;
	[tilespmem:$0x1EC00] =	vst v63  }
0x16c: {  	s21 =	simm.s32 $0x19700;
	s1 =	sadd.s32 s0, s12  }
0x16d: {  	[hbm4b:s1+s3] =	stream.linear.scatter [tilespmem:s21], [sflag:$0x5], $0x80, $0x38;
	[tilespmem:$0x1EC00] =	vst v63  }
0x16e: {  	s24 =	simm.s32 $0x19788;
	s22 =	sadd.s32 $0x10, s1  }
0x16f: {  	[hbm4b:s22+s3] =	stream.linear.scatter [tilespmem:s24], [sflag:$0x5], $0x80, $0x38;
	[tilespmem:$0x1EC00] =	vst v63  }
0x170: {  	s18 =	simm.s32 $0x19810;
	s6 =	sadd.s32 $0x20, s1  }
0x171: {  	[hbm4b:s6+s3] =	stream.linear.scatter [tilespmem:s18], [sflag:$0x5], $0x80, $0x38;
	[tilespmem:$0x1EC00] =	vst v63  }
0x172: {  	s20 =	sadd.s32 $0x30, s1;
	s21 =	simm.s32 $0x19898  }
0x173: {  	[hbm4b:s20+s3] =	stream.linear.scatter [tilespmem:s21], [sflag:$0x5], $0x80, $0x38;
	[tilespmem:$0x1EC00] =	vst v63  }
0x174: {  	s22 =	sadd.s32 $0x40, s1;
	s24 =	simm.s32 $0x19920  }
0x175: {  	[hbm4b:s22+s3] =	stream.linear.scatter [tilespmem:s24], [sflag:$0x5], $0x80, $0x38;
	[tilespmem:$0x1EC00] =	vst v63  }
0x176: {  	s6 =	sadd.s32 $0x50, s1;
	s18 =	simm.s32 $0x199A8  }
0x177: {  	[hbm4b:s6+s3] =	stream.linear.scatter [tilespmem:s18], [sflag:$0x5], $0x80, $0x38;
	[tilespmem:$0x1EC00] =	vst v63  }
0x178: {  	s20 =	sadd.s32 $0x60, s1;
	s21 =	simm.s32 $0x19A30  }
0x179: {  	[hbm4b:s20+s3] =	stream.linear.scatter [tilespmem:s21], [sflag:$0x5], $0x80, $0x38;
	[tilespmem:$0x1EC00] =	vst v63  }
0x17a: {  	s22 =	sadd.s32 $0x70, s1;
	s24 =	simm.s32 $0x19AB8  }
0x17b: {  	[hbm4b:s22+s3] =	stream.linear.scatter [tilespmem:s24], [sflag:$0x5], $0x80, $0x38;
	[tilespmem:$0x1EC00] =	vst v63  }
0x17c: {  	s6 =	sadd.s32 $0x80, s1;
	s18 =	simm.s32 $0x19B40  }
0x17d: {  	[hbm4b:s6+s3] =	stream.linear.scatter [tilespmem:s18], [sflag:$0x5], $0x80, $0x38;
	[tilespmem:$0x1EC00] =	vst v63  }
0x17e: {  	s20 =	sadd.s32 $0x90, s1;
	s21 =	simm.s32 $0x19BC8  }
0x17f: {  	[hbm4b:s20+s3] =	stream.linear.scatter [tilespmem:s21], [sflag:$0x5], $0x80, $0x38;
	[tilespmem:$0x1EC00] =	vst v63  }
0x180: {  	s22 =	sadd.s32 $0xA0, s1;
	s24 =	simm.s32 $0x19C50  }
0x181: {  	[hbm4b:s22+s3] =	stream.linear.scatter [tilespmem:s24], [sflag:$0x5], $0x80, $0x38;
	[tilespmem:$0x1EC00] =	vst v63  }
0x182: {  	s6 =	sadd.s32 $0xB0, s1;
	s18 =	simm.s32 $0x19CD8  }
0x183: {  	[hbm4b:s6+s3] =	stream.linear.scatter [tilespmem:s18], [sflag:$0x5], $0x80, $0x38;
	[tilespmem:$0x1EC00] =	vst v63  }
0x184: {  	s20 =	sadd.s32 $0xC0, s1;
	s21 =	simm.s32 $0x19D60  }
0x185: {  	[hbm4b:s20+s3] =	stream.linear.scatter [tilespmem:s21], [sflag:$0x5], $0x80, $0x38;
	[tilespmem:$0x1EC00] =	vst v63  }
0x186: {  	s22 =	sadd.s32 $0xD0, s1;
	s24 =	simm.s32 $0x19DE8  }
0x187: {  	[hbm4b:s22+s3] =	stream.linear.scatter [tilespmem:s24], [sflag:$0x5], $0x80, $0x38;
	[tilespmem:$0x1EC00] =	vst v63  }
0x188: {  	s6 =	sadd.s32 $0xE0, s1;
	s18 =	simm.s32 $0x19E70  }
0x189: {  	[hbm4b:s6+s3] =	stream.linear.scatter [tilespmem:s18], [sflag:$0x5], $0x80, $0x38;
	[tilespmem:$0x1EC00] =	vst v63  }
0x18a: {  	s1 =	sadd.s32 $0xF0, s1;
	s20 =	simm.s32 $0x19EF8  }
0x18b: {  	[hbm4b:s1+s3] =	stream.linear.scatter [tilespmem:s20], [sflag:$0x5], $0x80, $0x38;
	[tilespmem:$0x1EC00] =	vst v63  }
0x18c: {  	s0 =	sadd.s32 s0, s13;
	s21 =	simm.s32 $0x19F80  }
0x18d: {  	[hbm4b:s0+s3] =	stream.linear.scatter [tilespmem:s21], [sflag:$0x5], $0x80, $0x38;
	[tilespmem:$0x1EC00] =	vst v63  }
0x18e: {  	s22 =	sadd.s32 $0x10, s0;
	s24 =	simm.s32 $0x1A008  }
0x18f: {  	[hbm4b:s22+s3] =	stream.linear.scatter [tilespmem:s24], [sflag:$0x5], $0x80, $0x38;
	[tilespmem:$0x1EC00] =	vst v63  }
0x190: {  	s2 =	sadd.s32 $0x20, s0;
	s6 =	simm.s32 $0x1A090  }
0x191: {  	[hbm4b:s2+s3] =	stream.linear.scatter [tilespmem:s6], [sflag:$0x5], $0x80, $0x38;
	[tilespmem:$0x1EC00] =	vst v63  }
0x192: {  	s17 =	sadd.s32 $0x30, s0;
	s18 =	simm.s32 $0x1A118  }
0x193: {  	[hbm4b:s17+s3] =	stream.linear.scatter [tilespmem:s18], [sflag:$0x5], $0x80, $0x38;
	[tilespmem:$0x1EC00] =	vst v63  }
0x194: {  	s20 =	sadd.s32 $0x40, s0;
	s21 =	simm.s32 $0x1A1A0  }
0x195: {  	[hbm4b:s20+s3] =	stream.linear.scatter [tilespmem:s21], [sflag:$0x5], $0x80, $0x38;
	[tilespmem:$0x1EC00] =	vst v63  }
0x196: {  	s22 =	sadd.s32 $0x50, s0;
	s24 =	simm.s32 $0x1A228  }
0x197: {  	[hbm4b:s22+s3] =	stream.linear.scatter [tilespmem:s24], [sflag:$0x5], $0x80, $0x38;
	[tilespmem:$0x1EC00] =	vst v63  }
0x198: {  	s2 =	sadd.s32 $0x60, s0;
	s6 =	simm.s32 $0x1A2B0  }
0x199: {  	[hbm4b:s2+s3] =	stream.linear.scatter [tilespmem:s6], [sflag:$0x5], $0x80, $0x38;
	[tilespmem:$0x1EC00] =	vst v63  }
0x19a: {  	s17 =	sadd.s32 $0x70, s0;
	s18 =	simm.s32 $0x1A338  }
0x19b: {  	[hbm4b:s17+s3] =	stream.linear.scatter [tilespmem:s18], [sflag:$0x5], $0x80, $0x38;
	[tilespmem:$0x1EC00] =	vst v63  }
0x19c: {  	s20 =	sadd.s32 $0x80, s0;
	s21 =	simm.s32 $0x1A3C0  }
0x19d: {  	[hbm4b:s20+s3] =	stream.linear.scatter [tilespmem:s21], [sflag:$0x5], $0x80, $0x38;
	[tilespmem:$0x1EC00] =	vst v63  }
0x19e: {  	s22 =	sadd.s32 $0x90, s0;
	s24 =	simm.s32 $0x1A448  }
0x19f: {  	[hbm4b:s22+s3] =	stream.linear.scatter [tilespmem:s24], [sflag:$0x5], $0x80, $0x38;
	[tilespmem:$0x1EC00] =	vst v63  }
0x1a0: {  	s2 =	sadd.s32 $0xA0, s0;
	s6 =	simm.s32 $0x1A4D0  }
0x1a1: {  	[hbm4b:s2+s3] =	stream.linear.scatter [tilespmem:s6], [sflag:$0x5], $0x80, $0x38;
	[tilespmem:$0x1EC00] =	vst v63  }
0x1a2: {  	s17 =	sadd.s32 $0xB0, s0;
	s18 =	simm.s32 $0x1A558  }
0x1a3: {  	[hbm4b:s17+s3] =	stream.linear.scatter [tilespmem:s18], [sflag:$0x5], $0x80, $0x38;
	[tilespmem:$0x1EC00] =	vst v63  }
0x1a4: {  	s20 =	sadd.s32 $0xC0, s0;
	s21 =	simm.s32 $0x1A5E0  }
0x1a5: {  	[hbm4b:s20+s3] =	stream.linear.scatter [tilespmem:s21], [sflag:$0x5], $0x80, $0x38;
	[tilespmem:$0x1EC00] =	vst v63  }
0x1a6: {  	s22 =	sadd.s32 $0xD0, s0;
	s24 =	simm.s32 $0x1A668  }
0x1a7: {  	[hbm4b:s22+s3] =	stream.linear.scatter [tilespmem:s24], [sflag:$0x5], $0x80, $0x38;
	[tilespmem:$0x1EC00] =	vst v63  }
0x1a8: {  	s2 =	sadd.s32 $0xE0, s0;
	s6 =	simm.s32 $0x1A6F0;
	s24 =	sor.u32 $0x3, s29  }
0x1a9: {  	[hbm4b:s2+s3] =	stream.linear.scatter [tilespmem:s6], [sflag:$0x5], $0x80, $0x38;
	[tilespmem:$0x1EC00] =	vst v63  }
0x1aa: {  	s0 =	sadd.s32 $0xF0, s0;
	s17 =	simm.s32 $0x1A778;
	s18 =	sshll.u32 s24, $0x8  }
0x1ab: {  	[hbm4b:s0+s3] =	stream.linear.scatter [tilespmem:s17], [sflag:$0x5], $0x80, $0x38;
	[tilespmem:$0x1EC00] =	vst v63  }
0x1ac: {  	s20 =	simm.s32 $0x12400;
	s0 =	sand.u32 $0x3FFFFF00, s18  }
0x1ad: {  	[tilespmem:s20], [sflag:$0x4] =	stream.indirect.gather [hbm4b:s4+s16], $0x40, s0, s16, $0xb8;
	[tilespmem:$0x1EC00] =	vst v63  }
0x1ae: {  	s21 =	simm.s32 $0x14400;
	s0 =	sor.u32 $0x80, s0  }
0x1af: {  	[tilespmem:s21], [sflag:$0x4] =	stream.indirect.gather [hbm4b:s4+s16], $0x40, s0, s16, $0xb8;
	[tilespmem:$0x1EC00] =	vst v63  }
0x1b0: {  	s0 =	simm.s32 @!p0 $0x6  }
0x1b1: {  	_ =	swait.ge @!p0 [sflag:s0], $0x800  }
0x1b2: {  	[sflag:s0] =	ssyncset.done @!p0 $0x0  }
0x1b3: {  	[sflag:s0] =	ssyncadd.s32 @!p0 $0xFFFFF800  }
0x1b4: {  	_ =	swait.ge @!p0 [sflag:s0], $0x800  }
0x1b5: {  	[sflag:s0] =	ssyncset.done @!p0 $0x0  }
0x1b6: {  	[sflag:s0] =	ssyncadd.s32 @!p0 $0xFFFFF800  }
0x1b7: {  	_ =	swait.ge @!p0 [sflag:s0], $0x800  }
0x1b8: {  	[sflag:s0] =	ssyncset.done @!p0 $0x0  }
0x1b9: {  	[sflag:s0] =	ssyncadd.s32 @!p0 $0xFFFFF800  }
0x1ba: {  	_ =	swait.ge @!p0 [sflag:s0], $0x800  }
0x1bb: {  	[sflag:s0] =	ssyncset.done @!p0 $0x0  }
0x1bc: {  	[sflag:s0] =	ssyncadd.s32 @!p0 $0xFFFFF800  }
0x1bd: {  	_ =	swait.ge @!p0 [sflag:s0], $0x800  }
0x1be: {  	[sflag:s0] =	ssyncset.done @!p0 $0x0  }
0x1bf: {  	[sflag:s0] =	ssyncadd.s32 @!p0 $0xFFFFF800  }
0x1c0: {  	_ =	swait.ge @!p0 [sflag:s0], $0x800  }
0x1c1: {  	[sflag:s0] =	ssyncset.done @!p0 $0x0  }
0x1c2: {  	[sflag:s0] =	ssyncadd.s32 @!p0 $0xFFFFF800  }
0x1c3: {  	_ =	swait.ge @!p0 [sflag:s0], $0x800  }
0x1c4: {  	s22 =	simm.s32 $0x1;
	[sflag:s0] =	ssyncset.done @!p0 $0x0  }
0x1c5: {  	s22 =	sand.u32 $0x78, s22;
	s2 =	simm.s32 $0x3;
	[sflag:s0] =	ssyncadd.s32 @!p0 $0xFFFFF800  }
0x1c6: {  	s18 =	simm.s32 $0x2;
	s17 =	sand.u32 $0x78, s2;
	_ =	swait.ge @!p0 [sflag:s0], $0x800  }
0x1c7: {  	v7 =	vmov s22;
	s18 =	sand.u32 $0x78, s18;
	s20 =	simm.s32 $0x6;
	[sflag:s0] =	ssyncset.done @!p0 $0x0  }
0x1c8: {  	v7 =	vshrl.u32 v7, $0x3;
	v6 =	vmov s17;
	v8 =	vmov s18;
	s6 =	sand.u32 $0x78, s20;
	[sflag:s0] =	ssyncadd.s32 @!p0 $0xFFFFF800  }
0x1c9: {  	v7 =	vshll.u32 v7, v1;
	v6 =	vshrl.u32 v6, $0x3;
	s20 =	simm.s32 $0x0;
	v8 =	vshrl.u32 v8, $0x3;
	s21 =	simm.s32 $0x7;
	_ =	swait.ge [sflag:s19], $0x2000  }
0x1ca: {  	v23 =	vbroadcast v7, $0x0;
	v6 =	vshll.u32 v6, v1;
	s20 =	sand.u32 $0x8, s20;
	v8 =	vshll.u32 v8, v1;
	s2 =	sand.u32 $0x78, s21;
	[sflag:s19] =	ssyncset.done $0x0  }
0x1cb: {  	v9 =	vmov s6;
	v6 =	vbroadcast v6, $0x0;
	s20 =	sor.u32 $0x80, s20;
	v17 =	vbroadcast v8, $0x0;
	s0 =	simm.s32 $0x0;
	[sflag:s19] =	ssyncadd.s32 $0xFFFFE000  }
0x1cc: {  	v9 =	vshrl.u32 v9, $0x3;
	v12 =	vmov s2;
	v14 =	vmov s20;
	s6 =	sand.u32 $0x78, s0;
	_ =	swait.ge [sflag:s19], $0x2000  }
0x1cd: {  	v9 =	vshll.u32 v9, v1;
	v14 =	vmul.u32 $0x88, v14;
	v11 =	vmov s6;
	[sflag:s19] =	ssyncset.done $0x0  }
0x1ce: {  	s1 =	simm.s32 $0xA5F0;
	s21 =	simm.s32 $0x4;
	v22 =	vbroadcast v9, $0x0;
	v9 =	vshrl.u32 v12, $0x3;
	v11 =	vshrl.u32 v11, $0x3;
	[sflag:s19] =	ssyncadd.s32 $0xFFFFE000  }
0x1cf: {  	s22 =	simm.s32 $0x5;
	s17 =	sand.u32 $0x78, s21;
	v9 =	vshll.u32 v9, v1;
	v8 =	vshll.u32 v11, v1;
	v11 =	vbroadcast v14, $0x0;
	v5 =	vld [tilespmem:s1+$0xFFFFFF50]  }
0x1d0: {  	v34 =	vbroadcast v9, $0x0;
	v14 =	vmov s17;
	s17 =	sand.u32 $0x78, s22;
	v8 =	vbroadcast v8, $0x0;
	v10 =	vld [tilespmem:s1+$0xFFFFFED0]  }
0x1d1: {  	v20 =	vmov s17;
	v14 =	vshrl.u32 v14, $0x3;
	v18 =	vadd.s32 v0, v11;
	v13 =	vld [tilespmem:s1+$0xFFFFFF90]  }
0x1d2: {  	v20 =	vshrl.u32 v20, $0x3;
	v14 =	vshll.u32 v14, v1;
	v15 =	vld [tilespmem:s1+$0xFFFFFE90];
	v19 =	vadd.s32 v17, v18  }
0x1d3: {  	v16 =	vld [tilespmem:s1+$0xFFFFFE10];
	v21 =	vadd.s32 v8, v18;
	v25 =	vadd.s32 v22, v18;
	v26 =	vadd.s32 v23, v18  }
0x1d4: {  	v7 =	vld [tilespmem:s1+$0xFFFFFE50];
	v20 =	vshll.u32 v20, v1;
	v14 =	vbroadcast v14, $0x0;
	v31 =	vadd.s32 v6, v18  }
0x1d5: {  	v32 =	vld [tilespmem:s1+$0xFFFFFF10];
	v19 =	vor.u32 $0x2, v19;
	v26 =	vor.u32 $0x1, v26;
	v20 =	vbroadcast v20, $0x0  }
0x1d6: {  	v25 =	vor.u32 $0x6, v25;
	v31 =	vor.u32 $0x3, v31;
	v5 =	vmul.f32 $8.000000000e+00, v5  }
0x1d7: {  	v9 =	vadd.s32 v14, v18;
	v10 =	vmul.f32 $8.000000000e+00, v10;
	v13 =	vmul.f32 $8.000000000e+00, v13  }
0x1d8: {  	v37 =	vor.u32 $0x4, v9;
	v15 =	vmul.f32 $8.000000000e+00, v15;
	v12 =	vmul.f32 $8.000000000e+00, v16  }
0x1d9: {  	v16 =	vadd.s32 v2, v11;
	v30 =	vmul.f32 $8.000000000e+00, v7;
	v7 =	vadd.s32 v20, v18  }
0x1da: {  	v32 =	vmul.f32 $8.000000000e+00, v32;
	v24 =	vadd.s32 v8, v16;
	v27 =	vadd.s32 v22, v16;
	[tilespmem:v19+s26+$0x0] =	vst.idx.msk $0xffff, v15  }
0x1db: {  	v28 =	vadd.s32 v23, v16;
	v29 =	vadd.s32 v17, v16;
	[tilespmem:v21+s26+$0x0] =	vst.idx.msk $0xffff, v12;
	v21 =	vor.u32 $0x5, v7;
	v12 =	vld [tilespmem:s1+$0xFFFFFEA0]  }
0x1dc: {  	v38 =	vadd.s32 v34, v16;
	v40 =	vadd.s32 v14, v16;
	v15 =	vor.u32 $0x2, v29;
	[tilespmem:v25+s26+$0x0] =	vst.idx.msk $0xffff, v13  }
0x1dd: {  	v19 =	vadd.s32 v20, v16;
	v29 =	vadd.s32 v3, v11;
	v28 =	vor.u32 $0x1, v28;
	[tilespmem:v26+s26+$0x0] =	vst.idx.msk $0xffff, v30;
	v35 =	vld [tilespmem:s1+$0xFFFFFE20]  }
0x1de: {  	v25 =	vor.u32 $0x6, v27;
	v27 =	vadd.s32 v6, v16;
	[tilespmem:v31+s26+$0x0] =	vst.idx.msk $0xffff, v10;
	v7 =	vadd.s32 v8, v29;
	v57 =	vld [tilespmem:s1+$0xFFFFFFA0]  }
0x1df: {  	v13 =	vld [tilespmem:s1+$0xFFFFFFD0];
	v33 =	vadd.s32 v20, v29;
	v36 =	vadd.s32 v17, v29;
	v26 =	vadd.s32 v23, v29  }
0x1e0: {  	v9 =	vadd.s32 v14, v29;
	v31 =	vld [tilespmem:s1+$0xFFFFFEE0];
	[tilespmem:v21+s26+$0x0] =	vst.idx.msk $0xffff, v5;
	v5 =	vmul.f32 $8.000000000e+00, v12;
	v12 =	vadd.s32 v34, v18  }
0x1e1: {  	v39 =	vld [tilespmem:s1+$0xFFFFFE60];
	v10 =	vadd.s32 v34, v29;
	v58 =	vadd.s32 v6, v29;
	v21 =	vor.u32 $0x7, v12  }
0x1e2: {  	[tilespmem:v37+s26+$0x0] =	vst.idx.msk $0xffff, v32;
	v27 =	vor.u32 $0x3, v27;
	v18 =	vadd.s32 v4, v11;
	v11 =	vld [tilespmem:s1+$0xFFFFFF60];
	v16 =	vmul.f32 $8.000000000e+00, v35  }
0x1e3: {  	v12 =	vadd.s32 v14, v18;
	v14 =	vmul.f32 $8.000000000e+00, v57;
	[tilespmem:v15+s26+$0x0] =	vst.idx.msk $0xffff, v5;
	v15 =	vadd.s32 v22, v29;
	v29 =	vld [tilespmem:s1+$0xFFFFFF20]  }
0x1e4: {  	v62 =	vor.u32 $0x4, v40;
	v19 =	vor.u32 $0x5, v19;
	v60 =	vmul.f32 $8.000000000e+00, v13;
	[tilespmem:v24+s26+$0x0] =	vst.idx.msk $0xffff, v16;
	v59 =	vld [tilespmem:s1+$0xFFFFFEB0]  }
0x1e5: {  	v31 =	vmul.f32 $8.000000000e+00, v31;
	v8 =	vadd.s32 v8, v18;
	v13 =	vadd.s32 v23, v18;
	v61 =	vld [tilespmem:s1+$0xFFFFFE30];
	[tilespmem:v25+s26+$0x0] =	vst.idx.msk $0xffff, v14  }
0x1e6: {  	v6 =	vadd.s32 v6, v18;
	v5 =	vor.u32 $0x2, v36;
	v24 =	vmul.f32 $8.000000000e+00, v39;
	v25 =	vld [tilespmem:s1+$0xFFFFFFB0];
	[tilespmem:v21+s26+$0x0] =	vst.idx.msk $0xffff, v60  }
0x1e7: {  	v16 =	vadd.s32 v20, v18;
	v20 =	vadd.s32 v22, v18;
	[tilespmem:v27+s26+$0x0] =	vst.idx.msk $0xffff, v31;
	v11 =	vmul.f32 $8.000000000e+00, v11;
	v63 =	vld [tilespmem:s1+$0xFFFFFFE0]  }
0x1e8: {  	v6 =	vor.u32 $0x3, v6;
	v14 =	vadd.s32 v17, v18;
	v17 =	vor.u32 $0x6, v15;
	[tilespmem:v28+s26+$0x0] =	vst.idx.msk $0xffff, v24  }
0x1e9: {  	v15 =	vor.u32 $0x1, v26;
	v22 =	vld [tilespmem:s1+$0xFFFFFEF0];
	v24 =	vor.u32 $0x7, v38;
	[tilespmem:v19+s26+$0x0] =	vst.idx.msk $0xffff, v11;
	v19 =	vmul.f32 $8.000000000e+00, v59  }
0x1ea: {  	v11 =	vor.u32 $0x2, v14;
	v14 =	vadd.s32 v34, v18;
	v28 =	vmul.f32 $8.000000000e+00, v29;
	v21 =	vld [tilespmem:s1+$0xFFFFFF70]  }
0x1eb: {  	v23 =	vld [tilespmem:s1+$0xFFFFFE70];
	v18 =	vor.u32 $0x3, v58;
	v26 =	vmul.f32 $8.000000000e+00, v61;
	v25 =	vmul.f32 $8.000000000e+00, v25;
	[tilespmem:v5+s26+$0x0] =	vst.idx.msk $0xffff, v19  }
0x1ec: {  	s29 =	sor.u32 $0x1, s29;
	s17 =	simm.s32 $0xA7F0;
	[tilespmem:v62+s26+$0x0] =	vst.idx.msk $0xffff, v28;
	v5 =	vor.u32 $0x7, v14;
	v14 =	vor.u32 $0x5, v33;
	v19 =	vld [tilespmem:s1+$0xFFFFFEC0];
	v27 =	vmul.f32 $8.000000000e+00, v63  }
.LBB2_5:
0x1ed: {  	s18 =	sadd.s32 $0x9, s0  }
0x1ee: {  	s20 =	sadd.s32 $0xA, s0;
	s21 =	sadd.s32 $0xB, s0;
	v13 =	vor.u32 $0x1, v13;
	v28 =	vld [tilespmem:s1+$0xFFFFFF30];
	v16 =	vor.u32 $0x5, v16;
	v20 =	vor.u32 $0x6, v20;
	s22 =	smov.u32 s0  }
0x1ef: {  	s6 =	sadd.s32 $0xE, s0;
	s2 =	sadd.s32 $0xF, s0;
	s21 =	sand.u32 $0x78, s21;
	v29 =	vld [tilespmem:s17+$0xFFFFFF50];
	[tilespmem:v7+s26+$0x0] =	vst.idx.msk $0xffff, v26;
	v7 =	vor.u32 $0x4, v9;
	v9 =	vor.u32 $0x4, v12;
	v12 =	vmul.f32 $8.000000000e+00, v21  }
0x1f0: {  	s18 =	sand.u32 $0x78, s18;
	s20 =	sand.u32 $0x78, s20;
	s2 =	sand.u32 $0x78, s2;
	v21 =	vmov s21;
	v26 =	vld [tilespmem:s1+$0xFFFFFE40];
	v23 =	vmul.f32 $8.000000000e+00, v23;
	[tilespmem:v24+s26+$0x0] =	vst.idx.msk $0xffff, v27;
	v24 =	vor.u32 $0x7, v10  }
0x1f1: {  	s0 =	sadd.s32 $0x8, s0;
	s6 =	sand.u32 $0x78, s6;
	v10 =	vmov s18;
	v27 =	vmov s20;
	s18 =	sadd.s32 $0xD, s22;
	v19 =	vmul.f32 $8.000000000e+00, v19;
	[tilespmem:v17+s26+$0x0] =	vst.idx.msk $0xffff, v25;
	v17 =	vld [tilespmem:s1+$0xFFFFFFF0]  }
0x1f2: {  	s20 =	sshrl.u32 s0, $0x4;
	s21 =	sand.u32 $0x78, s0;
	v30 =	vmov s6;
	v25 =	vshrl.u32 v27, $0x3;
	s18 =	sand.u32 $0x78, s18;
	v27 =	vld [tilespmem:s17+$0xFFFFFED0];
	[tilespmem:v15+s26+$0x0] =	vst.idx.msk $0xffff, v23;
	v15 =	vmul.f32 $8.000000000e+00, v22  }
0x1f3: {  	p0 =	slt.u32 s0, $0xF8;
	s6 =	sand.u32 $0x8, s20;
	s20 =	sadd.s32 $0xC, s22;
	v22 =	vmov s21;
	v23 =	vshrl.u32 v10, $0x3;
	v31 =	vld [tilespmem:s17+$0xFFFFFF90];
	[tilespmem:v11+s26+$0x0] =	vst.idx.msk $0xffff, v19;
	v19 =	vmul.f32 $8.000000000e+00, v28  }
0x1f4: {  	s6 =	sor.u32 $0x80, s6;
	v22 =	vshrl.u32 v22, $0x3;
	v28 =	vmov s2;
	v10 =	vmul.f32 $8.000000000e+00, v29;
	[tilespmem:v18+s26+$0x0] =	vst.idx.msk $0xffff, v15;
	v15 =	vld [tilespmem:s1+$0xFFFFFFC0]  }
0x1f5: {  	v25 =	vshll.u32 v25, v1;
	v11 =	vmov s6;
	v18 =	vld [tilespmem:s17+$0xFFFFFE90];
	v26 =	vmul.f32 $8.000000000e+00, v26;
	[tilespmem:v14+s26+$0x0] =	vst.idx.msk $0xffff, v12  }
0x1f6: {  	v12 =	vmul.u32 $0x88, v11;
	v11 =	vbroadcast v25, $0x0;
	v14 =	vshrl.u32 v21, $0x3;
	v21 =	vld [tilespmem:s1+$0xFFFFFF00]  }
0x1f7: {  	s2 =	sand.u32 $0x78, s20;
	v22 =	vshll.u32 v22, v1;
	v25 =	vmul.f32 $8.000000000e+00, v27;
	v27 =	vshll.u32 v14, v1;
	v29 =	vld [tilespmem:s1+$0xFFFFFE80];
	[tilespmem:v7+s26+$0x0] =	vst.idx.msk $0xffff, v19  }
0x1f8: {  	v12 =	vbroadcast v12, $0x0;
	v7 =	vshll.u32 v23, v1;
	v19 =	vmul.f32 $8.000000000e+00, v31;
	[tilespmem:v8+s26+$0x0] =	vst.idx.msk $0xffff, v26;
	v23 =	vld [tilespmem:s1+$0xFFFFFF40]  }
0x1f9: {  	v14 =	vshrl.u32 v30, $0x3;
	v8 =	vbroadcast v22, $0x0;
	v26 =	vld [tilespmem:s17+$0xFFFFFE10];
	v15 =	vmul.f32 $8.000000000e+00, v15  }
0x1fa: {  	v17 =	vmul.f32 $8.000000000e+00, v17;
	v22 =	vadd.s32 v0, v12;
	v18 =	vmul.f32 $8.000000000e+00, v18;
	v30 =	vld [tilespmem:s1+$0xFFFFFF80]  }
0x1fb: {  	v33 =	vmov s18;
	v32 =	vmov s2;
	v31 =	vadd.s32 v11, v22;
	[tilespmem:v20+s26+$0x0] =	vst.idx.msk $0xffff, v15  }
0x1fc: {  	v14 =	vshll.u32 v14, v1;
	v15 =	vadd.s32 v8, v22;
	v20 =	vor.u32 $0x2, v31;
	[tilespmem:v24+s26+$0x0] =	vst.idx.msk $0xffff, v17  }
0x1fd: {  	v14 =	vbroadcast v14, $0x0;
	v17 =	vshrl.u32 v32, $0x3;
	v24 =	vshrl.u32 v28, $0x3;
	v28 =	vld [tilespmem:s1+$0x0];
	s1 =	smov.u32 s17  }
0x1fe: {  	v24 =	vshll.u32 v24, v1;
	v23 =	vmul.f32 $8.000000000e+00, v23;
	v26 =	vmul.f32 $8.000000000e+00, v26  }
0x1ff: {  	v31 =	vadd.s32 v2, v12;
	v32 =	vbroadcast v7, $0x0;
	v7 =	vmul.f32 $8.000000000e+00, v30  }
0x200: {  	v27 =	vbroadcast v27, $0x0;
	v35 =	vadd.s32 v14, v22;
	v30 =	vadd.s32 v8, v31;
	v34 =	vld [tilespmem:s17+$0xFFFFFE50];
	[tilespmem:v9+s26+$0x0] =	vst.idx.msk $0xffff, v23  }
0x201: {  	v9 =	vadd.s32 v32, v22;
	v23 =	vshrl.u32 v33, $0x3;
	v33 =	vadd.s32 v14, v31;
	[tilespmem:v16+s26+$0x0] =	vst.idx.msk $0xffff, v7  }
0x202: {  	v9 =	vor.u32 $0x1, v9;
	v7 =	vshll.u32 v17, v1;
	v16 =	vmul.f32 $8.000000000e+00, v29  }
0x203: {  	v21 =	vmul.f32 $8.000000000e+00, v21;
	v17 =	vshll.u32 v23, v1;
	[tilespmem:v15+s26+$0x0] =	vst.idx.msk $0xffff, v26;
	v15 =	vadd.s32 v32, v31  }
0x204: {  	v23 =	vadd.s32 v11, v31;
	v17 =	vbroadcast v17, $0x0;
	v26 =	vbroadcast v7, $0x0;
	[tilespmem:v13+s26+$0x0] =	vst.idx.msk $0xffff, v16  }
0x205: {  	v16 =	vor.u32 $0x2, v23;
	v13 =	vmul.f32 $8.000000000e+00, v34;
	[tilespmem:v20+s26+$0x0] =	vst.idx.msk $0xffff, v18;
	v18 =	vor.u32 $0x6, v35  }
0x206: {  	v7 =	vadd.s32 v17, v22;
	v23 =	vadd.s32 v17, v31;
	v20 =	vld [tilespmem:s17+$0xFFFFFEA0];
	[tilespmem:v6+s26+$0x0] =	vst.idx.msk $0xffff, v21;
	v6 =	vmul.f32 $8.000000000e+00, v28  }
0x207: {  	v34 =	vor.u32 $0x5, v7;
	v21 =	vadd.s32 v3, v12;
	v28 =	vadd.s32 v27, v22;
	v29 =	vld [tilespmem:s17+$0xFFFFFF10]  }
0x208: {  	v36 =	vbroadcast v24, $0x0;
	v7 =	vadd.s32 v8, v21;
	v35 =	vadd.s32 v17, v21;
	[tilespmem:v5+s26+$0x0] =	vst.idx.msk $0xffff, v6  }
0x209: {  	v6 =	vadd.s32 v11, v21;
	v5 =	vld [tilespmem:s17+$0xFFFFFE20];
	[tilespmem:v9+s26+$0x0] =	vst.idx.msk $0xffff, v13;
	v13 =	vor.u32 $0x3, v28;
	v9 =	vadd.s32 v26, v22  }
0x20a: {  	v24 =	vor.u32 $0x1, v15;
	v15 =	vor.u32 $0x4, v9;
	[tilespmem:v18+s26+$0x0] =	vst.idx.msk $0xffff, v19;
	v18 =	vor.u32 $0x6, v33;
	v19 =	vld [tilespmem:s17+$0xFFFFFFD0]  }
0x20b: {  	v38 =	vadd.s32 v36, v31;
	v28 =	vadd.s32 v32, v21;
	v33 =	vadd.s32 v27, v31;
	v37 =	vld [tilespmem:s17+$0xFFFFFFA0]  }
0x20c: {  	v31 =	vadd.s32 v26, v31;
	v9 =	vadd.s32 v26, v21;
	v39 =	vld [tilespmem:s17+$0xFFFFFE60];
	v29 =	vmul.f32 $8.000000000e+00, v29;
	[tilespmem:v34+s26+$0x0] =	vst.idx.msk $0xffff, v10  }
0x20d: {  	v34 =	vadd.s32 v4, v12;
	v12 =	vmul.f32 $8.000000000e+00, v20;
	v10 =	vadd.s32 v36, v22;
	v20 =	vld [tilespmem:s17+$0xFFFFFF60]  }
0x20e: {  	v22 =	vor.u32 $0x7, v10;
	v10 =	vadd.s32 v36, v21;
	v5 =	vmul.f32 $8.000000000e+00, v5;
	[tilespmem:v13+s26+$0x0] =	vst.idx.msk $0xffff, v25  }
0x20f: {  	v23 =	vor.u32 $0x5, v23;
	v40 =	vadd.s32 v27, v21;
	v6 =	vor.u32 $0x2, v6;
	[tilespmem:v16+s26+$0x0] =	vst.idx.msk $0xffff, v12;
	v25 =	vld [tilespmem:s17+$0xFFFFFEE0]  }
0x210: {  	v12 =	vadd.s32 v26, v34;
	v41 =	vld [tilespmem:s17+$0xFFFFFEB0];
	[tilespmem:v15+s26+$0x0] =	vst.idx.msk $0xffff, v29;
	v13 =	vmul.f32 $8.000000000e+00, v37;
	v15 =	vadd.s32 v14, v21  }
0x211: {  	v19 =	vmul.f32 $8.000000000e+00, v19;
	v29 =	vor.u32 $0x3, v33;
	[tilespmem:v30+s26+$0x0] =	vst.idx.msk $0xffff, v5;
	v5 =	vmul.f32 $8.000000000e+00, v39;
	v26 =	vld [tilespmem:s17+$0xFFFFFF20]  }
0x212: {  	v8 =	vadd.s32 v8, v34;
	v16 =	vadd.s32 v17, v34;
	v30 =	vld [tilespmem:s17+$0xFFFFFE30];
	v20 =	vmul.f32 $8.000000000e+00, v20;
	[tilespmem:v18+s26+$0x0] =	vst.idx.msk $0xffff, v13  }
0x213: {  	v11 =	vadd.s32 v11, v34;
	v17 =	vor.u32 $0x6, v15;
	v13 =	vadd.s32 v32, v34;
	v18 =	vld [tilespmem:s17+$0xFFFFFFB0];
	[tilespmem:v22+s26+$0x0] =	vst.idx.msk $0xffff, v19  }
0x214: {  	v15 =	vor.u32 $0x1, v28;
	v28 =	vor.u32 $0x4, v31;
	v22 =	vmul.f32 $8.000000000e+00, v25;
	[tilespmem:v23+s26+$0x0] =	vst.idx.msk $0xffff, v20;
	v31 =	vld [tilespmem:s17+$0xFFFFFFE0]  }
.Ltmp1:
0x215: {  	v11 =	vor.u32 $0x2, v11;
	v20 =	vadd.s32 v14, v34;
	v19 =	vmul.f32 $8.000000000e+00, v41;
	v21 =	vld [tilespmem:s17+$0xFFFFFF70];
	(pc) =	sbr.rel @p0 .LBB2_5-.Ltmp1, $4  }
0x216: {  	v27 =	vadd.s32 v27, v34;
	[tilespmem:v24+s26+$0x0] =	vst.idx.msk $0xffff, v5;
	v24 =	vor.u32 $0x7, v38;
	v5 =	vadd.s32 v36, v34  }
0x217: {  	v32 =	vmul.f32 $8.000000000e+00, v26;
	v23 =	vld [tilespmem:s17+$0xFFFFFE70];
	[tilespmem:v6+s26+$0x0] =	vst.idx.msk $0xffff, v19;
	v5 =	vor.u32 $0x7, v5  }
0x218: {  	v14 =	vor.u32 $0x5, v35;
	v26 =	vmul.f32 $8.000000000e+00, v30;
	v19 =	vld [tilespmem:s17+$0xFFFFFEC0];
	[tilespmem:v29+s26+$0x0] =	vst.idx.msk $0xffff, v22;
	v25 =	vmul.f32 $8.000000000e+00, v18  }
0x219: {  	v6 =	vor.u32 $0x3, v27;
	v18 =	vor.u32 $0x3, v40;
	s17 =	sadd.s32 $0x200, s17;
	v22 =	vld [tilespmem:s1+$0xFFFFFEF0];
	[tilespmem:v28+s26+$0x0] =	vst.idx.msk $0xffff, v32;
	v27 =	vmul.f32 $8.000000000e+00, v31  }
0x21a: {  	_ = 	snop  }
0x21b: {  	v28 =	vld [tilespmem:s1+$0xFFFFFF30];
	_ =	sdelay $0x1  }
0x21c: {  	v9 =	vor.u32 $0x4, v9  }
0x21d: {  	[tilespmem:v24+s26+$0x0] =	vst.idx.msk $0xffff, v27  }
0x21e: {  	v24 =	vld [tilespmem:s1+$0xFFFFFFF0]  }
0x21f: {  	[tilespmem:v7+s26+$0x0] =	vst.idx.msk $0xffff, v26;
	v7 =	vmul.f32 $8.000000000e+00, v28  }
0x220: {  	v21 =	vmul.f32 $8.000000000e+00, v21;
	v10 =	vor.u32 $0x7, v10;
	[tilespmem:v17+s26+$0x0] =	vst.idx.msk $0xffff, v25;
	v26 =	vld [tilespmem:s1+$0xFFFFFE40]  }
0x221: {  	v17 =	vmul.f32 $8.000000000e+00, v23;
	v23 =	vld [tilespmem:s1+$0xFFFFFFC0];
	[tilespmem:v9+s26+$0x0] =	vst.idx.msk $0xffff, v7  }
0x222: {  	[tilespmem:v14+s26+$0x0] =	vst.idx.msk $0xffff, v21;
	v7 =	vmul.f32 $8.000000000e+00, v22;
	v9 =	vld [tilespmem:s1+$0xFFFFFF40]  }
0x223: {  	v14 =	vor.u32 $0x6, v20;
	[tilespmem:v15+s26+$0x0] =	vst.idx.msk $0xffff, v17;
	v15 =	vld [tilespmem:s1+$0xFFFFFF80];
	v17 =	vmul.f32 $8.000000000e+00, v24  }
0x224: {  	v12 =	vor.u32 $0x4, v12;
	v19 =	vmul.f32 $8.000000000e+00, v19;
	[tilespmem:v18+s26+$0x0] =	vst.idx.msk $0xffff, v7;
	v7 =	vld [tilespmem:s1+$0xFFFFFE80]  }
0x225: {  	v16 =	vor.u32 $0x5, v16;
	v18 =	vmul.f32 $8.000000000e+00, v26;
	[tilespmem:v10+s26+$0x0] =	vst.idx.msk $0xffff, v17;
	v20 =	vld [tilespmem:s1+$0xFFFFFF00]  }
0x226: {  	[tilespmem:v11+s26+$0x0] =	vst.idx.msk $0xffff, v19;
	v11 =	vmul.f32 $8.000000000e+00, v23;
	v10 =	vor.u32 $0x1, v13;
	v13 =	vld [tilespmem:s1+$0x0]  }
0x227: {  	[tilespmem:v8+s26+$0x0] =	vst.idx.msk $0xffff, v18;
	v8 =	vmul.f32 $8.000000000e+00, v9  }
0x228: {  	[tilespmem:v14+s26+$0x0] =	vst.idx.msk $0xffff, v11;
	v9 =	vmul.f32 $8.000000000e+00, v15  }
0x229: {  	s0 =	sadd.s32 s5, s29;
	v7 =	vmul.f32 $8.000000000e+00, v7;
	[tilespmem:v12+s26+$0x0] =	vst.idx.msk $0xffff, v8  }
0x22a: {  	s20 =	sshll.u32 s0, $0x8;
	s0 =	sshll.u32 s0, $0xB;
	[tilespmem:v16+s26+$0x0] =	vst.idx.msk $0xffff, v9;
	v8 =	vmul.f32 $8.000000000e+00, v20  }
0x22b: {  	s0 =	sand.u32 $0xFFF8000, s0;
	s1 =	sand.u32 $0xD00, s20;
	[tilespmem:v10+s26+$0x0] =	vst.idx.msk $0xffff, v7;
	v7 =	vmul.f32 $8.000000000e+00, v13  }
0x22c: {  	s21 =	rddreg [dreg:$0x1];
	s0 =	sor.u32 s1, s0;
	[tilespmem:v6+s26+$0x0] =	vst.idx.msk $0xffff, v8  }
0x22d: {  	s2 =	simm.s32 $0x1A800;
	s1 =	sadd.s32 s21, s0;
	[tilespmem:v5+s26+$0x0] =	vst.idx.msk $0xffff, v7  }
0x22e: {  	[hbm4b:s1+s3] =	stream.linear.scatter [tilespmem:s2], [sflag:$0x6], $0x80, $0x38;
	[tilespmem:$0x1EC00] =	vst v63  }
0x22f: {  	s6 =	simm.s32 $0x1A888;
	s22 =	sadd.s32 $0x10, s1  }
0x230: {  	[hbm4b:s22+s3] =	stream.linear.scatter [tilespmem:s6], [sflag:$0x6], $0x80, $0x38;
	[tilespmem:$0x1EC00] =	vst v63  }
0x231: {  	s17 =	simm.s32 $0x1A910;
	s6 =	sadd.s32 $0x20, s1  }
0x232: {  	[hbm4b:s6+s3] =	stream.linear.scatter [tilespmem:s17], [sflag:$0x6], $0x80, $0x38;
	[tilespmem:$0x1EC00] =	vst v63  }
0x233: {  	s20 =	simm.s32 $0x1A998;
	s18 =	sadd.s32 $0x30, s1  }
0x234: {  	[hbm4b:s18+s3] =	stream.linear.scatter [tilespmem:s20], [sflag:$0x6], $0x80, $0x38;
	[tilespmem:$0x1EC00] =	vst v63  }
0x235: {  	s21 =	sadd.s32 $0x40, s1;
	s22 =	simm.s32 $0x1AA20  }
0x236: {  	[hbm4b:s21+s3] =	stream.linear.scatter [tilespmem:s22], [sflag:$0x6], $0x80, $0x38;
	[tilespmem:$0x1EC00] =	vst v63  }
0x237: {  	s6 =	sadd.s32 $0x50, s1;
	s17 =	simm.s32 $0x1AAA8  }
0x238: {  	[hbm4b:s6+s3] =	stream.linear.scatter [tilespmem:s17], [sflag:$0x6], $0x80, $0x38;
	[tilespmem:$0x1EC00] =	vst v63  }
0x239: {  	s18 =	sadd.s32 $0x60, s1;
	s20 =	simm.s32 $0x1AB30  }
0x23a: {  	[hbm4b:s18+s3] =	stream.linear.scatter [tilespmem:s20], [sflag:$0x6], $0x80, $0x38;
	[tilespmem:$0x1EC00] =	vst v63  }
0x23b: {  	s21 =	sadd.s32 $0x70, s1;
	s22 =	simm.s32 $0x1ABB8  }
0x23c: {  	[hbm4b:s21+s3] =	stream.linear.scatter [tilespmem:s22], [sflag:$0x6], $0x80, $0x38;
	[tilespmem:$0x1EC00] =	vst v63  }
0x23d: {  	s6 =	sadd.s32 $0x80, s1;
	s17 =	simm.s32 $0x1AC40  }
0x23e: {  	[hbm4b:s6+s3] =	stream.linear.scatter [tilespmem:s17], [sflag:$0x6], $0x80, $0x38;
	[tilespmem:$0x1EC00] =	vst v63  }
0x23f: {  	s18 =	sadd.s32 $0x90, s1;
	s20 =	simm.s32 $0x1ACC8  }
0x240: {  	[hbm4b:s18+s3] =	stream.linear.scatter [tilespmem:s20], [sflag:$0x6], $0x80, $0x38;
	[tilespmem:$0x1EC00] =	vst v63  }
0x241: {  	s21 =	sadd.s32 $0xA0, s1;
	s22 =	simm.s32 $0x1AD50  }
0x242: {  	[hbm4b:s21+s3] =	stream.linear.scatter [tilespmem:s22], [sflag:$0x6], $0x80, $0x38;
	[tilespmem:$0x1EC00] =	vst v63  }
0x243: {  	s6 =	sadd.s32 $0xB0, s1;
	s17 =	simm.s32 $0x1ADD8  }
0x244: {  	[hbm4b:s6+s3] =	stream.linear.scatter [tilespmem:s17], [sflag:$0x6], $0x80, $0x38;
	[tilespmem:$0x1EC00] =	vst v63  }
0x245: {  	s18 =	sadd.s32 $0xC0, s1;
	s20 =	simm.s32 $0x1AE60  }
0x246: {  	[hbm4b:s18+s3] =	stream.linear.scatter [tilespmem:s20], [sflag:$0x6], $0x80, $0x38;
	[tilespmem:$0x1EC00] =	vst v63  }
0x247: {  	s21 =	sadd.s32 $0xD0, s1;
	s22 =	simm.s32 $0x1AEE8  }
0x248: {  	[hbm4b:s21+s3] =	stream.linear.scatter [tilespmem:s22], [sflag:$0x6], $0x80, $0x38;
	[tilespmem:$0x1EC00] =	vst v63  }
0x249: {  	s6 =	sadd.s32 $0xE0, s1;
	s17 =	simm.s32 $0x1AF70  }
0x24a: {  	[hbm4b:s6+s3] =	stream.linear.scatter [tilespmem:s17], [sflag:$0x6], $0x80, $0x38;
	[tilespmem:$0x1EC00] =	vst v63  }
0x24b: {  	s1 =	sadd.s32 $0xF0, s1;
	s18 =	simm.s32 $0x1AFF8  }
0x24c: {  	[hbm4b:s1+s3] =	stream.linear.scatter [tilespmem:s18], [sflag:$0x6], $0x80, $0x38;
	[tilespmem:$0x1EC00] =	vst v63  }
0x24d: {  	s20 =	simm.s32 $0x1B080;
	s1 =	sadd.s32 s0, s7  }
0x24e: {  	[hbm4b:s1+s3] =	stream.linear.scatter [tilespmem:s20], [sflag:$0x6], $0x80, $0x38;
	[tilespmem:$0x1EC00] =	vst v63  }
0x24f: {  	s22 =	simm.s32 $0x1B108;
	s21 =	sadd.s32 $0x10, s1  }
0x250: {  	[hbm4b:s21+s3] =	stream.linear.scatter [tilespmem:s22], [sflag:$0x6], $0x80, $0x38;
	[tilespmem:$0x1EC00] =	vst v63  }
0x251: {  	s17 =	simm.s32 $0x1B190;
	s6 =	sadd.s32 $0x20, s1  }
0x252: {  	[hbm4b:s6+s3] =	stream.linear.scatter [tilespmem:s17], [sflag:$0x6], $0x80, $0x38;
	[tilespmem:$0x1EC00] =	vst v63  }
0x253: {  	s18 =	sadd.s32 $0x30, s1;
	s20 =	simm.s32 $0x1B218  }
0x254: {  	[hbm4b:s18+s3] =	stream.linear.scatter [tilespmem:s20], [sflag:$0x6], $0x80, $0x38;
	[tilespmem:$0x1EC00] =	vst v63  }
0x255: {  	s21 =	sadd.s32 $0x40, s1;
	s22 =	simm.s32 $0x1B2A0  }
0x256: {  	[hbm4b:s21+s3] =	stream.linear.scatter [tilespmem:s22], [sflag:$0x6], $0x80, $0x38;
	[tilespmem:$0x1EC00] =	vst v63  }
0x257: {  	s6 =	sadd.s32 $0x50, s1;
	s17 =	simm.s32 $0x1B328  }
0x258: {  	[hbm4b:s6+s3] =	stream.linear.scatter [tilespmem:s17], [sflag:$0x6], $0x80, $0x38;
	[tilespmem:$0x1EC00] =	vst v63  }
0x259: {  	s18 =	sadd.s32 $0x60, s1;
	s20 =	simm.s32 $0x1B3B0  }
0x25a: {  	[hbm4b:s18+s3] =	stream.linear.scatter [tilespmem:s20], [sflag:$0x6], $0x80, $0x38;
	[tilespmem:$0x1EC00] =	vst v63  }
0x25b: {  	s21 =	sadd.s32 $0x70, s1;
	s22 =	simm.s32 $0x1B438  }
0x25c: {  	[hbm4b:s21+s3] =	stream.linear.scatter [tilespmem:s22], [sflag:$0x6], $0x80, $0x38;
	[tilespmem:$0x1EC00] =	vst v63  }
0x25d: {  	s6 =	sadd.s32 $0x80, s1;
	s17 =	simm.s32 $0x1B4C0  }
0x25e: {  	[hbm4b:s6+s3] =	stream.linear.scatter [tilespmem:s17], [sflag:$0x6], $0x80, $0x38;
	[tilespmem:$0x1EC00] =	vst v63  }
0x25f: {  	s18 =	sadd.s32 $0x90, s1;
	s20 =	simm.s32 $0x1B548  }
0x260: {  	[hbm4b:s18+s3] =	stream.linear.scatter [tilespmem:s20], [sflag:$0x6], $0x80, $0x38;
	[tilespmem:$0x1EC00] =	vst v63  }
0x261: {  	s21 =	sadd.s32 $0xA0, s1;
	s22 =	simm.s32 $0x1B5D0  }
0x262: {  	[hbm4b:s21+s3] =	stream.linear.scatter [tilespmem:s22], [sflag:$0x6], $0x80, $0x38;
	[tilespmem:$0x1EC00] =	vst v63  }
0x263: {  	s6 =	sadd.s32 $0xB0, s1;
	s17 =	simm.s32 $0x1B658  }
0x264: {  	[hbm4b:s6+s3] =	stream.linear.scatter [tilespmem:s17], [sflag:$0x6], $0x80, $0x38;
	[tilespmem:$0x1EC00] =	vst v63  }
0x265: {  	s18 =	sadd.s32 $0xC0, s1;
	s20 =	simm.s32 $0x1B6E0  }
0x266: {  	[hbm4b:s18+s3] =	stream.linear.scatter [tilespmem:s20], [sflag:$0x6], $0x80, $0x38;
	[tilespmem:$0x1EC00] =	vst v63  }
0x267: {  	s21 =	sadd.s32 $0xD0, s1;
	s22 =	simm.s32 $0x1B768  }
0x268: {  	[hbm4b:s21+s3] =	stream.linear.scatter [tilespmem:s22], [sflag:$0x6], $0x80, $0x38;
	[tilespmem:$0x1EC00] =	vst v63  }
0x269: {  	s6 =	sadd.s32 $0xE0, s1;
	s17 =	simm.s32 $0x1B7F0  }
0x26a: {  	[hbm4b:s6+s3] =	stream.linear.scatter [tilespmem:s17], [sflag:$0x6], $0x80, $0x38;
	[tilespmem:$0x1EC00] =	vst v63  }
0x26b: {  	s1 =	sadd.s32 $0xF0, s1;
	s18 =	simm.s32 $0x1B878  }
0x26c: {  	[hbm4b:s1+s3] =	stream.linear.scatter [tilespmem:s18], [sflag:$0x6], $0x80, $0x38;
	[tilespmem:$0x1EC00] =	vst v63  }
0x26d: {  	s20 =	simm.s32 $0x1B900;
	s1 =	sadd.s32 s0, s8  }
0x26e: {  	[hbm4b:s1+s3] =	stream.linear.scatter [tilespmem:s20], [sflag:$0x6], $0x80, $0x38;
	[tilespmem:$0x1EC00] =	vst v63  }
0x26f: {  	s22 =	simm.s32 $0x1B988;
	s21 =	sadd.s32 $0x10, s1  }
0x270: {  	[hbm4b:s21+s3] =	stream.linear.scatter [tilespmem:s22], [sflag:$0x6], $0x80, $0x38;
	[tilespmem:$0x1EC00] =	vst v63  }
0x271: {  	s17 =	simm.s32 $0x1BA10;
	s6 =	sadd.s32 $0x20, s1  }
0x272: {  	[hbm4b:s6+s3] =	stream.linear.scatter [tilespmem:s17], [sflag:$0x6], $0x80, $0x38;
	[tilespmem:$0x1EC00] =	vst v63  }
0x273: {  	s18 =	sadd.s32 $0x30, s1;
	s20 =	simm.s32 $0x1BA98  }
0x274: {  	[hbm4b:s18+s3] =	stream.linear.scatter [tilespmem:s20], [sflag:$0x6], $0x80, $0x38;
	[tilespmem:$0x1EC00] =	vst v63  }
0x275: {  	s21 =	sadd.s32 $0x40, s1;
	s22 =	simm.s32 $0x1BB20  }
0x276: {  	[hbm4b:s21+s3] =	stream.linear.scatter [tilespmem:s22], [sflag:$0x6], $0x80, $0x38;
	[tilespmem:$0x1EC00] =	vst v63  }
0x277: {  	s6 =	sadd.s32 $0x50, s1;
	s17 =	simm.s32 $0x1BBA8  }
0x278: {  	[hbm4b:s6+s3] =	stream.linear.scatter [tilespmem:s17], [sflag:$0x6], $0x80, $0x38;
	[tilespmem:$0x1EC00] =	vst v63  }
0x279: {  	s18 =	sadd.s32 $0x60, s1;
	s20 =	simm.s32 $0x1BC30  }
0x27a: {  	[hbm4b:s18+s3] =	stream.linear.scatter [tilespmem:s20], [sflag:$0x6], $0x80, $0x38;
	[tilespmem:$0x1EC00] =	vst v63  }
0x27b: {  	s21 =	sadd.s32 $0x70, s1;
	s22 =	simm.s32 $0x1BCB8  }
0x27c: {  	[hbm4b:s21+s3] =	stream.linear.scatter [tilespmem:s22], [sflag:$0x6], $0x80, $0x38;
	[tilespmem:$0x1EC00] =	vst v63  }
0x27d: {  	s6 =	sadd.s32 $0x80, s1;
	s17 =	simm.s32 $0x1BD40  }
0x27e: {  	[hbm4b:s6+s3] =	stream.linear.scatter [tilespmem:s17], [sflag:$0x6], $0x80, $0x38;
	[tilespmem:$0x1EC00] =	vst v63  }
0x27f: {  	s18 =	sadd.s32 $0x90, s1;
	s20 =	simm.s32 $0x1BDC8  }
0x280: {  	[hbm4b:s18+s3] =	stream.linear.scatter [tilespmem:s20], [sflag:$0x6], $0x80, $0x38;
	[tilespmem:$0x1EC00] =	vst v63  }
0x281: {  	s21 =	sadd.s32 $0xA0, s1;
	s22 =	simm.s32 $0x1BE50  }
0x282: {  	[hbm4b:s21+s3] =	stream.linear.scatter [tilespmem:s22], [sflag:$0x6], $0x80, $0x38;
	[tilespmem:$0x1EC00] =	vst v63  }
0x283: {  	s6 =	sadd.s32 $0xB0, s1;
	s17 =	simm.s32 $0x1BED8  }
0x284: {  	[hbm4b:s6+s3] =	stream.linear.scatter [tilespmem:s17], [sflag:$0x6], $0x80, $0x38;
	[tilespmem:$0x1EC00] =	vst v63  }
0x285: {  	s18 =	sadd.s32 $0xC0, s1;
	s20 =	simm.s32 $0x1BF60  }
0x286: {  	[hbm4b:s18+s3] =	stream.linear.scatter [tilespmem:s20], [sflag:$0x6], $0x80, $0x38;
	[tilespmem:$0x1EC00] =	vst v63  }
0x287: {  	s21 =	sadd.s32 $0xD0, s1;
	s22 =	simm.s32 $0x1BFE8  }
0x288: {  	[hbm4b:s21+s3] =	stream.linear.scatter [tilespmem:s22], [sflag:$0x6], $0x80, $0x38;
	[tilespmem:$0x1EC00] =	vst v63  }
0x289: {  	s6 =	sadd.s32 $0xE0, s1;
	s17 =	simm.s32 $0x1C070  }
0x28a: {  	[hbm4b:s6+s3] =	stream.linear.scatter [tilespmem:s17], [sflag:$0x6], $0x80, $0x38;
	[tilespmem:$0x1EC00] =	vst v63  }
0x28b: {  	s1 =	sadd.s32 $0xF0, s1;
	s18 =	simm.s32 $0x1C0F8  }
0x28c: {  	[hbm4b:s1+s3] =	stream.linear.scatter [tilespmem:s18], [sflag:$0x6], $0x80, $0x38;
	[tilespmem:$0x1EC00] =	vst v63  }
0x28d: {  	s20 =	simm.s32 $0x1C180;
	s1 =	sadd.s32 s0, s9  }
0x28e: {  	[hbm4b:s1+s3] =	stream.linear.scatter [tilespmem:s20], [sflag:$0x6], $0x80, $0x38;
	[tilespmem:$0x1EC00] =	vst v63  }
0x28f: {  	s22 =	simm.s32 $0x1C208;
	s21 =	sadd.s32 $0x10, s1  }
0x290: {  	[hbm4b:s21+s3] =	stream.linear.scatter [tilespmem:s22], [sflag:$0x6], $0x80, $0x38;
	[tilespmem:$0x1EC00] =	vst v63  }
0x291: {  	s17 =	simm.s32 $0x1C290;
	s6 =	sadd.s32 $0x20, s1  }
0x292: {  	[hbm4b:s6+s3] =	stream.linear.scatter [tilespmem:s17], [sflag:$0x6], $0x80, $0x38;
	[tilespmem:$0x1EC00] =	vst v63  }
0x293: {  	s18 =	sadd.s32 $0x30, s1;
	s20 =	simm.s32 $0x1C318  }
0x294: {  	[hbm4b:s18+s3] =	stream.linear.scatter [tilespmem:s20], [sflag:$0x6], $0x80, $0x38;
	[tilespmem:$0x1EC00] =	vst v63  }
0x295: {  	s21 =	sadd.s32 $0x40, s1;
	s22 =	simm.s32 $0x1C3A0  }
0x296: {  	[hbm4b:s21+s3] =	stream.linear.scatter [tilespmem:s22], [sflag:$0x6], $0x80, $0x38;
	[tilespmem:$0x1EC00] =	vst v63  }
0x297: {  	s6 =	sadd.s32 $0x50, s1;
	s17 =	simm.s32 $0x1C428  }
0x298: {  	[hbm4b:s6+s3] =	stream.linear.scatter [tilespmem:s17], [sflag:$0x6], $0x80, $0x38;
	[tilespmem:$0x1EC00] =	vst v63  }
0x299: {  	s18 =	sadd.s32 $0x60, s1;
	s20 =	simm.s32 $0x1C4B0  }
0x29a: {  	[hbm4b:s18+s3] =	stream.linear.scatter [tilespmem:s20], [sflag:$0x6], $0x80, $0x38;
	[tilespmem:$0x1EC00] =	vst v63  }
0x29b: {  	s21 =	sadd.s32 $0x70, s1;
	s22 =	simm.s32 $0x1C538  }
0x29c: {  	[hbm4b:s21+s3] =	stream.linear.scatter [tilespmem:s22], [sflag:$0x6], $0x80, $0x38;
	[tilespmem:$0x1EC00] =	vst v63  }
0x29d: {  	s6 =	sadd.s32 $0x80, s1;
	s17 =	simm.s32 $0x1C5C0  }
0x29e: {  	[hbm4b:s6+s3] =	stream.linear.scatter [tilespmem:s17], [sflag:$0x6], $0x80, $0x38;
	[tilespmem:$0x1EC00] =	vst v63  }
0x29f: {  	s18 =	sadd.s32 $0x90, s1;
	s20 =	simm.s32 $0x1C648  }
0x2a0: {  	[hbm4b:s18+s3] =	stream.linear.scatter [tilespmem:s20], [sflag:$0x6], $0x80, $0x38;
	[tilespmem:$0x1EC00] =	vst v63  }
0x2a1: {  	s21 =	sadd.s32 $0xA0, s1;
	s22 =	simm.s32 $0x1C6D0  }
0x2a2: {  	[hbm4b:s21+s3] =	stream.linear.scatter [tilespmem:s22], [sflag:$0x6], $0x80, $0x38;
	[tilespmem:$0x1EC00] =	vst v63  }
0x2a3: {  	s6 =	sadd.s32 $0xB0, s1;
	s17 =	simm.s32 $0x1C758  }
0x2a4: {  	[hbm4b:s6+s3] =	stream.linear.scatter [tilespmem:s17], [sflag:$0x6], $0x80, $0x38;
	[tilespmem:$0x1EC00] =	vst v63  }
0x2a5: {  	s18 =	sadd.s32 $0xC0, s1;
	s20 =	simm.s32 $0x1C7E0  }
0x2a6: {  	[hbm4b:s18+s3] =	stream.linear.scatter [tilespmem:s20], [sflag:$0x6], $0x80, $0x38;
	[tilespmem:$0x1EC00] =	vst v63  }
0x2a7: {  	s21 =	sadd.s32 $0xD0, s1;
	s22 =	simm.s32 $0x1C868  }
0x2a8: {  	[hbm4b:s21+s3] =	stream.linear.scatter [tilespmem:s22], [sflag:$0x6], $0x80, $0x38;
	[tilespmem:$0x1EC00] =	vst v63  }
0x2a9: {  	s6 =	sadd.s32 $0xE0, s1;
	s17 =	simm.s32 $0x1C8F0  }
0x2aa: {  	[hbm4b:s6+s3] =	stream.linear.scatter [tilespmem:s17], [sflag:$0x6], $0x80, $0x38;
	[tilespmem:$0x1EC00] =	vst v63  }
0x2ab: {  	s1 =	sadd.s32 $0xF0, s1;
	s18 =	simm.s32 $0x1C978  }
0x2ac: {  	[hbm4b:s1+s3] =	stream.linear.scatter [tilespmem:s18], [sflag:$0x6], $0x80, $0x38;
	[tilespmem:$0x1EC00] =	vst v63  }
0x2ad: {  	s20 =	simm.s32 $0x1CA00;
	s1 =	sadd.s32 s0, s10  }
0x2ae: {  	[hbm4b:s1+s3] =	stream.linear.scatter [tilespmem:s20], [sflag:$0x6], $0x80, $0x38;
	[tilespmem:$0x1EC00] =	vst v63  }
0x2af: {  	s22 =	simm.s32 $0x1CA88;
	s21 =	sadd.s32 $0x10, s1  }
0x2b0: {  	[hbm4b:s21+s3] =	stream.linear.scatter [tilespmem:s22], [sflag:$0x6], $0x80, $0x38;
	[tilespmem:$0x1EC00] =	vst v63  }
0x2b1: {  	s17 =	simm.s32 $0x1CB10;
	s6 =	sadd.s32 $0x20, s1  }
0x2b2: {  	[hbm4b:s6+s3] =	stream.linear.scatter [tilespmem:s17], [sflag:$0x6], $0x80, $0x38;
	[tilespmem:$0x1EC00] =	vst v63  }
0x2b3: {  	s18 =	sadd.s32 $0x30, s1;
	s20 =	simm.s32 $0x1CB98  }
0x2b4: {  	[hbm4b:s18+s3] =	stream.linear.scatter [tilespmem:s20], [sflag:$0x6], $0x80, $0x38;
	[tilespmem:$0x1EC00] =	vst v63  }
0x2b5: {  	s21 =	sadd.s32 $0x40, s1;
	s22 =	simm.s32 $0x1CC20  }
0x2b6: {  	[hbm4b:s21+s3] =	stream.linear.scatter [tilespmem:s22], [sflag:$0x6], $0x80, $0x38;
	[tilespmem:$0x1EC00] =	vst v63  }
0x2b7: {  	s6 =	sadd.s32 $0x50, s1;
	s17 =	simm.s32 $0x1CCA8  }
0x2b8: {  	[hbm4b:s6+s3] =	stream.linear.scatter [tilespmem:s17], [sflag:$0x6], $0x80, $0x38;
	[tilespmem:$0x1EC00] =	vst v63  }
0x2b9: {  	s18 =	sadd.s32 $0x60, s1;
	s20 =	simm.s32 $0x1CD30  }
0x2ba: {  	[hbm4b:s18+s3] =	stream.linear.scatter [tilespmem:s20], [sflag:$0x6], $0x80, $0x38;
	[tilespmem:$0x1EC00] =	vst v63  }
0x2bb: {  	s21 =	sadd.s32 $0x70, s1;
	s22 =	simm.s32 $0x1CDB8  }
0x2bc: {  	[hbm4b:s21+s3] =	stream.linear.scatter [tilespmem:s22], [sflag:$0x6], $0x80, $0x38;
	[tilespmem:$0x1EC00] =	vst v63  }
0x2bd: {  	s6 =	sadd.s32 $0x80, s1;
	s17 =	simm.s32 $0x1CE40  }
0x2be: {  	[hbm4b:s6+s3] =	stream.linear.scatter [tilespmem:s17], [sflag:$0x6], $0x80, $0x38;
	[tilespmem:$0x1EC00] =	vst v63  }
0x2bf: {  	s18 =	sadd.s32 $0x90, s1;
	s20 =	simm.s32 $0x1CEC8  }
0x2c0: {  	[hbm4b:s18+s3] =	stream.linear.scatter [tilespmem:s20], [sflag:$0x6], $0x80, $0x38;
	[tilespmem:$0x1EC00] =	vst v63  }
0x2c1: {  	s21 =	sadd.s32 $0xA0, s1;
	s22 =	simm.s32 $0x1CF50  }
0x2c2: {  	[hbm4b:s21+s3] =	stream.linear.scatter [tilespmem:s22], [sflag:$0x6], $0x80, $0x38;
	[tilespmem:$0x1EC00] =	vst v63  }
0x2c3: {  	s6 =	sadd.s32 $0xB0, s1;
	s17 =	simm.s32 $0x1CFD8  }
0x2c4: {  	[hbm4b:s6+s3] =	stream.linear.scatter [tilespmem:s17], [sflag:$0x6], $0x80, $0x38;
	[tilespmem:$0x1EC00] =	vst v63  }
0x2c5: {  	s18 =	sadd.s32 $0xC0, s1;
	s20 =	simm.s32 $0x1D060  }
0x2c6: {  	[hbm4b:s18+s3] =	stream.linear.scatter [tilespmem:s20], [sflag:$0x6], $0x80, $0x38;
	[tilespmem:$0x1EC00] =	vst v63  }
0x2c7: {  	s21 =	sadd.s32 $0xD0, s1;
	s22 =	simm.s32 $0x1D0E8  }
0x2c8: {  	[hbm4b:s21+s3] =	stream.linear.scatter [tilespmem:s22], [sflag:$0x6], $0x80, $0x38;
	[tilespmem:$0x1EC00] =	vst v63  }
0x2c9: {  	s6 =	sadd.s32 $0xE0, s1;
	s17 =	simm.s32 $0x1D170  }
0x2ca: {  	[hbm4b:s6+s3] =	stream.linear.scatter [tilespmem:s17], [sflag:$0x6], $0x80, $0x38;
	[tilespmem:$0x1EC00] =	vst v63  }
0x2cb: {  	s1 =	sadd.s32 $0xF0, s1;
	s18 =	simm.s32 $0x1D1F8  }
0x2cc: {  	[hbm4b:s1+s3] =	stream.linear.scatter [tilespmem:s18], [sflag:$0x6], $0x80, $0x38;
	[tilespmem:$0x1EC00] =	vst v63  }
0x2cd: {  	s20 =	simm.s32 $0x1D280;
	s1 =	sadd.s32 s0, s11  }
0x2ce: {  	[hbm4b:s1+s3] =	stream.linear.scatter [tilespmem:s20], [sflag:$0x6], $0x80, $0x38;
	[tilespmem:$0x1EC00] =	vst v63  }
0x2cf: {  	s22 =	simm.s32 $0x1D308;
	s21 =	sadd.s32 $0x10, s1  }
0x2d0: {  	[hbm4b:s21+s3] =	stream.linear.scatter [tilespmem:s22], [sflag:$0x6], $0x80, $0x38;
	[tilespmem:$0x1EC00] =	vst v63  }
0x2d1: {  	s17 =	simm.s32 $0x1D390;
	s6 =	sadd.s32 $0x20, s1  }
0x2d2: {  	[hbm4b:s6+s3] =	stream.linear.scatter [tilespmem:s17], [sflag:$0x6], $0x80, $0x38;
	[tilespmem:$0x1EC00] =	vst v63  }
0x2d3: {  	s18 =	sadd.s32 $0x30, s1;
	s20 =	simm.s32 $0x1D418  }
0x2d4: {  	[hbm4b:s18+s3] =	stream.linear.scatter [tilespmem:s20], [sflag:$0x6], $0x80, $0x38;
	[tilespmem:$0x1EC00] =	vst v63  }
0x2d5: {  	s21 =	sadd.s32 $0x40, s1;
	s22 =	simm.s32 $0x1D4A0  }
0x2d6: {  	[hbm4b:s21+s3] =	stream.linear.scatter [tilespmem:s22], [sflag:$0x6], $0x80, $0x38;
	[tilespmem:$0x1EC00] =	vst v63  }
0x2d7: {  	s6 =	sadd.s32 $0x50, s1;
	s17 =	simm.s32 $0x1D528  }
0x2d8: {  	[hbm4b:s6+s3] =	stream.linear.scatter [tilespmem:s17], [sflag:$0x6], $0x80, $0x38;
	[tilespmem:$0x1EC00] =	vst v63  }
0x2d9: {  	s18 =	sadd.s32 $0x60, s1;
	s20 =	simm.s32 $0x1D5B0  }
0x2da: {  	[hbm4b:s18+s3] =	stream.linear.scatter [tilespmem:s20], [sflag:$0x6], $0x80, $0x38;
	[tilespmem:$0x1EC00] =	vst v63  }
0x2db: {  	s21 =	sadd.s32 $0x70, s1;
	s22 =	simm.s32 $0x1D638  }
0x2dc: {  	[hbm4b:s21+s3] =	stream.linear.scatter [tilespmem:s22], [sflag:$0x6], $0x80, $0x38;
	[tilespmem:$0x1EC00] =	vst v63  }
0x2dd: {  	s6 =	sadd.s32 $0x80, s1;
	s17 =	simm.s32 $0x1D6C0  }
0x2de: {  	[hbm4b:s6+s3] =	stream.linear.scatter [tilespmem:s17], [sflag:$0x6], $0x80, $0x38;
	[tilespmem:$0x1EC00] =	vst v63  }
0x2df: {  	s18 =	sadd.s32 $0x90, s1;
	s20 =	simm.s32 $0x1D748  }
0x2e0: {  	[hbm4b:s18+s3] =	stream.linear.scatter [tilespmem:s20], [sflag:$0x6], $0x80, $0x38;
	[tilespmem:$0x1EC00] =	vst v63  }
0x2e1: {  	s21 =	sadd.s32 $0xA0, s1;
	s22 =	simm.s32 $0x1D7D0  }
0x2e2: {  	[hbm4b:s21+s3] =	stream.linear.scatter [tilespmem:s22], [sflag:$0x6], $0x80, $0x38;
	[tilespmem:$0x1EC00] =	vst v63  }
0x2e3: {  	s6 =	sadd.s32 $0xB0, s1;
	s17 =	simm.s32 $0x1D858  }
0x2e4: {  	[hbm4b:s6+s3] =	stream.linear.scatter [tilespmem:s17], [sflag:$0x6], $0x80, $0x38;
	[tilespmem:$0x1EC00] =	vst v63  }
0x2e5: {  	s18 =	sadd.s32 $0xC0, s1;
	s20 =	simm.s32 $0x1D8E0  }
0x2e6: {  	[hbm4b:s18+s3] =	stream.linear.scatter [tilespmem:s20], [sflag:$0x6], $0x80, $0x38;
	[tilespmem:$0x1EC00] =	vst v63  }
0x2e7: {  	s21 =	sadd.s32 $0xD0, s1;
	s22 =	simm.s32 $0x1D968  }
0x2e8: {  	[hbm4b:s21+s3] =	stream.linear.scatter [tilespmem:s22], [sflag:$0x6], $0x80, $0x38;
	[tilespmem:$0x1EC00] =	vst v63  }
0x2e9: {  	s6 =	sadd.s32 $0xE0, s1;
	s17 =	simm.s32 $0x1D9F0  }
0x2ea: {  	[hbm4b:s6+s3] =	stream.linear.scatter [tilespmem:s17], [sflag:$0x6], $0x80, $0x38;
	[tilespmem:$0x1EC00] =	vst v63  }
0x2eb: {  	s1 =	sadd.s32 $0xF0, s1;
	s18 =	simm.s32 $0x1DA78  }
0x2ec: {  	[hbm4b:s1+s3] =	stream.linear.scatter [tilespmem:s18], [sflag:$0x6], $0x80, $0x38;
	[tilespmem:$0x1EC00] =	vst v63  }
0x2ed: {  	s20 =	simm.s32 $0x1DB00;
	s1 =	sadd.s32 s0, s12  }
0x2ee: {  	[hbm4b:s1+s3] =	stream.linear.scatter [tilespmem:s20], [sflag:$0x6], $0x80, $0x38;
	[tilespmem:$0x1EC00] =	vst v63  }
0x2ef: {  	s22 =	simm.s32 $0x1DB88;
	s21 =	sadd.s32 $0x10, s1  }
0x2f0: {  	[hbm4b:s21+s3] =	stream.linear.scatter [tilespmem:s22], [sflag:$0x6], $0x80, $0x38;
	[tilespmem:$0x1EC00] =	vst v63  }
0x2f1: {  	s17 =	simm.s32 $0x1DC10;
	s6 =	sadd.s32 $0x20, s1  }
0x2f2: {  	[hbm4b:s6+s3] =	stream.linear.scatter [tilespmem:s17], [sflag:$0x6], $0x80, $0x38;
	[tilespmem:$0x1EC00] =	vst v63  }
0x2f3: {  	s18 =	sadd.s32 $0x30, s1;
	s20 =	simm.s32 $0x1DC98  }
0x2f4: {  	[hbm4b:s18+s3] =	stream.linear.scatter [tilespmem:s20], [sflag:$0x6], $0x80, $0x38;
	[tilespmem:$0x1EC00] =	vst v63  }
0x2f5: {  	s21 =	sadd.s32 $0x40, s1;
	s22 =	simm.s32 $0x1DD20  }
0x2f6: {  	[hbm4b:s21+s3] =	stream.linear.scatter [tilespmem:s22], [sflag:$0x6], $0x80, $0x38;
	[tilespmem:$0x1EC00] =	vst v63  }
0x2f7: {  	s6 =	sadd.s32 $0x50, s1;
	s17 =	simm.s32 $0x1DDA8  }
0x2f8: {  	[hbm4b:s6+s3] =	stream.linear.scatter [tilespmem:s17], [sflag:$0x6], $0x80, $0x38;
	[tilespmem:$0x1EC00] =	vst v63  }
0x2f9: {  	s18 =	sadd.s32 $0x60, s1;
	s20 =	simm.s32 $0x1DE30  }
0x2fa: {  	[hbm4b:s18+s3] =	stream.linear.scatter [tilespmem:s20], [sflag:$0x6], $0x80, $0x38;
	[tilespmem:$0x1EC00] =	vst v63  }
0x2fb: {  	s21 =	sadd.s32 $0x70, s1;
	s22 =	simm.s32 $0x1DEB8  }
0x2fc: {  	[hbm4b:s21+s3] =	stream.linear.scatter [tilespmem:s22], [sflag:$0x6], $0x80, $0x38;
	[tilespmem:$0x1EC00] =	vst v63  }
0x2fd: {  	s6 =	sadd.s32 $0x80, s1;
	s17 =	simm.s32 $0x1DF40  }
0x2fe: {  	[hbm4b:s6+s3] =	stream.linear.scatter [tilespmem:s17], [sflag:$0x6], $0x80, $0x38;
	[tilespmem:$0x1EC00] =	vst v63  }
0x2ff: {  	s18 =	sadd.s32 $0x90, s1;
	s20 =	simm.s32 $0x1DFC8  }
0x300: {  	[hbm4b:s18+s3] =	stream.linear.scatter [tilespmem:s20], [sflag:$0x6], $0x80, $0x38;
	[tilespmem:$0x1EC00] =	vst v63  }
0x301: {  	s21 =	sadd.s32 $0xA0, s1;
	s22 =	simm.s32 $0x1E050  }
0x302: {  	[hbm4b:s21+s3] =	stream.linear.scatter [tilespmem:s22], [sflag:$0x6], $0x80, $0x38;
	[tilespmem:$0x1EC00] =	vst v63  }
0x303: {  	s6 =	sadd.s32 $0xB0, s1;
	s17 =	simm.s32 $0x1E0D8  }
0x304: {  	[hbm4b:s6+s3] =	stream.linear.scatter [tilespmem:s17], [sflag:$0x6], $0x80, $0x38;
	[tilespmem:$0x1EC00] =	vst v63  }
0x305: {  	s18 =	sadd.s32 $0xC0, s1;
	s20 =	simm.s32 $0x1E160  }
0x306: {  	[hbm4b:s18+s3] =	stream.linear.scatter [tilespmem:s20], [sflag:$0x6], $0x80, $0x38;
	[tilespmem:$0x1EC00] =	vst v63  }
0x307: {  	s21 =	sadd.s32 $0xD0, s1;
	s22 =	simm.s32 $0x1E1E8  }
0x308: {  	[hbm4b:s21+s3] =	stream.linear.scatter [tilespmem:s22], [sflag:$0x6], $0x80, $0x38;
	[tilespmem:$0x1EC00] =	vst v63  }
0x309: {  	s6 =	sadd.s32 $0xE0, s1;
	s17 =	simm.s32 $0x1E270  }
0x30a: {  	[hbm4b:s6+s3] =	stream.linear.scatter [tilespmem:s17], [sflag:$0x6], $0x80, $0x38;
	[tilespmem:$0x1EC00] =	vst v63  }
0x30b: {  	s1 =	sadd.s32 $0xF0, s1;
	s18 =	simm.s32 $0x1E2F8  }
0x30c: {  	[hbm4b:s1+s3] =	stream.linear.scatter [tilespmem:s18], [sflag:$0x6], $0x80, $0x38;
	[tilespmem:$0x1EC00] =	vst v63  }
0x30d: {  	s0 =	sadd.s32 s0, s13;
	s20 =	simm.s32 $0x1E380  }
0x30e: {  	[hbm4b:s0+s3] =	stream.linear.scatter [tilespmem:s20], [sflag:$0x6], $0x80, $0x38;
	[tilespmem:$0x1EC00] =	vst v63  }
0x30f: {  	s21 =	sadd.s32 $0x10, s0;
	s22 =	simm.s32 $0x1E408  }
0x310: {  	[hbm4b:s21+s3] =	stream.linear.scatter [tilespmem:s22], [sflag:$0x6], $0x80, $0x38;
	[tilespmem:$0x1EC00] =	vst v63  }
0x311: {  	s6 =	sadd.s32 $0x20, s0;
	s17 =	simm.s32 $0x1E490  }
0x312: {  	[hbm4b:s6+s3] =	stream.linear.scatter [tilespmem:s17], [sflag:$0x6], $0x80, $0x38;
	[tilespmem:$0x1EC00] =	vst v63  }
0x313: {  	s18 =	sadd.s32 $0x30, s0;
	s20 =	simm.s32 $0x1E518  }
0x314: {  	[hbm4b:s18+s3] =	stream.linear.scatter [tilespmem:s20], [sflag:$0x6], $0x80, $0x38;
	[tilespmem:$0x1EC00] =	vst v63  }
0x315: {  	s21 =	sadd.s32 $0x40, s0;
	s22 =	simm.s32 $0x1E5A0  }
0x316: {  	[hbm4b:s21+s3] =	stream.linear.scatter [tilespmem:s22], [sflag:$0x6], $0x80, $0x38;
	[tilespmem:$0x1EC00] =	vst v63  }
0x317: {  	s6 =	sadd.s32 $0x50, s0;
	s17 =	simm.s32 $0x1E628  }
0x318: {  	[hbm4b:s6+s3] =	stream.linear.scatter [tilespmem:s17], [sflag:$0x6], $0x80, $0x38;
	[tilespmem:$0x1EC00] =	vst v63  }
0x319: {  	s18 =	sadd.s32 $0x60, s0;
	s20 =	simm.s32 $0x1E6B0  }
0x31a: {  	[hbm4b:s18+s3] =	stream.linear.scatter [tilespmem:s20], [sflag:$0x6], $0x80, $0x38;
	[tilespmem:$0x1EC00] =	vst v63  }
0x31b: {  	s21 =	sadd.s32 $0x70, s0;
	s22 =	simm.s32 $0x1E738  }
0x31c: {  	[hbm4b:s21+s3] =	stream.linear.scatter [tilespmem:s22], [sflag:$0x6], $0x80, $0x38;
	[tilespmem:$0x1EC00] =	vst v63  }
0x31d: {  	s6 =	sadd.s32 $0x80, s0;
	s17 =	simm.s32 $0x1E7C0  }
0x31e: {  	[hbm4b:s6+s3] =	stream.linear.scatter [tilespmem:s17], [sflag:$0x6], $0x80, $0x38;
	[tilespmem:$0x1EC00] =	vst v63  }
0x31f: {  	s18 =	sadd.s32 $0x90, s0;
	s20 =	simm.s32 $0x1E848  }
0x320: {  	[hbm4b:s18+s3] =	stream.linear.scatter [tilespmem:s20], [sflag:$0x6], $0x80, $0x38;
	[tilespmem:$0x1EC00] =	vst v63  }
0x321: {  	s21 =	sadd.s32 $0xA0, s0;
	s22 =	simm.s32 $0x1E8D0  }
0x322: {  	[hbm4b:s21+s3] =	stream.linear.scatter [tilespmem:s22], [sflag:$0x6], $0x80, $0x38;
	[tilespmem:$0x1EC00] =	vst v63  }
0x323: {  	s6 =	sadd.s32 $0xB0, s0;
	s17 =	simm.s32 $0x1E958  }
0x324: {  	[hbm4b:s6+s3] =	stream.linear.scatter [tilespmem:s17], [sflag:$0x6], $0x80, $0x38;
	[tilespmem:$0x1EC00] =	vst v63  }
0x325: {  	s18 =	sadd.s32 $0xC0, s0;
	s20 =	simm.s32 $0x1E9E0  }
0x326: {  	[hbm4b:s18+s3] =	stream.linear.scatter [tilespmem:s20], [sflag:$0x6], $0x80, $0x38;
	[tilespmem:$0x1EC00] =	vst v63  }
0x327: {  	s21 =	sadd.s32 $0xD0, s0;
	s22 =	simm.s32 $0x1EA68  }
0x328: {  	[hbm4b:s21+s3] =	stream.linear.scatter [tilespmem:s22], [sflag:$0x6], $0x80, $0x38;
	[tilespmem:$0x1EC00] =	vst v63  }
0x329: {  	s6 =	sadd.s32 $0xE0, s0;
	s17 =	simm.s32 $0x1EAF0  }
0x32a: {  	[hbm4b:s6+s3] =	stream.linear.scatter [tilespmem:s17], [sflag:$0x6], $0x80, $0x38;
	[tilespmem:$0x1EC00] =	vst v63  }
0x32b: {  	p0 =	seq.s32 s23, $0x18;
	s0 =	sadd.s32 $0xF0, s0;
	s18 =	simm.s32 $0x1EB78  }
0x32c: {  	[hbm4b:s0+s3] =	stream.linear.scatter [tilespmem:s18], [sflag:$0x6], $0x80, $0x38;
	[tilespmem:$0x1EC00] =	vst v63  }
0x32d: {  	s0 =	sshll.u32 @!p0 s23, $0xA  }
0x32e: {  	s29 =	sand.u32 @!p0 $0x3FFFFC00, s0  }
0x32f: {  	s2 =	simm.s32 @!p0 $0x6400;
	s1 =	simm.s32 @!p0 $0x80;
	s0 =	sadd.s32 @!p0 $0x400, s29  }
0x330: {  	[tilespmem:s2], [sflag:$0x1] =	stream.indirect.gather @!p0 [hbm4b:s4+s1], $0x40, s0, s1, $0xb8;
	[tilespmem:$0x1EC00] =	vst v63  }
0x331: {  	s0 =	sadd.s32 @!p0 $0x480, s29;
	s2 =	simm.s32 @!p0 $0x8400  }
0x332: {  	[tilespmem:s2], [sflag:$0x1] =	stream.indirect.gather @!p0 [hbm4b:s4+s1], $0x40, s0, s1, $0xb8;
	[tilespmem:$0x1EC00] =	vst v63  }
0x333: {  	_ =	swait.ge [sflag:s31], $0x800  }
0x334: {  	[sflag:s31] =	ssyncset.done $0x0  }
0x335: {  	[sflag:s31] =	ssyncadd.s32 $0xFFFFF800  }
0x336: {  	_ =	swait.ge [sflag:s31], $0x800  }
0x337: {  	[sflag:s31] =	ssyncset.done $0x0  }
0x338: {  	[sflag:s31] =	ssyncadd.s32 $0xFFFFF800  }
0x339: {  	_ =	swait.ge [sflag:s31], $0x800  }
0x33a: {  	[sflag:s31] =	ssyncset.done $0x0  }
0x33b: {  	[sflag:s31] =	ssyncadd.s32 $0xFFFFF800  }
0x33c: {  	_ =	swait.ge [sflag:s31], $0x800  }
0x33d: {  	[sflag:s31] =	ssyncset.done $0x0  }
0x33e: {  	[sflag:s31] =	ssyncadd.s32 $0xFFFFF800  }
0x33f: {  	_ =	swait.ge [sflag:s31], $0x800  }
0x340: {  	[sflag:s31] =	ssyncset.done $0x0  }
0x341: {  	[sflag:s31] =	ssyncadd.s32 $0xFFFFF800  }
0x342: {  	_ =	swait.ge [sflag:s31], $0x800  }
0x343: {  	[sflag:s31] =	ssyncset.done $0x0  }
0x344: {  	s20 =	simm.s32 $0x2;
	[sflag:s31] =	ssyncadd.s32 $0xFFFFF800  }
0x345: {  	s22 =	simm.s32 $0x4;
	s17 =	sand.u32 $0x78, s20;
	_ =	swait.ge [sflag:s31], $0x800  }
0x346: {  	s20 =	sand.u32 $0x78, s22;
	s18 =	simm.s32 $0x6;
	[sflag:s31] =	ssyncset.done $0x0  }
0x347: {  	s21 =	simm.s32 $0x3;
	v5 =	vmov s17;
	v8 =	vmov s20;
	s22 =	sand.u32 $0x78, s18;
	[sflag:s31] =	ssyncadd.s32 $0xFFFFF800  }
0x348: {  	s20 =	simm.s32 $0x1;
	v5 =	vshrl.u32 v5, $0x3;
	v8 =	vshrl.u32 v8, $0x3;
	v10 =	vmov s22;
	s2 =	sand.u32 $0x78, s21;
	_ =	swait.ge [sflag:s31], $0x800  }
0x349: {  	v5 =	vshll.u32 v5, v1;
	v8 =	vshll.u32 v8, v1;
	v10 =	vshrl.u32 v10, $0x3;
	s0 =	simm.s32 $0x0;
	s21 =	simm.s32 $0x0;
	[sflag:s31] =	ssyncset.done $0x0  }
0x34a: {  	v5 =	vbroadcast v5, $0x0;
	v25 =	vbroadcast v8, $0x0;
	v10 =	vshll.u32 v10, v1;
	s6 =	sand.u32 $0x8, s21;
	s18 =	sand.u32 $0x78, s0;
	[sflag:s31] =	ssyncadd.s32 $0xFFFFF800  }
0x34b: {  	v6 =	vmov s2;
	s2 =	sand.u32 $0x78, s20;
	s21 =	simm.s32 $0x5;
	v11 =	vmov s6;
	v12 =	vmov s18;
	_ =	swait.ge [sflag:s30], $0x2000  }
0x34c: {  	s22 =	simm.s32 $0x7;
	v6 =	vshrl.u32 v6, $0x3;
	v15 =	vmov s2;
	s2 =	sand.u32 $0x78, s21;
	v11 =	vmul.u32 $0x88, v11;
	[sflag:s30] =	ssyncset.done $0x0  }
0x34d: {  	v6 =	vshll.u32 v6, v1;
	v12 =	vshrl.u32 v12, $0x3;
	v17 =	vmov s2;
	s2 =	sand.u32 $0x78, s22;
	[sflag:s30] =	ssyncadd.s32 $0xFFFFE000  }
0x34e: {  	v15 =	vshrl.u32 v15, $0x3;
	v6 =	vbroadcast v6, $0x0;
	v21 =	vmov s2;
	_ =	swait.ge [sflag:s30], $0x2000  }
0x34f: {  	v17 =	vshrl.u32 v17, $0x3;
	v15 =	vshll.u32 v15, v1;
	v11 =	vbroadcast v11, $0x0;
	[sflag:s30] =	ssyncset.done $0x0  }
0x350: {  	s1 =	simm.s32 $0xE5F0;
	v12 =	vshll.u32 v12, v1;
	v17 =	vshll.u32 v17, v1;
	v21 =	vshrl.u32 v21, $0x3;
	[sflag:s30] =	ssyncadd.s32 $0xFFFFE000  }
0x351: {  	v12 =	vbroadcast v12, $0x0;
	v27 =	vbroadcast v15, $0x0;
	v16 =	vadd.s32 v0, v11;
	v14 =	vld [tilespmem:s1+$0xFFFFFED0]  }
0x352: {  	v8 =	vshll.u32 v21, v1;
	v21 =	vbroadcast v17, $0x0;
	v19 =	vadd.s32 v6, v16  }
0x353: {  	v18 =	vadd.s32 v4, v11;
	v22 =	vadd.s32 v3, v11;
	v19 =	vor.u32 $0x3, v19;
	v7 =	vld [tilespmem:s1+$0xFFFFFFD0]  }
0x354: {  	v11 =	vadd.s32 v2, v11;
	v29 =	vbroadcast v8, $0x0;
	v20 =	vadd.s32 v5, v16;
	v9 =	vld [tilespmem:s1+$0xFFFFFE10]  }
0x355: {  	v23 =	vadd.s32 v6, v11;
	v26 =	vadd.s32 v12, v16;
	v28 =	vadd.s32 v25, v16;
	v13 =	vld [tilespmem:s1+$0xFFFFFE90]  }
0x356: {  	v30 =	vadd.s32 v12, v22;
	v15 =	vor.u32 $0x3, v23;
	v23 =	vld [tilespmem:s1+$0xFFFFFF10];
	v14 =	vmul.f32 $8.000000000e+00, v14  }
0x357: {  	v33 =	vadd.s32 v27, v16;
	v35 =	vadd.s32 v21, v22;
	v20 =	vor.u32 $0x2, v20;
	v24 =	vld [tilespmem:s1+$0xFFFFFF50]  }
0x358: {  	v39 =	vadd.s32 v25, v22;
	v8 =	vor.u32 $0x4, v28;
	v28 =	vadd.s32 v21, v16;
	[tilespmem:v19+s26+$0x0] =	vst.idx.msk $0xffff, v14  }
0x359: {  	v32 =	vadd.s32 v29, v16;
	v28 =	vor.u32 $0x5, v28;
	v9 =	vmul.f32 $8.000000000e+00, v9;
	v17 =	vld [tilespmem:s1+$0xFFFFFEE0]  }
0x35a: {  	v60 =	vadd.s32 v5, v18;
	v32 =	vor.u32 $0x7, v32;
	v31 =	vld [tilespmem:s1+$0xFFFFFE50];
	v13 =	vmul.f32 $8.000000000e+00, v13  }
0x35b: {  	v62 =	vadd.s32 v6, v18;
	v36 =	vadd.s32 v29, v11;
	v23 =	vmul.f32 $8.000000000e+00, v23;
	[tilespmem:v26+s26+$0x0] =	vst.idx.msk $0xffff, v9  }
0x35c: {  	v61 =	vor.u32 $0x7, v36;
	v7 =	vmul.f32 $8.000000000e+00, v7;
	v24 =	vmul.f32 $8.000000000e+00, v24;
	[tilespmem:v20+s26+$0x0] =	vst.idx.msk $0xffff, v13  }
0x35d: {  	v19 =	vadd.s32 v12, v11;
	v14 =	vadd.s32 v5, v11;
	v9 =	vbroadcast v10, $0x0;
	[tilespmem:v8+s26+$0x0] =	vst.idx.msk $0xffff, v23;
	v20 =	vld [tilespmem:s1+$0xFFFFFE20]  }
0x35e: {  	[tilespmem:v28+s26+$0x0] =	vst.idx.msk $0xffff, v24;
	v34 =	vor.u32 $0x2, v14;
	v14 =	vor.u32 $0x1, v33;
	v37 =	vld [tilespmem:s1+$0xFFFFFEA0];
	v17 =	vmul.f32 $8.000000000e+00, v17  }
0x35f: {  	v57 =	vld [tilespmem:s1+$0xFFFFFF90];
	v31 =	vmul.f32 $8.000000000e+00, v31;
	v26 =	vadd.s32 v6, v22;
	v13 =	vadd.s32 v25, v11;
	[tilespmem:v32+s26+$0x0] =	vst.idx.msk $0xffff, v7  }
0x360: {  	v8 =	vor.u32 $0x5, v35;
	v7 =	vadd.s32 v27, v11;
	v41 =	vld [tilespmem:s1+$0xFFFFFF20];
	[tilespmem:v15+s26+$0x0] =	vst.idx.msk $0xffff, v17;
	v15 =	vadd.s32 v9, v16  }
0x361: {  	v6 =	vadd.s32 v25, v18;
	v26 =	vor.u32 $0x3, v26;
	v24 =	vld [tilespmem:s1+$0xFFFFFF60];
	v23 =	vor.u32 $0x6, v15  }
0x362: {  	v13 =	vor.u32 $0x4, v13;
	v40 =	vadd.s32 v9, v11;
	v20 =	vmul.f32 $8.000000000e+00, v20;
	v38 =	vld [tilespmem:s1+$0xFFFFFEF0]  }
0x363: {  	v32 =	vld [tilespmem:s1+$0xFFFFFFE0];
	[tilespmem:v14+s26+$0x0] =	vst.idx.msk $0xffff, v31;
	v16 =	vadd.s32 v21, v11;
	v11 =	vmul.f32 $8.000000000e+00, v37;
	v15 =	vadd.s32 v5, v22  }
0x364: {  	v28 =	vld [tilespmem:s1+$0xFFFFFE60];
	[tilespmem:v19+s26+$0x0] =	vst.idx.msk $0xffff, v20;
	v17 =	vor.u32 $0x2, v15;
	v15 =	vor.u32 $0x1, v7;
	v7 =	vmul.f32 $8.000000000e+00, v57  }
0x365: {  	v6 =	vor.u32 $0x4, v6;
	v10 =	vadd.s32 v9, v22;
	v58 =	vor.u32 $0x5, v16;
	v59 =	vld [tilespmem:s1+$0xFFFFFE30];
	[tilespmem:v34+s26+$0x0] =	vst.idx.msk $0xffff, v11  }
0x366: {  	v14 =	vadd.s32 v29, v22;
	v19 =	vadd.s32 v29, v18;
	v11 =	vmul.f32 $8.000000000e+00, v41;
	v29 =	vld [tilespmem:s1+$0xFFFFFEB0];
	[tilespmem:v23+s26+$0x0] =	vst.idx.msk $0xffff, v7  }
0x367: {  	v20 =	vadd.s32 v27, v22;
	v16 =	vadd.s32 v9, v18;
	v9 =	vmul.f32 $8.000000000e+00, v38;
	v63 =	vld [tilespmem:s1+$0xFFFFFFA0]  }
0x368: {  	v5 =	vmul.f32 $8.000000000e+00, v24;
	v22 =	vor.u32 $0x6, v40;
	[tilespmem:v13+s26+$0x0] =	vst.idx.msk $0xffff, v11;
	v13 =	vadd.s32 v12, v18  }
0x369: {  	v11 =	vmul.f32 $8.000000000e+00, v32;
	v12 =	vadd.s32 v27, v18;
	v7 =	vadd.s32 v21, v18;
	v23 =	vld [tilespmem:s1+$0xFFFFFF30];
	[tilespmem:v26+s26+$0x0] =	vst.idx.msk $0xffff, v9  }
0x36a: {  	[tilespmem:v58+s26+$0x0] =	vst.idx.msk $0xffff, v5;
	v18 =	vmul.f32 $8.000000000e+00, v59;
	v5 =	vor.u32 $0x1, v12;
	v12 =	vor.u32 $0x4, v39;
	v21 =	vld [tilespmem:s1+$0xFFFFFF00]  }
0x36b: {  	[tilespmem:v61+s26+$0x0] =	vst.idx.msk $0xffff, v11;
	v11 =	vor.u32 $0x3, v62;
	v24 =	vld [tilespmem:s1+$0xFFFFFF70];
	v7 =	vor.u32 $0x5, v7;
	v9 =	vmul.f32 $8.000000000e+00, v28  }
0x36c: {  	s17 =	simm.s32 $0xE7F0;
	v25 =	vld [tilespmem:s1+$0xFFFFFFF0];
	v26 =	vmul.f32 $8.000000000e+00, v29;
	[tilespmem:v30+s26+$0x0] =	vst.idx.msk $0xffff, v18;
	v18 =	vor.u32 $0x2, v60;
	v27 =	vmul.f32 $8.000000000e+00, v63  }
.LBB2_7:
0x36d: {  	s2 =	sadd.s32 $0xA, s0  }
0x36e: {  	s6 =	sadd.s32 $0xB, s0;
	s18 =	sadd.s32 $0xC, s0;
	v28 =	vld [tilespmem:s1+$0xFFFFFE40];
	v20 =	vor.u32 $0x1, v20;
	[tilespmem:v17+s26+$0x0] =	vst.idx.msk $0xffff, v26;
	v17 =	vor.u32 $0x6, v10;
	v10 =	vor.u32 $0x7, v19;
	s20 =	smov.u32 s0  }
0x36f: {  	s21 =	sadd.s32 $0x9, s0;
	v21 =	vmul.f32 $8.000000000e+00, v21;
	v16 =	vor.u32 $0x6, v16;
	v14 =	vor.u32 $0x7, v14;
	s2 =	sand.u32 $0x78, s2;
	s6 =	sand.u32 $0x78, s6;
	v19 =	vld [tilespmem:s1+$0xFFFFFEC0];
	[tilespmem:v22+s26+$0x0] =	vst.idx.msk $0xffff, v27  }
0x370: {  	s0 =	sadd.s32 $0x8, s0;
	v22 =	vmov s2;
	v26 =	vmov s6;
	s2 =	sand.u32 $0x78, s18;
	s6 =	sadd.s32 $0xE, s20;
	v23 =	vmul.f32 $8.000000000e+00, v23;
	v27 =	vld [tilespmem:s1+$0xFFFFFFB0]  }
0x371: {  	s18 =	sshrl.u32 s0, $0x4;
	v22 =	vshrl.u32 v22, $0x3;
	v29 =	vmov s2;
	s2 =	sadd.s32 $0xD, s20;
	s6 =	sand.u32 $0x78, s6;
	v30 =	vld [tilespmem:s17+$0xFFFFFFD0];
	v24 =	vmul.f32 $8.000000000e+00, v24  }
0x372: {  	s18 =	sand.u32 $0x8, s18;
	v26 =	vshrl.u32 v26, $0x3;
	v31 =	vld [tilespmem:s17+$0xFFFFFE10];
	s2 =	sand.u32 $0x78, s2;
	v32 =	vmov s6;
	s6 =	sadd.s32 $0xF, s20;
	[tilespmem:v15+s26+$0x0] =	vst.idx.msk $0xffff, v9;
	v9 =	vmul.f32 $8.000000000e+00, v25  }
0x373: {  	v15 =	vmov s18;
	s18 =	sand.u32 $0x78, s0;
	s20 =	sand.u32 $0x78, s21;
	v22 =	vshll.u32 v22, v1;
	v25 =	vld [tilespmem:s17+$0xFFFFFE90];
	s6 =	sand.u32 $0x78, s6;
	v28 =	vmul.f32 $8.000000000e+00, v28;
	[tilespmem:v8+s26+$0x0] =	vst.idx.msk $0xffff, v24  }
0x374: {  	p1 =	slt.u32 s0, $0xF8;
	v8 =	vmov s18;
	v24 =	vmul.u32 $0x88, v15;
	v33 =	vld [tilespmem:s1+$0xFFFFFE70];
	v19 =	vmul.f32 $8.000000000e+00, v19;
	[tilespmem:v14+s26+$0x0] =	vst.idx.msk $0xffff, v9  }
0x375: {  	v9 =	vbroadcast v22, $0x0;
	v22 =	vshll.u32 v26, v1;
	v14 =	vld [tilespmem:s17+$0xFFFFFED0];
	[tilespmem:v13+s26+$0x0] =	vst.idx.msk $0xffff, v28;
	v13 =	vmul.f32 $8.000000000e+00, v27  }
0x376: {  	v8 =	vshrl.u32 v8, $0x3;
	v26 =	vshrl.u32 v29, $0x3;
	v15 =	vmul.f32 $8.000000000e+00, v30;
	[tilespmem:v18+s26+$0x0] =	vst.idx.msk $0xffff, v19  }
0x377: {  	v19 =	vbroadcast v24, $0x0;
	v24 =	vshll.u32 v26, v1;
	v18 =	vmul.f32 $8.000000000e+00, v31;
	v26 =	vld [tilespmem:s1+$0xFFFFFF80];
	[tilespmem:v17+s26+$0x0] =	vst.idx.msk $0xffff, v13  }
0x378: {  	v17 =	vmov s20;
	v13 =	vbroadcast v22, $0x0;
	v25 =	vmul.f32 $8.000000000e+00, v25;
	[tilespmem:v11+s26+$0x0] =	vst.idx.msk $0xffff, v21;
	v21 =	vld [tilespmem:s1+$0xFFFFFFC0]  }
0x379: {  	v27 =	vshrl.u32 v32, $0x3;
	v22 =	vadd.s32 v0, v19;
	v11 =	vadd.s32 v4, v19  }
0x37a: {  	v28 =	vadd.s32 v9, v22;
	v29 =	vadd.s32 v13, v22;
	v14 =	vmul.f32 $8.000000000e+00, v14  }
0x37b: {  	v30 =	vmov s2;
	v31 =	vmov s6;
	v29 =	vor.u32 $0x3, v29;
	[tilespmem:v12+s26+$0x0] =	vst.idx.msk $0xffff, v23;
	v12 =	vld [tilespmem:s1+$0x0]  }
0x37c: {  	v17 =	vshrl.u32 v17, $0x3;
	v23 =	vshrl.u32 v30, $0x3;
	v30 =	vld [tilespmem:s1+$0xFFFFFF40];
	v26 =	vmul.f32 $8.000000000e+00, v26  }
0x37d: {  	v17 =	vshll.u32 v17, v1;
	v28 =	vor.u32 $0x2, v28;
	v21 =	vmul.f32 $8.000000000e+00, v21  }
0x37e: {  	v8 =	vshll.u32 v8, v1;
	v32 =	vadd.s32 v3, v19;
	v23 =	vshll.u32 v23, v1  }
0x37f: {  	v19 =	vadd.s32 v2, v19;
	v31 =	vshrl.u32 v31, $0x3;
	v33 =	vmul.f32 $8.000000000e+00, v33;
	[tilespmem:v16+s26+$0x0] =	vst.idx.msk $0xffff, v21  }
0x380: {  	v34 =	vbroadcast v8, $0x0;
	v8 =	vadd.s32 v13, v19;
	[tilespmem:v29+s26+$0x0] =	vst.idx.msk $0xffff, v14;
	v14 =	vshll.u32 v27, v1  }
0x381: {  	v24 =	vbroadcast v24, $0x0;
	v21 =	vshll.u32 v31, v1;
	v12 =	vmul.f32 $8.000000000e+00, v12;
	v16 =	vld [tilespmem:s17+$0xFFFFFF50];
	[tilespmem:v20+s26+$0x0] =	vst.idx.msk $0xffff, v33  }
0x382: {  	v23 =	vbroadcast v23, $0x0;
	v20 =	vadd.s32 v34, v19;
	[tilespmem:v28+s26+$0x0] =	vst.idx.msk $0xffff, v25;
	v25 =	vadd.s32 v9, v19;
	v27 =	vld [tilespmem:s1+$0xFFFFFE80];
	s1 =	smov.u32 s17  }
0x383: {  	v29 =	vbroadcast v17, $0x0;
	v30 =	vmul.f32 $8.000000000e+00, v30;
	v28 =	vadd.s32 v34, v22;
	v17 =	vld [tilespmem:s17+$0xFFFFFEE0];
	[tilespmem:v10+s26+$0x0] =	vst.idx.msk $0xffff, v12  }
0x384: {  	v8 =	vor.u32 $0x3, v8;
	v21 =	vbroadcast v21, $0x0;
	v12 =	vadd.s32 v24, v22;
	v10 =	vld [tilespmem:s17+$0xFFFFFF10];
	[tilespmem:v7+s26+$0x0] =	vst.idx.msk $0xffff, v26  }
0x385: {  	v31 =	vadd.s32 v34, v32;
	v7 =	vor.u32 $0x4, v12;
	v12 =	vadd.s32 v23, v22;
	[tilespmem:v6+s26+$0x0] =	vst.idx.msk $0xffff, v30  }
0x386: {  	v26 =	vadd.s32 v21, v22;
	v12 =	vor.u32 $0x5, v12;
	v6 =	vld [tilespmem:s17+$0xFFFFFE50];
	v16 =	vmul.f32 $8.000000000e+00, v16  }
0x387: {  	v25 =	vor.u32 $0x2, v25;
	v30 =	vadd.s32 v29, v22;
	v27 =	vmul.f32 $8.000000000e+00, v27  }
0x388: {  	[tilespmem:v28+s26+$0x0] =	vst.idx.msk $0xffff, v18;
	v18 =	vor.u32 $0x1, v30;
	v17 =	vmul.f32 $8.000000000e+00, v17;
	v28 =	vbroadcast v14, $0x0  }
0x389: {  	v33 =	vadd.s32 v24, v19;
	v14 =	vadd.s32 v13, v32;
	v30 =	vmul.f32 $8.000000000e+00, v10;
	v35 =	vld [tilespmem:s17+$0xFFFFFF90];
	[tilespmem:v5+s26+$0x0] =	vst.idx.msk $0xffff, v27  }
0x38a: {  	v36 =	vadd.s32 v21, v19;
	v26 =	vor.u32 $0x7, v26;
	v27 =	vadd.s32 v23, v32;
	v5 =	vld [tilespmem:s17+$0xFFFFFE20]  }
0x38b: {  	v10 =	vadd.s32 v28, v32;
	v6 =	vmul.f32 $8.000000000e+00, v6;
	v37 =	vld [tilespmem:s17+$0xFFFFFEA0];
	[tilespmem:v8+s26+$0x0] =	vst.idx.msk $0xffff, v17;
	v8 =	vadd.s32 v28, v22  }
0x38c: {  	v38 =	vadd.s32 v28, v19;
	v22 =	vld [tilespmem:s17+$0xFFFFFEF0];
	[tilespmem:v7+s26+$0x0] =	vst.idx.msk $0xffff, v30;
	v7 =	vadd.s32 v24, v32;
	v30 =	vor.u32 $0x6, v8  }
0x38d: {  	v33 =	vor.u32 $0x4, v33;
	[tilespmem:v18+s26+$0x0] =	vst.idx.msk $0xffff, v6;
	v6 =	vadd.s32 v9, v32;
	v18 =	vor.u32 $0x3, v14;
	v39 =	vld [tilespmem:s17+$0xFFFFFF20]  }
0x38e: {  	v8 =	vor.u32 $0x5, v27;
	v14 =	vadd.s32 v21, v32;
	v40 =	vld [tilespmem:s17+$0xFFFFFE60];
	[tilespmem:v12+s26+$0x0] =	vst.idx.msk $0xffff, v16;
	v12 =	vadd.s32 v23, v19  }
0x38f: {  	v17 =	vor.u32 $0x2, v6;
	v5 =	vmul.f32 $8.000000000e+00, v5;
	v6 =	vld [tilespmem:s17+$0xFFFFFF60];
	v12 =	vor.u32 $0x5, v12;
	[tilespmem:v26+s26+$0x0] =	vst.idx.msk $0xffff, v15  }
0x390: {  	v16 =	vadd.s32 v28, v11;
	v15 =	vadd.s32 v29, v19;
	v19 =	vmul.f32 $8.000000000e+00, v37;
	v26 =	vld [tilespmem:s17+$0xFFFFFFE0]  }
0x391: {  	v15 =	vor.u32 $0x1, v15;
	[tilespmem:v20+s26+$0x0] =	vst.idx.msk $0xffff, v5;
	v5 =	vmul.f32 $8.000000000e+00, v22;
	v22 =	vmul.f32 $8.000000000e+00, v35  }
0x392: {  	v20 =	vadd.s32 v29, v32;
	v27 =	vld [tilespmem:s17+$0xFFFFFE30];
	[tilespmem:v25+s26+$0x0] =	vst.idx.msk $0xffff, v19;
	v25 =	vmul.f32 $8.000000000e+00, v39;
	v19 =	vadd.s32 v21, v11  }
0x393: {  	v32 =	vadd.s32 v9, v11;
	v35 =	vadd.s32 v13, v11;
	v28 =	vld [tilespmem:s17+$0xFFFFFEB0];
	[tilespmem:v30+s26+$0x0] =	vst.idx.msk $0xffff, v22;
	v30 =	vor.u32 $0x7, v36  }
0x394: {  	v22 =	vor.u32 $0x6, v38;
	[tilespmem:v18+s26+$0x0] =	vst.idx.msk $0xffff, v5;
	v5 =	vmul.f32 $8.000000000e+00, v6;
	v18 =	vadd.s32 v23, v11;
	v36 =	vld [tilespmem:s17+$0xFFFFFFA0]  }
.Ltmp2:
0x395: {  	v9 =	vmul.f32 $8.000000000e+00, v40;
	v6 =	vadd.s32 v24, v11;
	v21 =	vld [tilespmem:s17+$0xFFFFFF00];
	[tilespmem:v33+s26+$0x0] =	vst.idx.msk $0xffff, v25;
	v25 =	vmul.f32 $8.000000000e+00, v26;
	(pc) =	sbr.rel @p1 .LBB2_7-.Ltmp2, $4  }
0x396: {  	v13 =	vadd.s32 v34, v11;
	v11 =	vadd.s32 v29, v11;
	[tilespmem:v12+s26+$0x0] =	vst.idx.msk $0xffff, v5  }
0x397: {  	v5 =	vor.u32 $0x1, v11;
	v12 =	vor.u32 $0x4, v7;
	v27 =	vmul.f32 $8.000000000e+00, v27;
	v23 =	vld [tilespmem:s17+$0xFFFFFF30]  }
0x398: {  	v6 =	vor.u32 $0x4, v6;
	v7 =	vor.u32 $0x5, v18;
	v26 =	vmul.f32 $8.000000000e+00, v28;
	v24 =	vld [tilespmem:s17+$0xFFFFFF70];
	[tilespmem:v30+s26+$0x0] =	vst.idx.msk $0xffff, v25  }
0x399: {  	v18 =	vor.u32 $0x2, v32;
	v11 =	vor.u32 $0x3, v35;
	s17 =	sadd.s32 $0x200, s17;
	[tilespmem:v31+s26+$0x0] =	vst.idx.msk $0xffff, v27;
	v27 =	vmul.f32 $8.000000000e+00, v36;
	v25 =	vld [tilespmem:s1+$0xFFFFFFF0]  }
0x39a: {  	_ =	sdelay $0x3  }
0x39b: {  	[tilespmem:v22+s26+$0x0] =	vst.idx.msk $0xffff, v27  }
0x39c: {  	[tilespmem:v15+s26+$0x0] =	vst.idx.msk $0xffff, v9;
	v22 =	vld [tilespmem:s1+$0xFFFFFFB0]  }
0x39d: {  	v14 =	vor.u32 $0x7, v14;
	v9 =	vld [tilespmem:s1+$0xFFFFFE70]  }
0x39e: {  	v10 =	vor.u32 $0x6, v10  }
0x39f: {  	v15 =	vld [tilespmem:s1+$0xFFFFFE40];
	v20 =	vor.u32 $0x1, v20;
	v24 =	vmul.f32 $8.000000000e+00, v24  }
0x3a0: {  	[tilespmem:v17+s26+$0x0] =	vst.idx.msk $0xffff, v26;
	v25 =	vmul.f32 $8.000000000e+00, v25  }
0x3a1: {  	[tilespmem:v8+s26+$0x0] =	vst.idx.msk $0xffff, v24;
	v17 =	vmul.f32 $8.000000000e+00, v22  }
0x3a2: {  	[tilespmem:v14+s26+$0x0] =	vst.idx.msk $0xffff, v25;
	v9 =	vmul.f32 $8.000000000e+00, v9;
	v22 =	vld [tilespmem:s1+$0xFFFFFEC0]  }
0x3a3: {  	v8 =	vld [tilespmem:s1+$0x0];
	[tilespmem:v10+s26+$0x0] =	vst.idx.msk $0xffff, v17;
	v10 =	vmul.f32 $8.000000000e+00, v23  }
0x3a4: {  	v15 =	vmul.f32 $8.000000000e+00, v15;
	[tilespmem:v20+s26+$0x0] =	vst.idx.msk $0xffff, v9;
	v17 =	vld [tilespmem:s1+$0xFFFFFF80]  }
0x3a5: {  	v14 =	vld [tilespmem:s1+$0xFFFFFFC0];
	[tilespmem:v12+s26+$0x0] =	vst.idx.msk $0xffff, v10;
	v10 =	vor.u32 $0x7, v19  }
0x3a6: {  	[tilespmem:v13+s26+$0x0] =	vst.idx.msk $0xffff, v15;
	v9 =	vmul.f32 $8.000000000e+00, v21;
	v13 =	vld [tilespmem:s1+$0xFFFFFE80]  }
0x3a7: {  	v16 =	vor.u32 $0x6, v16;
	v12 =	vmul.f32 $8.000000000e+00, v22;
	v19 =	vld [tilespmem:s1+$0xFFFFFF40]  }
0x3a8: {  	[tilespmem:v11+s26+$0x0] =	vst.idx.msk $0xffff, v9;
	v8 =	vmul.f32 $8.000000000e+00, v8  }
0x3a9: {  	[tilespmem:v18+s26+$0x0] =	vst.idx.msk $0xffff, v12;
	v9 =	vmul.f32 $8.000000000e+00, v17  }
0x3aa: {  	s0 =	sadd.s32 s5, s28;
	v12 =	vmul.f32 $8.000000000e+00, v14;
	[tilespmem:v10+s26+$0x0] =	vst.idx.msk $0xffff, v8  }
0x3ab: {  	s2 =	sshll.u32 s0, $0x8;
	s0 =	sshll.u32 s0, $0xB;
	[tilespmem:v7+s26+$0x0] =	vst.idx.msk $0xffff, v9;
	v7 =	vmul.f32 $8.000000000e+00, v13  }
0x3ac: {  	s0 =	sand.u32 $0xFFF8000, s0;
	s1 =	sand.u32 $0xE00, s2;
	[tilespmem:v16+s26+$0x0] =	vst.idx.msk $0xffff, v12;
	v11 =	vmul.f32 $8.000000000e+00, v19  }
0x3ad: {  	s6 =	rddreg [dreg:$0x1];
	s0 =	sor.u32 s1, s0;
	[tilespmem:v5+s26+$0x0] =	vst.idx.msk $0xffff, v7  }
0x3ae: {  	s1 =	sadd.s32 s6, s0;
	[tilespmem:v6+s26+$0x0] =	vst.idx.msk $0xffff, v11  }
0x3af: {  	[hbm4b:s1+s3] =	stream.linear.scatter [tilespmem:s26], [sflag:$0x5], $0x80, $0x38;
	[tilespmem:$0x1EC00] =	vst v63  }
0x3b0: {  	s6 =	simm.s32 $0x16488;
	s2 =	sadd.s32 $0x10, s1  }
0x3b1: {  	[hbm4b:s2+s3] =	stream.linear.scatter [tilespmem:s6], [sflag:$0x5], $0x80, $0x38;
	[tilespmem:$0x1EC00] =	vst v63  }
0x3b2: {  	s18 =	simm.s32 $0x16510;
	s17 =	sadd.s32 $0x20, s1  }
0x3b3: {  	[hbm4b:s17+s3] =	stream.linear.scatter [tilespmem:s18], [sflag:$0x5], $0x80, $0x38;
	[tilespmem:$0x1EC00] =	vst v63  }
0x3b4: {  	s21 =	simm.s32 $0x16598;
	s20 =	sadd.s32 $0x30, s1  }
0x3b5: {  	[hbm4b:s20+s3] =	stream.linear.scatter [tilespmem:s21], [sflag:$0x5], $0x80, $0x38;
	[tilespmem:$0x1EC00] =	vst v63  }
0x3b6: {  	s28 =	simm.s32 $0x16620;
	s22 =	sadd.s32 $0x40, s1  }
0x3b7: {  	[hbm4b:s22+s3] =	stream.linear.scatter [tilespmem:s28], [sflag:$0x5], $0x80, $0x38;
	[tilespmem:$0x1EC00] =	vst v63  }
0x3b8: {  	s17 =	sadd.s32 $0x50, s1;
	s18 =	simm.s32 $0x166A8  }
0x3b9: {  	[hbm4b:s17+s3] =	stream.linear.scatter [tilespmem:s18], [sflag:$0x5], $0x80, $0x38;
	[tilespmem:$0x1EC00] =	vst v63  }
0x3ba: {  	s20 =	sadd.s32 $0x60, s1;
	s21 =	simm.s32 $0x16730  }
0x3bb: {  	[hbm4b:s20+s3] =	stream.linear.scatter [tilespmem:s21], [sflag:$0x5], $0x80, $0x38;
	[tilespmem:$0x1EC00] =	vst v63  }
0x3bc: {  	s22 =	sadd.s32 $0x70, s1;
	s28 =	simm.s32 $0x167B8  }
0x3bd: {  	[hbm4b:s22+s3] =	stream.linear.scatter [tilespmem:s28], [sflag:$0x5], $0x80, $0x38;
	[tilespmem:$0x1EC00] =	vst v63  }
0x3be: {  	s17 =	sadd.s32 $0x80, s1;
	s18 =	simm.s32 $0x16840  }
0x3bf: {  	[hbm4b:s17+s3] =	stream.linear.scatter [tilespmem:s18], [sflag:$0x5], $0x80, $0x38;
	[tilespmem:$0x1EC00] =	vst v63  }
0x3c0: {  	s20 =	sadd.s32 $0x90, s1;
	s21 =	simm.s32 $0x168C8  }
0x3c1: {  	[hbm4b:s20+s3] =	stream.linear.scatter [tilespmem:s21], [sflag:$0x5], $0x80, $0x38;
	[tilespmem:$0x1EC00] =	vst v63  }
0x3c2: {  	s22 =	sadd.s32 $0xA0, s1;
	s28 =	simm.s32 $0x16950  }
0x3c3: {  	[hbm4b:s22+s3] =	stream.linear.scatter [tilespmem:s28], [sflag:$0x5], $0x80, $0x38;
	[tilespmem:$0x1EC00] =	vst v63  }
0x3c4: {  	s17 =	sadd.s32 $0xB0, s1;
	s18 =	simm.s32 $0x169D8  }
0x3c5: {  	[hbm4b:s17+s3] =	stream.linear.scatter [tilespmem:s18], [sflag:$0x5], $0x80, $0x38;
	[tilespmem:$0x1EC00] =	vst v63  }
0x3c6: {  	s20 =	sadd.s32 $0xC0, s1;
	s21 =	simm.s32 $0x16A60  }
0x3c7: {  	[hbm4b:s20+s3] =	stream.linear.scatter [tilespmem:s21], [sflag:$0x5], $0x80, $0x38;
	[tilespmem:$0x1EC00] =	vst v63  }
0x3c8: {  	s22 =	sadd.s32 $0xD0, s1;
	s28 =	simm.s32 $0x16AE8  }
0x3c9: {  	[hbm4b:s22+s3] =	stream.linear.scatter [tilespmem:s28], [sflag:$0x5], $0x80, $0x38;
	[tilespmem:$0x1EC00] =	vst v63  }
0x3ca: {  	s17 =	sadd.s32 $0xE0, s1;
	s18 =	simm.s32 $0x16B70  }
0x3cb: {  	[hbm4b:s17+s3] =	stream.linear.scatter [tilespmem:s18], [sflag:$0x5], $0x80, $0x38;
	[tilespmem:$0x1EC00] =	vst v63  }
0x3cc: {  	s1 =	sadd.s32 $0xF0, s1;
	s20 =	simm.s32 $0x16BF8  }
0x3cd: {  	[hbm4b:s1+s3] =	stream.linear.scatter [tilespmem:s20], [sflag:$0x5], $0x80, $0x38;
	[tilespmem:$0x1EC00] =	vst v63  }
0x3ce: {  	s21 =	simm.s32 $0x16C80;
	s1 =	sadd.s32 s0, s7  }
0x3cf: {  	[hbm4b:s1+s3] =	stream.linear.scatter [tilespmem:s21], [sflag:$0x5], $0x80, $0x38;
	[tilespmem:$0x1EC00] =	vst v63  }
0x3d0: {  	s28 =	simm.s32 $0x16D08;
	s22 =	sadd.s32 $0x10, s1  }
0x3d1: {  	[hbm4b:s22+s3] =	stream.linear.scatter [tilespmem:s28], [sflag:$0x5], $0x80, $0x38;
	[tilespmem:$0x1EC00] =	vst v63  }
0x3d2: {  	s18 =	simm.s32 $0x16D90;
	s17 =	sadd.s32 $0x20, s1  }
0x3d3: {  	[hbm4b:s17+s3] =	stream.linear.scatter [tilespmem:s18], [sflag:$0x5], $0x80, $0x38;
	[tilespmem:$0x1EC00] =	vst v63  }
0x3d4: {  	s20 =	sadd.s32 $0x30, s1;
	s21 =	simm.s32 $0x16E18  }
0x3d5: {  	[hbm4b:s20+s3] =	stream.linear.scatter [tilespmem:s21], [sflag:$0x5], $0x80, $0x38;
	[tilespmem:$0x1EC00] =	vst v63  }
0x3d6: {  	s22 =	sadd.s32 $0x40, s1;
	s28 =	simm.s32 $0x16EA0  }
0x3d7: {  	[hbm4b:s22+s3] =	stream.linear.scatter [tilespmem:s28], [sflag:$0x5], $0x80, $0x38;
	[tilespmem:$0x1EC00] =	vst v63  }
0x3d8: {  	s17 =	sadd.s32 $0x50, s1;
	s18 =	simm.s32 $0x16F28  }
0x3d9: {  	[hbm4b:s17+s3] =	stream.linear.scatter [tilespmem:s18], [sflag:$0x5], $0x80, $0x38;
	[tilespmem:$0x1EC00] =	vst v63  }
0x3da: {  	s20 =	sadd.s32 $0x60, s1;
	s21 =	simm.s32 $0x16FB0  }
0x3db: {  	[hbm4b:s20+s3] =	stream.linear.scatter [tilespmem:s21], [sflag:$0x5], $0x80, $0x38;
	[tilespmem:$0x1EC00] =	vst v63  }
0x3dc: {  	s22 =	sadd.s32 $0x70, s1;
	s28 =	simm.s32 $0x17038  }
0x3dd: {  	[hbm4b:s22+s3] =	stream.linear.scatter [tilespmem:s28], [sflag:$0x5], $0x80, $0x38;
	[tilespmem:$0x1EC00] =	vst v63  }
0x3de: {  	s17 =	sadd.s32 $0x80, s1;
	s18 =	simm.s32 $0x170C0  }
0x3df: {  	[hbm4b:s17+s3] =	stream.linear.scatter [tilespmem:s18], [sflag:$0x5], $0x80, $0x38;
	[tilespmem:$0x1EC00] =	vst v63  }
0x3e0: {  	s20 =	sadd.s32 $0x90, s1;
	s21 =	simm.s32 $0x17148  }
0x3e1: {  	[hbm4b:s20+s3] =	stream.linear.scatter [tilespmem:s21], [sflag:$0x5], $0x80, $0x38;
	[tilespmem:$0x1EC00] =	vst v63  }
0x3e2: {  	s22 =	sadd.s32 $0xA0, s1;
	s28 =	simm.s32 $0x171D0  }
0x3e3: {  	[hbm4b:s22+s3] =	stream.linear.scatter [tilespmem:s28], [sflag:$0x5], $0x80, $0x38;
	[tilespmem:$0x1EC00] =	vst v63  }
0x3e4: {  	s17 =	sadd.s32 $0xB0, s1;
	s18 =	simm.s32 $0x17258  }
0x3e5: {  	[hbm4b:s17+s3] =	stream.linear.scatter [tilespmem:s18], [sflag:$0x5], $0x80, $0x38;
	[tilespmem:$0x1EC00] =	vst v63  }
0x3e6: {  	s20 =	sadd.s32 $0xC0, s1;
	s21 =	simm.s32 $0x172E0  }
0x3e7: {  	[hbm4b:s20+s3] =	stream.linear.scatter [tilespmem:s21], [sflag:$0x5], $0x80, $0x38;
	[tilespmem:$0x1EC00] =	vst v63  }
0x3e8: {  	s22 =	sadd.s32 $0xD0, s1;
	s28 =	simm.s32 $0x17368  }
0x3e9: {  	[hbm4b:s22+s3] =	stream.linear.scatter [tilespmem:s28], [sflag:$0x5], $0x80, $0x38;
	[tilespmem:$0x1EC00] =	vst v63  }
0x3ea: {  	s17 =	sadd.s32 $0xE0, s1;
	s18 =	simm.s32 $0x173F0  }
0x3eb: {  	[hbm4b:s17+s3] =	stream.linear.scatter [tilespmem:s18], [sflag:$0x5], $0x80, $0x38;
	[tilespmem:$0x1EC00] =	vst v63  }
0x3ec: {  	s1 =	sadd.s32 $0xF0, s1;
	s20 =	simm.s32 $0x17478  }
0x3ed: {  	[hbm4b:s1+s3] =	stream.linear.scatter [tilespmem:s20], [sflag:$0x5], $0x80, $0x38;
	[tilespmem:$0x1EC00] =	vst v63  }
0x3ee: {  	s21 =	simm.s32 $0x17500;
	s1 =	sadd.s32 s0, s8  }
0x3ef: {  	[hbm4b:s1+s3] =	stream.linear.scatter [tilespmem:s21], [sflag:$0x5], $0x80, $0x38;
	[tilespmem:$0x1EC00] =	vst v63  }
0x3f0: {  	s28 =	simm.s32 $0x17588;
	s22 =	sadd.s32 $0x10, s1  }
0x3f1: {  	[hbm4b:s22+s3] =	stream.linear.scatter [tilespmem:s28], [sflag:$0x5], $0x80, $0x38;
	[tilespmem:$0x1EC00] =	vst v63  }
0x3f2: {  	s18 =	simm.s32 $0x17610;
	s17 =	sadd.s32 $0x20, s1  }
0x3f3: {  	[hbm4b:s17+s3] =	stream.linear.scatter [tilespmem:s18], [sflag:$0x5], $0x80, $0x38;
	[tilespmem:$0x1EC00] =	vst v63  }
0x3f4: {  	s20 =	sadd.s32 $0x30, s1;
	s21 =	simm.s32 $0x17698  }
0x3f5: {  	[hbm4b:s20+s3] =	stream.linear.scatter [tilespmem:s21], [sflag:$0x5], $0x80, $0x38;
	[tilespmem:$0x1EC00] =	vst v63  }
0x3f6: {  	s22 =	sadd.s32 $0x40, s1;
	s28 =	simm.s32 $0x17720  }
0x3f7: {  	[hbm4b:s22+s3] =	stream.linear.scatter [tilespmem:s28], [sflag:$0x5], $0x80, $0x38;
	[tilespmem:$0x1EC00] =	vst v63  }
0x3f8: {  	s17 =	sadd.s32 $0x50, s1;
	s18 =	simm.s32 $0x177A8  }
0x3f9: {  	[hbm4b:s17+s3] =	stream.linear.scatter [tilespmem:s18], [sflag:$0x5], $0x80, $0x38;
	[tilespmem:$0x1EC00] =	vst v63  }
0x3fa: {  	s20 =	sadd.s32 $0x60, s1;
	s21 =	simm.s32 $0x17830  }
0x3fb: {  	[hbm4b:s20+s3] =	stream.linear.scatter [tilespmem:s21], [sflag:$0x5], $0x80, $0x38;
	[tilespmem:$0x1EC00] =	vst v63  }
0x3fc: {  	s22 =	sadd.s32 $0x70, s1;
	s28 =	simm.s32 $0x178B8  }
0x3fd: {  	[hbm4b:s22+s3] =	stream.linear.scatter [tilespmem:s28], [sflag:$0x5], $0x80, $0x38;
	[tilespmem:$0x1EC00] =	vst v63  }
0x3fe: {  	s17 =	sadd.s32 $0x80, s1;
	s18 =	simm.s32 $0x17940  }
0x3ff: {  	[hbm4b:s17+s3] =	stream.linear.scatter [tilespmem:s18], [sflag:$0x5], $0x80, $0x38;
	[tilespmem:$0x1EC00] =	vst v63  }
0x400: {  	s20 =	sadd.s32 $0x90, s1;
	s21 =	simm.s32 $0x179C8  }
0x401: {  	[hbm4b:s20+s3] =	stream.linear.scatter [tilespmem:s21], [sflag:$0x5], $0x80, $0x38;
	[tilespmem:$0x1EC00] =	vst v63  }
0x402: {  	s22 =	sadd.s32 $0xA0, s1;
	s28 =	simm.s32 $0x17A50  }
0x403: {  	[hbm4b:s22+s3] =	stream.linear.scatter [tilespmem:s28], [sflag:$0x5], $0x80, $0x38;
	[tilespmem:$0x1EC00] =	vst v63  }
0x404: {  	s17 =	sadd.s32 $0xB0, s1;
	s18 =	simm.s32 $0x17AD8  }
0x405: {  	[hbm4b:s17+s3] =	stream.linear.scatter [tilespmem:s18], [sflag:$0x5], $0x80, $0x38;
	[tilespmem:$0x1EC00] =	vst v63  }
0x406: {  	s20 =	sadd.s32 $0xC0, s1;
	s21 =	simm.s32 $0x17B60  }
0x407: {  	[hbm4b:s20+s3] =	stream.linear.scatter [tilespmem:s21], [sflag:$0x5], $0x80, $0x38;
	[tilespmem:$0x1EC00] =	vst v63  }
0x408: {  	s22 =	sadd.s32 $0xD0, s1;
	s28 =	simm.s32 $0x17BE8  }
0x409: {  	[hbm4b:s22+s3] =	stream.linear.scatter [tilespmem:s28], [sflag:$0x5], $0x80, $0x38;
	[tilespmem:$0x1EC00] =	vst v63  }
0x40a: {  	s17 =	sadd.s32 $0xE0, s1;
	s18 =	simm.s32 $0x17C70  }
0x40b: {  	[hbm4b:s17+s3] =	stream.linear.scatter [tilespmem:s18], [sflag:$0x5], $0x80, $0x38;
	[tilespmem:$0x1EC00] =	vst v63  }
0x40c: {  	s1 =	sadd.s32 $0xF0, s1;
	s20 =	simm.s32 $0x17CF8  }
0x40d: {  	[hbm4b:s1+s3] =	stream.linear.scatter [tilespmem:s20], [sflag:$0x5], $0x80, $0x38;
	[tilespmem:$0x1EC00] =	vst v63  }
0x40e: {  	s21 =	simm.s32 $0x17D80;
	s1 =	sadd.s32 s0, s9  }
0x40f: {  	[hbm4b:s1+s3] =	stream.linear.scatter [tilespmem:s21], [sflag:$0x5], $0x80, $0x38;
	[tilespmem:$0x1EC00] =	vst v63  }
0x410: {  	s28 =	simm.s32 $0x17E08;
	s22 =	sadd.s32 $0x10, s1  }
0x411: {  	[hbm4b:s22+s3] =	stream.linear.scatter [tilespmem:s28], [sflag:$0x5], $0x80, $0x38;
	[tilespmem:$0x1EC00] =	vst v63  }
0x412: {  	s18 =	simm.s32 $0x17E90;
	s17 =	sadd.s32 $0x20, s1  }
0x413: {  	[hbm4b:s17+s3] =	stream.linear.scatter [tilespmem:s18], [sflag:$0x5], $0x80, $0x38;
	[tilespmem:$0x1EC00] =	vst v63  }
0x414: {  	s20 =	sadd.s32 $0x30, s1;
	s21 =	simm.s32 $0x17F18  }
0x415: {  	[hbm4b:s20+s3] =	stream.linear.scatter [tilespmem:s21], [sflag:$0x5], $0x80, $0x38;
	[tilespmem:$0x1EC00] =	vst v63  }
0x416: {  	s22 =	sadd.s32 $0x40, s1;
	s28 =	simm.s32 $0x17FA0  }
0x417: {  	[hbm4b:s22+s3] =	stream.linear.scatter [tilespmem:s28], [sflag:$0x5], $0x80, $0x38;
	[tilespmem:$0x1EC00] =	vst v63  }
0x418: {  	s17 =	sadd.s32 $0x50, s1;
	s18 =	simm.s32 $0x18028  }
0x419: {  	[hbm4b:s17+s3] =	stream.linear.scatter [tilespmem:s18], [sflag:$0x5], $0x80, $0x38;
	[tilespmem:$0x1EC00] =	vst v63  }
0x41a: {  	s20 =	sadd.s32 $0x60, s1;
	s21 =	simm.s32 $0x180B0  }
0x41b: {  	[hbm4b:s20+s3] =	stream.linear.scatter [tilespmem:s21], [sflag:$0x5], $0x80, $0x38;
	[tilespmem:$0x1EC00] =	vst v63  }
0x41c: {  	s22 =	sadd.s32 $0x70, s1;
	s28 =	simm.s32 $0x18138  }
0x41d: {  	[hbm4b:s22+s3] =	stream.linear.scatter [tilespmem:s28], [sflag:$0x5], $0x80, $0x38;
	[tilespmem:$0x1EC00] =	vst v63  }
0x41e: {  	s17 =	sadd.s32 $0x80, s1;
	s18 =	simm.s32 $0x181C0  }
0x41f: {  	[hbm4b:s17+s3] =	stream.linear.scatter [tilespmem:s18], [sflag:$0x5], $0x80, $0x38;
	[tilespmem:$0x1EC00] =	vst v63  }
0x420: {  	s20 =	sadd.s32 $0x90, s1;
	s21 =	simm.s32 $0x18248  }
0x421: {  	[hbm4b:s20+s3] =	stream.linear.scatter [tilespmem:s21], [sflag:$0x5], $0x80, $0x38;
	[tilespmem:$0x1EC00] =	vst v63  }
0x422: {  	s22 =	sadd.s32 $0xA0, s1;
	s28 =	simm.s32 $0x182D0  }
0x423: {  	[hbm4b:s22+s3] =	stream.linear.scatter [tilespmem:s28], [sflag:$0x5], $0x80, $0x38;
	[tilespmem:$0x1EC00] =	vst v63  }
0x424: {  	s17 =	sadd.s32 $0xB0, s1;
	s18 =	simm.s32 $0x18358  }
0x425: {  	[hbm4b:s17+s3] =	stream.linear.scatter [tilespmem:s18], [sflag:$0x5], $0x80, $0x38;
	[tilespmem:$0x1EC00] =	vst v63  }
0x426: {  	s20 =	sadd.s32 $0xC0, s1;
	s21 =	simm.s32 $0x183E0  }
0x427: {  	[hbm4b:s20+s3] =	stream.linear.scatter [tilespmem:s21], [sflag:$0x5], $0x80, $0x38;
	[tilespmem:$0x1EC00] =	vst v63  }
0x428: {  	s22 =	sadd.s32 $0xD0, s1;
	s28 =	simm.s32 $0x18468  }
0x429: {  	[hbm4b:s22+s3] =	stream.linear.scatter [tilespmem:s28], [sflag:$0x5], $0x80, $0x38;
	[tilespmem:$0x1EC00] =	vst v63  }
0x42a: {  	s17 =	sadd.s32 $0xE0, s1;
	s18 =	simm.s32 $0x184F0  }
0x42b: {  	[hbm4b:s17+s3] =	stream.linear.scatter [tilespmem:s18], [sflag:$0x5], $0x80, $0x38;
	[tilespmem:$0x1EC00] =	vst v63  }
0x42c: {  	s1 =	sadd.s32 $0xF0, s1;
	s20 =	simm.s32 $0x18578  }
0x42d: {  	[hbm4b:s1+s3] =	stream.linear.scatter [tilespmem:s20], [sflag:$0x5], $0x80, $0x38;
	[tilespmem:$0x1EC00] =	vst v63  }
0x42e: {  	s21 =	simm.s32 $0x18600;
	s1 =	sadd.s32 s0, s10  }
0x42f: {  	[hbm4b:s1+s3] =	stream.linear.scatter [tilespmem:s21], [sflag:$0x5], $0x80, $0x38;
	[tilespmem:$0x1EC00] =	vst v63  }
0x430: {  	s28 =	simm.s32 $0x18688;
	s22 =	sadd.s32 $0x10, s1  }
0x431: {  	[hbm4b:s22+s3] =	stream.linear.scatter [tilespmem:s28], [sflag:$0x5], $0x80, $0x38;
	[tilespmem:$0x1EC00] =	vst v63  }
0x432: {  	s18 =	simm.s32 $0x18710;
	s17 =	sadd.s32 $0x20, s1  }
0x433: {  	[hbm4b:s17+s3] =	stream.linear.scatter [tilespmem:s18], [sflag:$0x5], $0x80, $0x38;
	[tilespmem:$0x1EC00] =	vst v63  }
0x434: {  	s20 =	sadd.s32 $0x30, s1;
	s21 =	simm.s32 $0x18798  }
0x435: {  	[hbm4b:s20+s3] =	stream.linear.scatter [tilespmem:s21], [sflag:$0x5], $0x80, $0x38;
	[tilespmem:$0x1EC00] =	vst v63  }
0x436: {  	s22 =	sadd.s32 $0x40, s1;
	s28 =	simm.s32 $0x18820  }
0x437: {  	[hbm4b:s22+s3] =	stream.linear.scatter [tilespmem:s28], [sflag:$0x5], $0x80, $0x38;
	[tilespmem:$0x1EC00] =	vst v63  }
0x438: {  	s17 =	sadd.s32 $0x50, s1;
	s18 =	simm.s32 $0x188A8  }
0x439: {  	[hbm4b:s17+s3] =	stream.linear.scatter [tilespmem:s18], [sflag:$0x5], $0x80, $0x38;
	[tilespmem:$0x1EC00] =	vst v63  }
0x43a: {  	s20 =	sadd.s32 $0x60, s1;
	s21 =	simm.s32 $0x18930  }
0x43b: {  	[hbm4b:s20+s3] =	stream.linear.scatter [tilespmem:s21], [sflag:$0x5], $0x80, $0x38;
	[tilespmem:$0x1EC00] =	vst v63  }
0x43c: {  	s22 =	sadd.s32 $0x70, s1;
	s28 =	simm.s32 $0x189B8  }
0x43d: {  	[hbm4b:s22+s3] =	stream.linear.scatter [tilespmem:s28], [sflag:$0x5], $0x80, $0x38;
	[tilespmem:$0x1EC00] =	vst v63  }
0x43e: {  	s17 =	sadd.s32 $0x80, s1;
	s18 =	simm.s32 $0x18A40  }
0x43f: {  	[hbm4b:s17+s3] =	stream.linear.scatter [tilespmem:s18], [sflag:$0x5], $0x80, $0x38;
	[tilespmem:$0x1EC00] =	vst v63  }
0x440: {  	s20 =	sadd.s32 $0x90, s1;
	s21 =	simm.s32 $0x18AC8  }
0x441: {  	[hbm4b:s20+s3] =	stream.linear.scatter [tilespmem:s21], [sflag:$0x5], $0x80, $0x38;
	[tilespmem:$0x1EC00] =	vst v63  }
0x442: {  	s22 =	sadd.s32 $0xA0, s1;
	s28 =	simm.s32 $0x18B50  }
0x443: {  	[hbm4b:s22+s3] =	stream.linear.scatter [tilespmem:s28], [sflag:$0x5], $0x80, $0x38;
	[tilespmem:$0x1EC00] =	vst v63  }
0x444: {  	s17 =	sadd.s32 $0xB0, s1;
	s18 =	simm.s32 $0x18BD8  }
0x445: {  	[hbm4b:s17+s3] =	stream.linear.scatter [tilespmem:s18], [sflag:$0x5], $0x80, $0x38;
	[tilespmem:$0x1EC00] =	vst v63  }
0x446: {  	s20 =	sadd.s32 $0xC0, s1;
	s21 =	simm.s32 $0x18C60  }
0x447: {  	[hbm4b:s20+s3] =	stream.linear.scatter [tilespmem:s21], [sflag:$0x5], $0x80, $0x38;
	[tilespmem:$0x1EC00] =	vst v63  }
0x448: {  	s22 =	sadd.s32 $0xD0, s1;
	s28 =	simm.s32 $0x18CE8  }
0x449: {  	[hbm4b:s22+s3] =	stream.linear.scatter [tilespmem:s28], [sflag:$0x5], $0x80, $0x38;
	[tilespmem:$0x1EC00] =	vst v63  }
0x44a: {  	s17 =	sadd.s32 $0xE0, s1;
	s18 =	simm.s32 $0x18D70  }
0x44b: {  	[hbm4b:s17+s3] =	stream.linear.scatter [tilespmem:s18], [sflag:$0x5], $0x80, $0x38;
	[tilespmem:$0x1EC00] =	vst v63  }
0x44c: {  	s1 =	sadd.s32 $0xF0, s1;
	s20 =	simm.s32 $0x18DF8  }
0x44d: {  	[hbm4b:s1+s3] =	stream.linear.scatter [tilespmem:s20], [sflag:$0x5], $0x80, $0x38;
	[tilespmem:$0x1EC00] =	vst v63  }
0x44e: {  	s21 =	simm.s32 $0x18E80;
	s1 =	sadd.s32 s0, s11  }
0x44f: {  	[hbm4b:s1+s3] =	stream.linear.scatter [tilespmem:s21], [sflag:$0x5], $0x80, $0x38;
	[tilespmem:$0x1EC00] =	vst v63  }
0x450: {  	s28 =	simm.s32 $0x18F08;
	s22 =	sadd.s32 $0x10, s1  }
0x451: {  	[hbm4b:s22+s3] =	stream.linear.scatter [tilespmem:s28], [sflag:$0x5], $0x80, $0x38;
	[tilespmem:$0x1EC00] =	vst v63  }
0x452: {  	s18 =	simm.s32 $0x18F90;
	s17 =	sadd.s32 $0x20, s1  }
0x453: {  	[hbm4b:s17+s3] =	stream.linear.scatter [tilespmem:s18], [sflag:$0x5], $0x80, $0x38;
	[tilespmem:$0x1EC00] =	vst v63  }
0x454: {  	s20 =	sadd.s32 $0x30, s1;
	s21 =	simm.s32 $0x19018  }
0x455: {  	[hbm4b:s20+s3] =	stream.linear.scatter [tilespmem:s21], [sflag:$0x5], $0x80, $0x38;
	[tilespmem:$0x1EC00] =	vst v63  }
0x456: {  	s22 =	sadd.s32 $0x40, s1;
	s28 =	simm.s32 $0x190A0  }
0x457: {  	[hbm4b:s22+s3] =	stream.linear.scatter [tilespmem:s28], [sflag:$0x5], $0x80, $0x38;
	[tilespmem:$0x1EC00] =	vst v63  }
0x458: {  	s17 =	sadd.s32 $0x50, s1;
	s18 =	simm.s32 $0x19128  }
0x459: {  	[hbm4b:s17+s3] =	stream.linear.scatter [tilespmem:s18], [sflag:$0x5], $0x80, $0x38;
	[tilespmem:$0x1EC00] =	vst v63  }
0x45a: {  	s20 =	sadd.s32 $0x60, s1;
	s21 =	simm.s32 $0x191B0  }
0x45b: {  	[hbm4b:s20+s3] =	stream.linear.scatter [tilespmem:s21], [sflag:$0x5], $0x80, $0x38;
	[tilespmem:$0x1EC00] =	vst v63  }
0x45c: {  	s22 =	sadd.s32 $0x70, s1;
	s28 =	simm.s32 $0x19238  }
0x45d: {  	[hbm4b:s22+s3] =	stream.linear.scatter [tilespmem:s28], [sflag:$0x5], $0x80, $0x38;
	[tilespmem:$0x1EC00] =	vst v63  }
0x45e: {  	s17 =	sadd.s32 $0x80, s1;
	s18 =	simm.s32 $0x192C0  }
0x45f: {  	[hbm4b:s17+s3] =	stream.linear.scatter [tilespmem:s18], [sflag:$0x5], $0x80, $0x38;
	[tilespmem:$0x1EC00] =	vst v63  }
0x460: {  	s20 =	sadd.s32 $0x90, s1;
	s21 =	simm.s32 $0x19348  }
0x461: {  	[hbm4b:s20+s3] =	stream.linear.scatter [tilespmem:s21], [sflag:$0x5], $0x80, $0x38;
	[tilespmem:$0x1EC00] =	vst v63  }
0x462: {  	s22 =	sadd.s32 $0xA0, s1;
	s28 =	simm.s32 $0x193D0  }
0x463: {  	[hbm4b:s22+s3] =	stream.linear.scatter [tilespmem:s28], [sflag:$0x5], $0x80, $0x38;
	[tilespmem:$0x1EC00] =	vst v63  }
0x464: {  	s17 =	sadd.s32 $0xB0, s1;
	s18 =	simm.s32 $0x19458  }
0x465: {  	[hbm4b:s17+s3] =	stream.linear.scatter [tilespmem:s18], [sflag:$0x5], $0x80, $0x38;
	[tilespmem:$0x1EC00] =	vst v63  }
0x466: {  	s20 =	sadd.s32 $0xC0, s1;
	s21 =	simm.s32 $0x194E0  }
0x467: {  	[hbm4b:s20+s3] =	stream.linear.scatter [tilespmem:s21], [sflag:$0x5], $0x80, $0x38;
	[tilespmem:$0x1EC00] =	vst v63  }
0x468: {  	s22 =	sadd.s32 $0xD0, s1;
	s28 =	simm.s32 $0x19568  }
0x469: {  	[hbm4b:s22+s3] =	stream.linear.scatter [tilespmem:s28], [sflag:$0x5], $0x80, $0x38;
	[tilespmem:$0x1EC00] =	vst v63  }
0x46a: {  	s17 =	sadd.s32 $0xE0, s1;
	s18 =	simm.s32 $0x195F0  }
0x46b: {  	[hbm4b:s17+s3] =	stream.linear.scatter [tilespmem:s18], [sflag:$0x5], $0x80, $0x38;
	[tilespmem:$0x1EC00] =	vst v63  }
0x46c: {  	s1 =	sadd.s32 $0xF0, s1;
	s20 =	simm.s32 $0x19678  }
0x46d: {  	[hbm4b:s1+s3] =	stream.linear.scatter [tilespmem:s20], [sflag:$0x5], $0x80, $0x38;
	[tilespmem:$0x1EC00] =	vst v63  }
0x46e: {  	s21 =	simm.s32 $0x19700;
	s1 =	sadd.s32 s0, s12  }
0x46f: {  	[hbm4b:s1+s3] =	stream.linear.scatter [tilespmem:s21], [sflag:$0x5], $0x80, $0x38;
	[tilespmem:$0x1EC00] =	vst v63  }
0x470: {  	s28 =	simm.s32 $0x19788;
	s22 =	sadd.s32 $0x10, s1  }
0x471: {  	[hbm4b:s22+s3] =	stream.linear.scatter [tilespmem:s28], [sflag:$0x5], $0x80, $0x38;
	[tilespmem:$0x1EC00] =	vst v63  }
0x472: {  	s18 =	simm.s32 $0x19810;
	s17 =	sadd.s32 $0x20, s1  }
0x473: {  	[hbm4b:s17+s3] =	stream.linear.scatter [tilespmem:s18], [sflag:$0x5], $0x80, $0x38;
	[tilespmem:$0x1EC00] =	vst v63  }
0x474: {  	s20 =	sadd.s32 $0x30, s1;
	s21 =	simm.s32 $0x19898  }
0x475: {  	[hbm4b:s20+s3] =	stream.linear.scatter [tilespmem:s21], [sflag:$0x5], $0x80, $0x38;
	[tilespmem:$0x1EC00] =	vst v63  }
0x476: {  	s22 =	sadd.s32 $0x40, s1;
	s28 =	simm.s32 $0x19920  }
0x477: {  	[hbm4b:s22+s3] =	stream.linear.scatter [tilespmem:s28], [sflag:$0x5], $0x80, $0x38;
	[tilespmem:$0x1EC00] =	vst v63  }
0x478: {  	s17 =	sadd.s32 $0x50, s1;
	s18 =	simm.s32 $0x199A8  }
0x479: {  	[hbm4b:s17+s3] =	stream.linear.scatter [tilespmem:s18], [sflag:$0x5], $0x80, $0x38;
	[tilespmem:$0x1EC00] =	vst v63  }
0x47a: {  	s20 =	sadd.s32 $0x60, s1;
	s21 =	simm.s32 $0x19A30  }
0x47b: {  	[hbm4b:s20+s3] =	stream.linear.scatter [tilespmem:s21], [sflag:$0x5], $0x80, $0x38;
	[tilespmem:$0x1EC00] =	vst v63  }
0x47c: {  	s22 =	sadd.s32 $0x70, s1;
	s28 =	simm.s32 $0x19AB8  }
0x47d: {  	[hbm4b:s22+s3] =	stream.linear.scatter [tilespmem:s28], [sflag:$0x5], $0x80, $0x38;
	[tilespmem:$0x1EC00] =	vst v63  }
0x47e: {  	s17 =	sadd.s32 $0x80, s1;
	s18 =	simm.s32 $0x19B40  }
0x47f: {  	[hbm4b:s17+s3] =	stream.linear.scatter [tilespmem:s18], [sflag:$0x5], $0x80, $0x38;
	[tilespmem:$0x1EC00] =	vst v63  }
0x480: {  	s20 =	sadd.s32 $0x90, s1;
	s21 =	simm.s32 $0x19BC8  }
0x481: {  	[hbm4b:s20+s3] =	stream.linear.scatter [tilespmem:s21], [sflag:$0x5], $0x80, $0x38;
	[tilespmem:$0x1EC00] =	vst v63  }
0x482: {  	s22 =	sadd.s32 $0xA0, s1;
	s28 =	simm.s32 $0x19C50  }
0x483: {  	[hbm4b:s22+s3] =	stream.linear.scatter [tilespmem:s28], [sflag:$0x5], $0x80, $0x38;
	[tilespmem:$0x1EC00] =	vst v63  }
0x484: {  	s17 =	sadd.s32 $0xB0, s1;
	s18 =	simm.s32 $0x19CD8  }
0x485: {  	[hbm4b:s17+s3] =	stream.linear.scatter [tilespmem:s18], [sflag:$0x5], $0x80, $0x38;
	[tilespmem:$0x1EC00] =	vst v63  }
0x486: {  	s20 =	sadd.s32 $0xC0, s1;
	s21 =	simm.s32 $0x19D60  }
0x487: {  	[hbm4b:s20+s3] =	stream.linear.scatter [tilespmem:s21], [sflag:$0x5], $0x80, $0x38;
	[tilespmem:$0x1EC00] =	vst v63  }
0x488: {  	s22 =	sadd.s32 $0xD0, s1;
	s28 =	simm.s32 $0x19DE8  }
0x489: {  	[hbm4b:s22+s3] =	stream.linear.scatter [tilespmem:s28], [sflag:$0x5], $0x80, $0x38;
	[tilespmem:$0x1EC00] =	vst v63  }
0x48a: {  	s17 =	sadd.s32 $0xE0, s1;
	s18 =	simm.s32 $0x19E70  }
0x48b: {  	[hbm4b:s17+s3] =	stream.linear.scatter [tilespmem:s18], [sflag:$0x5], $0x80, $0x38;
	[tilespmem:$0x1EC00] =	vst v63  }
0x48c: {  	s1 =	sadd.s32 $0xF0, s1;
	s20 =	simm.s32 $0x19EF8  }
0x48d: {  	[hbm4b:s1+s3] =	stream.linear.scatter [tilespmem:s20], [sflag:$0x5], $0x80, $0x38;
	[tilespmem:$0x1EC00] =	vst v63  }
0x48e: {  	s0 =	sadd.s32 s0, s13;
	s21 =	simm.s32 $0x19F80  }
0x48f: {  	[hbm4b:s0+s3] =	stream.linear.scatter [tilespmem:s21], [sflag:$0x5], $0x80, $0x38;
	[tilespmem:$0x1EC00] =	vst v63  }
0x490: {  	s22 =	sadd.s32 $0x10, s0;
	s28 =	simm.s32 $0x1A008  }
0x491: {  	[hbm4b:s22+s3] =	stream.linear.scatter [tilespmem:s28], [sflag:$0x5], $0x80, $0x38;
	[tilespmem:$0x1EC00] =	vst v63  }
0x492: {  	s6 =	simm.s32 $0x1A090;
	s2 =	sadd.s32 $0x20, s0  }
0x493: {  	[hbm4b:s2+s3] =	stream.linear.scatter [tilespmem:s6], [sflag:$0x5], $0x80, $0x38;
	[tilespmem:$0x1EC00] =	vst v63  }
0x494: {  	s17 =	sadd.s32 $0x30, s0;
	s18 =	simm.s32 $0x1A118  }
0x495: {  	[hbm4b:s17+s3] =	stream.linear.scatter [tilespmem:s18], [sflag:$0x5], $0x80, $0x38;
	[tilespmem:$0x1EC00] =	vst v63  }
0x496: {  	s20 =	sadd.s32 $0x40, s0;
	s21 =	simm.s32 $0x1A1A0  }
0x497: {  	[hbm4b:s20+s3] =	stream.linear.scatter [tilespmem:s21], [sflag:$0x5], $0x80, $0x38;
	[tilespmem:$0x1EC00] =	vst v63  }
0x498: {  	s22 =	sadd.s32 $0x50, s0;
	s28 =	simm.s32 $0x1A228  }
0x499: {  	[hbm4b:s22+s3] =	stream.linear.scatter [tilespmem:s28], [sflag:$0x5], $0x80, $0x38;
	[tilespmem:$0x1EC00] =	vst v63  }
0x49a: {  	s2 =	sadd.s32 $0x60, s0;
	s6 =	simm.s32 $0x1A2B0  }
0x49b: {  	[hbm4b:s2+s3] =	stream.linear.scatter [tilespmem:s6], [sflag:$0x5], $0x80, $0x38;
	[tilespmem:$0x1EC00] =	vst v63  }
0x49c: {  	s17 =	sadd.s32 $0x70, s0;
	s18 =	simm.s32 $0x1A338  }
0x49d: {  	[hbm4b:s17+s3] =	stream.linear.scatter [tilespmem:s18], [sflag:$0x5], $0x80, $0x38;
	[tilespmem:$0x1EC00] =	vst v63  }
0x49e: {  	s20 =	sadd.s32 $0x80, s0;
	s21 =	simm.s32 $0x1A3C0  }
0x49f: {  	[hbm4b:s20+s3] =	stream.linear.scatter [tilespmem:s21], [sflag:$0x5], $0x80, $0x38;
	[tilespmem:$0x1EC00] =	vst v63  }
0x4a0: {  	s22 =	sadd.s32 $0x90, s0;
	s28 =	simm.s32 $0x1A448  }
0x4a1: {  	[hbm4b:s22+s3] =	stream.linear.scatter [tilespmem:s28], [sflag:$0x5], $0x80, $0x38;
	[tilespmem:$0x1EC00] =	vst v63  }
0x4a2: {  	s2 =	sadd.s32 $0xA0, s0;
	s6 =	simm.s32 $0x1A4D0  }
0x4a3: {  	[hbm4b:s2+s3] =	stream.linear.scatter [tilespmem:s6], [sflag:$0x5], $0x80, $0x38;
	[tilespmem:$0x1EC00] =	vst v63  }
0x4a4: {  	s17 =	sadd.s32 $0xB0, s0;
	s18 =	simm.s32 $0x1A558  }
0x4a5: {  	[hbm4b:s17+s3] =	stream.linear.scatter [tilespmem:s18], [sflag:$0x5], $0x80, $0x38;
	[tilespmem:$0x1EC00] =	vst v63  }
0x4a6: {  	s20 =	sadd.s32 $0xC0, s0;
	s21 =	simm.s32 $0x1A5E0  }
0x4a7: {  	[hbm4b:s20+s3] =	stream.linear.scatter [tilespmem:s21], [sflag:$0x5], $0x80, $0x38;
	[tilespmem:$0x1EC00] =	vst v63  }
0x4a8: {  	s22 =	sadd.s32 $0xD0, s0;
	s28 =	simm.s32 $0x1A668  }
0x4a9: {  	[hbm4b:s22+s3] =	stream.linear.scatter [tilespmem:s28], [sflag:$0x5], $0x80, $0x38;
	[tilespmem:$0x1EC00] =	vst v63  }
0x4aa: {  	s6 =	sadd.s32 $0xE0, s0;
	s17 =	simm.s32 $0x1A6F0  }
0x4ab: {  	[hbm4b:s6+s3] =	stream.linear.scatter [tilespmem:s17], [sflag:$0x5], $0x80, $0x38;
	[tilespmem:$0x1EC00] =	vst v63  }
0x4ac: {  	s0 =	sadd.s32 $0xF0, s0;
	s18 =	simm.s32 $0x1A778  }
0x4ad: {  	[hbm4b:s0+s3] =	stream.linear.scatter [tilespmem:s18], [sflag:$0x5], $0x80, $0x38;
	[tilespmem:$0x1EC00] =	vst v63  }
0x4ae: {  	s1 =	simm.s32 @!p0 $0x80;
	s2 =	simm.s32 @!p0 $0xA400;
	s0 =	sadd.s32 @!p0 $0x500, s29  }
0x4af: {  	[tilespmem:s2], [sflag:$0x2] =	stream.indirect.gather @!p0 [hbm4b:s4+s1], $0x40, s0, s1, $0xb8;
	[tilespmem:$0x1EC00] =	vst v63  }
0x4b0: {  	s0 =	sadd.s32 @!p0 $0x580, s29;
	s2 =	simm.s32 @!p0 $0xC400  }
0x4b1: {  	[tilespmem:s2], [sflag:$0x2] =	stream.indirect.gather @!p0 [hbm4b:s4+s1], $0x40, s0, s1, $0xb8;
	[tilespmem:$0x1EC00] =	vst v63  }
0x4b2: {  	_ =	swait.ge [sflag:s14], $0x800  }
0x4b3: {  	[sflag:s14] =	ssyncset.done $0x0  }
0x4b4: {  	[sflag:s14] =	ssyncadd.s32 $0xFFFFF800  }
0x4b5: {  	_ =	swait.ge [sflag:s14], $0x800  }
0x4b6: {  	[sflag:s14] =	ssyncset.done $0x0  }
0x4b7: {  	[sflag:s14] =	ssyncadd.s32 $0xFFFFF800  }
0x4b8: {  	_ =	swait.ge [sflag:s14], $0x800  }
0x4b9: {  	[sflag:s14] =	ssyncset.done $0x0  }
0x4ba: {  	[sflag:s14] =	ssyncadd.s32 $0xFFFFF800  }
0x4bb: {  	_ =	swait.ge [sflag:s14], $0x800  }
0x4bc: {  	[sflag:s14] =	ssyncset.done $0x0  }
0x4bd: {  	[sflag:s14] =	ssyncadd.s32 $0xFFFFF800  }
0x4be: {  	_ =	swait.ge [sflag:s14], $0x800  }
0x4bf: {  	[sflag:s14] =	ssyncset.done $0x0  }
0x4c0: {  	[sflag:s14] =	ssyncadd.s32 $0xFFFFF800  }
0x4c1: {  	_ =	swait.ge [sflag:s14], $0x800  }
0x4c2: {  	[sflag:s14] =	ssyncset.done $0x0  }
0x4c3: {  	[sflag:s14] =	ssyncadd.s32 $0xFFFFF800  }
0x4c4: {  	_ =	swait.ge [sflag:s14], $0x800  }
0x4c5: {  	s20 =	simm.s32 $0x1;
	[sflag:s14] =	ssyncset.done $0x0  }
0x4c6: {  	s20 =	sand.u32 $0x78, s20;
	[sflag:s14] =	ssyncadd.s32 $0xFFFFF800  }
0x4c7: {  	v7 =	vmov s20;
	s17 =	simm.s32 $0x6;
	_ =	swait.ge [sflag:s14], $0x800  }
0x4c8: {  	s22 =	simm.s32 $0x2;
	v7 =	vshrl.u32 v7, $0x3;
	s28 =	sand.u32 $0x78, s17;
	[sflag:s14] =	ssyncset.done $0x0  }
0x4c9: {  	s6 =	sand.u32 $0x78, s22;
	v7 =	vshll.u32 v7, v1;
	s18 =	simm.s32 $0x7;
	v9 =	vmov s28;
	[sflag:s14] =	ssyncadd.s32 $0xFFFFF800  }
0x4ca: {  	v8 =	vmov s6;
	v23 =	vbroadcast v7, $0x0;
	s20 =	sand.u32 $0x78, s18;
	v9 =	vshrl.u32 v9, $0x3;
	s29 =	simm.s32 $0x0;
	_ =	swait.ge [sflag:s15], $0x2000  }
0x4cb: {  	s21 =	simm.s32 $0x3;
	v8 =	vshrl.u32 v8, $0x3;
	v12 =	vmov s20;
	v9 =	vshll.u32 v9, v1;
	s17 =	sand.u32 $0x8, s29;
	[sflag:s15] =	ssyncset.done $0x0  }
0x4cc: {  	v8 =	vshll.u32 v8, v1;
	v22 =	vbroadcast v9, $0x0;
	v9 =	vshrl.u32 v12, $0x3;
	s0 =	simm.s32 $0x0;
	s22 =	sor.u32 $0x80, s17;
	[sflag:s15] =	ssyncadd.s32 $0xFFFFE000  }
0x4cd: {  	v17 =	vbroadcast v8, $0x0;
	s2 =	sand.u32 $0x78, s21;
	v9 =	vshll.u32 v9, v1;
	s21 =	sand.u32 $0x78, s0;
	v14 =	vmov s22;
	_ =	swait.ge [sflag:s15], $0x2000  }
0x4ce: {  	v6 =	vmov s2;
	v11 =	vmov s21;
	v14 =	vmul.u32 $0x88, v14;
	[sflag:s15] =	ssyncset.done $0x0  }
0x4cf: {  	s28 =	simm.s32 $0x4;
	s1 =	simm.s32 $0x125F0;
	v34 =	vbroadcast v9, $0x0;
	v6 =	vshrl.u32 v6, $0x3;
	v11 =	vshrl.u32 v11, $0x3;
	[sflag:s15] =	ssyncadd.s32 $0xFFFFE000  }
0x4d0: {  	s29 =	simm.s32 $0x5;
	s2 =	sand.u32 $0x78, s28;
	v6 =	vshll.u32 v6, v1;
	v8 =	vshll.u32 v11, v1;
	v11 =	vbroadcast v14, $0x0;
	v5 =	vld [tilespmem:s1+$0xFFFFFF50]  }
0x4d1: {  	v14 =	vmov s2;
	s2 =	sand.u32 $0x78, s29;
	v6 =	vbroadcast v6, $0x0;
	v8 =	vbroadcast v8, $0x0;
	v10 =	vld [tilespmem:s1+$0xFFFFFED0]  }
0x4d2: {  	v20 =	vmov s2;
	v14 =	vshrl.u32 v14, $0x3;
	v18 =	vadd.s32 v0, v11;
	v13 =	vld [tilespmem:s1+$0xFFFFFF90]  }
0x4d3: {  	v20 =	vshrl.u32 v20, $0x3;
	v14 =	vshll.u32 v14, v1;
	v19 =	vadd.s32 v17, v18;
	v15 =	vld [tilespmem:s1+$0xFFFFFE90]  }
0x4d4: {  	v21 =	vadd.s32 v8, v18;
	v25 =	vadd.s32 v22, v18;
	v26 =	vadd.s32 v23, v18;
	v16 =	vld [tilespmem:s1+$0xFFFFFE10]  }
0x4d5: {  	v20 =	vshll.u32 v20, v1;
	v14 =	vbroadcast v14, $0x0;
	v31 =	vadd.s32 v6, v18;
	v7 =	vld [tilespmem:s1+$0xFFFFFE50]  }
0x4d6: {  	v19 =	vor.u32 $0x2, v19;
	v26 =	vor.u32 $0x1, v26;
	v20 =	vbroadcast v20, $0x0;
	v32 =	vld [tilespmem:s1+$0xFFFFFF10]  }
0x4d7: {  	v25 =	vor.u32 $0x6, v25;
	v31 =	vor.u32 $0x3, v31;
	v5 =	vmul.f32 $8.000000000e+00, v5  }
0x4d8: {  	v9 =	vadd.s32 v14, v18;
	v10 =	vmul.f32 $8.000000000e+00, v10;
	v13 =	vmul.f32 $8.000000000e+00, v13  }
0x4d9: {  	v37 =	vor.u32 $0x4, v9;
	v15 =	vmul.f32 $8.000000000e+00, v15;
	v12 =	vmul.f32 $8.000000000e+00, v16  }
0x4da: {  	v16 =	vadd.s32 v2, v11;
	v30 =	vmul.f32 $8.000000000e+00, v7;
	v7 =	vadd.s32 v20, v18  }
0x4db: {  	v32 =	vmul.f32 $8.000000000e+00, v32;
	v24 =	vadd.s32 v8, v16;
	v27 =	vadd.s32 v22, v16;
	[tilespmem:v19+s26+$0x0] =	vst.idx.msk $0xffff, v15  }
0x4dc: {  	v28 =	vadd.s32 v23, v16;
	v29 =	vadd.s32 v17, v16;
	[tilespmem:v21+s26+$0x0] =	vst.idx.msk $0xffff, v12;
	v21 =	vor.u32 $0x5, v7;
	v12 =	vld [tilespmem:s1+$0xFFFFFEA0]  }
0x4dd: {  	v38 =	vadd.s32 v34, v16;
	v40 =	vadd.s32 v14, v16;
	v15 =	vor.u32 $0x2, v29;
	[tilespmem:v25+s26+$0x0] =	vst.idx.msk $0xffff, v13  }
0x4de: {  	v19 =	vadd.s32 v20, v16;
	v29 =	vadd.s32 v3, v11;
	v28 =	vor.u32 $0x1, v28;
	[tilespmem:v26+s26+$0x0] =	vst.idx.msk $0xffff, v30;
	v35 =	vld [tilespmem:s1+$0xFFFFFE20]  }
0x4df: {  	v25 =	vor.u32 $0x6, v27;
	v27 =	vadd.s32 v6, v16;
	[tilespmem:v31+s26+$0x0] =	vst.idx.msk $0xffff, v10;
	v62 =	vor.u32 $0x4, v40;
	v57 =	vld [tilespmem:s1+$0xFFFFFFA0]  }
0x4e0: {  	v13 =	vld [tilespmem:s1+$0xFFFFFFD0];
	v7 =	vadd.s32 v8, v29;
	v33 =	vadd.s32 v20, v29;
	v36 =	vadd.s32 v17, v29  }
0x4e1: {  	v26 =	vadd.s32 v23, v29;
	v39 =	vld [tilespmem:s1+$0xFFFFFE60];
	[tilespmem:v21+s26+$0x0] =	vst.idx.msk $0xffff, v5;
	v5 =	vmul.f32 $8.000000000e+00, v12;
	v12 =	vadd.s32 v34, v18  }
0x4e2: {  	v9 =	vadd.s32 v14, v29;
	v10 =	vadd.s32 v34, v29;
	v31 =	vld [tilespmem:s1+$0xFFFFFEE0];
	v21 =	vor.u32 $0x7, v12  }
0x4e3: {  	[tilespmem:v37+s26+$0x0] =	vst.idx.msk $0xffff, v32;
	v58 =	vadd.s32 v6, v29;
	v18 =	vadd.s32 v4, v11;
	v11 =	vld [tilespmem:s1+$0xFFFFFF60];
	v16 =	vmul.f32 $8.000000000e+00, v35  }
0x4e4: {  	v12 =	vadd.s32 v14, v18;
	v14 =	vmul.f32 $8.000000000e+00, v57;
	[tilespmem:v15+s26+$0x0] =	vst.idx.msk $0xffff, v5;
	v15 =	vadd.s32 v22, v29;
	v29 =	vld [tilespmem:s1+$0xFFFFFF20]  }
0x4e5: {  	v19 =	vor.u32 $0x5, v19;
	v60 =	vmul.f32 $8.000000000e+00, v13;
	v8 =	vadd.s32 v8, v18;
	[tilespmem:v24+s26+$0x0] =	vst.idx.msk $0xffff, v16;
	v59 =	vld [tilespmem:s1+$0xFFFFFEB0]  }
0x4e6: {  	v27 =	vor.u32 $0x3, v27;
	v13 =	vadd.s32 v23, v18;
	v6 =	vadd.s32 v6, v18;
	v61 =	vld [tilespmem:s1+$0xFFFFFE30];
	[tilespmem:v25+s26+$0x0] =	vst.idx.msk $0xffff, v14  }
0x4e7: {  	v5 =	vor.u32 $0x2, v36;
	v24 =	vmul.f32 $8.000000000e+00, v39;
	v16 =	vadd.s32 v20, v18;
	v25 =	vld [tilespmem:s1+$0xFFFFFFB0];
	[tilespmem:v21+s26+$0x0] =	vst.idx.msk $0xffff, v60  }
0x4e8: {  	v20 =	vadd.s32 v22, v18;
	v6 =	vor.u32 $0x3, v6;
	v11 =	vmul.f32 $8.000000000e+00, v11;
	v63 =	vld [tilespmem:s1+$0xFFFFFFE0]  }
0x4e9: {  	v14 =	vadd.s32 v17, v18;
	v17 =	vor.u32 $0x6, v15;
	[tilespmem:v28+s26+$0x0] =	vst.idx.msk $0xffff, v24;
	v21 =	vmul.f32 $8.000000000e+00, v31  }
0x4ea: {  	v15 =	vor.u32 $0x1, v26;
	v24 =	vor.u32 $0x7, v38;
	v23 =	vld [tilespmem:s1+$0xFFFFFE70];
	[tilespmem:v19+s26+$0x0] =	vst.idx.msk $0xffff, v11;
	v19 =	vmul.f32 $8.000000000e+00, v59  }
0x4eb: {  	v11 =	vor.u32 $0x2, v14;
	v14 =	vadd.s32 v34, v18;
	v28 =	vmul.f32 $8.000000000e+00, v29;
	v22 =	vld [tilespmem:s1+$0xFFFFFF70];
	[tilespmem:v27+s26+$0x0] =	vst.idx.msk $0xffff, v21  }
0x4ec: {  	v18 =	vor.u32 $0x3, v58;
	v26 =	vmul.f32 $8.000000000e+00, v61;
	v25 =	vmul.f32 $8.000000000e+00, v25;
	v21 =	vld [tilespmem:s1+$0xFFFFFEF0];
	[tilespmem:v5+s26+$0x0] =	vst.idx.msk $0xffff, v19  }
0x4ed: {  	s17 =	simm.s32 $0x127F0;
	[tilespmem:v62+s26+$0x0] =	vst.idx.msk $0xffff, v28;
	v5 =	vor.u32 $0x7, v14;
	v14 =	vor.u32 $0x5, v33;
	v19 =	vld [tilespmem:s1+$0xFFFFFEC0];
	v27 =	vmul.f32 $8.000000000e+00, v63  }
.LBB2_9:
0x4ee: {  	s2 =	sadd.s32 $0x9, s0  }
0x4ef: {  	s6 =	sadd.s32 $0xA, s0;
	s18 =	sadd.s32 $0xB, s0;
	v13 =	vor.u32 $0x1, v13;
	v28 =	vld [tilespmem:s1+$0xFFFFFF30];
	v16 =	vor.u32 $0x5, v16;
	v20 =	vor.u32 $0x6, v20;
	s20 =	smov.u32 s0  }
0x4f0: {  	s21 =	sadd.s32 $0xE, s0;
	s22 =	sadd.s32 $0xF, s0;
	s18 =	sand.u32 $0x78, s18;
	v29 =	vld [tilespmem:s17+$0xFFFFFF50];
	[tilespmem:v7+s26+$0x0] =	vst.idx.msk $0xffff, v26;
	v7 =	vor.u32 $0x4, v9;
	v9 =	vor.u32 $0x4, v12;
	v12 =	vmul.f32 $8.000000000e+00, v22  }
0x4f1: {  	s2 =	sand.u32 $0x78, s2;
	s6 =	sand.u32 $0x78, s6;
	v22 =	vmov s18;
	s18 =	sand.u32 $0x78, s22;
	v26 =	vld [tilespmem:s1+$0xFFFFFE40];
	v23 =	vmul.f32 $8.000000000e+00, v23;
	[tilespmem:v24+s26+$0x0] =	vst.idx.msk $0xffff, v27;
	v24 =	vor.u32 $0x7, v10  }
0x4f2: {  	s0 =	sadd.s32 $0x8, s0;
	v10 =	vmov s2;
	v27 =	vmov s6;
	s2 =	sadd.s32 $0xD, s20;
	s6 =	sand.u32 $0x78, s21;
	v19 =	vmul.f32 $8.000000000e+00, v19;
	[tilespmem:v17+s26+$0x0] =	vst.idx.msk $0xffff, v25;
	v17 =	vld [tilespmem:s1+$0xFFFFFFF0]  }
0x4f3: {  	s21 =	sshrl.u32 s0, $0x4;
	s22 =	sand.u32 $0x78, s0;
	v25 =	vshrl.u32 v27, $0x3;
	s2 =	sand.u32 $0x78, s2;
	v30 =	vmov s6;
	v27 =	vld [tilespmem:s17+$0xFFFFFED0];
	[tilespmem:v15+s26+$0x0] =	vst.idx.msk $0xffff, v23;
	v15 =	vmul.f32 $8.000000000e+00, v21  }
0x4f4: {  	p0 =	slt.u32 s0, $0xF8;
	s20 =	sadd.s32 $0xC, s20;
	s6 =	sand.u32 $0x8, s21;
	v21 =	vmov s22;
	v23 =	vshrl.u32 v10, $0x3;
	v31 =	vld [tilespmem:s17+$0xFFFFFF90];
	[tilespmem:v11+s26+$0x0] =	vst.idx.msk $0xffff, v19;
	v19 =	vmul.f32 $8.000000000e+00, v28  }
0x4f5: {  	s6 =	sor.u32 $0x80, s6;
	v21 =	vshrl.u32 v21, $0x3;
	v28 =	vmov s18;
	v10 =	vmul.f32 $8.000000000e+00, v29;
	[tilespmem:v18+s26+$0x0] =	vst.idx.msk $0xffff, v15;
	v15 =	vld [tilespmem:s1+$0xFFFFFFC0]  }
0x4f6: {  	v25 =	vshll.u32 v25, v1;
	v11 =	vmov s6;
	v18 =	vld [tilespmem:s17+$0xFFFFFE90];
	v26 =	vmul.f32 $8.000000000e+00, v26;
	[tilespmem:v14+s26+$0x0] =	vst.idx.msk $0xffff, v12  }
0x4f7: {  	v12 =	vmul.u32 $0x88, v11;
	v11 =	vbroadcast v25, $0x0;
	v14 =	vshrl.u32 v22, $0x3;
	v22 =	vld [tilespmem:s1+$0xFFFFFF00]  }
0x4f8: {  	s6 =	sand.u32 $0x78, s20;
	v21 =	vshll.u32 v21, v1;
	v25 =	vmul.f32 $8.000000000e+00, v27;
	v27 =	vshll.u32 v14, v1;
	v29 =	vld [tilespmem:s1+$0xFFFFFE80];
	[tilespmem:v7+s26+$0x0] =	vst.idx.msk $0xffff, v19  }
0x4f9: {  	v12 =	vbroadcast v12, $0x0;
	v7 =	vshll.u32 v23, v1;
	v19 =	vmul.f32 $8.000000000e+00, v31;
	[tilespmem:v8+s26+$0x0] =	vst.idx.msk $0xffff, v26;
	v23 =	vld [tilespmem:s1+$0xFFFFFF40]  }
0x4fa: {  	v14 =	vshrl.u32 v30, $0x3;
	v8 =	vbroadcast v21, $0x0;
	v26 =	vld [tilespmem:s17+$0xFFFFFE10];
	v15 =	vmul.f32 $8.000000000e+00, v15  }
0x4fb: {  	v17 =	vmul.f32 $8.000000000e+00, v17;
	v21 =	vadd.s32 v0, v12;
	v18 =	vmul.f32 $8.000000000e+00, v18;
	v30 =	vld [tilespmem:s1+$0xFFFFFF80]  }
0x4fc: {  	v33 =	vmov s2;
	v32 =	vmov s6;
	v31 =	vadd.s32 v11, v21;
	[tilespmem:v20+s26+$0x0] =	vst.idx.msk $0xffff, v15  }
0x4fd: {  	v14 =	vshll.u32 v14, v1;
	v15 =	vadd.s32 v8, v21;
	v20 =	vor.u32 $0x2, v31;
	[tilespmem:v24+s26+$0x0] =	vst.idx.msk $0xffff, v17  }
0x4fe: {  	v14 =	vbroadcast v14, $0x0;
	v17 =	vshrl.u32 v32, $0x3;
	v24 =	vshrl.u32 v28, $0x3;
	v28 =	vld [tilespmem:s1+$0x0];
	s1 =	smov.u32 s17  }
0x4ff: {  	v24 =	vshll.u32 v24, v1;
	v23 =	vmul.f32 $8.000000000e+00, v23;
	v26 =	vmul.f32 $8.000000000e+00, v26  }
0x500: {  	v31 =	vadd.s32 v2, v12;
	v32 =	vbroadcast v7, $0x0;
	v7 =	vmul.f32 $8.000000000e+00, v30  }
0x501: {  	v27 =	vbroadcast v27, $0x0;
	v35 =	vadd.s32 v14, v21;
	v30 =	vadd.s32 v8, v31;
	v34 =	vld [tilespmem:s17+$0xFFFFFE50];
	[tilespmem:v9+s26+$0x0] =	vst.idx.msk $0xffff, v23  }
0x502: {  	v9 =	vadd.s32 v32, v21;
	v23 =	vshrl.u32 v33, $0x3;
	v33 =	vadd.s32 v14, v31;
	[tilespmem:v16+s26+$0x0] =	vst.idx.msk $0xffff, v7  }
0x503: {  	v9 =	vor.u32 $0x1, v9;
	v7 =	vshll.u32 v17, v1;
	v16 =	vmul.f32 $8.000000000e+00, v29  }
0x504: {  	v22 =	vmul.f32 $8.000000000e+00, v22;
	v17 =	vshll.u32 v23, v1;
	[tilespmem:v15+s26+$0x0] =	vst.idx.msk $0xffff, v26;
	v15 =	vadd.s32 v32, v31  }
0x505: {  	v23 =	vadd.s32 v11, v31;
	v17 =	vbroadcast v17, $0x0;
	v26 =	vbroadcast v7, $0x0;
	[tilespmem:v13+s26+$0x0] =	vst.idx.msk $0xffff, v16  }
0x506: {  	v16 =	vor.u32 $0x2, v23;
	v13 =	vmul.f32 $8.000000000e+00, v34;
	[tilespmem:v20+s26+$0x0] =	vst.idx.msk $0xffff, v18;
	v18 =	vor.u32 $0x6, v35  }
0x507: {  	v7 =	vadd.s32 v17, v21;
	v23 =	vadd.s32 v17, v31;
	v20 =	vld [tilespmem:s17+$0xFFFFFEA0];
	[tilespmem:v6+s26+$0x0] =	vst.idx.msk $0xffff, v22;
	v6 =	vmul.f32 $8.000000000e+00, v28  }
0x508: {  	v34 =	vor.u32 $0x5, v7;
	v22 =	vadd.s32 v3, v12;
	v28 =	vadd.s32 v27, v21;
	v29 =	vld [tilespmem:s17+$0xFFFFFF10]  }
0x509: {  	v36 =	vbroadcast v24, $0x0;
	v7 =	vadd.s32 v8, v22;
	v35 =	vadd.s32 v17, v22;
	[tilespmem:v5+s26+$0x0] =	vst.idx.msk $0xffff, v6  }
0x50a: {  	v6 =	vadd.s32 v11, v22;
	v5 =	vld [tilespmem:s17+$0xFFFFFE20];
	[tilespmem:v9+s26+$0x0] =	vst.idx.msk $0xffff, v13;
	v13 =	vor.u32 $0x3, v28;
	v9 =	vadd.s32 v26, v21  }
0x50b: {  	v24 =	vor.u32 $0x1, v15;
	v15 =	vor.u32 $0x4, v9;
	[tilespmem:v18+s26+$0x0] =	vst.idx.msk $0xffff, v19;
	v18 =	vor.u32 $0x6, v33;
	v19 =	vld [tilespmem:s17+$0xFFFFFFD0]  }
0x50c: {  	v38 =	vadd.s32 v36, v31;
	v28 =	vadd.s32 v32, v22;
	v33 =	vadd.s32 v27, v31;
	v37 =	vld [tilespmem:s17+$0xFFFFFFA0]  }
0x50d: {  	v31 =	vadd.s32 v26, v31;
	v9 =	vadd.s32 v26, v22;
	v39 =	vld [tilespmem:s17+$0xFFFFFE60];
	v29 =	vmul.f32 $8.000000000e+00, v29;
	[tilespmem:v34+s26+$0x0] =	vst.idx.msk $0xffff, v10  }
0x50e: {  	v34 =	vadd.s32 v4, v12;
	v12 =	vmul.f32 $8.000000000e+00, v20;
	v10 =	vadd.s32 v36, v21;
	v20 =	vld [tilespmem:s17+$0xFFFFFF60]  }
0x50f: {  	v21 =	vor.u32 $0x7, v10;
	v10 =	vadd.s32 v36, v22;
	v5 =	vmul.f32 $8.000000000e+00, v5;
	[tilespmem:v13+s26+$0x0] =	vst.idx.msk $0xffff, v25  }
0x510: {  	v23 =	vor.u32 $0x5, v23;
	v40 =	vadd.s32 v27, v22;
	v6 =	vor.u32 $0x2, v6;
	[tilespmem:v16+s26+$0x0] =	vst.idx.msk $0xffff, v12;
	v25 =	vld [tilespmem:s17+$0xFFFFFEE0]  }
0x511: {  	v12 =	vadd.s32 v26, v34;
	v41 =	vld [tilespmem:s17+$0xFFFFFEB0];
	[tilespmem:v15+s26+$0x0] =	vst.idx.msk $0xffff, v29;
	v13 =	vmul.f32 $8.000000000e+00, v37;
	v15 =	vadd.s32 v14, v22  }
0x512: {  	v19 =	vmul.f32 $8.000000000e+00, v19;
	v29 =	vor.u32 $0x3, v33;
	[tilespmem:v30+s26+$0x0] =	vst.idx.msk $0xffff, v5;
	v5 =	vmul.f32 $8.000000000e+00, v39;
	v26 =	vld [tilespmem:s17+$0xFFFFFF20]  }
0x513: {  	v8 =	vadd.s32 v8, v34;
	v16 =	vadd.s32 v17, v34;
	v30 =	vld [tilespmem:s17+$0xFFFFFE30];
	v20 =	vmul.f32 $8.000000000e+00, v20;
	[tilespmem:v18+s26+$0x0] =	vst.idx.msk $0xffff, v13  }
0x514: {  	v11 =	vadd.s32 v11, v34;
	v17 =	vor.u32 $0x6, v15;
	v13 =	vadd.s32 v32, v34;
	v18 =	vld [tilespmem:s17+$0xFFFFFFB0];
	[tilespmem:v21+s26+$0x0] =	vst.idx.msk $0xffff, v19  }
0x515: {  	v15 =	vor.u32 $0x1, v28;
	v28 =	vor.u32 $0x4, v31;
	v21 =	vmul.f32 $8.000000000e+00, v25;
	[tilespmem:v23+s26+$0x0] =	vst.idx.msk $0xffff, v20;
	v31 =	vld [tilespmem:s17+$0xFFFFFFE0]  }
.Ltmp3:
0x516: {  	v11 =	vor.u32 $0x2, v11;
	v20 =	vadd.s32 v14, v34;
	v19 =	vmul.f32 $8.000000000e+00, v41;
	v22 =	vld [tilespmem:s17+$0xFFFFFF70];
	(pc) =	sbr.rel @p0 .LBB2_9-.Ltmp3, $4  }
0x517: {  	v27 =	vadd.s32 v27, v34;
	[tilespmem:v24+s26+$0x0] =	vst.idx.msk $0xffff, v5;
	v24 =	vor.u32 $0x7, v38;
	v5 =	vadd.s32 v36, v34  }
0x518: {  	v32 =	vmul.f32 $8.000000000e+00, v26;
	v23 =	vld [tilespmem:s17+$0xFFFFFE70];
	[tilespmem:v6+s26+$0x0] =	vst.idx.msk $0xffff, v19;
	v5 =	vor.u32 $0x7, v5  }
0x519: {  	v14 =	vor.u32 $0x5, v35;
	v26 =	vmul.f32 $8.000000000e+00, v30;
	v19 =	vld [tilespmem:s17+$0xFFFFFEC0];
	[tilespmem:v29+s26+$0x0] =	vst.idx.msk $0xffff, v21;
	v25 =	vmul.f32 $8.000000000e+00, v18  }
0x51a: {  	v6 =	vor.u32 $0x3, v27;
	v18 =	vor.u32 $0x3, v40;
	s17 =	sadd.s32 $0x200, s17;
	v21 =	vld [tilespmem:s1+$0xFFFFFEF0];
	[tilespmem:v28+s26+$0x0] =	vst.idx.msk $0xffff, v32;
	v27 =	vmul.f32 $8.000000000e+00, v31  }
0x51b: {  	_ =	sdelay $0x1  }
0x51c: {  	v28 =	vld [tilespmem:s1+$0xFFFFFF30];
	_ =	sdelay $0x1  }
0x51d: {  	v9 =	vor.u32 $0x4, v9;
	[tilespmem:v24+s26+$0x0] =	vst.idx.msk $0xffff, v27  }
0x51e: {  	v24 =	vld [tilespmem:s1+$0xFFFFFFF0]  }
0x51f: {  	[tilespmem:v7+s26+$0x0] =	vst.idx.msk $0xffff, v26;
	v22 =	vmul.f32 $8.000000000e+00, v22  }
0x520: {  	v10 =	vor.u32 $0x7, v10;
	[tilespmem:v17+s26+$0x0] =	vst.idx.msk $0xffff, v25;
	v26 =	vld [tilespmem:s1+$0xFFFFFE40];
	v7 =	vmul.f32 $8.000000000e+00, v28  }
0x521: {  	v52 =	vld [tilespmem:s1+$0xFFFFFFC0];
	v51 =	vmul.f32 $8.000000000e+00, v23;
	[tilespmem:v14+s26+$0x0] =	vst.idx.msk $0xffff, v22  }
0x522: {  	v54 =	vld [tilespmem:s1+$0xFFFFFF80];
	[tilespmem:v9+s26+$0x0] =	vst.idx.msk $0xffff, v7;
	v7 =	vmul.f32 $8.000000000e+00, v21  }
0x523: {  	v53 =	vor.u32 $0x6, v20;
	[tilespmem:v15+s26+$0x0] =	vst.idx.msk $0xffff, v51;
	v55 =	vmul.f32 $8.000000000e+00, v24;
	v9 =	vld [tilespmem:s1+$0xFFFFFF40]  }
0x524: {  	v16 =	vor.u32 $0x5, v16;
	v19 =	vmul.f32 $8.000000000e+00, v19;
	[tilespmem:v18+s26+$0x0] =	vst.idx.msk $0xffff, v7;
	v7 =	vld [tilespmem:s1+$0xFFFFFE80]  }
0x525: {  	v12 =	vor.u32 $0x4, v12;
	v56 =	vmul.f32 $8.000000000e+00, v26;
	[tilespmem:v10+s26+$0x0] =	vst.idx.msk $0xffff, v55;
	v57 =	vld [tilespmem:s1+$0xFFFFFF00]  }
0x526: {  	v58 =	vor.u32 $0x1, v13;
	[tilespmem:v11+s26+$0x0] =	vst.idx.msk $0xffff, v19;
	v59 =	vmul.f32 $8.000000000e+00, v52;
	v60 =	vld [tilespmem:s1+$0x0]  }
0x527: {  	[tilespmem:v8+s26+$0x0] =	vst.idx.msk $0xffff, v56;
	v62 =	vmul.f32 $8.000000000e+00, v54  }
0x528: {  	[tilespmem:v53+s26+$0x0] =	vst.idx.msk $0xffff, v59;
	v61 =	vmul.f32 $8.000000000e+00, v9  }
0x529: {  	s0 =	sadd.s32 s5, s24;
	[tilespmem:v16+s26+$0x0] =	vst.idx.msk $0xffff, v62;
	v7 =	vmul.f32 $8.000000000e+00, v7  }
0x52a: {  	s6 =	sshll.u32 s0, $0x8;
	s0 =	sshll.u32 s0, $0xB;
	[tilespmem:v12+s26+$0x0] =	vst.idx.msk $0xffff, v61;
	v63 =	vmul.f32 $8.000000000e+00, v57  }
0x52b: {  	s0 =	sand.u32 $0xFFF8000, s0;
	s1 =	sand.u32 $0xF00, s6;
	[tilespmem:v58+s26+$0x0] =	vst.idx.msk $0xffff, v7;
	v7 =	vmul.f32 $8.000000000e+00, v60  }
0x52c: {  	s17 =	rddreg [dreg:$0x1];
	s0 =	sor.u32 s1, s0;
	[tilespmem:v6+s26+$0x0] =	vst.idx.msk $0xffff, v63  }
0x52d: {  	s2 =	simm.s32 $0x1A800;
	s1 =	sadd.s32 s17, s0;
	[tilespmem:v5+s26+$0x0] =	vst.idx.msk $0xffff, v7  }
0x52e: {  	[hbm4b:s1+s3] =	stream.linear.scatter [tilespmem:s2], [sflag:$0x6], $0x80, $0x38;
	[tilespmem:$0x1EC00] =	vst v63  }
0x52f: {  	s6 =	simm.s32 $0x1A888;
	s18 =	sadd.s32 $0x10, s1  }
0x530: {  	[hbm4b:s18+s3] =	stream.linear.scatter [tilespmem:s6], [sflag:$0x6], $0x80, $0x38;
	[tilespmem:$0x1EC00] =	vst v63  }
0x531: {  	s21 =	simm.s32 $0x1A910;
	s20 =	sadd.s32 $0x20, s1  }
0x532: {  	[hbm4b:s20+s3] =	stream.linear.scatter [tilespmem:s21], [sflag:$0x6], $0x80, $0x38;
	[tilespmem:$0x1EC00] =	vst v63  }
0x533: {  	s24 =	simm.s32 $0x1A998;
	s22 =	sadd.s32 $0x30, s1  }
0x534: {  	[hbm4b:s22+s3] =	stream.linear.scatter [tilespmem:s24], [sflag:$0x6], $0x80, $0x38;
	[tilespmem:$0x1EC00] =	vst v63  }
0x535: {  	s29 =	simm.s32 $0x1AA20;
	s28 =	sadd.s32 $0x40, s1  }
0x536: {  	[hbm4b:s28+s3] =	stream.linear.scatter [tilespmem:s29], [sflag:$0x6], $0x80, $0x38;
	[tilespmem:$0x1EC00] =	vst v63  }
0x537: {  	s17 =	sadd.s32 $0x50, s1;
	s18 =	simm.s32 $0x1AAA8  }
0x538: {  	[hbm4b:s17+s3] =	stream.linear.scatter [tilespmem:s18], [sflag:$0x6], $0x80, $0x38;
	[tilespmem:$0x1EC00] =	vst v63  }
0x539: {  	s20 =	sadd.s32 $0x60, s1;
	s21 =	simm.s32 $0x1AB30  }
0x53a: {  	[hbm4b:s20+s3] =	stream.linear.scatter [tilespmem:s21], [sflag:$0x6], $0x80, $0x38;
	[tilespmem:$0x1EC00] =	vst v63  }
0x53b: {  	s22 =	sadd.s32 $0x70, s1;
	s24 =	simm.s32 $0x1ABB8  }
0x53c: {  	[hbm4b:s22+s3] =	stream.linear.scatter [tilespmem:s24], [sflag:$0x6], $0x80, $0x38;
	[tilespmem:$0x1EC00] =	vst v63  }
0x53d: {  	s28 =	sadd.s32 $0x80, s1;
	s29 =	simm.s32 $0x1AC40  }
0x53e: {  	[hbm4b:s28+s3] =	stream.linear.scatter [tilespmem:s29], [sflag:$0x6], $0x80, $0x38;
	[tilespmem:$0x1EC00] =	vst v63  }
0x53f: {  	s17 =	sadd.s32 $0x90, s1;
	s18 =	simm.s32 $0x1ACC8  }
0x540: {  	[hbm4b:s17+s3] =	stream.linear.scatter [tilespmem:s18], [sflag:$0x6], $0x80, $0x38;
	[tilespmem:$0x1EC00] =	vst v63  }
0x541: {  	s20 =	sadd.s32 $0xA0, s1;
	s21 =	simm.s32 $0x1AD50  }
0x542: {  	[hbm4b:s20+s3] =	stream.linear.scatter [tilespmem:s21], [sflag:$0x6], $0x80, $0x38;
	[tilespmem:$0x1EC00] =	vst v63  }
0x543: {  	s22 =	sadd.s32 $0xB0, s1;
	s24 =	simm.s32 $0x1ADD8  }
0x544: {  	[hbm4b:s22+s3] =	stream.linear.scatter [tilespmem:s24], [sflag:$0x6], $0x80, $0x38;
	[tilespmem:$0x1EC00] =	vst v63  }
0x545: {  	s28 =	sadd.s32 $0xC0, s1;
	s29 =	simm.s32 $0x1AE60  }
0x546: {  	[hbm4b:s28+s3] =	stream.linear.scatter [tilespmem:s29], [sflag:$0x6], $0x80, $0x38;
	[tilespmem:$0x1EC00] =	vst v63  }
0x547: {  	s17 =	sadd.s32 $0xD0, s1;
	s18 =	simm.s32 $0x1AEE8  }
0x548: {  	[hbm4b:s17+s3] =	stream.linear.scatter [tilespmem:s18], [sflag:$0x6], $0x80, $0x38;
	[tilespmem:$0x1EC00] =	vst v63  }
0x549: {  	s20 =	sadd.s32 $0xE0, s1;
	s21 =	simm.s32 $0x1AF70  }
0x54a: {  	[hbm4b:s20+s3] =	stream.linear.scatter [tilespmem:s21], [sflag:$0x6], $0x80, $0x38;
	[tilespmem:$0x1EC00] =	vst v63  }
0x54b: {  	s1 =	sadd.s32 $0xF0, s1;
	s22 =	simm.s32 $0x1AFF8  }
0x54c: {  	[hbm4b:s1+s3] =	stream.linear.scatter [tilespmem:s22], [sflag:$0x6], $0x80, $0x38;
	[tilespmem:$0x1EC00] =	vst v63  }
0x54d: {  	s24 =	simm.s32 $0x1B080;
	s1 =	sadd.s32 s0, s7  }
0x54e: {  	[hbm4b:s1+s3] =	stream.linear.scatter [tilespmem:s24], [sflag:$0x6], $0x80, $0x38;
	[tilespmem:$0x1EC00] =	vst v63  }
0x54f: {  	s29 =	simm.s32 $0x1B108;
	s28 =	sadd.s32 $0x10, s1  }
0x550: {  	[hbm4b:s28+s3] =	stream.linear.scatter [tilespmem:s29], [sflag:$0x6], $0x80, $0x38;
	[tilespmem:$0x1EC00] =	vst v63  }
0x551: {  	s18 =	simm.s32 $0x1B190;
	s17 =	sadd.s32 $0x20, s1  }
0x552: {  	[hbm4b:s17+s3] =	stream.linear.scatter [tilespmem:s18], [sflag:$0x6], $0x80, $0x38;
	[tilespmem:$0x1EC00] =	vst v63  }
0x553: {  	s21 =	simm.s32 $0x1B218;
	s20 =	sadd.s32 $0x30, s1  }
0x554: {  	[hbm4b:s20+s3] =	stream.linear.scatter [tilespmem:s21], [sflag:$0x6], $0x80, $0x38;
	[tilespmem:$0x1EC00] =	vst v63  }
0x555: {  	s22 =	sadd.s32 $0x40, s1;
	s24 =	simm.s32 $0x1B2A0  }
0x556: {  	[hbm4b:s22+s3] =	stream.linear.scatter [tilespmem:s24], [sflag:$0x6], $0x80, $0x38;
	[tilespmem:$0x1EC00] =	vst v63  }
0x557: {  	s28 =	sadd.s32 $0x50, s1;
	s29 =	simm.s32 $0x1B328  }
0x558: {  	[hbm4b:s28+s3] =	stream.linear.scatter [tilespmem:s29], [sflag:$0x6], $0x80, $0x38;
	[tilespmem:$0x1EC00] =	vst v63  }
0x559: {  	s17 =	sadd.s32 $0x60, s1;
	s18 =	simm.s32 $0x1B3B0  }
0x55a: {  	[hbm4b:s17+s3] =	stream.linear.scatter [tilespmem:s18], [sflag:$0x6], $0x80, $0x38;
	[tilespmem:$0x1EC00] =	vst v63  }
0x55b: {  	s20 =	sadd.s32 $0x70, s1;
	s21 =	simm.s32 $0x1B438  }
0x55c: {  	[hbm4b:s20+s3] =	stream.linear.scatter [tilespmem:s21], [sflag:$0x6], $0x80, $0x38;
	[tilespmem:$0x1EC00] =	vst v63  }
0x55d: {  	s22 =	sadd.s32 $0x80, s1;
	s24 =	simm.s32 $0x1B4C0  }
0x55e: {  	[hbm4b:s22+s3] =	stream.linear.scatter [tilespmem:s24], [sflag:$0x6], $0x80, $0x38;
	[tilespmem:$0x1EC00] =	vst v63  }
0x55f: {  	s28 =	sadd.s32 $0x90, s1;
	s29 =	simm.s32 $0x1B548  }
0x560: {  	[hbm4b:s28+s3] =	stream.linear.scatter [tilespmem:s29], [sflag:$0x6], $0x80, $0x38;
	[tilespmem:$0x1EC00] =	vst v63  }
0x561: {  	s17 =	sadd.s32 $0xA0, s1;
	s18 =	simm.s32 $0x1B5D0  }
0x562: {  	[hbm4b:s17+s3] =	stream.linear.scatter [tilespmem:s18], [sflag:$0x6], $0x80, $0x38;
	[tilespmem:$0x1EC00] =	vst v63  }
0x563: {  	s20 =	sadd.s32 $0xB0, s1;
	s21 =	simm.s32 $0x1B658  }
0x564: {  	[hbm4b:s20+s3] =	stream.linear.scatter [tilespmem:s21], [sflag:$0x6], $0x80, $0x38;
	[tilespmem:$0x1EC00] =	vst v63  }
0x565: {  	s22 =	sadd.s32 $0xC0, s1;
	s24 =	simm.s32 $0x1B6E0  }
0x566: {  	[hbm4b:s22+s3] =	stream.linear.scatter [tilespmem:s24], [sflag:$0x6], $0x80, $0x38;
	[tilespmem:$0x1EC00] =	vst v63  }
0x567: {  	s28 =	sadd.s32 $0xD0, s1;
	s29 =	simm.s32 $0x1B768  }
0x568: {  	[hbm4b:s28+s3] =	stream.linear.scatter [tilespmem:s29], [sflag:$0x6], $0x80, $0x38;
	[tilespmem:$0x1EC00] =	vst v63  }
0x569: {  	s17 =	sadd.s32 $0xE0, s1;
	s18 =	simm.s32 $0x1B7F0  }
0x56a: {  	[hbm4b:s17+s3] =	stream.linear.scatter [tilespmem:s18], [sflag:$0x6], $0x80, $0x38;
	[tilespmem:$0x1EC00] =	vst v63  }
0x56b: {  	s1 =	sadd.s32 $0xF0, s1;
	s20 =	simm.s32 $0x1B878  }
0x56c: {  	[hbm4b:s1+s3] =	stream.linear.scatter [tilespmem:s20], [sflag:$0x6], $0x80, $0x38;
	[tilespmem:$0x1EC00] =	vst v63  }
0x56d: {  	s21 =	simm.s32 $0x1B900;
	s1 =	sadd.s32 s0, s8  }
0x56e: {  	[hbm4b:s1+s3] =	stream.linear.scatter [tilespmem:s21], [sflag:$0x6], $0x80, $0x38;
	[tilespmem:$0x1EC00] =	vst v63  }
0x56f: {  	s24 =	simm.s32 $0x1B988;
	s22 =	sadd.s32 $0x10, s1  }
0x570: {  	[hbm4b:s22+s3] =	stream.linear.scatter [tilespmem:s24], [sflag:$0x6], $0x80, $0x38;
	[tilespmem:$0x1EC00] =	vst v63  }
0x571: {  	s29 =	simm.s32 $0x1BA10;
	s28 =	sadd.s32 $0x20, s1  }
0x572: {  	[hbm4b:s28+s3] =	stream.linear.scatter [tilespmem:s29], [sflag:$0x6], $0x80, $0x38;
	[tilespmem:$0x1EC00] =	vst v63  }
0x573: {  	s18 =	simm.s32 $0x1BA98;
	s17 =	sadd.s32 $0x30, s1  }
0x574: {  	[hbm4b:s17+s3] =	stream.linear.scatter [tilespmem:s18], [sflag:$0x6], $0x80, $0x38;
	[tilespmem:$0x1EC00] =	vst v63  }
0x575: {  	s20 =	sadd.s32 $0x40, s1;
	s21 =	simm.s32 $0x1BB20  }
0x576: {  	[hbm4b:s20+s3] =	stream.linear.scatter [tilespmem:s21], [sflag:$0x6], $0x80, $0x38;
	[tilespmem:$0x1EC00] =	vst v63  }
0x577: {  	s22 =	sadd.s32 $0x50, s1;
	s24 =	simm.s32 $0x1BBA8  }
0x578: {  	[hbm4b:s22+s3] =	stream.linear.scatter [tilespmem:s24], [sflag:$0x6], $0x80, $0x38;
	[tilespmem:$0x1EC00] =	vst v63  }
0x579: {  	s28 =	sadd.s32 $0x60, s1;
	s29 =	simm.s32 $0x1BC30  }
0x57a: {  	[hbm4b:s28+s3] =	stream.linear.scatter [tilespmem:s29], [sflag:$0x6], $0x80, $0x38;
	[tilespmem:$0x1EC00] =	vst v63  }
0x57b: {  	s17 =	sadd.s32 $0x70, s1;
	s18 =	simm.s32 $0x1BCB8  }
0x57c: {  	[hbm4b:s17+s3] =	stream.linear.scatter [tilespmem:s18], [sflag:$0x6], $0x80, $0x38;
	[tilespmem:$0x1EC00] =	vst v63  }
0x57d: {  	s20 =	sadd.s32 $0x80, s1;
	s21 =	simm.s32 $0x1BD40  }
0x57e: {  	[hbm4b:s20+s3] =	stream.linear.scatter [tilespmem:s21], [sflag:$0x6], $0x80, $0x38;
	[tilespmem:$0x1EC00] =	vst v63  }
0x57f: {  	s22 =	sadd.s32 $0x90, s1;
	s24 =	simm.s32 $0x1BDC8  }
0x580: {  	[hbm4b:s22+s3] =	stream.linear.scatter [tilespmem:s24], [sflag:$0x6], $0x80, $0x38;
	[tilespmem:$0x1EC00] =	vst v63  }
0x581: {  	s28 =	sadd.s32 $0xA0, s1;
	s29 =	simm.s32 $0x1BE50  }
0x582: {  	[hbm4b:s28+s3] =	stream.linear.scatter [tilespmem:s29], [sflag:$0x6], $0x80, $0x38;
	[tilespmem:$0x1EC00] =	vst v63  }
0x583: {  	s6 =	sadd.s32 $0xB0, s1;
	s17 =	simm.s32 $0x1BED8  }
0x584: {  	[hbm4b:s6+s3] =	stream.linear.scatter [tilespmem:s17], [sflag:$0x6], $0x80, $0x38;
	[tilespmem:$0x1EC00] =	vst v63  }
0x585: {  	s18 =	sadd.s32 $0xC0, s1;
	s20 =	simm.s32 $0x1BF60  }
0x586: {  	[hbm4b:s18+s3] =	stream.linear.scatter [tilespmem:s20], [sflag:$0x6], $0x80, $0x38;
	[tilespmem:$0x1EC00] =	vst v63  }
0x587: {  	s21 =	sadd.s32 $0xD0, s1;
	s22 =	simm.s32 $0x1BFE8  }
0x588: {  	[hbm4b:s21+s3] =	stream.linear.scatter [tilespmem:s22], [sflag:$0x6], $0x80, $0x38;
	[tilespmem:$0x1EC00] =	vst v63  }
0x589: {  	s24 =	sadd.s32 $0xE0, s1;
	s28 =	simm.s32 $0x1C070  }
0x58a: {  	[hbm4b:s24+s3] =	stream.linear.scatter [tilespmem:s28], [sflag:$0x6], $0x80, $0x38;
	[tilespmem:$0x1EC00] =	vst v63  }
0x58b: {  	s1 =	sadd.s32 $0xF0, s1;
	s29 =	simm.s32 $0x1C0F8  }
0x58c: {  	[hbm4b:s1+s3] =	stream.linear.scatter [tilespmem:s29], [sflag:$0x6], $0x80, $0x38;
	[tilespmem:$0x1EC00] =	vst v63  }
0x58d: {  	s6 =	simm.s32 $0x1C180;
	s1 =	sadd.s32 s0, s9  }
0x58e: {  	[hbm4b:s1+s3] =	stream.linear.scatter [tilespmem:s6], [sflag:$0x6], $0x80, $0x38;
	[tilespmem:$0x1EC00] =	vst v63  }
0x58f: {  	s18 =	simm.s32 $0x1C208;
	s17 =	sadd.s32 $0x10, s1  }
0x590: {  	[hbm4b:s17+s3] =	stream.linear.scatter [tilespmem:s18], [sflag:$0x6], $0x80, $0x38;
	[tilespmem:$0x1EC00] =	vst v63  }
0x591: {  	s21 =	simm.s32 $0x1C290;
	s20 =	sadd.s32 $0x20, s1  }
0x592: {  	[hbm4b:s20+s3] =	stream.linear.scatter [tilespmem:s21], [sflag:$0x6], $0x80, $0x38;
	[tilespmem:$0x1EC00] =	vst v63  }
0x593: {  	s24 =	simm.s32 $0x1C318;
	s22 =	sadd.s32 $0x30, s1  }
0x594: {  	[hbm4b:s22+s3] =	stream.linear.scatter [tilespmem:s24], [sflag:$0x6], $0x80, $0x38;
	[tilespmem:$0x1EC00] =	vst v63  }
0x595: {  	s29 =	simm.s32 $0x1C3A0;
	s28 =	sadd.s32 $0x40, s1  }
0x596: {  	[hbm4b:s28+s3] =	stream.linear.scatter [tilespmem:s29], [sflag:$0x6], $0x80, $0x38;
	[tilespmem:$0x1EC00] =	vst v63  }
0x597: {  	s17 =	sadd.s32 $0x50, s1;
	s18 =	simm.s32 $0x1C428  }
0x598: {  	[hbm4b:s17+s3] =	stream.linear.scatter [tilespmem:s18], [sflag:$0x6], $0x80, $0x38;
	[tilespmem:$0x1EC00] =	vst v63  }
0x599: {  	s20 =	sadd.s32 $0x60, s1;
	s21 =	simm.s32 $0x1C4B0  }
0x59a: {  	[hbm4b:s20+s3] =	stream.linear.scatter [tilespmem:s21], [sflag:$0x6], $0x80, $0x38;
	[tilespmem:$0x1EC00] =	vst v63  }
0x59b: {  	s22 =	sadd.s32 $0x70, s1;
	s24 =	simm.s32 $0x1C538  }
0x59c: {  	[hbm4b:s22+s3] =	stream.linear.scatter [tilespmem:s24], [sflag:$0x6], $0x80, $0x38;
	[tilespmem:$0x1EC00] =	vst v63  }
0x59d: {  	s28 =	sadd.s32 $0x80, s1;
	s29 =	simm.s32 $0x1C5C0  }
0x59e: {  	[hbm4b:s28+s3] =	stream.linear.scatter [tilespmem:s29], [sflag:$0x6], $0x80, $0x38;
	[tilespmem:$0x1EC00] =	vst v63  }
0x59f: {  	s17 =	sadd.s32 $0x90, s1;
	s18 =	simm.s32 $0x1C648  }
0x5a0: {  	[hbm4b:s17+s3] =	stream.linear.scatter [tilespmem:s18], [sflag:$0x6], $0x80, $0x38;
	[tilespmem:$0x1EC00] =	vst v63  }
0x5a1: {  	s20 =	sadd.s32 $0xA0, s1;
	s21 =	simm.s32 $0x1C6D0  }
0x5a2: {  	[hbm4b:s20+s3] =	stream.linear.scatter [tilespmem:s21], [sflag:$0x6], $0x80, $0x38;
	[tilespmem:$0x1EC00] =	vst v63  }
0x5a3: {  	s22 =	sadd.s32 $0xB0, s1;
	s24 =	simm.s32 $0x1C758  }
0x5a4: {  	[hbm4b:s22+s3] =	stream.linear.scatter [tilespmem:s24], [sflag:$0x6], $0x80, $0x38;
	[tilespmem:$0x1EC00] =	vst v63  }
0x5a5: {  	s28 =	sadd.s32 $0xC0, s1;
	s29 =	simm.s32 $0x1C7E0  }
0x5a6: {  	[hbm4b:s28+s3] =	stream.linear.scatter [tilespmem:s29], [sflag:$0x6], $0x80, $0x38;
	[tilespmem:$0x1EC00] =	vst v63  }
0x5a7: {  	s17 =	sadd.s32 $0xD0, s1;
	s18 =	simm.s32 $0x1C868  }
0x5a8: {  	[hbm4b:s17+s3] =	stream.linear.scatter [tilespmem:s18], [sflag:$0x6], $0x80, $0x38;
	[tilespmem:$0x1EC00] =	vst v63  }
0x5a9: {  	s20 =	sadd.s32 $0xE0, s1;
	s21 =	simm.s32 $0x1C8F0  }
0x5aa: {  	[hbm4b:s20+s3] =	stream.linear.scatter [tilespmem:s21], [sflag:$0x6], $0x80, $0x38;
	[tilespmem:$0x1EC00] =	vst v63  }
0x5ab: {  	s1 =	sadd.s32 $0xF0, s1;
	s22 =	simm.s32 $0x1C978  }
0x5ac: {  	[hbm4b:s1+s3] =	stream.linear.scatter [tilespmem:s22], [sflag:$0x6], $0x80, $0x38;
	[tilespmem:$0x1EC00] =	vst v63  }
0x5ad: {  	s24 =	simm.s32 $0x1CA00;
	s1 =	sadd.s32 s0, s10  }
0x5ae: {  	[hbm4b:s1+s3] =	stream.linear.scatter [tilespmem:s24], [sflag:$0x6], $0x80, $0x38;
	[tilespmem:$0x1EC00] =	vst v63  }
0x5af: {  	s29 =	simm.s32 $0x1CA88;
	s28 =	sadd.s32 $0x10, s1  }
0x5b0: {  	[hbm4b:s28+s3] =	stream.linear.scatter [tilespmem:s29], [sflag:$0x6], $0x80, $0x38;
	[tilespmem:$0x1EC00] =	vst v63  }
0x5b1: {  	s18 =	simm.s32 $0x1CB10;
	s17 =	sadd.s32 $0x20, s1  }
0x5b2: {  	[hbm4b:s17+s3] =	stream.linear.scatter [tilespmem:s18], [sflag:$0x6], $0x80, $0x38;
	[tilespmem:$0x1EC00] =	vst v63  }
0x5b3: {  	s21 =	simm.s32 $0x1CB98;
	s20 =	sadd.s32 $0x30, s1  }
0x5b4: {  	[hbm4b:s20+s3] =	stream.linear.scatter [tilespmem:s21], [sflag:$0x6], $0x80, $0x38;
	[tilespmem:$0x1EC00] =	vst v63  }
0x5b5: {  	s22 =	sadd.s32 $0x40, s1;
	s24 =	simm.s32 $0x1CC20  }
0x5b6: {  	[hbm4b:s22+s3] =	stream.linear.scatter [tilespmem:s24], [sflag:$0x6], $0x80, $0x38;
	[tilespmem:$0x1EC00] =	vst v63  }
0x5b7: {  	s28 =	sadd.s32 $0x50, s1;
	s29 =	simm.s32 $0x1CCA8  }
0x5b8: {  	[hbm4b:s28+s3] =	stream.linear.scatter [tilespmem:s29], [sflag:$0x6], $0x80, $0x38;
	[tilespmem:$0x1EC00] =	vst v63  }
0x5b9: {  	s17 =	sadd.s32 $0x60, s1;
	s18 =	simm.s32 $0x1CD30  }
0x5ba: {  	[hbm4b:s17+s3] =	stream.linear.scatter [tilespmem:s18], [sflag:$0x6], $0x80, $0x38;
	[tilespmem:$0x1EC00] =	vst v63  }
0x5bb: {  	s20 =	sadd.s32 $0x70, s1;
	s21 =	simm.s32 $0x1CDB8  }
0x5bc: {  	[hbm4b:s20+s3] =	stream.linear.scatter [tilespmem:s21], [sflag:$0x6], $0x80, $0x38;
	[tilespmem:$0x1EC00] =	vst v63  }
0x5bd: {  	s22 =	sadd.s32 $0x80, s1;
	s24 =	simm.s32 $0x1CE40  }
0x5be: {  	[hbm4b:s22+s3] =	stream.linear.scatter [tilespmem:s24], [sflag:$0x6], $0x80, $0x38;
	[tilespmem:$0x1EC00] =	vst v63  }
0x5bf: {  	s28 =	sadd.s32 $0x90, s1;
	s29 =	simm.s32 $0x1CEC8  }
0x5c0: {  	[hbm4b:s28+s3] =	stream.linear.scatter [tilespmem:s29], [sflag:$0x6], $0x80, $0x38;
	[tilespmem:$0x1EC00] =	vst v63  }
0x5c1: {  	s17 =	sadd.s32 $0xA0, s1;
	s18 =	simm.s32 $0x1CF50  }
0x5c2: {  	[hbm4b:s17+s3] =	stream.linear.scatter [tilespmem:s18], [sflag:$0x6], $0x80, $0x38;
	[tilespmem:$0x1EC00] =	vst v63  }
0x5c3: {  	s20 =	sadd.s32 $0xB0, s1;
	s21 =	simm.s32 $0x1CFD8  }
0x5c4: {  	[hbm4b:s20+s3] =	stream.linear.scatter [tilespmem:s21], [sflag:$0x6], $0x80, $0x38;
	[tilespmem:$0x1EC00] =	vst v63  }
0x5c5: {  	s22 =	sadd.s32 $0xC0, s1;
	s24 =	simm.s32 $0x1D060  }
0x5c6: {  	[hbm4b:s22+s3] =	stream.linear.scatter [tilespmem:s24], [sflag:$0x6], $0x80, $0x38;
	[tilespmem:$0x1EC00] =	vst v63  }
0x5c7: {  	s28 =	sadd.s32 $0xD0, s1;
	s29 =	simm.s32 $0x1D0E8  }
0x5c8: {  	[hbm4b:s28+s3] =	stream.linear.scatter [tilespmem:s29], [sflag:$0x6], $0x80, $0x38;
	[tilespmem:$0x1EC00] =	vst v63  }
0x5c9: {  	s17 =	sadd.s32 $0xE0, s1;
	s18 =	simm.s32 $0x1D170  }
0x5ca: {  	[hbm4b:s17+s3] =	stream.linear.scatter [tilespmem:s18], [sflag:$0x6], $0x80, $0x38;
	[tilespmem:$0x1EC00] =	vst v63  }
0x5cb: {  	s1 =	sadd.s32 $0xF0, s1;
	s20 =	simm.s32 $0x1D1F8  }
0x5cc: {  	[hbm4b:s1+s3] =	stream.linear.scatter [tilespmem:s20], [sflag:$0x6], $0x80, $0x38;
	[tilespmem:$0x1EC00] =	vst v63  }
0x5cd: {  	s21 =	simm.s32 $0x1D280;
	s1 =	sadd.s32 s0, s11  }
0x5ce: {  	[hbm4b:s1+s3] =	stream.linear.scatter [tilespmem:s21], [sflag:$0x6], $0x80, $0x38;
	[tilespmem:$0x1EC00] =	vst v63  }
0x5cf: {  	s24 =	simm.s32 $0x1D308;
	s22 =	sadd.s32 $0x10, s1  }
0x5d0: {  	[hbm4b:s22+s3] =	stream.linear.scatter [tilespmem:s24], [sflag:$0x6], $0x80, $0x38;
	[tilespmem:$0x1EC00] =	vst v63  }
0x5d1: {  	s29 =	simm.s32 $0x1D390;
	s28 =	sadd.s32 $0x20, s1  }
0x5d2: {  	[hbm4b:s28+s3] =	stream.linear.scatter [tilespmem:s29], [sflag:$0x6], $0x80, $0x38;
	[tilespmem:$0x1EC00] =	vst v63  }
0x5d3: {  	s18 =	simm.s32 $0x1D418;
	s17 =	sadd.s32 $0x30, s1  }
0x5d4: {  	[hbm4b:s17+s3] =	stream.linear.scatter [tilespmem:s18], [sflag:$0x6], $0x80, $0x38;
	[tilespmem:$0x1EC00] =	vst v63  }
0x5d5: {  	s20 =	sadd.s32 $0x40, s1;
	s21 =	simm.s32 $0x1D4A0  }
0x5d6: {  	[hbm4b:s20+s3] =	stream.linear.scatter [tilespmem:s21], [sflag:$0x6], $0x80, $0x38;
	[tilespmem:$0x1EC00] =	vst v63  }
0x5d7: {  	s22 =	sadd.s32 $0x50, s1;
	s24 =	simm.s32 $0x1D528  }
0x5d8: {  	[hbm4b:s22+s3] =	stream.linear.scatter [tilespmem:s24], [sflag:$0x6], $0x80, $0x38;
	[tilespmem:$0x1EC00] =	vst v63  }
0x5d9: {  	s28 =	sadd.s32 $0x60, s1;
	s29 =	simm.s32 $0x1D5B0  }
0x5da: {  	[hbm4b:s28+s3] =	stream.linear.scatter [tilespmem:s29], [sflag:$0x6], $0x80, $0x38;
	[tilespmem:$0x1EC00] =	vst v63  }
0x5db: {  	s17 =	sadd.s32 $0x70, s1;
	s18 =	simm.s32 $0x1D638  }
0x5dc: {  	[hbm4b:s17+s3] =	stream.linear.scatter [tilespmem:s18], [sflag:$0x6], $0x80, $0x38;
	[tilespmem:$0x1EC00] =	vst v63  }
0x5dd: {  	s20 =	sadd.s32 $0x80, s1;
	s21 =	simm.s32 $0x1D6C0  }
0x5de: {  	[hbm4b:s20+s3] =	stream.linear.scatter [tilespmem:s21], [sflag:$0x6], $0x80, $0x38;
	[tilespmem:$0x1EC00] =	vst v63  }
0x5df: {  	s22 =	sadd.s32 $0x90, s1;
	s24 =	simm.s32 $0x1D748  }
0x5e0: {  	[hbm4b:s22+s3] =	stream.linear.scatter [tilespmem:s24], [sflag:$0x6], $0x80, $0x38;
	[tilespmem:$0x1EC00] =	vst v63  }
0x5e1: {  	s28 =	sadd.s32 $0xA0, s1;
	s29 =	simm.s32 $0x1D7D0  }
0x5e2: {  	[hbm4b:s28+s3] =	stream.linear.scatter [tilespmem:s29], [sflag:$0x6], $0x80, $0x38;
	[tilespmem:$0x1EC00] =	vst v63  }
0x5e3: {  	s17 =	sadd.s32 $0xB0, s1;
	s18 =	simm.s32 $0x1D858  }
0x5e4: {  	[hbm4b:s17+s3] =	stream.linear.scatter [tilespmem:s18], [sflag:$0x6], $0x80, $0x38;
	[tilespmem:$0x1EC00] =	vst v63  }
0x5e5: {  	s20 =	sadd.s32 $0xC0, s1;
	s21 =	simm.s32 $0x1D8E0  }
0x5e6: {  	[hbm4b:s20+s3] =	stream.linear.scatter [tilespmem:s21], [sflag:$0x6], $0x80, $0x38;
	[tilespmem:$0x1EC00] =	vst v63  }
0x5e7: {  	s22 =	sadd.s32 $0xD0, s1;
	s24 =	simm.s32 $0x1D968  }
0x5e8: {  	[hbm4b:s22+s3] =	stream.linear.scatter [tilespmem:s24], [sflag:$0x6], $0x80, $0x38;
	[tilespmem:$0x1EC00] =	vst v63  }
0x5e9: {  	s28 =	sadd.s32 $0xE0, s1;
	s29 =	simm.s32 $0x1D9F0  }
0x5ea: {  	[hbm4b:s28+s3] =	stream.linear.scatter [tilespmem:s29], [sflag:$0x6], $0x80, $0x38;
	[tilespmem:$0x1EC00] =	vst v63  }
0x5eb: {  	s1 =	sadd.s32 $0xF0, s1;
	s17 =	simm.s32 $0x1DA78  }
0x5ec: {  	[hbm4b:s1+s3] =	stream.linear.scatter [tilespmem:s17], [sflag:$0x6], $0x80, $0x38;
	[tilespmem:$0x1EC00] =	vst v63  }
0x5ed: {  	s18 =	simm.s32 $0x1DB00;
	s1 =	sadd.s32 s0, s12  }
0x5ee: {  	[hbm4b:s1+s3] =	stream.linear.scatter [tilespmem:s18], [sflag:$0x6], $0x80, $0x38;
	[tilespmem:$0x1EC00] =	vst v63  }
0x5ef: {  	s21 =	simm.s32 $0x1DB88;
	s20 =	sadd.s32 $0x10, s1  }
0x5f0: {  	[hbm4b:s20+s3] =	stream.linear.scatter [tilespmem:s21], [sflag:$0x6], $0x80, $0x38;
	[tilespmem:$0x1EC00] =	vst v63  }
0x5f1: {  	s24 =	simm.s32 $0x1DC10;
	s22 =	sadd.s32 $0x20, s1  }
0x5f2: {  	[hbm4b:s22+s3] =	stream.linear.scatter [tilespmem:s24], [sflag:$0x6], $0x80, $0x38;
	[tilespmem:$0x1EC00] =	vst v63  }
0x5f3: {  	s29 =	simm.s32 $0x1DC98;
	s28 =	sadd.s32 $0x30, s1  }
0x5f4: {  	[hbm4b:s28+s3] =	stream.linear.scatter [tilespmem:s29], [sflag:$0x6], $0x80, $0x38;
	[tilespmem:$0x1EC00] =	vst v63  }
0x5f5: {  	s17 =	sadd.s32 $0x40, s1;
	s18 =	simm.s32 $0x1DD20  }
0x5f6: {  	[hbm4b:s17+s3] =	stream.linear.scatter [tilespmem:s18], [sflag:$0x6], $0x80, $0x38;
	[tilespmem:$0x1EC00] =	vst v63  }
0x5f7: {  	s20 =	sadd.s32 $0x50, s1;
	s21 =	simm.s32 $0x1DDA8  }
0x5f8: {  	[hbm4b:s20+s3] =	stream.linear.scatter [tilespmem:s21], [sflag:$0x6], $0x80, $0x38;
	[tilespmem:$0x1EC00] =	vst v63  }
0x5f9: {  	s22 =	sadd.s32 $0x60, s1;
	s24 =	simm.s32 $0x1DE30  }
0x5fa: {  	[hbm4b:s22+s3] =	stream.linear.scatter [tilespmem:s24], [sflag:$0x6], $0x80, $0x38;
	[tilespmem:$0x1EC00] =	vst v63  }
0x5fb: {  	s28 =	sadd.s32 $0x70, s1;
	s29 =	simm.s32 $0x1DEB8  }
0x5fc: {  	[hbm4b:s28+s3] =	stream.linear.scatter [tilespmem:s29], [sflag:$0x6], $0x80, $0x38;
	[tilespmem:$0x1EC00] =	vst v63  }
0x5fd: {  	s17 =	sadd.s32 $0x80, s1;
	s18 =	simm.s32 $0x1DF40  }
0x5fe: {  	[hbm4b:s17+s3] =	stream.linear.scatter [tilespmem:s18], [sflag:$0x6], $0x80, $0x38;
	[tilespmem:$0x1EC00] =	vst v63  }
0x5ff: {  	s20 =	sadd.s32 $0x90, s1;
	s21 =	simm.s32 $0x1DFC8  }
0x600: {  	[hbm4b:s20+s3] =	stream.linear.scatter [tilespmem:s21], [sflag:$0x6], $0x80, $0x38;
	[tilespmem:$0x1EC00] =	vst v63  }
0x601: {  	s22 =	sadd.s32 $0xA0, s1;
	s24 =	simm.s32 $0x1E050  }
0x602: {  	[hbm4b:s22+s3] =	stream.linear.scatter [tilespmem:s24], [sflag:$0x6], $0x80, $0x38;
	[tilespmem:$0x1EC00] =	vst v63  }
0x603: {  	s28 =	sadd.s32 $0xB0, s1;
	s29 =	simm.s32 $0x1E0D8  }
0x604: {  	[hbm4b:s28+s3] =	stream.linear.scatter [tilespmem:s29], [sflag:$0x6], $0x80, $0x38;
	[tilespmem:$0x1EC00] =	vst v63  }
0x605: {  	s17 =	sadd.s32 $0xC0, s1;
	s18 =	simm.s32 $0x1E160  }
0x606: {  	[hbm4b:s17+s3] =	stream.linear.scatter [tilespmem:s18], [sflag:$0x6], $0x80, $0x38;
	[tilespmem:$0x1EC00] =	vst v63  }
0x607: {  	s20 =	sadd.s32 $0xD0, s1;
	s21 =	simm.s32 $0x1E1E8  }
0x608: {  	[hbm4b:s20+s3] =	stream.linear.scatter [tilespmem:s21], [sflag:$0x6], $0x80, $0x38;
	[tilespmem:$0x1EC00] =	vst v63  }
0x609: {  	s22 =	sadd.s32 $0xE0, s1;
	s24 =	simm.s32 $0x1E270  }
0x60a: {  	[hbm4b:s22+s3] =	stream.linear.scatter [tilespmem:s24], [sflag:$0x6], $0x80, $0x38;
	[tilespmem:$0x1EC00] =	vst v63  }
0x60b: {  	s1 =	sadd.s32 $0xF0, s1;
	s28 =	simm.s32 $0x1E2F8  }
0x60c: {  	[hbm4b:s1+s3] =	stream.linear.scatter [tilespmem:s28], [sflag:$0x6], $0x80, $0x38;
	[tilespmem:$0x1EC00] =	vst v63  }
0x60d: {  	s0 =	sadd.s32 s0, s13;
	s29 =	simm.s32 $0x1E380  }
0x60e: {  	[hbm4b:s0+s3] =	stream.linear.scatter [tilespmem:s29], [sflag:$0x6], $0x80, $0x38;
	[tilespmem:$0x1EC00] =	vst v63  }
0x60f: {  	s6 =	simm.s32 $0x1E408;
	s2 =	sadd.s32 $0x10, s0  }
0x610: {  	[hbm4b:s2+s3] =	stream.linear.scatter [tilespmem:s6], [sflag:$0x6], $0x80, $0x38;
	[tilespmem:$0x1EC00] =	vst v63  }
0x611: {  	s17 =	sadd.s32 $0x20, s0;
	s18 =	simm.s32 $0x1E490  }
0x612: {  	[hbm4b:s17+s3] =	stream.linear.scatter [tilespmem:s18], [sflag:$0x6], $0x80, $0x38;
	[tilespmem:$0x1EC00] =	vst v63  }
0x613: {  	s20 =	sadd.s32 $0x30, s0;
	s21 =	simm.s32 $0x1E518  }
0x614: {  	[hbm4b:s20+s3] =	stream.linear.scatter [tilespmem:s21], [sflag:$0x6], $0x80, $0x38;
	[tilespmem:$0x1EC00] =	vst v63  }
0x615: {  	s22 =	sadd.s32 $0x40, s0;
	s24 =	simm.s32 $0x1E5A0  }
0x616: {  	[hbm4b:s22+s3] =	stream.linear.scatter [tilespmem:s24], [sflag:$0x6], $0x80, $0x38;
	[tilespmem:$0x1EC00] =	vst v63  }
0x617: {  	s28 =	sadd.s32 $0x50, s0;
	s29 =	simm.s32 $0x1E628  }
0x618: {  	[hbm4b:s28+s3] =	stream.linear.scatter [tilespmem:s29], [sflag:$0x6], $0x80, $0x38;
	[tilespmem:$0x1EC00] =	vst v63  }
0x619: {  	s2 =	sadd.s32 $0x60, s0;
	s6 =	simm.s32 $0x1E6B0  }
0x61a: {  	[hbm4b:s2+s3] =	stream.linear.scatter [tilespmem:s6], [sflag:$0x6], $0x80, $0x38;
	[tilespmem:$0x1EC00] =	vst v63  }
0x61b: {  	s17 =	sadd.s32 $0x70, s0;
	s18 =	simm.s32 $0x1E738  }
0x61c: {  	[hbm4b:s17+s3] =	stream.linear.scatter [tilespmem:s18], [sflag:$0x6], $0x80, $0x38;
	[tilespmem:$0x1EC00] =	vst v63  }
0x61d: {  	s20 =	sadd.s32 $0x80, s0;
	s21 =	simm.s32 $0x1E7C0  }
0x61e: {  	[hbm4b:s20+s3] =	stream.linear.scatter [tilespmem:s21], [sflag:$0x6], $0x80, $0x38;
	[tilespmem:$0x1EC00] =	vst v63  }
0x61f: {  	s22 =	sadd.s32 $0x90, s0;
	s24 =	simm.s32 $0x1E848  }
0x620: {  	[hbm4b:s22+s3] =	stream.linear.scatter [tilespmem:s24], [sflag:$0x6], $0x80, $0x38;
	[tilespmem:$0x1EC00] =	vst v63  }
0x621: {  	s28 =	sadd.s32 $0xA0, s0;
	s29 =	simm.s32 $0x1E8D0  }
0x622: {  	[hbm4b:s28+s3] =	stream.linear.scatter [tilespmem:s29], [sflag:$0x6], $0x80, $0x38;
	[tilespmem:$0x1EC00] =	vst v63  }
0x623: {  	s6 =	sadd.s32 $0xB0, s0;
	s17 =	simm.s32 $0x1E958  }
0x624: {  	[hbm4b:s6+s3] =	stream.linear.scatter [tilespmem:s17], [sflag:$0x6], $0x80, $0x38;
	[tilespmem:$0x1EC00] =	vst v63  }
0x625: {  	s23 =	sadd.s32 $0x1, s23;
	s18 =	sadd.s32 $0xC0, s0;
	s20 =	simm.s32 $0x1E9E0  }
0x626: {  	[hbm4b:s18+s3] =	stream.linear.scatter [tilespmem:s20], [sflag:$0x6], $0x80, $0x38;
	[tilespmem:$0x1EC00] =	vst v63  }
0x627: {  	p0 =	sne.s32 s23, $0x19;
	s21 =	sadd.s32 $0xD0, s0;
	s22 =	simm.s32 $0x1EA68  }
0x628: {  	[hbm4b:s21+s3] =	stream.linear.scatter [tilespmem:s22], [sflag:$0x6], $0x80, $0x38;
	[tilespmem:$0x1EC00] =	vst v63  }
.Ltmp4:
0x629: {  	_ = 	snop;
	(pc) =	sbr.rel @p0 .LBB2_2-.Ltmp4, $4  }
0x62a: {  	s24 =	sadd.s32 $0xE0, s0;
	s28 =	simm.s32 $0x1EAF0  }
0x62b: {  	[hbm4b:s24+s3] =	stream.linear.scatter [tilespmem:s28], [sflag:$0x6], $0x80, $0x38;
	[tilespmem:$0x1EC00] =	vst v63  }
0x62c: {  	s0 =	sadd.s32 $0xF0, s0;
	s29 =	simm.s32 $0x1EB78  }
0x62d: {  	[hbm4b:s0+s3] =	stream.linear.scatter [tilespmem:s29], [sflag:$0x6], $0x80, $0x38;
	[tilespmem:$0x1EC00] =	vst v63  }
0x62e: {  	_ =	swait.ge [sflag:s31], $0x800  }
0x62f: {  	[sflag:s31] =	ssyncset.done $0x0  }
0x630: {  	[sflag:s31] =	ssyncadd.s32 $0xFFFFF800  }
0x631: {  	_ =	swait.ge [sflag:s31], $0x800  }
0x632: {  	[sflag:s31] =	ssyncset.done $0x0  }
0x633: {  	[sflag:s31] =	ssyncadd.s32 $0xFFFFF800  }
0x634: {  	_ =	swait.ge [sflag:s31], $0x800  }
0x635: {  	[sflag:s31] =	ssyncset.done $0x0  }
0x636: {  	[sflag:s31] =	ssyncadd.s32 $0xFFFFF800  }
0x637: {  	_ =	swait.ge [sflag:s31], $0x800  }
0x638: {  	[sflag:s31] =	ssyncset.done $0x0  }
0x639: {  	[sflag:s31] =	ssyncadd.s32 $0xFFFFF800  }
0x63a: {  	_ =	swait.ge [sflag:s31], $0x800  }
0x63b: {  	[sflag:s31] =	ssyncset.done $0x0  }
0x63c: {  	[sflag:s31] =	ssyncadd.s32 $0xFFFFF800  }
0x63d: {  	_ =	swait.ge [sflag:s31], $0x800  }
0x63e: {  	[sflag:s31] =	ssyncset.done $0x0  }
0x63f: {  	[sflag:s31] =	ssyncadd.s32 $0xFFFFF800  }
0x640: {  	_ =	swait.ge [sflag:s31], $0x800  }
0x641: {  	[sflag:s31] =	ssyncset.done $0x0  }
0x642: {  	[sflag:s31] =	ssyncadd.s32 $0xFFFFF800  }
0x643: {  	_ =	swait.ge [sflag:s31], $0x800  }
0x644: {  	[sflag:s31] =	ssyncset.done $0x0  }
0x645: {  	[sflag:s31] =	ssyncadd.s32 $0xFFFFF800  }
0x646: {  	_ =	swait.ge [sflag:s14], $0x800  }
0x647: {  	[sflag:s14] =	ssyncset.done $0x0  }
0x648: {  	[sflag:s14] =	ssyncadd.s32 $0xFFFFF800  }
0x649: {  	_ =	swait.ge [sflag:s14], $0x800  }
0x64a: {  	[sflag:s14] =	ssyncset.done $0x0  }
0x64b: {  	[sflag:s14] =	ssyncadd.s32 $0xFFFFF800  }
0x64c: {  	_ =	swait.ge [sflag:s14], $0x800  }
0x64d: {  	[sflag:s14] =	ssyncset.done $0x0  }
0x64e: {  	[sflag:s14] =	ssyncadd.s32 $0xFFFFF800  }
0x64f: {  	_ =	swait.ge [sflag:s14], $0x800  }
0x650: {  	[sflag:s14] =	ssyncset.done $0x0  }
0x651: {  	[sflag:s14] =	ssyncadd.s32 $0xFFFFF800  }
0x652: {  	_ =	swait.ge [sflag:s14], $0x800  }
0x653: {  	[sflag:s14] =	ssyncset.done $0x0  }
0x654: {  	[sflag:s14] =	ssyncadd.s32 $0xFFFFF800  }
0x655: {  	_ =	swait.ge [sflag:s14], $0x800  }
0x656: {  	[sflag:s14] =	ssyncset.done $0x0  }
0x657: {  	[sflag:s14] =	ssyncadd.s32 $0xFFFFF800  }
0x658: {  	_ =	swait.ge [sflag:s14], $0x800  }
0x659: {  	[sflag:s14] =	ssyncset.done $0x0  }
0x65a: {  	[sflag:s14] =	ssyncadd.s32 $0xFFFFF800  }
0x65b: {  	_ =	swait.ge [sflag:s14], $0x800  }
0x65c: {  	s1 =	rddreg [dreg:$0x5]  }
0x65d: {  	s0 =	rddreg [dreg:$0x4];
	s1 =	sadd.s32 $0x1, s1  }
0x65e: {  	p0 =	sne.s32 s1, s0  }
.Ltmp5:
0x65f: {  	_ = 	snop;
	(pc) =	sbr.rel @p0 .LBB2_1-.Ltmp5, $3  }
0x660: {  	_ =	sdelay $0x1  }
0x661: {  	[sflag:s14] =	ssyncset.done $0x0  }
0x662: {  	[sflag:s14] =	ssyncadd.s32 $0xFFFFF800  }
0x663: {  	_ =	sfence.sel $0x180000  }
0x664: {  	[bflag:$0x0] =	sbarrier.arrive $0xFFFF  }
0x665: {  	_ =	strace $0x90000047  }
0x666: {  	s0 =	stileid.u32;
	[bflag:$0x2] =	sbarrier.arrive $0xFFFF  }
0x667: {  	p0 =	sne.s32 s0, $0x0;
	s0 =	rddreg [dreg:$0x2]  }
0x668: {  	s0 =	sadd.s32 @!p0 $0x100000, s0  }
0x669: {  	[sflag:s0] =	ssyncadd.tile.s32 @!p0 $0x1;
	_ =	shalt  }
.Lfunc_end2:
_tile_overlayer_lowered:
.L_overlay_start_2:
0x66a: {  	(tag) =	ssettag $0x2  }
0x66b: {  	s0 =	rddreg [dreg:$0x0];
	s2 =	stileid.u32  }
0x66c: {  	s1 =	rddreg [dreg:$0x1];
	p0 =	sne.s32 s2, $0x0  }
0x66d: {  	s3 =	rddreg [dreg:$0x2];
	[bflag:$0x3] =	sbarrier.arrive $0xFFFF;
	s2 =	simm.s32 @!p0 $0x1C07  }
0x66e: {  	[timem:s3], [sflag:s2] =	dma.local @!p0 [hbm:s0], s1  }
0x66f: {  	s0 =	simm.s32 @!p0 $0x7  }
0x670: {  	_ =	swait.ge @!p0 [sflag:s0], s1  }
0x671: {  	s1 =	ssub.s32 @!p0 $0x0, s1;
	[sflag:s0] =	ssyncset.done @!p0 $0x0  }
0x672: {  	[sflag:s0] =	ssyncadd.s32 @!p0 s1  }
0x673: {  	[bflag:$0x3] =	sbarrier.arrive $0xFFFF  }
0x674: {  	_ =	shalt  }

</sc_bundles>
